<compile_context>
chip_gen: v7x
topology: tpu7x:2x2x1
jax: 0.10.2.dev20260603
libtpu: 0.0.44.dev20260713+nightly
codegen_flags: <defaults>
</compile_context>

<pallas_src>
import functools

import jax
import jax.numpy as jnp
from jax import lax
from jax.experimental import pallas as pl
from jax.experimental.pallas import tpu as pltpu
from jax.experimental.pallas import tpu_sc as plsc

A = 2
NODE_NUM = 8
BS = 1024
EMB = 256
HID = 256
NREL = 5
NBASES = 4
E = 65536
N = NODE_NUM * BS

NC = 2
NS = 16
NW = NC * NS
TR = N // NW
CHUNK = 128
SCH = 1024
NSTRIPE = 16
EPS = E // NSTRIPE
STAGE = 33 * CHUNK
PR = BS // NW


def _mesh():
    return plsc.VectorSubcoreMesh(core_axis_name="c", subcore_axis_name="s")


def _sc_params():
    return pltpu.CompilerParams(needs_layout_passes=False)


def _mo(v, n):
    return pl.multiple_of(v, n)



def _preprocess_body(src_hbm, dst_hbm, et_hbm,
                     srcl_hbm, rowl_hbm, counts_hbm, rcp_hbm,
                     src_v, dst_v, et_v, hist_v, srcf, rowf,
                     counts_v, wp_v, off_v):
    cid = lax.axis_index("c")
    sid = lax.axis_index("s")
    w = cid * NS + sid

    zf = jnp.zeros((16,), jnp.float32)
    zi = jnp.zeros((16,), jnp.int32)
    ones = jnp.ones((16,), jnp.float32)
    iot = lax.iota(jnp.int32, 16)

    def zh(i, _):
        hist_v[pl.ds(i * 16, 16)] = zf
        return 0
    lax.fori_loop(0, TR * 8 // 16, zh, 0)

    wp_v[...] = zi
    off_v[...] = zi

    def stripe(st, _):
        base = _mo(st * EPS, EPS)
        pltpu.sync_copy(src_hbm.at[pl.ds(base, EPS)], src_v)
        pltpu.sync_copy(dst_hbm.at[pl.ds(base, EPS)], dst_v)
        pltpu.sync_copy(et_hbm.at[pl.ds(base, EPS)], et_v)

        def grp(g, _):
            go = _mo(g * 16, 16)
            d16 = dst_v[pl.ds(go, 16)]
            e16 = et_v[pl.ds(go, 16)]
            s16 = src_v[pl.ds(go, 16)]
            own = (d16 >> 8) == w
            row16 = d16 & (TR - 1)
            key = jnp.where(own, row16 * 8 + e16, 0)
            plsc.addupdate_scatter(hist_v, [key], ones, mask=own)
            wpv = wp_v[...]
            for r in range(NREL):
                m = own & (e16 == r)
                cs = plsc.cumsum(m.astype(jnp.int32))
                wp = wpv[r]
                pos = jnp.where(m, r * STAGE + wp + cs - 1, r * STAGE)
                plsc.store_scatter(srcf, [pos], s16, mask=m)
                plsc.store_scatter(rowf, [pos], row16, mask=m)
                wpv = jnp.where(iot == r, wp + jnp.max(cs), wpv)
            wp_v[...] = wpv
            return 0
        lax.fori_loop(0, EPS // 16, grp, 0)

        wpv = wp_v[...]
        offv = off_v[...]
        for r in range(NREL):
            wp = wpv[r]
            off = offv[r]
            nfl = wp >> 7
            lbase = (w * NREL + r) * E

            def fl(j, _):
                pltpu.sync_copy(
                    srcf.at[pl.ds(_mo(r * STAGE + j * CHUNK, CHUNK), CHUNK)],
                    srcl_hbm.at[pl.ds(_mo(lbase + off + j * CHUNK, CHUNK), CHUNK)])
                pltpu.sync_copy(
                    rowf.at[pl.ds(_mo(r * STAGE + j * CHUNK, CHUNK), CHUNK)],
                    rowl_hbm.at[pl.ds(_mo(lbase + off + j * CHUNK, CHUNK), CHUNK)])
                return 0
            lax.fori_loop(0, nfl, fl, 0)

            srcoff = _mo(r * STAGE + nfl * CHUNK, CHUNK)
            for k in range(8):
                srcf[pl.ds(r * STAGE + k * 16, 16)] = \
                    srcf[pl.ds(srcoff + k * 16, 16)]
                rowf[pl.ds(r * STAGE + k * 16, 16)] = \
                    rowf[pl.ds(srcoff + k * 16, 16)]
            wpv = jnp.where(iot == r, wp & (CHUNK - 1), wpv)
            offv = jnp.where(iot == r, off + nfl * CHUNK, offv)
        wp_v[...] = wpv
        off_v[...] = offv
        return 0
    lax.fori_loop(0, NSTRIPE, stripe, 0)

    wpv = wp_v[...]
    offv = off_v[...]
    cvec = zi
    for r in range(NREL):
        rem = wpv[r]
        off = offv[r]
        lbase = (w * NREL + r) * E
        for k in range(8):
            li = iot + k * 16
            sg = srcf[pl.ds(r * STAGE + k * 16, 16)]
            srcf[pl.ds(r * STAGE + k * 16, 16)] = jnp.where(li < rem, sg, 0)
            rg = rowf[pl.ds(r * STAGE + k * 16, 16)]
            rowf[pl.ds(r * STAGE + k * 16, 16)] = jnp.where(li < rem, rg, TR)

        @pl.when(rem > 0)
        def _():
            pltpu.sync_copy(srcf.at[pl.ds(r * STAGE, CHUNK)],
                            srcl_hbm.at[pl.ds(_mo(lbase + off, CHUNK), CHUNK)])
            pltpu.sync_copy(rowf.at[pl.ds(r * STAGE, CHUNK)],
                            rowl_hbm.at[pl.ds(_mo(lbase + off, CHUNK), CHUNK)])
        cvec = jnp.where(iot == r, off + rem, cvec)
    counts_v[...] = cvec
    pltpu.sync_copy(counts_v, counts_hbm.at[pl.ds(_mo(w * 16, 16), 16)])

    onef = jnp.ones((16,), jnp.float32)

    def rb(i, _):
        sl = pl.ds(i * 16, 16)
        hist_v[sl] = onef / jnp.maximum(hist_v[sl], onef)
        return 0
    lax.fori_loop(0, TR * 8 // 16, rb, 0)
    pltpu.sync_copy(hist_v, rcp_hbm.at[pl.ds(_mo(w * TR * 8, TR * 8), TR * 8)])


@jax.jit
def _preprocess(src, dst, et):
    fn = pl.kernel(
        _preprocess_body,
        out_type=(
            jax.ShapeDtypeStruct((NW * NREL * E,), jnp.int32),
            jax.ShapeDtypeStruct((NW * NREL * E,), jnp.int32),
            jax.ShapeDtypeStruct((NW * 16,), jnp.int32),
            jax.ShapeDtypeStruct((N * 8,), jnp.float32),
        ),
        mesh=_mesh(),
        compiler_params=_sc_params(),
        scratch_types=[
            pltpu.VMEM((EPS,), jnp.int32),
            pltpu.VMEM((EPS,), jnp.int32),
            pltpu.VMEM((EPS,), jnp.int32),
            pltpu.VMEM((TR * 8,), jnp.float32),
            pltpu.VMEM((NREL * STAGE,), jnp.int32),
            pltpu.VMEM((NREL * STAGE,), jnp.int32),
            pltpu.VMEM((16,), jnp.int32),
            pltpu.VMEM((16,), jnp.int32),
            pltpu.VMEM((16,), jnp.int32),
        ],
    )
    return fn(src, dst, et)



def _scatter_body(x_hbm, srcl_hbm, rowl_hbm, counts_hbm, t_hbm,
                  srcl_v, rowl_v, counts_v, rowbuf, tbl, gsem):
    cid = lax.axis_index("c")
    sid = lax.axis_index("s")
    w = cid * NS + sid
    iot = lax.iota(jnp.int32, 16)
    zf = jnp.zeros((16,), jnp.float32)

    pltpu.sync_copy(counts_hbm.at[pl.ds(_mo(w * 16, 16), 16)], counts_v)
    cv = counts_v[...]

    C2 = 32
    NBUF = 3
    SCH2 = 768

    for r in range(NREL):
        @plsc.parallel_loop(0, TR, 1, unroll=2)
        def zb(i):
            for k in range(16):
                tbl[i, pl.ds(k * 16, 16)] = zf

        n = cv[r]
        nch = (n + C2 - 1) >> 5
        nst = (nch + 23) // 24
        lbase = (w * NREL + r) * E

        def stage_loop(q, _):
            off = _mo(q * SCH2, SCH2)
            o8 = _mo(lbase + off, 8)
            pltpu.sync_copy(srcl_hbm.at[pl.ds(o8, SCH2)], srcl_v)
            pltpu.sync_copy(rowl_hbm.at[pl.ds(o8, SCH2)], rowl_v)
            inner_ch = jnp.minimum(24, nch - q * 24)
            nwv = (inner_ch + NBUF - 1) // NBUF

            def fire_wave(v):
                p = (v & 1) * NBUF
                cnt = jnp.minimum(NBUF, inner_ch - v * NBUF)

                def f1(b, _):
                    co = _mo((v * NBUF + b) * C2, C2)
                    pltpu.async_copy(
                        x_hbm.at[srcl_v.at[pl.ds(co, C2)]],
                        rowbuf.at[pl.ds(_mo((p + b) * C2, C2), C2)], gsem)
                    return 0
                lax.fori_loop(0, cnt, f1, 0)

            @pl.when(nwv > 0)
            def _():
                fire_wave(jnp.int32(0))

            def wave(vv, _):
                cnt = jnp.minimum(NBUF, inner_ch - vv * NBUF)

                def drain(b, _):
                    pltpu.make_async_copy(
                        x_hbm.at[pl.ds(0, C2)],
                        rowbuf.at[pl.ds(0, C2)], gsem).wait()
                    return 0
                lax.fori_loop(0, cnt, drain, 0)

                @pl.when(vv + 1 < nwv)
                def _():
                    fire_wave(vv + 1)

                p = (vv & 1) * NBUF

                def acc(b, _):
                    for g in range(2):
                        go = _mo((vv * NBUF + b) * C2 + g * 16, 16)
                        r16 = rowl_v[pl.ds(go, 16)]
                        m = r16 < TR
                        sbase = (p + b) * C2 + g * 16 + iot

                        @plsc.parallel_loop(0, HID, 1, unroll=8)
                        def cb(c):
                            cf = jnp.zeros((16,), jnp.int32) + c
                            v = plsc.load_gather(rowbuf, [sbase, cf])
                            plsc.addupdate_scatter(tbl, [r16, cf], v, mask=m)
                    return 0
                lax.fori_loop(0, cnt, acc, 0)
                return 0
            lax.fori_loop(0, nwv, wave, 0)
            return 0
        lax.fori_loop(0, nst, stage_loop, 0)

        pltpu.sync_copy(tbl, t_hbm.at[r, pl.ds(_mo(w * TR, TR), TR)])


@jax.jit
def _sc_scatter(x, srcl, rowl, counts):
    fn = pl.kernel(
        _scatter_body,
        out_type=jax.ShapeDtypeStruct((NREL, N, HID), jnp.float32),
        mesh=_mesh(),
        compiler_params=_sc_params(),
        scratch_types=[
            pltpu.VMEM((768,), jnp.int32),
            pltpu.VMEM((768,), jnp.int32),
            pltpu.VMEM((16,), jnp.int32),
            pltpu.VMEM((192, HID), jnp.float32),
            pltpu.VMEM((TR, HID), jnp.float32),
            pltpu.SemaphoreType.DMA,
        ],
    )
    return fn(x, srcl, rowl, counts)



def _pool_body(x_hbm, batch_hbm, pool_hbm,
               batch_v, rowbuf, ptab, gsem):
    cid = lax.axis_index("c")
    sid = lax.axis_index("s")
    w = cid * NS + sid
    iot = lax.iota(jnp.int32, 16)
    zf = jnp.zeros((16,), jnp.float32)
    zi = jnp.zeros((16,), jnp.int32)

    pltpu.sync_copy(batch_hbm, batch_v)

    @plsc.parallel_loop(0, PR, 1)
    def zb(i):
        for k in range(16):
            ptab[i, pl.ds(k * 16, 16)] = zf

    lo_b = w * PR
    hi_b = (w + 1) * PR

    def cnt(g, acc):
        b16 = batch_v[pl.ds(_mo(g * 16, 16), 16)]
        lo_acc, hi_acc = acc
        lo_acc = lo_acc + jnp.where(b16 < lo_b, 1, 0)
        hi_acc = hi_acc + jnp.where(b16 < hi_b, 1, 0)
        return lo_acc, hi_acc
    lo_acc, hi_acc = lax.fori_loop(0, N // 16, cnt, (zi, zi))
    lo = jnp.sum(lo_acc)
    hi = jnp.sum(hi_acc)

    lo_al = lo & ~(CHUNK - 1)
    nch = (hi - lo_al + CHUNK - 1) >> 7

    def ch_body(j, _):
        base = _mo(lo_al + j * CHUNK, CHUNK)
        pltpu.async_copy(x_hbm.at[pl.ds(base, CHUNK)], rowbuf, gsem).wait()
        for g in range(8):
            b16 = batch_v[pl.ds(_mo(base + g * 16, 16), 16)]
            row16 = b16 - lo_b
            m = (row16 >= 0) & (row16 < PR)

            @plsc.parallel_loop(0, HID, 1, unroll=4)
            def cb(c):
                cf = jnp.zeros((16,), jnp.int32) + c
                v = plsc.load_gather(rowbuf, [g * 16 + iot, cf])
                plsc.addupdate_scatter(ptab, [row16, cf], v, mask=m)
        return 0
    lax.fori_loop(0, nch, ch_body, 0)

    pltpu.sync_copy(ptab, pool_hbm.at[pl.ds(_mo(w * PR, PR), PR)])


@jax.jit
def _sc_pool(x, batch):
    fn = pl.kernel(
        _pool_body,
        out_type=jax.ShapeDtypeStruct((BS, HID), jnp.float32),
        mesh=_mesh(),
        compiler_params=_sc_params(),
        scratch_types=[
            pltpu.VMEM((N,), jnp.int32),
            pltpu.VMEM((CHUNK, HID), jnp.float32),
            pltpu.VMEM((PR, HID), jnp.float32),
            pltpu.SemaphoreType.DMA,
        ],
    )
    return fn(x, batch)



def _weights_kernel(bases_ref, comp_ref, wc_ref):
    for r in range(NREL):
        acc = comp_ref[0, r, 0] * bases_ref[0, 0]
        for b in range(1, NBASES):
            acc = acc + comp_ref[0, r, b] * bases_ref[0, b]
        wc_ref[0, r] = acc


@jax.jit
def _weights(bases_all, comp_all):
    return pl.pallas_call(
        _weights_kernel,
        grid=(3,),
        in_specs=[
            pl.BlockSpec((1, NBASES, HID, HID), lambda l: (l, 0, 0, 0)),
            pl.BlockSpec((1, NREL, NBASES), lambda l: (l, 0, 0),
                         memory_space=pltpu.SMEM),
        ],
        out_specs=pl.BlockSpec((1, NREL, HID, HID), lambda l: (l, 0, 0, 0)),
        out_shape=jax.ShapeDtypeStruct((3, NREL, HID, HID), jnp.float32),
    )(bases_all, comp_all)


def _prestage_kernel(ne_ref, rm_ref, rp_ref, vp_ref, vn_ref, pp_ref, np_ref,
                     ve_ref, wrel_ref, brel_ref, wp_ref, bp_ref, wn_ref,
                     bn_ref, wo_ref, bo_ref, o_ref):
    rel_emb = jnp.dot(rm_ref[...], wrel_ref[...],
                      preferred_element_type=jnp.float32) + brel_ref[...]
    ne = ne_ref[...]
    outs = []
    for i in range(NODE_NUM):
        row = rel_emb[0] * rp_ref[0, i] + rel_emb[1] * rp_ref[1, i]
        c0 = vp_ref[0, i] + vn_ref[0, i]
        c1 = vp_ref[1, i] + vn_ref[1, i]
        emb_i = ne[0, i] * c0 + ne[1, i] * c1 + row[None, :]
        wi = (wp_ref[...] * pp_ref[i] + wn_ref[...] * np_ref[i]
              + wo_ref[...] * ve_ref[i])
        bi = (bp_ref[...] * pp_ref[i] + bn_ref[...] * np_ref[i]
              + bo_ref[...] * ve_ref[i])
        outs.append(jnp.dot(emb_i, wi, preferred_element_type=jnp.float32)
                    + bi)
    x = jnp.stack(outs, axis=1)
    o_ref[...] = x.reshape(NODE_NUM * 128, EMB)


@jax.jit
def _prestage(node_embeds, rel_mats, rel_pos, vec_p_pos, vec_n_pos,
              p_pos, n_pos, vec_e_pos, W_rel, b_rel,
              W_pos, b_pos, W_neg, b_neg, W_oth, b_oth):
    full = lambda shape: pl.BlockSpec(shape, lambda b: tuple(0 for _ in shape))
    smem = lambda shape: pl.BlockSpec(shape, lambda b: tuple(0 for _ in shape),
                                      memory_space=pltpu.SMEM)
    return pl.pallas_call(
        _prestage_kernel,
        grid=(BS // 128,),
        in_specs=[
            pl.BlockSpec((A, NODE_NUM, 128, EMB), lambda b: (0, 0, b, 0)),
            full((A, EMB)),
            smem((A, NODE_NUM)), smem((A, NODE_NUM)), smem((A, NODE_NUM)),
            smem((NODE_NUM,)), smem((NODE_NUM,)), smem((NODE_NUM,)),
            full((EMB, EMB)), full((1, EMB)),
            full((EMB, HID)), full((1, HID)),
            full((EMB, HID)), full((1, HID)),
            full((EMB, HID)), full((1, HID)),
        ],
        out_specs=pl.BlockSpec((NODE_NUM * 128, EMB), lambda b: (b, 0)),
        out_shape=jax.ShapeDtypeStruct((N, HID), jnp.float32),
    )(node_embeds, rel_mats, rel_pos, vec_p_pos, vec_n_pos, p_pos, n_pos,
      vec_e_pos, W_rel, b_rel.reshape(1, EMB), W_pos, b_pos.reshape(1, HID),
      W_neg, b_neg.reshape(1, HID), W_oth, b_oth.reshape(1, HID))


def _layer_kernel(t_ref, x_ref, rcp_ref, wc_ref, root_ref, bias_ref, o_ref,
                  *, relu):
    acc = jnp.dot(x_ref[...], root_ref[...],
                  preferred_element_type=jnp.float32)
    for r in range(NREL):
        part = jnp.dot(t_ref[r], wc_ref[r], preferred_element_type=jnp.float32)
        acc = acc + part * rcp_ref[:, r:r + 1]
    acc = acc + bias_ref[...]
    o_ref[...] = jnp.maximum(acc, 0.0) if relu else acc


@functools.partial(jax.jit, static_argnames=("relu",))
def _layer(t, x, rcp, wc, root, bias, relu):
    MT = 512
    full = lambda shape: pl.BlockSpec(shape, lambda m: tuple(0 for _ in shape))
    return pl.pallas_call(
        functools.partial(_layer_kernel, relu=relu),
        grid=(N // MT,),
        in_specs=[
            pl.BlockSpec((NREL, MT, HID), lambda m: (0, m, 0)),
            pl.BlockSpec((MT, HID), lambda m: (m, 0)),
            pl.BlockSpec((MT, 8), lambda m: (m, 0)),
            full((NREL, HID, HID)),
            full((HID, HID)),
            full((1, HID)),
        ],
        out_specs=pl.BlockSpec((MT, HID), lambda m: (m, 0)),
        out_shape=jax.ShapeDtypeStruct((N, HID), jnp.float32),
    )(t, x, rcp, wc, root, bias.reshape(1, HID))


def _final_kernel(pp_ref, tg_ref, wre_ref, bre_ref, o_ref):
    pooled = pp_ref[...]
    tgt = tg_ref[...]
    t2 = lax.dot_general(tgt, wre_ref[...], (((1,), (1,)), ((), ())),
                         preferred_element_type=jnp.float32)
    s = jnp.sum(pooled * t2, axis=1) + jnp.sum(tgt * bre_ref[...], axis=1)
    o_ref[...] = s[None, :]


@jax.jit
def _final(pools, targets, W_re, b_re):
    full = lambda shape: pl.BlockSpec(shape, lambda: tuple(0 for _ in shape))
    return pl.pallas_call(
        _final_kernel,
        in_specs=[
            full((BS, HID)),
            full((BS, EMB)),
            full((HID, EMB)),
            full((1, EMB)),
        ],
        out_specs=full((1, BS)),
        out_shape=jax.ShapeDtypeStruct((1, BS), jnp.float32),
    )(pools, targets, W_re, b_re.reshape(1, EMB))



def kernel(node_embeds, rel_mats, rel_pos, vec_p_pos, vec_n_pos, p_pos, n_pos,
           vec_e_pos, targets_embeds,
           W_rel, b_rel, W_pos, b_pos, W_neg, b_neg, W_oth, b_oth, W_re, b_re,
           bases1, comp1, root1, bias1,
           bases2, comp2, root2, bias2,
           bases3, comp3, root3, bias3,
           edge_index, edge_type, batch):
    src = edge_index[0]
    dst = edge_index[1]
    srcl, rowl, counts, rcp_flat = _preprocess(src, dst, edge_type)
    rcp = rcp_flat.reshape(N, 8)
    wc_all = _weights(jnp.stack([bases1, bases2, bases3]),
                      jnp.stack([comp1, comp2, comp3]))
    x = _prestage(node_embeds, rel_mats, rel_pos, vec_p_pos, vec_n_pos,
                  p_pos, n_pos, vec_e_pos, W_rel, b_rel,
                  W_pos, b_pos, W_neg, b_neg, W_oth, b_oth)
    layers = [(root1, bias1, True), (root2, bias2, True),
              (root3, bias3, False)]
    for li, (root, bias, relu) in enumerate(layers):
        t = _sc_scatter(x, srcl, rowl, counts)
        x = _layer(t, x, rcp, wc_all[li], root, bias, relu=relu)
    pools = _sc_pool(x, batch)
    score = _final(pools, targets_embeds, W_re, b_re)
    return score.reshape(BS)

# --- scband reference (transcript-rebuilt; emitter-appended) ---
"""Pipeline reference for scband-pref-rgcn-26405458936046 (READ-ONLY COPY).

The authoritative reference and input builder live on the scoring server;
editing this copy changes nothing except your own understanding.
"""

import jax, jax.numpy as jnp
import numpy as np

A = 2
NODE_NUM = 8
BS = 1024
EMB = 256
HID = 256
NREL = 5
NBASES = 4
E = 65536
N = NODE_NUM * BS


def setup_inputs(seed: int = 0):
    key = jax.random.key(seed)
    ks = jax.random.split(key, 40)
    inp = {}
    inp["node_embeds"] = jax.random.normal(ks[0], (A, NODE_NUM, BS, EMB), dtype=jnp.float32)
    inp["rel_mats"] = jax.random.normal(ks[1], (A, EMB), dtype=jnp.float32)
    inp["rel_pos"] = jax.random.uniform(ks[2], (A, NODE_NUM), dtype=jnp.float32)
    inp["vec_p_pos"] = jax.random.uniform(ks[3], (A, NODE_NUM), dtype=jnp.float32)
    inp["vec_n_pos"] = jax.random.uniform(ks[4], (A, NODE_NUM), dtype=jnp.float32)
    inp["p_pos"] = jax.random.uniform(ks[5], (NODE_NUM,), dtype=jnp.float32)
    inp["n_pos"] = jax.random.uniform(ks[6], (NODE_NUM,), dtype=jnp.float32)
    inp["vec_e_pos"] = jax.random.uniform(ks[7], (NODE_NUM,), dtype=jnp.float32)
    inp["targets_embeds"] = jax.random.normal(ks[8], (BS, EMB), dtype=jnp.float32)
    # learned parameters
    inp["W_rel"] = jax.random.normal(ks[9], (EMB, EMB), dtype=jnp.float32) * 0.05
    inp["b_rel"] = jnp.zeros((EMB,), dtype=jnp.float32)
    inp["W_pos"] = jax.random.normal(ks[10], (EMB, HID), dtype=jnp.float32) * 0.05
    inp["b_pos"] = jnp.zeros((HID,), dtype=jnp.float32)
    inp["W_neg"] = jax.random.normal(ks[11], (EMB, HID), dtype=jnp.float32) * 0.05
    inp["b_neg"] = jnp.zeros((HID,), dtype=jnp.float32)
    inp["W_oth"] = jax.random.normal(ks[12], (EMB, HID), dtype=jnp.float32) * 0.05
    inp["b_oth"] = jnp.zeros((HID,), dtype=jnp.float32)
    inp["W_re"] = jax.random.normal(ks[13], (HID, EMB), dtype=jnp.float32) * 0.05
    inp["b_re"] = jnp.zeros((EMB,), dtype=jnp.float32)
    for li, k0 in [(1, 14), (2, 18), (3, 22)]:
        inp[f"bases{li}"] = jax.random.normal(ks[k0], (NBASES, HID, HID), dtype=jnp.float32) * 0.05
        inp[f"comp{li}"] = jax.random.normal(ks[k0 + 1], (NREL, NBASES), dtype=jnp.float32) * 0.3
        inp[f"root{li}"] = jax.random.normal(ks[k0 + 2], (HID, HID), dtype=jnp.float32) * 0.05
        inp[f"bias{li}"] = jnp.zeros((HID,), dtype=jnp.float32)
    inp["edge_index"] = jax.random.randint(ks[26], (2, E), 0, N).astype(jnp.int32)
    inp["edge_type"] = jax.random.randint(ks[27], (E,), 0, NREL).astype(jnp.int32)
    inp["batch"] = jnp.sort(jax.random.randint(ks[28], (N,), 0, BS)).astype(jnp.int32)
    return inp


def _rgcn(x, src, dst, etype, bases, comp, root, bias):
    # basis-decomposed relation weights: W_r = sum_b comp[r,b] * bases[b]
    W = jnp.einsum('rb,bio->rio', comp, bases)  # [R, in, out]
    xw = jnp.einsum('ni,rio->rno', x, W)        # [R, N, out]
    msg = xw[etype, src]                        # [E, out]
    key = etype * N + dst
    cnt = jnp.zeros((NREL * N,), x.dtype).at[key].add(1.0)
    denom = jnp.maximum(cnt[key], 1.0)
    msg = msg / denom[:, None]                  # per-(dst, relation) mean aggregation
    agg = jax.ops.segment_sum(msg, dst, num_segments=N)
    return agg + x @ root + bias


def reference(node_embeds, rel_mats, rel_pos, vec_p_pos, vec_n_pos, p_pos, n_pos,
              vec_e_pos, targets_embeds,
              W_rel, b_rel, W_pos, b_pos, W_neg, b_neg, W_oth, b_oth, W_re, b_re,
              bases1, comp1, root1, bias1,
              bases2, comp2, root2, bias2,
              bases3, comp3, root3, bias3,
              edge_index, edge_type, batch):
    rel_emb = rel_mats @ W_rel + b_rel  # [A, EMB]
    emb = jnp.zeros((NODE_NUM, BS, EMB), dtype=node_embeds.dtype)
    for i in range(A):
        emb = emb + rel_emb[i][None, None, :] * rel_pos[i][:, None, None] \
                  + node_embeds[i] * (vec_p_pos[i] + vec_n_pos[i])[:, None, None]
    x = (emb @ W_pos + b_pos) * p_pos[:, None, None] \
      + (emb @ W_neg + b_neg) * n_pos[:, None, None] \
      + (emb @ W_oth + b_oth) * vec_e_pos[:, None, None]
    x = jnp.transpose(x, (1, 0, 2)).reshape(N, HID)
    src, dst = edge_index[0], edge_index[1]
    x = jax.nn.relu(_rgcn(x, src, dst, edge_type, bases1, comp1, root1, bias1))
    x = jax.nn.relu(_rgcn(x, src, dst, edge_type, bases2, comp2, root2, bias2))
    x = _rgcn(x, src, dst, edge_type, bases3, comp3, root3, bias3)
    pooled = jax.ops.segment_sum(x, batch, num_segments=BS)  # global_add_pool
    out = pooled @ W_re + b_re
    score = jnp.sum(out * targets_embeds, axis=-1)
    return score


if False:  # reference __main__ guard neutralized (emitter)
    o = reference(**setup_inputs())
    print(o.shape)

if __name__ == "__main__":
    import jax
    _d = setup_inputs()
    print(jax.jit(kernel)(*tuple(_d.values())))

</pallas_src>

<mosaic_0001>
#map = affine_map<(d0, d1) -> (0)>
module attributes {stable_mosaic.version = 14 : i64} {
  func.func @_preprocess_body(%arg0: i32, %arg1: i32, %arg2: memref<65536xi32, #tpu.memory_space<hbm>>, %arg3: memref<65536xi32, #tpu.memory_space<hbm>>, %arg4: memref<65536xi32, #tpu.memory_space<hbm>>, %arg5: memref<10485760xi32, #tpu.memory_space<hbm>>, %arg6: memref<10485760xi32, #tpu.memory_space<hbm>>, %arg7: memref<512xi32, #tpu.memory_space<hbm>>, %arg8: memref<65536xf32, #tpu.memory_space<hbm>>, %arg9: memref<4096xi32, #tpu.memory_space<vmem>>, %arg10: memref<4096xi32, #tpu.memory_space<vmem>>, %arg11: memref<4096xi32, #tpu.memory_space<vmem>>, %arg12: memref<2048xf32, #tpu.memory_space<vmem>>, %arg13: memref<21120xi32, #tpu.memory_space<vmem>>, %arg14: memref<21120xi32, #tpu.memory_space<vmem>>, %arg15: memref<16xi32, #tpu.memory_space<vmem>>, %arg16: memref<16xi32, #tpu.memory_space<vmem>>, %arg17: memref<16xi32, #tpu.memory_space<vmem>>) attributes {dimension_semantics = [#tpu.dimension_semantics<core_parallel>, #tpu.dimension_semantics<subcore_parallel>], iteration_bounds = array<i64: 2, 16>, scalar_prefetch = 0 : i64, scratch_operands = 9 : i64, tpu.core_type = #tpu.core_type<sc_vector_subcore>, window_params = [{transform_indices = #map}, {transform_indices = #map}, {transform_indices = #map}, {transform_indices = #map}, {transform_indices = #map}, {transform_indices = #map}, {transform_indices = #map}]} {
    %mul3A = arith.constant 16 : i32
    %mul3A_0 = arith.muli %arg0, %mul3A : i32
    %add3A = arith.addi %mul3A_0, %arg1 : i32
    %broadcast_in_dim3A = arith.constant 0.000000e+00 : f32
    %broadcast_in_dim3A_1 = vector.broadcast %broadcast_in_dim3A : f32 to vector<16xf32>
    %broadcast_in_dim3A_2 = arith.constant 0 : i32
    %broadcast_in_dim3A_3 = vector.broadcast %broadcast_in_dim3A_2 : i32 to vector<16xi32>
    %broadcast_in_dim3A_4 = arith.constant 1.000000e+00 : f32
    %broadcast_in_dim3A_5 = vector.broadcast %broadcast_in_dim3A_4 : f32 to vector<16xf32>
    %iota3A = tpu.iota {dimensions = array<i32: 0>} : vector<16xi32>
    %scan3A = arith.constant 0 : i32
    %scan3A_6 = arith.constant 0 : i32
    %scan3A_7 = arith.constant 128 : i32
    %scan3A_8 = arith.addi %scan3A_6, %scan3A_7 : i32
    %scan3A_9 = arith.constant 1 : i32
    %scan3A_10 = scf.for %scan3A_979 = %scan3A_6 to %scan3A_8 step %scan3A_9 iter_args(%scan3A_980 = %scan3A) -> (i32)  : i32 {
      %mul3A_981 = arith.constant 16 : i32
      %mul3A_982 = arith.muli %scan3A_979, %mul3A_981 : i32
      %swap3A_983 = arith.index_cast %mul3A_982 : i32 to index
      %swap3A_984 = tpu.vector_load %arg12[%swap3A_983] {strides = array<i32>} : memref<2048xf32, #tpu.memory_space<vmem>>, vector<16xf32>,
      tpu.vector_store %arg12[%swap3A_983], %broadcast_in_dim3A_1 {strides = array<i32>} : memref<2048xf32, #tpu.memory_space<vmem>>, vector<16xf32>,
      %scan3A_985 = arith.constant 0 : i32
      scf.yield %scan3A_985 : i32
    }
    %scan3A_11 = arith.constant 128 : i32
    %swap3A = arith.constant 0 : index
    %swap3A_12 = tpu.vector_load %arg16[%swap3A] {strides = array<i32>} : memref<16xi32, #tpu.memory_space<vmem>>, vector<16xi32>,
    tpu.vector_store %arg16[%swap3A], %broadcast_in_dim3A_3 {strides = array<i32>} : memref<16xi32, #tpu.memory_space<vmem>>, vector<16xi32>,
    %swap3A_13 = arith.constant 0 : index
    %swap3A_14 = tpu.vector_load %arg17[%swap3A_13] {strides = array<i32>} : memref<16xi32, #tpu.memory_space<vmem>>, vector<16xi32>,
    tpu.vector_store %arg17[%swap3A_13], %broadcast_in_dim3A_3 {strides = array<i32>} : memref<16xi32, #tpu.memory_space<vmem>>, vector<16xi32>,
    %scan3A_15 = arith.constant 0 : i32
    %scan3A_16 = arith.constant 0 : i32
    %scan3A_17 = arith.constant 16 : i32
    %scan3A_18 = arith.addi %scan3A_16, %scan3A_17 : i32
    %scan3A_19 = arith.constant 1 : i32
    %scan3A_20 = scf.for %scan3A_979 = %scan3A_16 to %scan3A_18 step %scan3A_19 iter_args(%scan3A_980 = %scan3A_15) -> (i32)  : i32 {
      %mul3A_981 = arith.constant 4096 : i32
      %mul3A_982 = arith.muli %scan3A_979, %mul3A_981 : i32
      %multiple_of3A_983 = tpu.assume_multiple %mul3A_982, 4096 : i32
      "tpu.region"() ({
        %run_scoped3A = tpu.sem_alloc : memref<!tpu.dma_semaphore, #tpu.memory_space<semaphore_mem>>
        %dma_start3A = tpu.memref_slice %arg2[%multiple_of3A_983] : memref<65536xi32, #tpu.memory_space<hbm>> -> memref<4096xi32, #tpu.memory_space<hbm>>
        %dma_start3A_1697 = tpu.memref_slice %arg2[%multiple_of3A_983] : memref<65536xi32, #tpu.memory_space<hbm>> -> memref<4096xi32, #tpu.memory_space<hbm>>
        tpu.enqueue_dma source(%dma_start3A_1697 : memref<4096xi32, #tpu.memory_space<hbm>>) target(%arg9 : memref<4096xi32, #tpu.memory_space<vmem>>) target_semaphore(%run_scoped3A : memref<!tpu.dma_semaphore, #tpu.memory_space<semaphore_mem>>)
        %dma_wait3A = tpu.memref_slice %arg2[%multiple_of3A_983] : memref<65536xi32, #tpu.memory_space<hbm>> -> memref<4096xi32, #tpu.memory_space<hbm>>
        %dma_wait3A_1698 = tpu.memref_slice %arg2[%multiple_of3A_983] : memref<65536xi32, #tpu.memory_space<hbm>> -> memref<4096xi32, #tpu.memory_space<hbm>>
        tpu.wait_dma2 semaphore(%run_scoped3A : memref<!tpu.dma_semaphore, #tpu.memory_space<semaphore_mem>>) src(%dma_wait3A_1698 : memref<4096xi32, #tpu.memory_space<hbm>>) dst(%arg9 : memref<4096xi32, #tpu.memory_space<vmem>>)
        tpu.yield
      }) : () -> ()
      "tpu.region"() ({
        %run_scoped3A = tpu.sem_alloc : memref<!tpu.dma_semaphore, #tpu.memory_space<semaphore_mem>>
        %dma_start3A = tpu.memref_slice %arg3[%multiple_of3A_983] : memref<65536xi32, #tpu.memory_space<hbm>> -> memref<4096xi32, #tpu.memory_space<hbm>>
        %dma_start3A_1697 = tpu.memref_slice %arg3[%multiple_of3A_983] : memref<65536xi32, #tpu.memory_space<hbm>> -> memref<4096xi32, #tpu.memory_space<hbm>>
        tpu.enqueue_dma source(%dma_start3A_1697 : memref<4096xi32, #tpu.memory_space<hbm>>) target(%arg10 : memref<4096xi32, #tpu.memory_space<vmem>>) target_semaphore(%run_scoped3A : memref<!tpu.dma_semaphore, #tpu.memory_space<semaphore_mem>>)
        %dma_wait3A = tpu.memref_slice %arg3[%multiple_of3A_983] : memref<65536xi32, #tpu.memory_space<hbm>> -> memref<4096xi32, #tpu.memory_space<hbm>>
        %dma_wait3A_1698 = tpu.memref_slice %arg3[%multiple_of3A_983] : memref<65536xi32, #tpu.memory_space<hbm>> -> memref<4096xi32, #tpu.memory_space<hbm>>
        tpu.wait_dma2 semaphore(%run_scoped3A : memref<!tpu.dma_semaphore, #tpu.memory_space<semaphore_mem>>) src(%dma_wait3A_1698 : memref<4096xi32, #tpu.memory_space<hbm>>) dst(%arg10 : memref<4096xi32, #tpu.memory_space<vmem>>)
        tpu.yield
      }) : () -> ()
      "tpu.region"() ({
        %run_scoped3A = tpu.sem_alloc : memref<!tpu.dma_semaphore, #tpu.memory_space<semaphore_mem>>
        %dma_start3A = tpu.memref_slice %arg4[%multiple_of3A_983] : memref<65536xi32, #tpu.memory_space<hbm>> -> memref<4096xi32, #tpu.memory_space<hbm>>
        %dma_start3A_1697 = tpu.memref_slice %arg4[%multiple_of3A_983] : memref<65536xi32, #tpu.memory_space<hbm>> -> memref<4096xi32, #tpu.memory_space<hbm>>
        tpu.enqueue_dma source(%dma_start3A_1697 : memref<4096xi32, #tpu.memory_space<hbm>>) target(%arg11 : memref<4096xi32, #tpu.memory_space<vmem>>) target_semaphore(%run_scoped3A : memref<!tpu.dma_semaphore, #tpu.memory_space<semaphore_mem>>)
        %dma_wait3A = tpu.memref_slice %arg4[%multiple_of3A_983] : memref<65536xi32, #tpu.memory_space<hbm>> -> memref<4096xi32, #tpu.memory_space<hbm>>
        %dma_wait3A_1698 = tpu.memref_slice %arg4[%multiple_of3A_983] : memref<65536xi32, #tpu.memory_space<hbm>> -> memref<4096xi32, #tpu.memory_space<hbm>>
        tpu.wait_dma2 semaphore(%run_scoped3A : memref<!tpu.dma_semaphore, #tpu.memory_space<semaphore_mem>>) src(%dma_wait3A_1698 : memref<4096xi32, #tpu.memory_space<hbm>>) dst(%arg11 : memref<4096xi32, #tpu.memory_space<vmem>>)
        tpu.yield
      }) : () -> ()
      %scan3A_984 = arith.constant 0 : i32
      %scan3A_985 = arith.constant 0 : i32
      %scan3A_986 = arith.constant 256 : i32
      %scan3A_987 = arith.addi %scan3A_985, %scan3A_986 : i32
      %scan3A_988 = arith.constant 1 : i32
      %scan3A_989 = scf.for %scan3A_1697 = %scan3A_985 to %scan3A_987 step %scan3A_988 iter_args(%scan3A_1698 = %scan3A_984) -> (i32)  : i32 {
        %mul3A_1699 = arith.constant 16 : i32
        %mul3A_1700 = arith.muli %scan3A_1697, %mul3A_1699 : i32
        %multiple_of3A_1701 = tpu.assume_multiple %mul3A_1700, 16 : i32
        %get3A_1702 = arith.index_cast %multiple_of3A_1701 : i32 to index
        %get3A_1703 = tpu.vector_load %arg10[%get3A_1702] {strides = array<i32>} : memref<4096xi32, #tpu.memory_space<vmem>>, vector<16xi32>,
        %get3A_1704 = arith.index_cast %multiple_of3A_1701 : i32 to index
        %get3A_1705 = tpu.vector_load %arg11[%get3A_1704] {strides = array<i32>} : memref<4096xi32, #tpu.memory_space<vmem>>, vector<16xi32>,
        %get3A_1706 = arith.index_cast %multiple_of3A_1701 : i32 to index
        %get3A_1707 = tpu.vector_load %arg9[%get3A_1706] {strides = array<i32>} : memref<4096xi32, #tpu.memory_space<vmem>>, vector<16xi32>,
        %shift_right_arithmetic3A_1708 = arith.constant 8 : i32
        %shift_right_arithmetic3A_1709 = vector.broadcast %shift_right_arithmetic3A_1708 : i32 to vector<16xi32>
        %shift_right_arithmetic3A_1710 = arith.shrsi %get3A_1703, %shift_right_arithmetic3A_1709 : vector<16xi32>
        %eq3A_1711 = vector.broadcast %add3A : i32 to vector<16xi32>
        %eq3A_1712 = arith.cmpi eq, %shift_right_arithmetic3A_1710, %eq3A_1711 : vector<16xi32>
        %and3A_1713 = arith.constant 255 : i32
        %and3A_1714 = vector.broadcast %and3A_1713 : i32 to vector<16xi32>
        %and3A_1715 = arith.andi %get3A_1703, %and3A_1714 : vector<16xi32>
        %mul3A_1716 = arith.constant 8 : i32
        %mul3A_1717 = vector.broadcast %mul3A_1716 : i32 to vector<16xi32>
        %mul3A_1718 = arith.muli %and3A_1715, %mul3A_1717 : vector<16xi32>
        %add3A_1719 = arith.addi %mul3A_1718, %get3A_1705 : vector<16xi32>
        %jit3A_1720 = arith.constant 0 : i32
        %broadcast_in_dim3A_1721 = vector.broadcast %jit3A_1720 : i32 to vector<16xi32>
        %select_n3A_1722 = arith.select %eq3A_1712, %add3A_1719, %broadcast_in_dim3A_1721 : vector<16xi1>, vector<16xi32>
        tpu.vector_store_idx %arg12[%select_n3A_1722], %broadcast_in_dim3A_5 masked %eq3A_1712 {add = true} : memref<2048xf32, #tpu.memory_space<vmem>>[vector<16xi32>], vector<16xf32>, vector<16xi1>
        %get3A_1723 = arith.constant 0 : index
        %get3A_1724 = tpu.vector_load %arg16[%get3A_1723] {strides = array<i32>} : memref<16xi32, #tpu.memory_space<vmem>>, vector<16xi32>,
        %eq3A_1725 = arith.constant 0 : i32
        %eq3A_1726 = vector.broadcast %eq3A_1725 : i32 to vector<16xi32>
        %eq3A_1727 = arith.cmpi eq, %get3A_1705, %eq3A_1726 : vector<16xi32>
        %and3A_1728 = arith.andi %eq3A_1712, %eq3A_1727 : vector<16xi1>
        %convert_element_type3A_1729 = arith.extui %and3A_1728 : vector<16xi1> to vector<16xi32>
        %broadcast_in_dim3A_1730 = arith.constant true
        %broadcast_in_dim3A_1731 = vector.broadcast %broadcast_in_dim3A_1730 : i1 to vector<16xi1>
        %masked_cumsum3A = tpu.scan <sum>, %convert_element_type3A_1729 masked %broadcast_in_dim3A_1731 : vector<16xi32>, vector<16xi1> -> vector<16xi32>
        %slice3A_1732 = vector.extract_strided_slice %get3A_1724 {offsets = [0], sizes = [1], strides = [1]} : vector<16xi32> to vector<1xi32>
        %squeeze3A_1733 = vector.extract %slice3A_1732[0] : i32 from vector<1xi32>
        %add3A_1734 = arith.constant 0 : i32
        %add3A_1735 = arith.addi %add3A_1734, %squeeze3A_1733 : i32
        %add3A_1736 = vector.broadcast %add3A_1735 : i32 to vector<16xi32>
        %add3A_1737 = arith.addi %add3A_1736, %masked_cumsum3A : vector<16xi32>
        %sub3A = arith.constant 1 : i32
        %sub3A_1738 = vector.broadcast %sub3A : i32 to vector<16xi32>
        %sub3A_1739 = arith.subi %add3A_1737, %sub3A_1738 : vector<16xi32>
        %jit3A_1740 = arith.constant 0 : i32
        %broadcast_in_dim3A_1741 = vector.broadcast %jit3A_1740 : i32 to vector<16xi32>
        %select_n3A_1742 = arith.select %and3A_1728, %sub3A_1739, %broadcast_in_dim3A_1741 : vector<16xi1>, vector<16xi32>
        tpu.vector_store_idx %arg13[%select_n3A_1742], %get3A_1707 masked %and3A_1728 : memref<21120xi32, #tpu.memory_space<vmem>>[vector<16xi32>], vector<16xi32>, vector<16xi1>
        tpu.vector_store_idx %arg14[%select_n3A_1742], %and3A_1715 masked %and3A_1728 : memref<21120xi32, #tpu.memory_space<vmem>>[vector<16xi32>], vector<16xi32>, vector<16xi1>
        %eq3A_1743 = arith.constant 0 : i32
        %eq3A_1744 = vector.broadcast %eq3A_1743 : i32 to vector<16xi32>
        %eq3A_1745 = arith.cmpi eq, %iota3A, %eq3A_1744 : vector<16xi32>
        %reduce_max3A = arith.constant true
        %reduce_max3A_1746 = vector.broadcast %reduce_max3A : i1 to vector<16xi1>
        %reduce_max3A_1747 = arith.constant -2147483648 : i32
        %reduce_max3A_1748 = vector.broadcast %reduce_max3A_1747 : i32 to vector<16xi32>
        %reduce_max3A_1749 = arith.xori %masked_cumsum3A, %reduce_max3A_1748 : vector<16xi32>
        %reduce_max3A_1750 = tpu.scan <max>, %reduce_max3A_1749 masked %reduce_max3A_1746 : vector<16xi32>, vector<16xi1> -> vector<16xi32>
        %reduce_max3A_1751 = arith.xori %reduce_max3A_1750, %reduce_max3A_1748 : vector<16xi32>
        %reduce_max3A_1752 = vector.extract %reduce_max3A_1751[15] : i32 from vector<16xi32>
        %add3A_1753 = arith.addi %squeeze3A_1733, %reduce_max3A_1752 : i32
        %broadcast_in_dim3A_1754 = vector.broadcast %add3A_1753 : i32 to vector<16xi32>
        %select_n3A_1755 = arith.select %eq3A_1745, %broadcast_in_dim3A_1754, %get3A_1724 : vector<16xi1>, vector<16xi32>
        %eq3A_1756 = arith.constant 1 : i32
        %eq3A_1757 = vector.broadcast %eq3A_1756 : i32 to vector<16xi32>
        %eq3A_1758 = arith.cmpi eq, %get3A_1705, %eq3A_1757 : vector<16xi32>
        %and3A_1759 = arith.andi %eq3A_1712, %eq3A_1758 : vector<16xi1>
        %convert_element_type3A_1760 = arith.extui %and3A_1759 : vector<16xi1> to vector<16xi32>
        %broadcast_in_dim3A_1761 = arith.constant true
        %broadcast_in_dim3A_1762 = vector.broadcast %broadcast_in_dim3A_1761 : i1 to vector<16xi1>
        %masked_cumsum3A_1763 = tpu.scan <sum>, %convert_element_type3A_1760 masked %broadcast_in_dim3A_1762 : vector<16xi32>, vector<16xi1> -> vector<16xi32>
        %slice3A_1764 = vector.extract_strided_slice %select_n3A_1755 {offsets = [1], sizes = [1], strides = [1]} : vector<16xi32> to vector<1xi32>
        %squeeze3A_1765 = vector.extract %slice3A_1764[0] : i32 from vector<1xi32>
        %add3A_1766 = arith.constant 4224 : i32
        %add3A_1767 = arith.addi %add3A_1766, %squeeze3A_1765 : i32
        %add3A_1768 = vector.broadcast %add3A_1767 : i32 to vector<16xi32>
        %add3A_1769 = arith.addi %add3A_1768, %masked_cumsum3A_1763 : vector<16xi32>
        %sub3A_1770 = arith.constant 1 : i32
        %sub3A_1771 = vector.broadcast %sub3A_1770 : i32 to vector<16xi32>
        %sub3A_1772 = arith.subi %add3A_1769, %sub3A_1771 : vector<16xi32>
        %jit3A_1773 = arith.constant 4224 : i32
        %broadcast_in_dim3A_1774 = vector.broadcast %jit3A_1773 : i32 to vector<16xi32>
        %select_n3A_1775 = arith.select %and3A_1759, %sub3A_1772, %broadcast_in_dim3A_1774 : vector<16xi1>, vector<16xi32>
        tpu.vector_store_idx %arg13[%select_n3A_1775], %get3A_1707 masked %and3A_1759 : memref<21120xi32, #tpu.memory_space<vmem>>[vector<16xi32>], vector<16xi32>, vector<16xi1>
        tpu.vector_store_idx %arg14[%select_n3A_1775], %and3A_1715 masked %and3A_1759 : memref<21120xi32, #tpu.memory_space<vmem>>[vector<16xi32>], vector<16xi32>, vector<16xi1>
        %eq3A_1776 = arith.constant 1 : i32
        %eq3A_1777 = vector.broadcast %eq3A_1776 : i32 to vector<16xi32>
        %eq3A_1778 = arith.cmpi eq, %iota3A, %eq3A_1777 : vector<16xi32>
        %reduce_max3A_1779 = arith.constant true
        %reduce_max3A_1780 = vector.broadcast %reduce_max3A_1779 : i1 to vector<16xi1>
        %reduce_max3A_1781 = arith.constant -2147483648 : i32
        %reduce_max3A_1782 = vector.broadcast %reduce_max3A_1781 : i32 to vector<16xi32>
        %reduce_max3A_1783 = arith.xori %masked_cumsum3A_1763, %reduce_max3A_1782 : vector<16xi32>
        %reduce_max3A_1784 = tpu.scan <max>, %reduce_max3A_1783 masked %reduce_max3A_1780 : vector<16xi32>, vector<16xi1> -> vector<16xi32>
        %reduce_max3A_1785 = arith.xori %reduce_max3A_1784, %reduce_max3A_1782 : vector<16xi32>
        %reduce_max3A_1786 = vector.extract %reduce_max3A_1785[15] : i32 from vector<16xi32>
        %add3A_1787 = arith.addi %squeeze3A_1765, %reduce_max3A_1786 : i32
        %broadcast_in_dim3A_1788 = vector.broadcast %add3A_1787 : i32 to vector<16xi32>
        %select_n3A_1789 = arith.select %eq3A_1778, %broadcast_in_dim3A_1788, %select_n3A_1755 : vector<16xi1>, vector<16xi32>
        %eq3A_1790 = arith.constant 2 : i32
        %eq3A_1791 = vector.broadcast %eq3A_1790 : i32 to vector<16xi32>
        %eq3A_1792 = arith.cmpi eq, %get3A_1705, %eq3A_1791 : vector<16xi32>
        %and3A_1793 = arith.andi %eq3A_1712, %eq3A_1792 : vector<16xi1>
        %convert_element_type3A_1794 = arith.extui %and3A_1793 : vector<16xi1> to vector<16xi32>
        %broadcast_in_dim3A_1795 = arith.constant true
        %broadcast_in_dim3A_1796 = vector.broadcast %broadcast_in_dim3A_1795 : i1 to vector<16xi1>
        %masked_cumsum3A_1797 = tpu.scan <sum>, %convert_element_type3A_1794 masked %broadcast_in_dim3A_1796 : vector<16xi32>, vector<16xi1> -> vector<16xi32>
        %slice3A_1798 = vector.extract_strided_slice %select_n3A_1789 {offsets = [2], sizes = [1], strides = [1]} : vector<16xi32> to vector<1xi32>
        %squeeze3A_1799 = vector.extract %slice3A_1798[0] : i32 from vector<1xi32>
        %add3A_1800 = arith.constant 8448 : i32
        %add3A_1801 = arith.addi %add3A_1800, %squeeze3A_1799 : i32
        %add3A_1802 = vector.broadcast %add3A_1801 : i32 to vector<16xi32>
        %add3A_1803 = arith.addi %add3A_1802, %masked_cumsum3A_1797 : vector<16xi32>
        %sub3A_1804 = arith.constant 1 : i32
        %sub3A_1805 = vector.broadcast %sub3A_1804 : i32 to vector<16xi32>
        %sub3A_1806 = arith.subi %add3A_1803, %sub3A_1805 : vector<16xi32>
        %jit3A_1807 = arith.constant 8448 : i32
        %broadcast_in_dim3A_1808 = vector.broadcast %jit3A_1807 : i32 to vector<16xi32>
        %select_n3A_1809 = arith.select %and3A_1793, %sub3A_1806, %broadcast_in_dim3A_1808 : vector<16xi1>, vector<16xi32>
        tpu.vector_store_idx %arg13[%select_n3A_1809], %get3A_1707 masked %and3A_1793 : memref<21120xi32, #tpu.memory_space<vmem>>[vector<16xi32>], vector<16xi32>, vector<16xi1>
        tpu.vector_store_idx %arg14[%select_n3A_1809], %and3A_1715 masked %and3A_1793 : memref<21120xi32, #tpu.memory_space<vmem>>[vector<16xi32>], vector<16xi32>, vector<16xi1>
        %eq3A_1810 = arith.constant 2 : i32
        %eq3A_1811 = vector.broadcast %eq3A_1810 : i32 to vector<16xi32>
        %eq3A_1812 = arith.cmpi eq, %iota3A, %eq3A_1811 : vector<16xi32>
        %reduce_max3A_1813 = arith.constant true
        %reduce_max3A_1814 = vector.broadcast %reduce_max3A_1813 : i1 to vector<16xi1>
        %reduce_max3A_1815 = arith.constant -2147483648 : i32
        %reduce_max3A_1816 = vector.broadcast %reduce_max3A_1815 : i32 to vector<16xi32>
        %reduce_max3A_1817 = arith.xori %masked_cumsum3A_1797, %reduce_max3A_1816 : vector<16xi32>
        %reduce_max3A_1818 = tpu.scan <max>, %reduce_max3A_1817 masked %reduce_max3A_1814 : vector<16xi32>, vector<16xi1> -> vector<16xi32>
        %reduce_max3A_1819 = arith.xori %reduce_max3A_1818, %reduce_max3A_1816 : vector<16xi32>
        %reduce_max3A_1820 = vector.extract %reduce_max3A_1819[15] : i32 from vector<16xi32>
        %add3A_1821 = arith.addi %squeeze3A_1799, %reduce_max3A_1820 : i32
        %broadcast_in_dim3A_1822 = vector.broadcast %add3A_1821 : i32 to vector<16xi32>
        %select_n3A_1823 = arith.select %eq3A_1812, %broadcast_in_dim3A_1822, %select_n3A_1789 : vector<16xi1>, vector<16xi32>
        %eq3A_1824 = arith.constant 3 : i32
        %eq3A_1825 = vector.broadcast %eq3A_1824 : i32 to vector<16xi32>
        %eq3A_1826 = arith.cmpi eq, %get3A_1705, %eq3A_1825 : vector<16xi32>
        %and3A_1827 = arith.andi %eq3A_1712, %eq3A_1826 : vector<16xi1>
        %convert_element_type3A_1828 = arith.extui %and3A_1827 : vector<16xi1> to vector<16xi32>
        %broadcast_in_dim3A_1829 = arith.constant true
        %broadcast_in_dim3A_1830 = vector.broadcast %broadcast_in_dim3A_1829 : i1 to vector<16xi1>
        %masked_cumsum3A_1831 = tpu.scan <sum>, %convert_element_type3A_1828 masked %broadcast_in_dim3A_1830 : vector<16xi32>, vector<16xi1> -> vector<16xi32>
        %slice3A_1832 = vector.extract_strided_slice %select_n3A_1823 {offsets = [3], sizes = [1], strides = [1]} : vector<16xi32> to vector<1xi32>
        %squeeze3A_1833 = vector.extract %slice3A_1832[0] : i32 from vector<1xi32>
        %add3A_1834 = arith.constant 12672 : i32
        %add3A_1835 = arith.addi %add3A_1834, %squeeze3A_1833 : i32
        %add3A_1836 = vector.broadcast %add3A_1835 : i32 to vector<16xi32>
        %add3A_1837 = arith.addi %add3A_1836, %masked_cumsum3A_1831 : vector<16xi32>
        %sub3A_1838 = arith.constant 1 : i32
        %sub3A_1839 = vector.broadcast %sub3A_1838 : i32 to vector<16xi32>
        %sub3A_1840 = arith.subi %add3A_1837, %sub3A_1839 : vector<16xi32>
        %jit3A_1841 = arith.constant 12672 : i32
        %broadcast_in_dim3A_1842 = vector.broadcast %jit3A_1841 : i32 to vector<16xi32>
        %select_n3A_1843 = arith.select %and3A_1827, %sub3A_1840, %broadcast_in_dim3A_1842 : vector<16xi1>, vector<16xi32>
        tpu.vector_store_idx %arg13[%select_n3A_1843], %get3A_1707 masked %and3A_1827 : memref<21120xi32, #tpu.memory_space<vmem>>[vector<16xi32>], vector<16xi32>, vector<16xi1>
        tpu.vector_store_idx %arg14[%select_n3A_1843], %and3A_1715 masked %and3A_1827 : memref<21120xi32, #tpu.memory_space<vmem>>[vector<16xi32>], vector<16xi32>, vector<16xi1>
        %eq3A_1844 = arith.constant 3 : i32
        %eq3A_1845 = vector.broadcast %eq3A_1844 : i32 to vector<16xi32>
        %eq3A_1846 = arith.cmpi eq, %iota3A, %eq3A_1845 : vector<16xi32>
        %reduce_max3A_1847 = arith.constant true
        %reduce_max3A_1848 = vector.broadcast %reduce_max3A_1847 : i1 to vector<16xi1>
        %reduce_max3A_1849 = arith.constant -2147483648 : i32
        %reduce_max3A_1850 = vector.broadcast %reduce_max3A_1849 : i32 to vector<16xi32>
        %reduce_max3A_1851 = arith.xori %masked_cumsum3A_1831, %reduce_max3A_1850 : vector<16xi32>
        %reduce_max3A_1852 = tpu.scan <max>, %reduce_max3A_1851 masked %reduce_max3A_1848 : vector<16xi32>, vector<16xi1> -> vector<16xi32>
        %reduce_max3A_1853 = arith.xori %reduce_max3A_1852, %reduce_max3A_1850 : vector<16xi32>
        %reduce_max3A_1854 = vector.extract %reduce_max3A_1853[15] : i32 from vector<16xi32>
        %add3A_1855 = arith.addi %squeeze3A_1833, %reduce_max3A_1854 : i32
        %broadcast_in_dim3A_1856 = vector.broadcast %add3A_1855 : i32 to vector<16xi32>
        %select_n3A_1857 = arith.select %eq3A_1846, %broadcast_in_dim3A_1856, %select_n3A_1823 : vector<16xi1>, vector<16xi32>
        %eq3A_1858 = arith.constant 4 : i32
        %eq3A_1859 = vector.broadcast %eq3A_1858 : i32 to vector<16xi32>
        %eq3A_1860 = arith.cmpi eq, %get3A_1705, %eq3A_1859 : vector<16xi32>
        %and3A_1861 = arith.andi %eq3A_1712, %eq3A_1860 : vector<16xi1>
        %convert_element_type3A_1862 = arith.extui %and3A_1861 : vector<16xi1> to vector<16xi32>
        %broadcast_in_dim3A_1863 = arith.constant true
        %broadcast_in_dim3A_1864 = vector.broadcast %broadcast_in_dim3A_1863 : i1 to vector<16xi1>
        %masked_cumsum3A_1865 = tpu.scan <sum>, %convert_element_type3A_1862 masked %broadcast_in_dim3A_1864 : vector<16xi32>, vector<16xi1> -> vector<16xi32>
        %slice3A_1866 = vector.extract_strided_slice %select_n3A_1857 {offsets = [4], sizes = [1], strides = [1]} : vector<16xi32> to vector<1xi32>
        %squeeze3A_1867 = vector.extract %slice3A_1866[0] : i32 from vector<1xi32>
        %add3A_1868 = arith.constant 16896 : i32
        %add3A_1869 = arith.addi %add3A_1868, %squeeze3A_1867 : i32
        %add3A_1870 = vector.broadcast %add3A_1869 : i32 to vector<16xi32>
        %add3A_1871 = arith.addi %add3A_1870, %masked_cumsum3A_1865 : vector<16xi32>
        %sub3A_1872 = arith.constant 1 : i32
        %sub3A_1873 = vector.broadcast %sub3A_1872 : i32 to vector<16xi32>
        %sub3A_1874 = arith.subi %add3A_1871, %sub3A_1873 : vector<16xi32>
        %jit3A_1875 = arith.constant 16896 : i32
        %broadcast_in_dim3A_1876 = vector.broadcast %jit3A_1875 : i32 to vector<16xi32>
        %select_n3A_1877 = arith.select %and3A_1861, %sub3A_1874, %broadcast_in_dim3A_1876 : vector<16xi1>, vector<16xi32>
        tpu.vector_store_idx %arg13[%select_n3A_1877], %get3A_1707 masked %and3A_1861 : memref<21120xi32, #tpu.memory_space<vmem>>[vector<16xi32>], vector<16xi32>, vector<16xi1>
        tpu.vector_store_idx %arg14[%select_n3A_1877], %and3A_1715 masked %and3A_1861 : memref<21120xi32, #tpu.memory_space<vmem>>[vector<16xi32>], vector<16xi32>, vector<16xi1>
        %eq3A_1878 = arith.constant 4 : i32
        %eq3A_1879 = vector.broadcast %eq3A_1878 : i32 to vector<16xi32>
        %eq3A_1880 = arith.cmpi eq, %iota3A, %eq3A_1879 : vector<16xi32>
        %reduce_max3A_1881 = arith.constant true
        %reduce_max3A_1882 = vector.broadcast %reduce_max3A_1881 : i1 to vector<16xi1>
        %reduce_max3A_1883 = arith.constant -2147483648 : i32
        %reduce_max3A_1884 = vector.broadcast %reduce_max3A_1883 : i32 to vector<16xi32>
        %reduce_max3A_1885 = arith.xori %masked_cumsum3A_1865, %reduce_max3A_1884 : vector<16xi32>
        %reduce_max3A_1886 = tpu.scan <max>, %reduce_max3A_1885 masked %reduce_max3A_1882 : vector<16xi32>, vector<16xi1> -> vector<16xi32>
        %reduce_max3A_1887 = arith.xori %reduce_max3A_1886, %reduce_max3A_1884 : vector<16xi32>
        %reduce_max3A_1888 = vector.extract %reduce_max3A_1887[15] : i32 from vector<16xi32>
        %add3A_1889 = arith.addi %squeeze3A_1867, %reduce_max3A_1888 : i32
        %broadcast_in_dim3A_1890 = vector.broadcast %add3A_1889 : i32 to vector<16xi32>
        %select_n3A_1891 = arith.select %eq3A_1880, %broadcast_in_dim3A_1890, %select_n3A_1857 : vector<16xi1>, vector<16xi32>
        %swap3A_1892 = arith.constant 0 : index
        %swap3A_1893 = tpu.vector_load %arg16[%swap3A_1892] {strides = array<i32>} : memref<16xi32, #tpu.memory_space<vmem>>, vector<16xi32>,
        tpu.vector_store %arg16[%swap3A_1892], %select_n3A_1891 {strides = array<i32>} : memref<16xi32, #tpu.memory_space<vmem>>, vector<16xi32>,
        %scan3A_1894 = arith.constant 0 : i32
        scf.yield %scan3A_1894 : i32
      }
      %scan3A_990 = arith.constant 256 : i32
      %get3A_991 = arith.constant 0 : index
      %get3A_992 = tpu.vector_load %arg16[%get3A_991] {strides = array<i32>} : memref<16xi32, #tpu.memory_space<vmem>>, vector<16xi32>,
      %get3A_993 = arith.constant 0 : index
      %get3A_994 = tpu.vector_load %arg17[%get3A_993] {strides = array<i32>} : memref<16xi32, #tpu.memory_space<vmem>>, vector<16xi32>,
      %slice3A_995 = vector.extract_strided_slice %get3A_992 {offsets = [0], sizes = [1], strides = [1]} : vector<16xi32> to vector<1xi32>
      %squeeze3A_996 = vector.extract %slice3A_995[0] : i32 from vector<1xi32>
      %slice3A_997 = vector.extract_strided_slice %get3A_994 {offsets = [0], sizes = [1], strides = [1]} : vector<16xi32> to vector<1xi32>
      %squeeze3A_998 = vector.extract %slice3A_997[0] : i32 from vector<1xi32>
      %shift_right_arithmetic3A = arith.constant 7 : i32
      %shift_right_arithmetic3A_999 = arith.shrsi %squeeze3A_996, %shift_right_arithmetic3A : i32
      %mul3A_1000 = arith.constant 5 : i32
      %mul3A_1001 = arith.muli %add3A, %mul3A_1000 : i32
      %add3A_1002 = arith.constant 0 : i32
      %add3A_1003 = arith.addi %mul3A_1001, %add3A_1002 : i32
      %mul3A_1004 = arith.constant 65536 : i32
      %mul3A_1005 = arith.muli %add3A_1003, %mul3A_1004 : i32
      %while3A = arith.constant 0 : i32
      %while3A_1006 = arith.constant 0 : i32
      %while3A_1007 = arith.subi %shift_right_arithmetic3A_999, %while3A : i32
      %while3A_1008 = arith.addi %while3A, %while3A_1007 : i32
      %while3A_1009 = arith.constant 1 : i32
      %while3A_1010 = arith.divsi %while3A_1007, %while3A_1009 : i32
      %while3A_1011 = arith.muli %while3A_1010, %while3A_1009 : i32
      %while3A_1012 = arith.addi %while3A, %while3A_1011 : i32
      %while3A_1013 = arith.constant 1 : i32
      %while3A_1014 = scf.for %while3A_1697 = %while3A to %while3A_1012 step %while3A_1013 iter_args(%while3A_1698 = %while3A_1006) -> (i32)  : i32 {
        %mul3A_1699 = arith.constant 128 : i32
        %mul3A_1700 = arith.muli %while3A_1697, %mul3A_1699 : i32
        %add3A_1701 = arith.constant 0 : i32
        %add3A_1702 = arith.addi %add3A_1701, %mul3A_1700 : i32
        %multiple_of3A_1703 = tpu.assume_multiple %add3A_1702, 128 : i32
        %add3A_1704 = arith.addi %mul3A_1005, %squeeze3A_998 : i32
        %mul3A_1705 = arith.constant 128 : i32
        %mul3A_1706 = arith.muli %while3A_1697, %mul3A_1705 : i32
        %add3A_1707 = arith.addi %add3A_1704, %mul3A_1706 : i32
        %multiple_of3A_1708 = tpu.assume_multiple %add3A_1707, 128 : i32
        "tpu.region"() ({
          %run_scoped3A = tpu.sem_alloc : memref<!tpu.dma_semaphore, #tpu.memory_space<semaphore_mem>>
          %dma_start3A = tpu.memref_slice %arg13[%multiple_of3A_1703] : memref<21120xi32, #tpu.memory_space<vmem>> -> memref<128xi32, #tpu.memory_space<vmem>>
          %dma_start3A_1720 = tpu.memref_slice %arg5[%multiple_of3A_1708] : memref<10485760xi32, #tpu.memory_space<hbm>> -> memref<128xi32, #tpu.memory_space<hbm>>
          %dma_start3A_1721 = tpu.memref_slice %arg5[%multiple_of3A_1708] : memref<10485760xi32, #tpu.memory_space<hbm>> -> memref<128xi32, #tpu.memory_space<hbm>>
          %dma_start3A_1722 = tpu.memref_slice %arg13[%multiple_of3A_1703] : memref<21120xi32, #tpu.memory_space<vmem>> -> memref<128xi32, #tpu.memory_space<vmem>>
          tpu.enqueue_dma source(%dma_start3A_1722 : memref<128xi32, #tpu.memory_space<vmem>>) target(%dma_start3A_1721 : memref<128xi32, #tpu.memory_space<hbm>>) target_semaphore(%run_scoped3A : memref<!tpu.dma_semaphore, #tpu.memory_space<semaphore_mem>>)
          %dma_wait3A = tpu.memref_slice %arg13[%multiple_of3A_1703] : memref<21120xi32, #tpu.memory_space<vmem>> -> memref<128xi32, #tpu.memory_space<vmem>>
          %dma_wait3A_1723 = tpu.memref_slice %arg5[%multiple_of3A_1708] : memref<10485760xi32, #tpu.memory_space<hbm>> -> memref<128xi32, #tpu.memory_space<hbm>>
          %dma_wait3A_1724 = tpu.memref_slice %arg5[%multiple_of3A_1708] : memref<10485760xi32, #tpu.memory_space<hbm>> -> memref<128xi32, #tpu.memory_space<hbm>>
          %dma_wait3A_1725 = tpu.memref_slice %arg13[%multiple_of3A_1703] : memref<21120xi32, #tpu.memory_space<vmem>> -> memref<128xi32, #tpu.memory_space<vmem>>
          tpu.wait_dma2 semaphore(%run_scoped3A : memref<!tpu.dma_semaphore, #tpu.memory_space<semaphore_mem>>) src(%dma_wait3A_1725 : memref<128xi32, #tpu.memory_space<vmem>>) dst(%dma_wait3A_1724 : memref<128xi32, #tpu.memory_space<hbm>>)
          tpu.yield
        }) : () -> ()
        %mul3A_1709 = arith.constant 128 : i32
        %mul3A_1710 = arith.muli %while3A_1697, %mul3A_1709 : i32
        %add3A_1711 = arith.constant 0 : i32
        %add3A_1712 = arith.addi %add3A_1711, %mul3A_1710 : i32
        %multiple_of3A_1713 = tpu.assume_multiple %add3A_1712, 128 : i32
        %add3A_1714 = arith.addi %mul3A_1005, %squeeze3A_998 : i32
        %mul3A_1715 = arith.constant 128 : i32
        %mul3A_1716 = arith.muli %while3A_1697, %mul3A_1715 : i32
        %add3A_1717 = arith.addi %add3A_1714, %mul3A_1716 : i32
        %multiple_of3A_1718 = tpu.assume_multiple %add3A_1717, 128 : i32
        "tpu.region"() ({
          %run_scoped3A = tpu.sem_alloc : memref<!tpu.dma_semaphore, #tpu.memory_space<semaphore_mem>>
          %dma_start3A = tpu.memref_slice %arg14[%multiple_of3A_1713] : memref<21120xi32, #tpu.memory_space<vmem>> -> memref<128xi32, #tpu.memory_space<vmem>>
          %dma_start3A_1720 = tpu.memref_slice %arg6[%multiple_of3A_1718] : memref<10485760xi32, #tpu.memory_space<hbm>> -> memref<128xi32, #tpu.memory_space<hbm>>
          %dma_start3A_1721 = tpu.memref_slice %arg6[%multiple_of3A_1718] : memref<10485760xi32, #tpu.memory_space<hbm>> -> memref<128xi32, #tpu.memory_space<hbm>>
          %dma_start3A_1722 = tpu.memref_slice %arg14[%multiple_of3A_1713] : memref<21120xi32, #tpu.memory_space<vmem>> -> memref<128xi32, #tpu.memory_space<vmem>>
          tpu.enqueue_dma source(%dma_start3A_1722 : memref<128xi32, #tpu.memory_space<vmem>>) target(%dma_start3A_1721 : memref<128xi32, #tpu.memory_space<hbm>>) target_semaphore(%run_scoped3A : memref<!tpu.dma_semaphore, #tpu.memory_space<semaphore_mem>>)
          %dma_wait3A = tpu.memref_slice %arg14[%multiple_of3A_1713] : memref<21120xi32, #tpu.memory_space<vmem>> -> memref<128xi32, #tpu.memory_space<vmem>>
          %dma_wait3A_1723 = tpu.memref_slice %arg6[%multiple_of3A_1718] : memref<10485760xi32, #tpu.memory_space<hbm>> -> memref<128xi32, #tpu.memory_space<hbm>>
          %dma_wait3A_1724 = tpu.memref_slice %arg6[%multiple_of3A_1718] : memref<10485760xi32, #tpu.memory_space<hbm>> -> memref<128xi32, #tpu.memory_space<hbm>>
          %dma_wait3A_1725 = tpu.memref_slice %arg14[%multiple_of3A_1713] : memref<21120xi32, #tpu.memory_space<vmem>> -> memref<128xi32, #tpu.memory_space<vmem>>
          tpu.wait_dma2 semaphore(%run_scoped3A : memref<!tpu.dma_semaphore, #tpu.memory_space<semaphore_mem>>) src(%dma_wait3A_1725 : memref<128xi32, #tpu.memory_space<vmem>>) dst(%dma_wait3A_1724 : memref<128xi32, #tpu.memory_space<hbm>>)
          tpu.yield
        }) : () -> ()
        %while3A_1719 = arith.constant 0 : i32
        scf.yield %while3A_1719 : i32
      }
      %while3A_1015 = arith.constant 1 : i32
      %while3A_1016 = scf.for %while3A_1697 = %while3A_1012 to %while3A_1008 step %while3A_1015 iter_args(%while3A_1698 = %while3A_1014) -> (i32)  : i32 {
        %mul3A_1699 = arith.constant 128 : i32
        %mul3A_1700 = arith.muli %while3A_1697, %mul3A_1699 : i32
        %add3A_1701 = arith.constant 0 : i32
        %add3A_1702 = arith.addi %add3A_1701, %mul3A_1700 : i32
        %multiple_of3A_1703 = tpu.assume_multiple %add3A_1702, 128 : i32
        %add3A_1704 = arith.addi %mul3A_1005, %squeeze3A_998 : i32
        %mul3A_1705 = arith.constant 128 : i32
        %mul3A_1706 = arith.muli %while3A_1697, %mul3A_1705 : i32
        %add3A_1707 = arith.addi %add3A_1704, %mul3A_1706 : i32
        %multiple_of3A_1708 = tpu.assume_multiple %add3A_1707, 128 : i32
        "tpu.region"() ({
          %run_scoped3A = tpu.sem_alloc : memref<!tpu.dma_semaphore, #tpu.memory_space<semaphore_mem>>
          %dma_start3A = tpu.memref_slice %arg13[%multiple_of3A_1703] : memref<21120xi32, #tpu.memory_space<vmem>> -> memref<128xi32, #tpu.memory_space<vmem>>
          %dma_start3A_1720 = tpu.memref_slice %arg5[%multiple_of3A_1708] : memref<10485760xi32, #tpu.memory_space<hbm>> -> memref<128xi32, #tpu.memory_space<hbm>>
          %dma_start3A_1721 = tpu.memref_slice %arg5[%multiple_of3A_1708] : memref<10485760xi32, #tpu.memory_space<hbm>> -> memref<128xi32, #tpu.memory_space<hbm>>
          %dma_start3A_1722 = tpu.memref_slice %arg13[%multiple_of3A_1703] : memref<21120xi32, #tpu.memory_space<vmem>> -> memref<128xi32, #tpu.memory_space<vmem>>
          tpu.enqueue_dma source(%dma_start3A_1722 : memref<128xi32, #tpu.memory_space<vmem>>) target(%dma_start3A_1721 : memref<128xi32, #tpu.memory_space<hbm>>) target_semaphore(%run_scoped3A : memref<!tpu.dma_semaphore, #tpu.memory_space<semaphore_mem>>)
          %dma_wait3A = tpu.memref_slice %arg13[%multiple_of3A_1703] : memref<21120xi32, #tpu.memory_space<vmem>> -> memref<128xi32, #tpu.memory_space<vmem>>
          %dma_wait3A_1723 = tpu.memref_slice %arg5[%multiple_of3A_1708] : memref<10485760xi32, #tpu.memory_space<hbm>> -> memref<128xi32, #tpu.memory_space<hbm>>
          %dma_wait3A_1724 = tpu.memref_slice %arg5[%multiple_of3A_1708] : memref<10485760xi32, #tpu.memory_space<hbm>> -> memref<128xi32, #tpu.memory_space<hbm>>
          %dma_wait3A_1725 = tpu.memref_slice %arg13[%multiple_of3A_1703] : memref<21120xi32, #tpu.memory_space<vmem>> -> memref<128xi32, #tpu.memory_space<vmem>>
          tpu.wait_dma2 semaphore(%run_scoped3A : memref<!tpu.dma_semaphore, #tpu.memory_space<semaphore_mem>>) src(%dma_wait3A_1725 : memref<128xi32, #tpu.memory_space<vmem>>) dst(%dma_wait3A_1724 : memref<128xi32, #tpu.memory_space<hbm>>)
          tpu.yield
        }) : () -> ()
        %mul3A_1709 = arith.constant 128 : i32
        %mul3A_1710 = arith.muli %while3A_1697, %mul3A_1709 : i32
        %add3A_1711 = arith.constant 0 : i32
        %add3A_1712 = arith.addi %add3A_1711, %mul3A_1710 : i32
        %multiple_of3A_1713 = tpu.assume_multiple %add3A_1712, 128 : i32
        %add3A_1714 = arith.addi %mul3A_1005, %squeeze3A_998 : i32
        %mul3A_1715 = arith.constant 128 : i32
        %mul3A_1716 = arith.muli %while3A_1697, %mul3A_1715 : i32
        %add3A_1717 = arith.addi %add3A_1714, %mul3A_1716 : i32
        %multiple_of3A_1718 = tpu.assume_multiple %add3A_1717, 128 : i32
        "tpu.region"() ({
          %run_scoped3A = tpu.sem_alloc : memref<!tpu.dma_semaphore, #tpu.memory_space<semaphore_mem>>
          %dma_start3A = tpu.memref_slice %arg14[%multiple_of3A_1713] : memref<21120xi32, #tpu.memory_space<vmem>> -> memref<128xi32, #tpu.memory_space<vmem>>
          %dma_start3A_1720 = tpu.memref_slice %arg6[%multiple_of3A_1718] : memref<10485760xi32, #tpu.memory_space<hbm>> -> memref<128xi32, #tpu.memory_space<hbm>>
          %dma_start3A_1721 = tpu.memref_slice %arg6[%multiple_of3A_1718] : memref<10485760xi32, #tpu.memory_space<hbm>> -> memref<128xi32, #tpu.memory_space<hbm>>
          %dma_start3A_1722 = tpu.memref_slice %arg14[%multiple_of3A_1713] : memref<21120xi32, #tpu.memory_space<vmem>> -> memref<128xi32, #tpu.memory_space<vmem>>
          tpu.enqueue_dma source(%dma_start3A_1722 : memref<128xi32, #tpu.memory_space<vmem>>) target(%dma_start3A_1721 : memref<128xi32, #tpu.memory_space<hbm>>) target_semaphore(%run_scoped3A : memref<!tpu.dma_semaphore, #tpu.memory_space<semaphore_mem>>)
          %dma_wait3A = tpu.memref_slice %arg14[%multiple_of3A_1713] : memref<21120xi32, #tpu.memory_space<vmem>> -> memref<128xi32, #tpu.memory_space<vmem>>
          %dma_wait3A_1723 = tpu.memref_slice %arg6[%multiple_of3A_1718] : memref<10485760xi32, #tpu.memory_space<hbm>> -> memref<128xi32, #tpu.memory_space<hbm>>
          %dma_wait3A_1724 = tpu.memref_slice %arg6[%multiple_of3A_1718] : memref<10485760xi32, #tpu.memory_space<hbm>> -> memref<128xi32, #tpu.memory_space<hbm>>
          %dma_wait3A_1725 = tpu.memref_slice %arg14[%multiple_of3A_1713] : memref<21120xi32, #tpu.memory_space<vmem>> -> memref<128xi32, #tpu.memory_space<vmem>>
          tpu.wait_dma2 semaphore(%run_scoped3A : memref<!tpu.dma_semaphore, #tpu.memory_space<semaphore_mem>>) src(%dma_wait3A_1725 : memref<128xi32, #tpu.memory_space<vmem>>) dst(%dma_wait3A_1724 : memref<128xi32, #tpu.memory_space<hbm>>)
          tpu.yield
        }) : () -> ()
        %while3A_1719 = arith.constant 0 : i32
        scf.yield %while3A_1719 : i32
      }
      %mul3A_1017 = arith.constant 128 : i32
      %mul3A_1018 = arith.muli %shift_right_arithmetic3A_999, %mul3A_1017 : i32
      %add3A_1019 = arith.constant 0 : i32
      %add3A_1020 = arith.addi %add3A_1019, %mul3A_1018 : i32
      %multiple_of3A_1021 = tpu.assume_multiple %add3A_1020, 128 : i32
      %add3A_1022 = arith.constant 0 : i32
      %add3A_1023 = arith.addi %multiple_of3A_1021, %add3A_1022 : i32
      %get3A_1024 = arith.index_cast %add3A_1023 : i32 to index
      %get3A_1025 = tpu.vector_load %arg13[%get3A_1024] {strides = array<i32>} : memref<21120xi32, #tpu.memory_space<vmem>>, vector<16xi32>,
      %swap3A_1026 = arith.constant 0 : index
      %swap3A_1027 = tpu.vector_load %arg13[%swap3A_1026] {strides = array<i32>} : memref<21120xi32, #tpu.memory_space<vmem>>, vector<16xi32>,
      tpu.vector_store %arg13[%swap3A_1026], %get3A_1025 {strides = array<i32>} : memref<21120xi32, #tpu.memory_space<vmem>>, vector<16xi32>,
      %add3A_1028 = arith.constant 0 : i32
      %add3A_1029 = arith.addi %multiple_of3A_1021, %add3A_1028 : i32
      %get3A_1030 = arith.index_cast %add3A_1029 : i32 to index
      %get3A_1031 = tpu.vector_load %arg14[%get3A_1030] {strides = array<i32>} : memref<21120xi32, #tpu.memory_space<vmem>>, vector<16xi32>,
      %swap3A_1032 = arith.constant 0 : index
      %swap3A_1033 = tpu.vector_load %arg14[%swap3A_1032] {strides = array<i32>} : memref<21120xi32, #tpu.memory_space<vmem>>, vector<16xi32>,
      tpu.vector_store %arg14[%swap3A_1032], %get3A_1031 {strides = array<i32>} : memref<21120xi32, #tpu.memory_space<vmem>>, vector<16xi32>,
      %add3A_1034 = arith.constant 16 : i32
      %add3A_1035 = arith.addi %multiple_of3A_1021, %add3A_1034 : i32
      %get3A_1036 = arith.index_cast %add3A_1035 : i32 to index
      %get3A_1037 = tpu.vector_load %arg13[%get3A_1036] {strides = array<i32>} : memref<21120xi32, #tpu.memory_space<vmem>>, vector<16xi32>,
      %swap3A_1038 = arith.constant 16 : index
      %swap3A_1039 = tpu.vector_load %arg13[%swap3A_1038] {strides = array<i32>} : memref<21120xi32, #tpu.memory_space<vmem>>, vector<16xi32>,
      tpu.vector_store %arg13[%swap3A_1038], %get3A_1037 {strides = array<i32>} : memref<21120xi32, #tpu.memory_space<vmem>>, vector<16xi32>,
      %add3A_1040 = arith.constant 16 : i32
      %add3A_1041 = arith.addi %multiple_of3A_1021, %add3A_1040 : i32
      %get3A_1042 = arith.index_cast %add3A_1041 : i32 to index
      %get3A_1043 = tpu.vector_load %arg14[%get3A_1042] {strides = array<i32>} : memref<21120xi32, #tpu.memory_space<vmem>>, vector<16xi32>,
      %swap3A_1044 = arith.constant 16 : index
      %swap3A_1045 = tpu.vector_load %arg14[%swap3A_1044] {strides = array<i32>} : memref<21120xi32, #tpu.memory_space<vmem>>, vector<16xi32>,
      tpu.vector_store %arg14[%swap3A_1044], %get3A_1043 {strides = array<i32>} : memref<21120xi32, #tpu.memory_space<vmem>>, vector<16xi32>,
      %add3A_1046 = arith.constant 32 : i32
      %add3A_1047 = arith.addi %multiple_of3A_1021, %add3A_1046 : i32
      %get3A_1048 = arith.index_cast %add3A_1047 : i32 to index
      %get3A_1049 = tpu.vector_load %arg13[%get3A_1048] {strides = array<i32>} : memref<21120xi32, #tpu.memory_space<vmem>>, vector<16xi32>,
      %swap3A_1050 = arith.constant 32 : index
      %swap3A_1051 = tpu.vector_load %arg13[%swap3A_1050] {strides = array<i32>} : memref<21120xi32, #tpu.memory_space<vmem>>, vector<16xi32>,
      tpu.vector_store %arg13[%swap3A_1050], %get3A_1049 {strides = array<i32>} : memref<21120xi32, #tpu.memory_space<vmem>>, vector<16xi32>,
      %add3A_1052 = arith.constant 32 : i32
      %add3A_1053 = arith.addi %multiple_of3A_1021, %add3A_1052 : i32
      %get3A_1054 = arith.index_cast %add3A_1053 : i32 to index
      %get3A_1055 = tpu.vector_load %arg14[%get3A_1054] {strides = array<i32>} : memref<21120xi32, #tpu.memory_space<vmem>>, vector<16xi32>,
      %swap3A_1056 = arith.constant 32 : index
      %swap3A_1057 = tpu.vector_load %arg14[%swap3A_1056] {strides = array<i32>} : memref<21120xi32, #tpu.memory_space<vmem>>, vector<16xi32>,
      tpu.vector_store %arg14[%swap3A_1056], %get3A_1055 {strides = array<i32>} : memref<21120xi32, #tpu.memory_space<vmem>>, vector<16xi32>,
      %add3A_1058 = arith.constant 48 : i32
      %add3A_1059 = arith.addi %multiple_of3A_1021, %add3A_1058 : i32
      %get3A_1060 = arith.index_cast %add3A_1059 : i32 to index
      %get3A_1061 = tpu.vector_load %arg13[%get3A_1060] {strides = array<i32>} : memref<21120xi32, #tpu.memory_space<vmem>>, vector<16xi32>,
      %swap3A_1062 = arith.constant 48 : index
      %swap3A_1063 = tpu.vector_load %arg13[%swap3A_1062] {strides = array<i32>} : memref<21120xi32, #tpu.memory_space<vmem>>, vector<16xi32>,
      tpu.vector_store %arg13[%swap3A_1062], %get3A_1061 {strides = array<i32>} : memref<21120xi32, #tpu.memory_space<vmem>>, vector<16xi32>,
      %add3A_1064 = arith.constant 48 : i32
      %add3A_1065 = arith.addi %multiple_of3A_1021, %add3A_1064 : i32
      %get3A_1066 = arith.index_cast %add3A_1065 : i32 to index
      %get3A_1067 = tpu.vector_load %arg14[%get3A_1066] {strides = array<i32>} : memref<21120xi32, #tpu.memory_space<vmem>>, vector<16xi32>,
      %swap3A_1068 = arith.constant 48 : index
      %swap3A_1069 = tpu.vector_load %arg14[%swap3A_1068] {strides = array<i32>} : memref<21120xi32, #tpu.memory_space<vmem>>, vector<16xi32>,
      tpu.vector_store %arg14[%swap3A_1068], %get3A_1067 {strides = array<i32>} : memref<21120xi32, #tpu.memory_space<vmem>>, vector<16xi32>,
      %add3A_1070 = arith.constant 64 : i32
      %add3A_1071 = arith.addi %multiple_of3A_1021, %add3A_1070 : i32
      %get3A_1072 = arith.index_cast %add3A_1071 : i32 to index
      %get3A_1073 = tpu.vector_load %arg13[%get3A_1072] {strides = array<i32>} : memref<21120xi32, #tpu.memory_space<vmem>>, vector<16xi32>,
      %swap3A_1074 = arith.constant 64 : index
      %swap3A_1075 = tpu.vector_load %arg13[%swap3A_1074] {strides = array<i32>} : memref<21120xi32, #tpu.memory_space<vmem>>, vector<16xi32>,
      tpu.vector_store %arg13[%swap3A_1074], %get3A_1073 {strides = array<i32>} : memref<21120xi32, #tpu.memory_space<vmem>>, vector<16xi32>,
      %add3A_1076 = arith.constant 64 : i32
      %add3A_1077 = arith.addi %multiple_of3A_1021, %add3A_1076 : i32
      %get3A_1078 = arith.index_cast %add3A_1077 : i32 to index
      %get3A_1079 = tpu.vector_load %arg14[%get3A_1078] {strides = array<i32>} : memref<21120xi32, #tpu.memory_space<vmem>>, vector<16xi32>,
      %swap3A_1080 = arith.constant 64 : index
      %swap3A_1081 = tpu.vector_load %arg14[%swap3A_1080] {strides = array<i32>} : memref<21120xi32, #tpu.memory_space<vmem>>, vector<16xi32>,
      tpu.vector_store %arg14[%swap3A_1080], %get3A_1079 {strides = array<i32>} : memref<21120xi32, #tpu.memory_space<vmem>>, vector<16xi32>,
      %add3A_1082 = arith.constant 80 : i32
      %add3A_1083 = arith.addi %multiple_of3A_1021, %add3A_1082 : i32
      %get3A_1084 = arith.index_cast %add3A_1083 : i32 to index
      %get3A_1085 = tpu.vector_load %arg13[%get3A_1084] {strides = array<i32>} : memref<21120xi32, #tpu.memory_space<vmem>>, vector<16xi32>,
      %swap3A_1086 = arith.constant 80 : index
      %swap3A_1087 = tpu.vector_load %arg13[%swap3A_1086] {strides = array<i32>} : memref<21120xi32, #tpu.memory_space<vmem>>, vector<16xi32>,
      tpu.vector_store %arg13[%swap3A_1086], %get3A_1085 {strides = array<i32>} : memref<21120xi32, #tpu.memory_space<vmem>>, vector<16xi32>,
      %add3A_1088 = arith.constant 80 : i32
      %add3A_1089 = arith.addi %multiple_of3A_1021, %add3A_1088 : i32
      %get3A_1090 = arith.index_cast %add3A_1089 : i32 to index
      %get3A_1091 = tpu.vector_load %arg14[%get3A_1090] {strides = array<i32>} : memref<21120xi32, #tpu.memory_space<vmem>>, vector<16xi32>,
      %swap3A_1092 = arith.constant 80 : index
      %swap3A_1093 = tpu.vector_load %arg14[%swap3A_1092] {strides = array<i32>} : memref<21120xi32, #tpu.memory_space<vmem>>, vector<16xi32>,
      tpu.vector_store %arg14[%swap3A_1092], %get3A_1091 {strides = array<i32>} : memref<21120xi32, #tpu.memory_space<vmem>>, vector<16xi32>,
      %add3A_1094 = arith.constant 96 : i32
      %add3A_1095 = arith.addi %multiple_of3A_1021, %add3A_1094 : i32
      %get3A_1096 = arith.index_cast %add3A_1095 : i32 to index
      %get3A_1097 = tpu.vector_load %arg13[%get3A_1096] {strides = array<i32>} : memref<21120xi32, #tpu.memory_space<vmem>>, vector<16xi32>,
      %swap3A_1098 = arith.constant 96 : index
      %swap3A_1099 = tpu.vector_load %arg13[%swap3A_1098] {strides = array<i32>} : memref<21120xi32, #tpu.memory_space<vmem>>, vector<16xi32>,
      tpu.vector_store %arg13[%swap3A_1098], %get3A_1097 {strides = array<i32>} : memref<21120xi32, #tpu.memory_space<vmem>>, vector<16xi32>,
      %add3A_1100 = arith.constant 96 : i32
      %add3A_1101 = arith.addi %multiple_of3A_1021, %add3A_1100 : i32
      %get3A_1102 = arith.index_cast %add3A_1101 : i32 to index
      %get3A_1103 = tpu.vector_load %arg14[%get3A_1102] {strides = array<i32>} : memref<21120xi32, #tpu.memory_space<vmem>>, vector<16xi32>,
      %swap3A_1104 = arith.constant 96 : index
      %swap3A_1105 = tpu.vector_load %arg14[%swap3A_1104] {strides = array<i32>} : memref<21120xi32, #tpu.memory_space<vmem>>, vector<16xi32>,
      tpu.vector_store %arg14[%swap3A_1104], %get3A_1103 {strides = array<i32>} : memref<21120xi32, #tpu.memory_space<vmem>>, vector<16xi32>,
      %add3A_1106 = arith.constant 112 : i32
      %add3A_1107 = arith.addi %multiple_of3A_1021, %add3A_1106 : i32
      %get3A_1108 = arith.index_cast %add3A_1107 : i32 to index
      %get3A_1109 = tpu.vector_load %arg13[%get3A_1108] {strides = array<i32>} : memref<21120xi32, #tpu.memory_space<vmem>>, vector<16xi32>,
      %swap3A_1110 = arith.constant 112 : index
      %swap3A_1111 = tpu.vector_load %arg13[%swap3A_1110] {strides = array<i32>} : memref<21120xi32, #tpu.memory_space<vmem>>, vector<16xi32>,
      tpu.vector_store %arg13[%swap3A_1110], %get3A_1109 {strides = array<i32>} : memref<21120xi32, #tpu.memory_space<vmem>>, vector<16xi32>,
      %add3A_1112 = arith.constant 112 : i32
      %add3A_1113 = arith.addi %multiple_of3A_1021, %add3A_1112 : i32
      %get3A_1114 = arith.index_cast %add3A_1113 : i32 to index
      %get3A_1115 = tpu.vector_load %arg14[%get3A_1114] {strides = array<i32>} : memref<21120xi32, #tpu.memory_space<vmem>>, vector<16xi32>,
      %swap3A_1116 = arith.constant 112 : index
      %swap3A_1117 = tpu.vector_load %arg14[%swap3A_1116] {strides = array<i32>} : memref<21120xi32, #tpu.memory_space<vmem>>, vector<16xi32>,
      tpu.vector_store %arg14[%swap3A_1116], %get3A_1115 {strides = array<i32>} : memref<21120xi32, #tpu.memory_space<vmem>>, vector<16xi32>,
      %eq3A_1118 = arith.constant 0 : i32
      %eq3A_1119 = vector.broadcast %eq3A_1118 : i32 to vector<16xi32>
      %eq3A_1120 = arith.cmpi eq, %iota3A, %eq3A_1119 : vector<16xi32>
      %and3A = arith.constant 127 : i32
      %and3A_1121 = arith.andi %squeeze3A_996, %and3A : i32
      %broadcast_in_dim3A_1122 = vector.broadcast %and3A_1121 : i32 to vector<16xi32>
      %select_n3A_1123 = arith.select %eq3A_1120, %broadcast_in_dim3A_1122, %get3A_992 : vector<16xi1>, vector<16xi32>
      %eq3A_1124 = arith.constant 0 : i32
      %eq3A_1125 = vector.broadcast %eq3A_1124 : i32 to vector<16xi32>
      %eq3A_1126 = arith.cmpi eq, %iota3A, %eq3A_1125 : vector<16xi32>
      %mul3A_1127 = arith.constant 128 : i32
      %mul3A_1128 = arith.muli %shift_right_arithmetic3A_999, %mul3A_1127 : i32
      %add3A_1129 = arith.addi %squeeze3A_998, %mul3A_1128 : i32
      %broadcast_in_dim3A_1130 = vector.broadcast %add3A_1129 : i32 to vector<16xi32>
      %select_n3A_1131 = arith.select %eq3A_1126, %broadcast_in_dim3A_1130, %get3A_994 : vector<16xi1>, vector<16xi32>
      %slice3A_1132 = vector.extract_strided_slice %select_n3A_1123 {offsets = [1], sizes = [1], strides = [1]} : vector<16xi32> to vector<1xi32>
      %squeeze3A_1133 = vector.extract %slice3A_1132[0] : i32 from vector<1xi32>
      %slice3A_1134 = vector.extract_strided_slice %select_n3A_1131 {offsets = [1], sizes = [1], strides = [1]} : vector<16xi32> to vector<1xi32>
      %squeeze3A_1135 = vector.extract %slice3A_1134[0] : i32 from vector<1xi32>
      %shift_right_arithmetic3A_1136 = arith.constant 7 : i32
      %shift_right_arithmetic3A_1137 = arith.shrsi %squeeze3A_1133, %shift_right_arithmetic3A_1136 : i32
      %mul3A_1138 = arith.constant 5 : i32
      %mul3A_1139 = arith.muli %add3A, %mul3A_1138 : i32
      %add3A_1140 = arith.constant 1 : i32
      %add3A_1141 = arith.addi %mul3A_1139, %add3A_1140 : i32
      %mul3A_1142 = arith.constant 65536 : i32
      %mul3A_1143 = arith.muli %add3A_1141, %mul3A_1142 : i32
      %while3A_1144 = arith.constant 0 : i32
      %while3A_1145 = arith.constant 0 : i32
      %while3A_1146 = arith.subi %shift_right_arithmetic3A_1137, %while3A_1144 : i32
      %while3A_1147 = arith.addi %while3A_1144, %while3A_1146 : i32
      %while3A_1148 = arith.constant 1 : i32
      %while3A_1149 = arith.divsi %while3A_1146, %while3A_1148 : i32
      %while3A_1150 = arith.muli %while3A_1149, %while3A_1148 : i32
      %while3A_1151 = arith.addi %while3A_1144, %while3A_1150 : i32
      %while3A_1152 = arith.constant 1 : i32
      %while3A_1153 = scf.for %while3A_1697 = %while3A_1144 to %while3A_1151 step %while3A_1152 iter_args(%while3A_1698 = %while3A_1145) -> (i32)  : i32 {
        %mul3A_1699 = arith.constant 128 : i32
        %mul3A_1700 = arith.muli %while3A_1697, %mul3A_1699 : i32
        %add3A_1701 = arith.constant 4224 : i32
        %add3A_1702 = arith.addi %add3A_1701, %mul3A_1700 : i32
        %multiple_of3A_1703 = tpu.assume_multiple %add3A_1702, 128 : i32
        %add3A_1704 = arith.addi %mul3A_1143, %squeeze3A_1135 : i32
        %mul3A_1705 = arith.constant 128 : i32
        %mul3A_1706 = arith.muli %while3A_1697, %mul3A_1705 : i32
        %add3A_1707 = arith.addi %add3A_1704, %mul3A_1706 : i32
        %multiple_of3A_1708 = tpu.assume_multiple %add3A_1707, 128 : i32
        "tpu.region"() ({
          %run_scoped3A = tpu.sem_alloc : memref<!tpu.dma_semaphore, #tpu.memory_space<semaphore_mem>>
          %dma_start3A = tpu.memref_slice %arg13[%multiple_of3A_1703] : memref<21120xi32, #tpu.memory_space<vmem>> -> memref<128xi32, #tpu.memory_space<vmem>>
          %dma_start3A_1720 = tpu.memref_slice %arg5[%multiple_of3A_1708] : memref<10485760xi32, #tpu.memory_space<hbm>> -> memref<128xi32, #tpu.memory_space<hbm>>
          %dma_start3A_1721 = tpu.memref_slice %arg5[%multiple_of3A_1708] : memref<10485760xi32, #tpu.memory_space<hbm>> -> memref<128xi32, #tpu.memory_space<hbm>>
          %dma_start3A_1722 = tpu.memref_slice %arg13[%multiple_of3A_1703] : memref<21120xi32, #tpu.memory_space<vmem>> -> memref<128xi32, #tpu.memory_space<vmem>>
          tpu.enqueue_dma source(%dma_start3A_1722 : memref<128xi32, #tpu.memory_space<vmem>>) target(%dma_start3A_1721 : memref<128xi32, #tpu.memory_space<hbm>>) target_semaphore(%run_scoped3A : memref<!tpu.dma_semaphore, #tpu.memory_space<semaphore_mem>>)
          %dma_wait3A = tpu.memref_slice %arg13[%multiple_of3A_1703] : memref<21120xi32, #tpu.memory_space<vmem>> -> memref<128xi32, #tpu.memory_space<vmem>>
          %dma_wait3A_1723 = tpu.memref_slice %arg5[%multiple_of3A_1708] : memref<10485760xi32, #tpu.memory_space<hbm>> -> memref<128xi32, #tpu.memory_space<hbm>>
          %dma_wait3A_1724 = tpu.memref_slice %arg5[%multiple_of3A_1708] : memref<10485760xi32, #tpu.memory_space<hbm>> -> memref<128xi32, #tpu.memory_space<hbm>>
          %dma_wait3A_1725 = tpu.memref_slice %arg13[%multiple_of3A_1703] : memref<21120xi32, #tpu.memory_space<vmem>> -> memref<128xi32, #tpu.memory_space<vmem>>
          tpu.wait_dma2 semaphore(%run_scoped3A : memref<!tpu.dma_semaphore, #tpu.memory_space<semaphore_mem>>) src(%dma_wait3A_1725 : memref<128xi32, #tpu.memory_space<vmem>>) dst(%dma_wait3A_1724 : memref<128xi32, #tpu.memory_space<hbm>>)
          tpu.yield
        }) : () -> ()
        %mul3A_1709 = arith.constant 128 : i32
        %mul3A_1710 = arith.muli %while3A_1697, %mul3A_1709 : i32
        %add3A_1711 = arith.constant 4224 : i32
        %add3A_1712 = arith.addi %add3A_1711, %mul3A_1710 : i32
        %multiple_of3A_1713 = tpu.assume_multiple %add3A_1712, 128 : i32
        %add3A_1714 = arith.addi %mul3A_1143, %squeeze3A_1135 : i32
        %mul3A_1715 = arith.constant 128 : i32
        %mul3A_1716 = arith.muli %while3A_1697, %mul3A_1715 : i32
        %add3A_1717 = arith.addi %add3A_1714, %mul3A_1716 : i32
        %multiple_of3A_1718 = tpu.assume_multiple %add3A_1717, 128 : i32
        "tpu.region"() ({
          %run_scoped3A = tpu.sem_alloc : memref<!tpu.dma_semaphore, #tpu.memory_space<semaphore_mem>>
          %dma_start3A = tpu.memref_slice %arg14[%multiple_of3A_1713] : memref<21120xi32, #tpu.memory_space<vmem>> -> memref<128xi32, #tpu.memory_space<vmem>>
          %dma_start3A_1720 = tpu.memref_slice %arg6[%multiple_of3A_1718] : memref<10485760xi32, #tpu.memory_space<hbm>> -> memref<128xi32, #tpu.memory_space<hbm>>
          %dma_start3A_1721 = tpu.memref_slice %arg6[%multiple_of3A_1718] : memref<10485760xi32, #tpu.memory_space<hbm>> -> memref<128xi32, #tpu.memory_space<hbm>>
          %dma_start3A_1722 = tpu.memref_slice %arg14[%multiple_of3A_1713] : memref<21120xi32, #tpu.memory_space<vmem>> -> memref<128xi32, #tpu.memory_space<vmem>>
          tpu.enqueue_dma source(%dma_start3A_1722 : memref<128xi32, #tpu.memory_space<vmem>>) target(%dma_start3A_1721 : memref<128xi32, #tpu.memory_space<hbm>>) target_semaphore(%run_scoped3A : memref<!tpu.dma_semaphore, #tpu.memory_space<semaphore_mem>>)
          %dma_wait3A = tpu.memref_slice %arg14[%multiple_of3A_1713] : memref<21120xi32, #tpu.memory_space<vmem>> -> memref<128xi32, #tpu.memory_space<vmem>>
          %dma_wait3A_1723 = tpu.memref_slice %arg6[%multiple_of3A_1718] : memref<10485760xi32, #tpu.memory_space<hbm>> -> memref<128xi32, #tpu.memory_space<hbm>>
          %dma_wait3A_1724 = tpu.memref_slice %arg6[%multiple_of3A_1718] : memref<10485760xi32, #tpu.memory_space<hbm>> -> memref<128xi32, #tpu.memory_space<hbm>>
          %dma_wait3A_1725 = tpu.memref_slice %arg14[%multiple_of3A_1713] : memref<21120xi32, #tpu.memory_space<vmem>> -> memref<128xi32, #tpu.memory_space<vmem>>
          tpu.wait_dma2 semaphore(%run_scoped3A : memref<!tpu.dma_semaphore, #tpu.memory_space<semaphore_mem>>) src(%dma_wait3A_1725 : memref<128xi32, #tpu.memory_space<vmem>>) dst(%dma_wait3A_1724 : memref<128xi32, #tpu.memory_space<hbm>>)
          tpu.yield
        }) : () -> ()
        %while3A_1719 = arith.constant 0 : i32
        scf.yield %while3A_1719 : i32
      }
      %while3A_1154 = arith.constant 1 : i32
      %while3A_1155 = scf.for %while3A_1697 = %while3A_1151 to %while3A_1147 step %while3A_1154 iter_args(%while3A_1698 = %while3A_1153) -> (i32)  : i32 {
        %mul3A_1699 = arith.constant 128 : i32
        %mul3A_1700 = arith.muli %while3A_1697, %mul3A_1699 : i32
        %add3A_1701 = arith.constant 4224 : i32
        %add3A_1702 = arith.addi %add3A_1701, %mul3A_1700 : i32
        %multiple_of3A_1703 = tpu.assume_multiple %add3A_1702, 128 : i32
        %add3A_1704 = arith.addi %mul3A_1143, %squeeze3A_1135 : i32
        %mul3A_1705 = arith.constant 128 : i32
        %mul3A_1706 = arith.muli %while3A_1697, %mul3A_1705 : i32
        %add3A_1707 = arith.addi %add3A_1704, %mul3A_1706 : i32
        %multiple_of3A_1708 = tpu.assume_multiple %add3A_1707, 128 : i32
        "tpu.region"() ({
          %run_scoped3A = tpu.sem_alloc : memref<!tpu.dma_semaphore, #tpu.memory_space<semaphore_mem>>
          %dma_start3A = tpu.memref_slice %arg13[%multiple_of3A_1703] : memref<21120xi32, #tpu.memory_space<vmem>> -> memref<128xi32, #tpu.memory_space<vmem>>
          %dma_start3A_1720 = tpu.memref_slice %arg5[%multiple_of3A_1708] : memref<10485760xi32, #tpu.memory_space<hbm>> -> memref<128xi32, #tpu.memory_space<hbm>>
          %dma_start3A_1721 = tpu.memref_slice %arg5[%multiple_of3A_1708] : memref<10485760xi32, #tpu.memory_space<hbm>> -> memref<128xi32, #tpu.memory_space<hbm>>
          %dma_start3A_1722 = tpu.memref_slice %arg13[%multiple_of3A_1703] : memref<21120xi32, #tpu.memory_space<vmem>> -> memref<128xi32, #tpu.memory_space<vmem>>
          tpu.enqueue_dma source(%dma_start3A_1722 : memref<128xi32, #tpu.memory_space<vmem>>) target(%dma_start3A_1721 : memref<128xi32, #tpu.memory_space<hbm>>) target_semaphore(%run_scoped3A : memref<!tpu.dma_semaphore, #tpu.memory_space<semaphore_mem>>)
          %dma_wait3A = tpu.memref_slice %arg13[%multiple_of3A_1703] : memref<21120xi32, #tpu.memory_space<vmem>> -> memref<128xi32, #tpu.memory_space<vmem>>
          %dma_wait3A_1723 = tpu.memref_slice %arg5[%multiple_of3A_1708] : memref<10485760xi32, #tpu.memory_space<hbm>> -> memref<128xi32, #tpu.memory_space<hbm>>
          %dma_wait3A_1724 = tpu.memref_slice %arg5[%multiple_of3A_1708] : memref<10485760xi32, #tpu.memory_space<hbm>> -> memref<128xi32, #tpu.memory_space<hbm>>
          %dma_wait3A_1725 = tpu.memref_slice %arg13[%multiple_of3A_1703] : memref<21120xi32, #tpu.memory_space<vmem>> -> memref<128xi32, #tpu.memory_space<vmem>>
          tpu.wait_dma2 semaphore(%run_scoped3A : memref<!tpu.dma_semaphore, #tpu.memory_space<semaphore_mem>>) src(%dma_wait3A_1725 : memref<128xi32, #tpu.memory_space<vmem>>) dst(%dma_wait3A_1724 : memref<128xi32, #tpu.memory_space<hbm>>)
          tpu.yield
        }) : () -> ()
        %mul3A_1709 = arith.constant 128 : i32
        %mul3A_1710 = arith.muli %while3A_1697, %mul3A_1709 : i32
        %add3A_1711 = arith.constant 4224 : i32
        %add3A_1712 = arith.addi %add3A_1711, %mul3A_1710 : i32
        %multiple_of3A_1713 = tpu.assume_multiple %add3A_1712, 128 : i32
        %add3A_1714 = arith.addi %mul3A_1143, %squeeze3A_1135 : i32
        %mul3A_1715 = arith.constant 128 : i32
        %mul3A_1716 = arith.muli %while3A_1697, %mul3A_1715 : i32
        %add3A_1717 = arith.addi %add3A_1714, %mul3A_1716 : i32
        %multiple_of3A_1718 = tpu.assume_multiple %add3A_1717, 128 : i32
        "tpu.region"() ({
          %run_scoped3A = tpu.sem_alloc : memref<!tpu.dma_semaphore, #tpu.memory_space<semaphore_mem>>
          %dma_start3A = tpu.memref_slice %arg14[%multiple_of3A_1713] : memref<21120xi32, #tpu.memory_space<vmem>> -> memref<128xi32, #tpu.memory_space<vmem>>
          %dma_start3A_1720 = tpu.memref_slice %arg6[%multiple_of3A_1718] : memref<10485760xi32, #tpu.memory_space<hbm>> -> memref<128xi32, #tpu.memory_space<hbm>>
          %dma_start3A_1721 = tpu.memref_slice %arg6[%multiple_of3A_1718] : memref<10485760xi32, #tpu.memory_space<hbm>> -> memref<128xi32, #tpu.memory_space<hbm>>
          %dma_start3A_1722 = tpu.memref_slice %arg14[%multiple_of3A_1713] : memref<21120xi32, #tpu.memory_space<vmem>> -> memref<128xi32, #tpu.memory_space<vmem>>
          tpu.enqueue_dma source(%dma_start3A_1722 : memref<128xi32, #tpu.memory_space<vmem>>) target(%dma_start3A_1721 : memref<128xi32, #tpu.memory_space<hbm>>) target_semaphore(%run_scoped3A : memref<!tpu.dma_semaphore, #tpu.memory_space<semaphore_mem>>)
          %dma_wait3A = tpu.memref_slice %arg14[%multiple_of3A_1713] : memref<21120xi32, #tpu.memory_space<vmem>> -> memref<128xi32, #tpu.memory_space<vmem>>
          %dma_wait3A_1723 = tpu.memref_slice %arg6[%multiple_of3A_1718] : memref<10485760xi32, #tpu.memory_space<hbm>> -> memref<128xi32, #tpu.memory_space<hbm>>
          %dma_wait3A_1724 = tpu.memref_slice %arg6[%multiple_of3A_1718] : memref<10485760xi32, #tpu.memory_space<hbm>> -> memref<128xi32, #tpu.memory_space<hbm>>
          %dma_wait3A_1725 = tpu.memref_slice %arg14[%multiple_of3A_1713] : memref<21120xi32, #tpu.memory_space<vmem>> -> memref<128xi32, #tpu.memory_space<vmem>>
          tpu.wait_dma2 semaphore(%run_scoped3A : memref<!tpu.dma_semaphore, #tpu.memory_space<semaphore_mem>>) src(%dma_wait3A_1725 : memref<128xi32, #tpu.memory_space<vmem>>) dst(%dma_wait3A_1724 : memref<128xi32, #tpu.memory_space<hbm>>)
          tpu.yield
        }) : () -> ()
        %while3A_1719 = arith.constant 0 : i32
        scf.yield %while3A_1719 : i32
      }
      %mul3A_1156 = arith.constant 128 : i32
      %mul3A_1157 = arith.muli %shift_right_arithmetic3A_1137, %mul3A_1156 : i32
      %add3A_1158 = arith.constant 4224 : i32
      %add3A_1159 = arith.addi %add3A_1158, %mul3A_1157 : i32
      %multiple_of3A_1160 = tpu.assume_multiple %add3A_1159, 128 : i32
      %add3A_1161 = arith.constant 0 : i32
      %add3A_1162 = arith.addi %multiple_of3A_1160, %add3A_1161 : i32
      %get3A_1163 = arith.index_cast %add3A_1162 : i32 to index
      %get3A_1164 = tpu.vector_load %arg13[%get3A_1163] {strides = array<i32>} : memref<21120xi32, #tpu.memory_space<vmem>>, vector<16xi32>,
      %swap3A_1165 = arith.constant 4224 : index
      %swap3A_1166 = tpu.vector_load %arg13[%swap3A_1165] {strides = array<i32>} : memref<21120xi32, #tpu.memory_space<vmem>>, vector<16xi32>,
      tpu.vector_store %arg13[%swap3A_1165], %get3A_1164 {strides = array<i32>} : memref<21120xi32, #tpu.memory_space<vmem>>, vector<16xi32>,
      %add3A_1167 = arith.constant 0 : i32
      %add3A_1168 = arith.addi %multiple_of3A_1160, %add3A_1167 : i32
      %get3A_1169 = arith.index_cast %add3A_1168 : i32 to index
      %get3A_1170 = tpu.vector_load %arg14[%get3A_1169] {strides = array<i32>} : memref<21120xi32, #tpu.memory_space<vmem>>, vector<16xi32>,
      %swap3A_1171 = arith.constant 4224 : index
      %swap3A_1172 = tpu.vector_load %arg14[%swap3A_1171] {strides = array<i32>} : memref<21120xi32, #tpu.memory_space<vmem>>, vector<16xi32>,
      tpu.vector_store %arg14[%swap3A_1171], %get3A_1170 {strides = array<i32>} : memref<21120xi32, #tpu.memory_space<vmem>>, vector<16xi32>,
      %add3A_1173 = arith.constant 16 : i32
      %add3A_1174 = arith.addi %multiple_of3A_1160, %add3A_1173 : i32
      %get3A_1175 = arith.index_cast %add3A_1174 : i32 to index
      %get3A_1176 = tpu.vector_load %arg13[%get3A_1175] {strides = array<i32>} : memref<21120xi32, #tpu.memory_space<vmem>>, vector<16xi32>,
      %swap3A_1177 = arith.constant 4240 : index
      %swap3A_1178 = tpu.vector_load %arg13[%swap3A_1177] {strides = array<i32>} : memref<21120xi32, #tpu.memory_space<vmem>>, vector<16xi32>,
      tpu.vector_store %arg13[%swap3A_1177], %get3A_1176 {strides = array<i32>} : memref<21120xi32, #tpu.memory_space<vmem>>, vector<16xi32>,
      %add3A_1179 = arith.constant 16 : i32
      %add3A_1180 = arith.addi %multiple_of3A_1160, %add3A_1179 : i32
      %get3A_1181 = arith.index_cast %add3A_1180 : i32 to index
      %get3A_1182 = tpu.vector_load %arg14[%get3A_1181] {strides = array<i32>} : memref<21120xi32, #tpu.memory_space<vmem>>, vector<16xi32>,
      %swap3A_1183 = arith.constant 4240 : index
      %swap3A_1184 = tpu.vector_load %arg14[%swap3A_1183] {strides = array<i32>} : memref<21120xi32, #tpu.memory_space<vmem>>, vector<16xi32>,
      tpu.vector_store %arg14[%swap3A_1183], %get3A_1182 {strides = array<i32>} : memref<21120xi32, #tpu.memory_space<vmem>>, vector<16xi32>,
      %add3A_1185 = arith.constant 32 : i32
      %add3A_1186 = arith.addi %multiple_of3A_1160, %add3A_1185 : i32
      %get3A_1187 = arith.index_cast %add3A_1186 : i32 to index
      %get3A_1188 = tpu.vector_load %arg13[%get3A_1187] {strides = array<i32>} : memref<21120xi32, #tpu.memory_space<vmem>>, vector<16xi32>,
      %swap3A_1189 = arith.constant 4256 : index
      %swap3A_1190 = tpu.vector_load %arg13[%swap3A_1189] {strides = array<i32>} : memref<21120xi32, #tpu.memory_space<vmem>>, vector<16xi32>,
      tpu.vector_store %arg13[%swap3A_1189], %get3A_1188 {strides = array<i32>} : memref<21120xi32, #tpu.memory_space<vmem>>, vector<16xi32>,
      %add3A_1191 = arith.constant 32 : i32
      %add3A_1192 = arith.addi %multiple_of3A_1160, %add3A_1191 : i32
      %get3A_1193 = arith.index_cast %add3A_1192 : i32 to index
      %get3A_1194 = tpu.vector_load %arg14[%get3A_1193] {strides = array<i32>} : memref<21120xi32, #tpu.memory_space<vmem>>, vector<16xi32>,
      %swap3A_1195 = arith.constant 4256 : index
      %swap3A_1196 = tpu.vector_load %arg14[%swap3A_1195] {strides = array<i32>} : memref<21120xi32, #tpu.memory_space<vmem>>, vector<16xi32>,
      tpu.vector_store %arg14[%swap3A_1195], %get3A_1194 {strides = array<i32>} : memref<21120xi32, #tpu.memory_space<vmem>>, vector<16xi32>,
      %add3A_1197 = arith.constant 48 : i32
      %add3A_1198 = arith.addi %multiple_of3A_1160, %add3A_1197 : i32
      %get3A_1199 = arith.index_cast %add3A_1198 : i32 to index
      %get3A_1200 = tpu.vector_load %arg13[%get3A_1199] {strides = array<i32>} : memref<21120xi32, #tpu.memory_space<vmem>>, vector<16xi32>,
      %swap3A_1201 = arith.constant 4272 : index
      %swap3A_1202 = tpu.vector_load %arg13[%swap3A_1201] {strides = array<i32>} : memref<21120xi32, #tpu.memory_space<vmem>>, vector<16xi32>,
      tpu.vector_store %arg13[%swap3A_1201], %get3A_1200 {strides = array<i32>} : memref<21120xi32, #tpu.memory_space<vmem>>, vector<16xi32>,
      %add3A_1203 = arith.constant 48 : i32
      %add3A_1204 = arith.addi %multiple_of3A_1160, %add3A_1203 : i32
      %get3A_1205 = arith.index_cast %add3A_1204 : i32 to index
      %get3A_1206 = tpu.vector_load %arg14[%get3A_1205] {strides = array<i32>} : memref<21120xi32, #tpu.memory_space<vmem>>, vector<16xi32>,
      %swap3A_1207 = arith.constant 4272 : index
      %swap3A_1208 = tpu.vector_load %arg14[%swap3A_1207] {strides = array<i32>} : memref<21120xi32, #tpu.memory_space<vmem>>, vector<16xi32>,
      tpu.vector_store %arg14[%swap3A_1207], %get3A_1206 {strides = array<i32>} : memref<21120xi32, #tpu.memory_space<vmem>>, vector<16xi32>,
      %add3A_1209 = arith.constant 64 : i32
      %add3A_1210 = arith.addi %multiple_of3A_1160, %add3A_1209 : i32
      %get3A_1211 = arith.index_cast %add3A_1210 : i32 to index
      %get3A_1212 = tpu.vector_load %arg13[%get3A_1211] {strides = array<i32>} : memref<21120xi32, #tpu.memory_space<vmem>>, vector<16xi32>,
      %swap3A_1213 = arith.constant 4288 : index
      %swap3A_1214 = tpu.vector_load %arg13[%swap3A_1213] {strides = array<i32>} : memref<21120xi32, #tpu.memory_space<vmem>>, vector<16xi32>,
      tpu.vector_store %arg13[%swap3A_1213], %get3A_1212 {strides = array<i32>} : memref<21120xi32, #tpu.memory_space<vmem>>, vector<16xi32>,
      %add3A_1215 = arith.constant 64 : i32
      %add3A_1216 = arith.addi %multiple_of3A_1160, %add3A_1215 : i32
      %get3A_1217 = arith.index_cast %add3A_1216 : i32 to index
      %get3A_1218 = tpu.vector_load %arg14[%get3A_1217] {strides = array<i32>} : memref<21120xi32, #tpu.memory_space<vmem>>, vector<16xi32>,
      %swap3A_1219 = arith.constant 4288 : index
      %swap3A_1220 = tpu.vector_load %arg14[%swap3A_1219] {strides = array<i32>} : memref<21120xi32, #tpu.memory_space<vmem>>, vector<16xi32>,
      tpu.vector_store %arg14[%swap3A_1219], %get3A_1218 {strides = array<i32>} : memref<21120xi32, #tpu.memory_space<vmem>>, vector<16xi32>,
      %add3A_1221 = arith.constant 80 : i32
      %add3A_1222 = arith.addi %multiple_of3A_1160, %add3A_1221 : i32
      %get3A_1223 = arith.index_cast %add3A_1222 : i32 to index
      %get3A_1224 = tpu.vector_load %arg13[%get3A_1223] {strides = array<i32>} : memref<21120xi32, #tpu.memory_space<vmem>>, vector<16xi32>,
      %swap3A_1225 = arith.constant 4304 : index
      %swap3A_1226 = tpu.vector_load %arg13[%swap3A_1225] {strides = array<i32>} : memref<21120xi32, #tpu.memory_space<vmem>>, vector<16xi32>,
      tpu.vector_store %arg13[%swap3A_1225], %get3A_1224 {strides = array<i32>} : memref<21120xi32, #tpu.memory_space<vmem>>, vector<16xi32>,
      %add3A_1227 = arith.constant 80 : i32
      %add3A_1228 = arith.addi %multiple_of3A_1160, %add3A_1227 : i32
      %get3A_1229 = arith.index_cast %add3A_1228 : i32 to index
      %get3A_1230 = tpu.vector_load %arg14[%get3A_1229] {strides = array<i32>} : memref<21120xi32, #tpu.memory_space<vmem>>, vector<16xi32>,
      %swap3A_1231 = arith.constant 4304 : index
      %swap3A_1232 = tpu.vector_load %arg14[%swap3A_1231] {strides = array<i32>} : memref<21120xi32, #tpu.memory_space<vmem>>, vector<16xi32>,
      tpu.vector_store %arg14[%swap3A_1231], %get3A_1230 {strides = array<i32>} : memref<21120xi32, #tpu.memory_space<vmem>>, vector<16xi32>,
      %add3A_1233 = arith.constant 96 : i32
      %add3A_1234 = arith.addi %multiple_of3A_1160, %add3A_1233 : i32
      %get3A_1235 = arith.index_cast %add3A_1234 : i32 to index
      %get3A_1236 = tpu.vector_load %arg13[%get3A_1235] {strides = array<i32>} : memref<21120xi32, #tpu.memory_space<vmem>>, vector<16xi32>,
      %swap3A_1237 = arith.constant 4320 : index
      %swap3A_1238 = tpu.vector_load %arg13[%swap3A_1237] {strides = array<i32>} : memref<21120xi32, #tpu.memory_space<vmem>>, vector<16xi32>,
      tpu.vector_store %arg13[%swap3A_1237], %get3A_1236 {strides = array<i32>} : memref<21120xi32, #tpu.memory_space<vmem>>, vector<16xi32>,
      %add3A_1239 = arith.constant 96 : i32
      %add3A_1240 = arith.addi %multiple_of3A_1160, %add3A_1239 : i32
      %get3A_1241 = arith.index_cast %add3A_1240 : i32 to index
      %get3A_1242 = tpu.vector_load %arg14[%get3A_1241] {strides = array<i32>} : memref<21120xi32, #tpu.memory_space<vmem>>, vector<16xi32>,
      %swap3A_1243 = arith.constant 4320 : index
      %swap3A_1244 = tpu.vector_load %arg14[%swap3A_1243] {strides = array<i32>} : memref<21120xi32, #tpu.memory_space<vmem>>, vector<16xi32>,
      tpu.vector_store %arg14[%swap3A_1243], %get3A_1242 {strides = array<i32>} : memref<21120xi32, #tpu.memory_space<vmem>>, vector<16xi32>,
      %add3A_1245 = arith.constant 112 : i32
      %add3A_1246 = arith.addi %multiple_of3A_1160, %add3A_1245 : i32
      %get3A_1247 = arith.index_cast %add3A_1246 : i32 to index
      %get3A_1248 = tpu.vector_load %arg13[%get3A_1247] {strides = array<i32>} : memref<21120xi32, #tpu.memory_space<vmem>>, vector<16xi32>,
      %swap3A_1249 = arith.constant 4336 : index
      %swap3A_1250 = tpu.vector_load %arg13[%swap3A_1249] {strides = array<i32>} : memref<21120xi32, #tpu.memory_space<vmem>>, vector<16xi32>,
      tpu.vector_store %arg13[%swap3A_1249], %get3A_1248 {strides = array<i32>} : memref<21120xi32, #tpu.memory_space<vmem>>, vector<16xi32>,
      %add3A_1251 = arith.constant 112 : i32
      %add3A_1252 = arith.addi %multiple_of3A_1160, %add3A_1251 : i32
      %get3A_1253 = arith.index_cast %add3A_1252 : i32 to index
      %get3A_1254 = tpu.vector_load %arg14[%get3A_1253] {strides = array<i32>} : memref<21120xi32, #tpu.memory_space<vmem>>, vector<16xi32>,
      %swap3A_1255 = arith.constant 4336 : index
      %swap3A_1256 = tpu.vector_load %arg14[%swap3A_1255] {strides = array<i32>} : memref<21120xi32, #tpu.memory_space<vmem>>, vector<16xi32>,
      tpu.vector_store %arg14[%swap3A_1255], %get3A_1254 {strides = array<i32>} : memref<21120xi32, #tpu.memory_space<vmem>>, vector<16xi32>,
      %eq3A_1257 = arith.constant 1 : i32
      %eq3A_1258 = vector.broadcast %eq3A_1257 : i32 to vector<16xi32>
      %eq3A_1259 = arith.cmpi eq, %iota3A, %eq3A_1258 : vector<16xi32>
      %and3A_1260 = arith.constant 127 : i32
      %and3A_1261 = arith.andi %squeeze3A_1133, %and3A_1260 : i32
      %broadcast_in_dim3A_1262 = vector.broadcast %and3A_1261 : i32 to vector<16xi32>
      %select_n3A_1263 = arith.select %eq3A_1259, %broadcast_in_dim3A_1262, %select_n3A_1123 : vector<16xi1>, vector<16xi32>
      %eq3A_1264 = arith.constant 1 : i32
      %eq3A_1265 = vector.broadcast %eq3A_1264 : i32 to vector<16xi32>
      %eq3A_1266 = arith.cmpi eq, %iota3A, %eq3A_1265 : vector<16xi32>
      %mul3A_1267 = arith.constant 128 : i32
      %mul3A_1268 = arith.muli %shift_right_arithmetic3A_1137, %mul3A_1267 : i32
      %add3A_1269 = arith.addi %squeeze3A_1135, %mul3A_1268 : i32
      %broadcast_in_dim3A_1270 = vector.broadcast %add3A_1269 : i32 to vector<16xi32>
      %select_n3A_1271 = arith.select %eq3A_1266, %broadcast_in_dim3A_1270, %select_n3A_1131 : vector<16xi1>, vector<16xi32>
      %slice3A_1272 = vector.extract_strided_slice %select_n3A_1263 {offsets = [2], sizes = [1], strides = [1]} : vector<16xi32> to vector<1xi32>
      %squeeze3A_1273 = vector.extract %slice3A_1272[0] : i32 from vector<1xi32>
      %slice3A_1274 = vector.extract_strided_slice %select_n3A_1271 {offsets = [2], sizes = [1], strides = [1]} : vector<16xi32> to vector<1xi32>
      %squeeze3A_1275 = vector.extract %slice3A_1274[0] : i32 from vector<1xi32>
      %shift_right_arithmetic3A_1276 = arith.constant 7 : i32
      %shift_right_arithmetic3A_1277 = arith.shrsi %squeeze3A_1273, %shift_right_arithmetic3A_1276 : i32
      %mul3A_1278 = arith.constant 5 : i32
      %mul3A_1279 = arith.muli %add3A, %mul3A_1278 : i32
      %add3A_1280 = arith.constant 2 : i32
      %add3A_1281 = arith.addi %mul3A_1279, %add3A_1280 : i32
      %mul3A_1282 = arith.constant 65536 : i32
      %mul3A_1283 = arith.muli %add3A_1281, %mul3A_1282 : i32
      %while3A_1284 = arith.constant 0 : i32
      %while3A_1285 = arith.constant 0 : i32
      %while3A_1286 = arith.subi %shift_right_arithmetic3A_1277, %while3A_1284 : i32
      %while3A_1287 = arith.addi %while3A_1284, %while3A_1286 : i32
      %while3A_1288 = arith.constant 1 : i32
      %while3A_1289 = arith.divsi %while3A_1286, %while3A_1288 : i32
      %while3A_1290 = arith.muli %while3A_1289, %while3A_1288 : i32
      %while3A_1291 = arith.addi %while3A_1284, %while3A_1290 : i32
      %while3A_1292 = arith.constant 1 : i32
      %while3A_1293 = scf.for %while3A_1697 = %while3A_1284 to %while3A_1291 step %while3A_1292 iter_args(%while3A_1698 = %while3A_1285) -> (i32)  : i32 {
        %mul3A_1699 = arith.constant 128 : i32
        %mul3A_1700 = arith.muli %while3A_1697, %mul3A_1699 : i32
        %add3A_1701 = arith.constant 8448 : i32
        %add3A_1702 = arith.addi %add3A_1701, %mul3A_1700 : i32
        %multiple_of3A_1703 = tpu.assume_multiple %add3A_1702, 128 : i32
        %add3A_1704 = arith.addi %mul3A_1283, %squeeze3A_1275 : i32
        %mul3A_1705 = arith.constant 128 : i32
        %mul3A_1706 = arith.muli %while3A_1697, %mul3A_1705 : i32
        %add3A_1707 = arith.addi %add3A_1704, %mul3A_1706 : i32
        %multiple_of3A_1708 = tpu.assume_multiple %add3A_1707, 128 : i32
        "tpu.region"() ({
          %run_scoped3A = tpu.sem_alloc : memref<!tpu.dma_semaphore, #tpu.memory_space<semaphore_mem>>
          %dma_start3A = tpu.memref_slice %arg13[%multiple_of3A_1703] : memref<21120xi32, #tpu.memory_space<vmem>> -> memref<128xi32, #tpu.memory_space<vmem>>
          %dma_start3A_1720 = tpu.memref_slice %arg5[%multiple_of3A_1708] : memref<10485760xi32, #tpu.memory_space<hbm>> -> memref<128xi32, #tpu.memory_space<hbm>>
          %dma_start3A_1721 = tpu.memref_slice %arg5[%multiple_of3A_1708] : memref<10485760xi32, #tpu.memory_space<hbm>> -> memref<128xi32, #tpu.memory_space<hbm>>
          %dma_start3A_1722 = tpu.memref_slice %arg13[%multiple_of3A_1703] : memref<21120xi32, #tpu.memory_space<vmem>> -> memref<128xi32, #tpu.memory_space<vmem>>
          tpu.enqueue_dma source(%dma_start3A_1722 : memref<128xi32, #tpu.memory_space<vmem>>) target(%dma_start3A_1721 : memref<128xi32, #tpu.memory_space<hbm>>) target_semaphore(%run_scoped3A : memref<!tpu.dma_semaphore, #tpu.memory_space<semaphore_mem>>)
          %dma_wait3A = tpu.memref_slice %arg13[%multiple_of3A_1703] : memref<21120xi32, #tpu.memory_space<vmem>> -> memref<128xi32, #tpu.memory_space<vmem>>
          %dma_wait3A_1723 = tpu.memref_slice %arg5[%multiple_of3A_1708] : memref<10485760xi32, #tpu.memory_space<hbm>> -> memref<128xi32, #tpu.memory_space<hbm>>
          %dma_wait3A_1724 = tpu.memref_slice %arg5[%multiple_of3A_1708] : memref<10485760xi32, #tpu.memory_space<hbm>> -> memref<128xi32, #tpu.memory_space<hbm>>
          %dma_wait3A_1725 = tpu.memref_slice %arg13[%multiple_of3A_1703] : memref<21120xi32, #tpu.memory_space<vmem>> -> memref<128xi32, #tpu.memory_space<vmem>>
          tpu.wait_dma2 semaphore(%run_scoped3A : memref<!tpu.dma_semaphore, #tpu.memory_space<semaphore_mem>>) src(%dma_wait3A_1725 : memref<128xi32, #tpu.memory_space<vmem>>) dst(%dma_wait3A_1724 : memref<128xi32, #tpu.memory_space<hbm>>)
          tpu.yield
        }) : () -> ()
        %mul3A_1709 = arith.constant 128 : i32
        %mul3A_1710 = arith.muli %while3A_1697, %mul3A_1709 : i32
        %add3A_1711 = arith.constant 8448 : i32
        %add3A_1712 = arith.addi %add3A_1711, %mul3A_1710 : i32
        %multiple_of3A_1713 = tpu.assume_multiple %add3A_1712, 128 : i32
        %add3A_1714 = arith.addi %mul3A_1283, %squeeze3A_1275 : i32
        %mul3A_1715 = arith.constant 128 : i32
        %mul3A_1716 = arith.muli %while3A_1697, %mul3A_1715 : i32
        %add3A_1717 = arith.addi %add3A_1714, %mul3A_1716 : i32
        %multiple_of3A_1718 = tpu.assume_multiple %add3A_1717, 128 : i32
        "tpu.region"() ({
          %run_scoped3A = tpu.sem_alloc : memref<!tpu.dma_semaphore, #tpu.memory_space<semaphore_mem>>
          %dma_start3A = tpu.memref_slice %arg14[%multiple_of3A_1713] : memref<21120xi32, #tpu.memory_space<vmem>> -> memref<128xi32, #tpu.memory_space<vmem>>
          %dma_start3A_1720 = tpu.memref_slice %arg6[%multiple_of3A_1718] : memref<10485760xi32, #tpu.memory_space<hbm>> -> memref<128xi32, #tpu.memory_space<hbm>>
          %dma_start3A_1721 = tpu.memref_slice %arg6[%multiple_of3A_1718] : memref<10485760xi32, #tpu.memory_space<hbm>> -> memref<128xi32, #tpu.memory_space<hbm>>
          %dma_start3A_1722 = tpu.memref_slice %arg14[%multiple_of3A_1713] : memref<21120xi32, #tpu.memory_space<vmem>> -> memref<128xi32, #tpu.memory_space<vmem>>
          tpu.enqueue_dma source(%dma_start3A_1722 : memref<128xi32, #tpu.memory_space<vmem>>) target(%dma_start3A_1721 : memref<128xi32, #tpu.memory_space<hbm>>) target_semaphore(%run_scoped3A : memref<!tpu.dma_semaphore, #tpu.memory_space<semaphore_mem>>)
          %dma_wait3A = tpu.memref_slice %arg14[%multiple_of3A_1713] : memref<21120xi32, #tpu.memory_space<vmem>> -> memref<128xi32, #tpu.memory_space<vmem>>
          %dma_wait3A_1723 = tpu.memref_slice %arg6[%multiple_of3A_1718] : memref<10485760xi32, #tpu.memory_space<hbm>> -> memref<128xi32, #tpu.memory_space<hbm>>
          %dma_wait3A_1724 = tpu.memref_slice %arg6[%multiple_of3A_1718] : memref<10485760xi32, #tpu.memory_space<hbm>> -> memref<128xi32, #tpu.memory_space<hbm>>
          %dma_wait3A_1725 = tpu.memref_slice %arg14[%multiple_of3A_1713] : memref<21120xi32, #tpu.memory_space<vmem>> -> memref<128xi32, #tpu.memory_space<vmem>>
          tpu.wait_dma2 semaphore(%run_scoped3A : memref<!tpu.dma_semaphore, #tpu.memory_space<semaphore_mem>>) src(%dma_wait3A_1725 : memref<128xi32, #tpu.memory_space<vmem>>) dst(%dma_wait3A_1724 : memref<128xi32, #tpu.memory_space<hbm>>)
          tpu.yield
        }) : () -> ()
        %while3A_1719 = arith.constant 0 : i32
        scf.yield %while3A_1719 : i32
      }
      %while3A_1294 = arith.constant 1 : i32
      %while3A_1295 = scf.for %while3A_1697 = %while3A_1291 to %while3A_1287 step %while3A_1294 iter_args(%while3A_1698 = %while3A_1293) -> (i32)  : i32 {
        %mul3A_1699 = arith.constant 128 : i32
        %mul3A_1700 = arith.muli %while3A_1697, %mul3A_1699 : i32
        %add3A_1701 = arith.constant 8448 : i32
        %add3A_1702 = arith.addi %add3A_1701, %mul3A_1700 : i32
        %multiple_of3A_1703 = tpu.assume_multiple %add3A_1702, 128 : i32
        %add3A_1704 = arith.addi %mul3A_1283, %squeeze3A_1275 : i32
        %mul3A_1705 = arith.constant 128 : i32
        %mul3A_1706 = arith.muli %while3A_1697, %mul3A_1705 : i32
        %add3A_1707 = arith.addi %add3A_1704, %mul3A_1706 : i32
        %multiple_of3A_1708 = tpu.assume_multiple %add3A_1707, 128 : i32
        "tpu.region"() ({
          %run_scoped3A = tpu.sem_alloc : memref<!tpu.dma_semaphore, #tpu.memory_space<semaphore_mem>>
          %dma_start3A = tpu.memref_slice %arg13[%multiple_of3A_1703] : memref<21120xi32, #tpu.memory_space<vmem>> -> memref<128xi32, #tpu.memory_space<vmem>>
          %dma_start3A_1720 = tpu.memref_slice %arg5[%multiple_of3A_1708] : memref<10485760xi32, #tpu.memory_space<hbm>> -> memref<128xi32, #tpu.memory_space<hbm>>
          %dma_start3A_1721 = tpu.memref_slice %arg5[%multiple_of3A_1708] : memref<10485760xi32, #tpu.memory_space<hbm>> -> memref<128xi32, #tpu.memory_space<hbm>>
          %dma_start3A_1722 = tpu.memref_slice %arg13[%multiple_of3A_1703] : memref<21120xi32, #tpu.memory_space<vmem>> -> memref<128xi32, #tpu.memory_space<vmem>>
          tpu.enqueue_dma source(%dma_start3A_1722 : memref<128xi32, #tpu.memory_space<vmem>>) target(%dma_start3A_1721 : memref<128xi32, #tpu.memory_space<hbm>>) target_semaphore(%run_scoped3A : memref<!tpu.dma_semaphore, #tpu.memory_space<semaphore_mem>>)
          %dma_wait3A = tpu.memref_slice %arg13[%multiple_of3A_1703] : memref<21120xi32, #tpu.memory_space<vmem>> -> memref<128xi32, #tpu.memory_space<vmem>>
          %dma_wait3A_1723 = tpu.memref_slice %arg5[%multiple_of3A_1708] : memref<10485760xi32, #tpu.memory_space<hbm>> -> memref<128xi32, #tpu.memory_space<hbm>>
          %dma_wait3A_1724 = tpu.memref_slice %arg5[%multiple_of3A_1708] : memref<10485760xi32, #tpu.memory_space<hbm>> -> memref<128xi32, #tpu.memory_space<hbm>>
          %dma_wait3A_1725 = tpu.memref_slice %arg13[%multiple_of3A_1703] : memref<21120xi32, #tpu.memory_space<vmem>> -> memref<128xi32, #tpu.memory_space<vmem>>
          tpu.wait_dma2 semaphore(%run_scoped3A : memref<!tpu.dma_semaphore, #tpu.memory_space<semaphore_mem>>) src(%dma_wait3A_1725 : memref<128xi32, #tpu.memory_space<vmem>>) dst(%dma_wait3A_1724 : memref<128xi32, #tpu.memory_space<hbm>>)
          tpu.yield
        }) : () -> ()
        %mul3A_1709 = arith.constant 128 : i32
        %mul3A_1710 = arith.muli %while3A_1697, %mul3A_1709 : i32
        %add3A_1711 = arith.constant 8448 : i32
        %add3A_1712 = arith.addi %add3A_1711, %mul3A_1710 : i32
        %multiple_of3A_1713 = tpu.assume_multiple %add3A_1712, 128 : i32
        %add3A_1714 = arith.addi %mul3A_1283, %squeeze3A_1275 : i32
        %mul3A_1715 = arith.constant 128 : i32
        %mul3A_1716 = arith.muli %while3A_1697, %mul3A_1715 : i32
        %add3A_1717 = arith.addi %add3A_1714, %mul3A_1716 : i32
        %multiple_of3A_1718 = tpu.assume_multiple %add3A_1717, 128 : i32
        "tpu.region"() ({
          %run_scoped3A = tpu.sem_alloc : memref<!tpu.dma_semaphore, #tpu.memory_space<semaphore_mem>>
          %dma_start3A = tpu.memref_slice %arg14[%multiple_of3A_1713] : memref<21120xi32, #tpu.memory_space<vmem>> -> memref<128xi32, #tpu.memory_space<vmem>>
          %dma_start3A_1720 = tpu.memref_slice %arg6[%multiple_of3A_1718] : memref<10485760xi32, #tpu.memory_space<hbm>> -> memref<128xi32, #tpu.memory_space<hbm>>
          %dma_start3A_1721 = tpu.memref_slice %arg6[%multiple_of3A_1718] : memref<10485760xi32, #tpu.memory_space<hbm>> -> memref<128xi32, #tpu.memory_space<hbm>>
          %dma_start3A_1722 = tpu.memref_slice %arg14[%multiple_of3A_1713] : memref<21120xi32, #tpu.memory_space<vmem>> -> memref<128xi32, #tpu.memory_space<vmem>>
          tpu.enqueue_dma source(%dma_start3A_1722 : memref<128xi32, #tpu.memory_space<vmem>>) target(%dma_start3A_1721 : memref<128xi32, #tpu.memory_space<hbm>>) target_semaphore(%run_scoped3A : memref<!tpu.dma_semaphore, #tpu.memory_space<semaphore_mem>>)
          %dma_wait3A = tpu.memref_slice %arg14[%multiple_of3A_1713] : memref<21120xi32, #tpu.memory_space<vmem>> -> memref<128xi32, #tpu.memory_space<vmem>>
          %dma_wait3A_1723 = tpu.memref_slice %arg6[%multiple_of3A_1718] : memref<10485760xi32, #tpu.memory_space<hbm>> -> memref<128xi32, #tpu.memory_space<hbm>>
          %dma_wait3A_1724 = tpu.memref_slice %arg6[%multiple_of3A_1718] : memref<10485760xi32, #tpu.memory_space<hbm>> -> memref<128xi32, #tpu.memory_space<hbm>>
          %dma_wait3A_1725 = tpu.memref_slice %arg14[%multiple_of3A_1713] : memref<21120xi32, #tpu.memory_space<vmem>> -> memref<128xi32, #tpu.memory_space<vmem>>
          tpu.wait_dma2 semaphore(%run_scoped3A : memref<!tpu.dma_semaphore, #tpu.memory_space<semaphore_mem>>) src(%dma_wait3A_1725 : memref<128xi32, #tpu.memory_space<vmem>>) dst(%dma_wait3A_1724 : memref<128xi32, #tpu.memory_space<hbm>>)
          tpu.yield
        }) : () -> ()
        %while3A_1719 = arith.constant 0 : i32
        scf.yield %while3A_1719 : i32
      }
      %mul3A_1296 = arith.constant 128 : i32
      %mul3A_1297 = arith.muli %shift_right_arithmetic3A_1277, %mul3A_1296 : i32
      %add3A_1298 = arith.constant 8448 : i32
      %add3A_1299 = arith.addi %add3A_1298, %mul3A_1297 : i32
      %multiple_of3A_1300 = tpu.assume_multiple %add3A_1299, 128 : i32
      %add3A_1301 = arith.constant 0 : i32
      %add3A_1302 = arith.addi %multiple_of3A_1300, %add3A_1301 : i32
      %get3A_1303 = arith.index_cast %add3A_1302 : i32 to index
      %get3A_1304 = tpu.vector_load %arg13[%get3A_1303] {strides = array<i32>} : memref<21120xi32, #tpu.memory_space<vmem>>, vector<16xi32>,
      %swap3A_1305 = arith.constant 8448 : index
      %swap3A_1306 = tpu.vector_load %arg13[%swap3A_1305] {strides = array<i32>} : memref<21120xi32, #tpu.memory_space<vmem>>, vector<16xi32>,
      tpu.vector_store %arg13[%swap3A_1305], %get3A_1304 {strides = array<i32>} : memref<21120xi32, #tpu.memory_space<vmem>>, vector<16xi32>,
      %add3A_1307 = arith.constant 0 : i32
      %add3A_1308 = arith.addi %multiple_of3A_1300, %add3A_1307 : i32
      %get3A_1309 = arith.index_cast %add3A_1308 : i32 to index
      %get3A_1310 = tpu.vector_load %arg14[%get3A_1309] {strides = array<i32>} : memref<21120xi32, #tpu.memory_space<vmem>>, vector<16xi32>,
      %swap3A_1311 = arith.constant 8448 : index
      %swap3A_1312 = tpu.vector_load %arg14[%swap3A_1311] {strides = array<i32>} : memref<21120xi32, #tpu.memory_space<vmem>>, vector<16xi32>,
      tpu.vector_store %arg14[%swap3A_1311], %get3A_1310 {strides = array<i32>} : memref<21120xi32, #tpu.memory_space<vmem>>, vector<16xi32>,
      %add3A_1313 = arith.constant 16 : i32
      %add3A_1314 = arith.addi %multiple_of3A_1300, %add3A_1313 : i32
      %get3A_1315 = arith.index_cast %add3A_1314 : i32 to index
      %get3A_1316 = tpu.vector_load %arg13[%get3A_1315] {strides = array<i32>} : memref<21120xi32, #tpu.memory_space<vmem>>, vector<16xi32>,
      %swap3A_1317 = arith.constant 8464 : index
      %swap3A_1318 = tpu.vector_load %arg13[%swap3A_1317] {strides = array<i32>} : memref<21120xi32, #tpu.memory_space<vmem>>, vector<16xi32>,
      tpu.vector_store %arg13[%swap3A_1317], %get3A_1316 {strides = array<i32>} : memref<21120xi32, #tpu.memory_space<vmem>>, vector<16xi32>,
      %add3A_1319 = arith.constant 16 : i32
      %add3A_1320 = arith.addi %multiple_of3A_1300, %add3A_1319 : i32
      %get3A_1321 = arith.index_cast %add3A_1320 : i32 to index
      %get3A_1322 = tpu.vector_load %arg14[%get3A_1321] {strides = array<i32>} : memref<21120xi32, #tpu.memory_space<vmem>>, vector<16xi32>,
      %swap3A_1323 = arith.constant 8464 : index
      %swap3A_1324 = tpu.vector_load %arg14[%swap3A_1323] {strides = array<i32>} : memref<21120xi32, #tpu.memory_space<vmem>>, vector<16xi32>,
      tpu.vector_store %arg14[%swap3A_1323], %get3A_1322 {strides = array<i32>} : memref<21120xi32, #tpu.memory_space<vmem>>, vector<16xi32>,
      %add3A_1325 = arith.constant 32 : i32
      %add3A_1326 = arith.addi %multiple_of3A_1300, %add3A_1325 : i32
      %get3A_1327 = arith.index_cast %add3A_1326 : i32 to index
      %get3A_1328 = tpu.vector_load %arg13[%get3A_1327] {strides = array<i32>} : memref<21120xi32, #tpu.memory_space<vmem>>, vector<16xi32>,
      %swap3A_1329 = arith.constant 8480 : index
      %swap3A_1330 = tpu.vector_load %arg13[%swap3A_1329] {strides = array<i32>} : memref<21120xi32, #tpu.memory_space<vmem>>, vector<16xi32>,
      tpu.vector_store %arg13[%swap3A_1329], %get3A_1328 {strides = array<i32>} : memref<21120xi32, #tpu.memory_space<vmem>>, vector<16xi32>,
      %add3A_1331 = arith.constant 32 : i32
      %add3A_1332 = arith.addi %multiple_of3A_1300, %add3A_1331 : i32
      %get3A_1333 = arith.index_cast %add3A_1332 : i32 to index
      %get3A_1334 = tpu.vector_load %arg14[%get3A_1333] {strides = array<i32>} : memref<21120xi32, #tpu.memory_space<vmem>>, vector<16xi32>,
      %swap3A_1335 = arith.constant 8480 : index
      %swap3A_1336 = tpu.vector_load %arg14[%swap3A_1335] {strides = array<i32>} : memref<21120xi32, #tpu.memory_space<vmem>>, vector<16xi32>,
      tpu.vector_store %arg14[%swap3A_1335], %get3A_1334 {strides = array<i32>} : memref<21120xi32, #tpu.memory_space<vmem>>, vector<16xi32>,
      %add3A_1337 = arith.constant 48 : i32
      %add3A_1338 = arith.addi %multiple_of3A_1300, %add3A_1337 : i32
      %get3A_1339 = arith.index_cast %add3A_1338 : i32 to index
      %get3A_1340 = tpu.vector_load %arg13[%get3A_1339] {strides = array<i32>} : memref<21120xi32, #tpu.memory_space<vmem>>, vector<16xi32>,
      %swap3A_1341 = arith.constant 8496 : index
      %swap3A_1342 = tpu.vector_load %arg13[%swap3A_1341] {strides = array<i32>} : memref<21120xi32, #tpu.memory_space<vmem>>, vector<16xi32>,
      tpu.vector_store %arg13[%swap3A_1341], %get3A_1340 {strides = array<i32>} : memref<21120xi32, #tpu.memory_space<vmem>>, vector<16xi32>,
      %add3A_1343 = arith.constant 48 : i32
      %add3A_1344 = arith.addi %multiple_of3A_1300, %add3A_1343 : i32
      %get3A_1345 = arith.index_cast %add3A_1344 : i32 to index
      %get3A_1346 = tpu.vector_load %arg14[%get3A_1345] {strides = array<i32>} : memref<21120xi32, #tpu.memory_space<vmem>>, vector<16xi32>,
      %swap3A_1347 = arith.constant 8496 : index
      %swap3A_1348 = tpu.vector_load %arg14[%swap3A_1347] {strides = array<i32>} : memref<21120xi32, #tpu.memory_space<vmem>>, vector<16xi32>,
      tpu.vector_store %arg14[%swap3A_1347], %get3A_1346 {strides = array<i32>} : memref<21120xi32, #tpu.memory_space<vmem>>, vector<16xi32>,
      %add3A_1349 = arith.constant 64 : i32
      %add3A_1350 = arith.addi %multiple_of3A_1300, %add3A_1349 : i32
      %get3A_1351 = arith.index_cast %add3A_1350 : i32 to index
      %get3A_1352 = tpu.vector_load %arg13[%get3A_1351] {strides = array<i32>} : memref<21120xi32, #tpu.memory_space<vmem>>, vector<16xi32>,
      %swap3A_1353 = arith.constant 8512 : index
      %swap3A_1354 = tpu.vector_load %arg13[%swap3A_1353] {strides = array<i32>} : memref<21120xi32, #tpu.memory_space<vmem>>, vector<16xi32>,
      tpu.vector_store %arg13[%swap3A_1353], %get3A_1352 {strides = array<i32>} : memref<21120xi32, #tpu.memory_space<vmem>>, vector<16xi32>,
      %add3A_1355 = arith.constant 64 : i32
      %add3A_1356 = arith.addi %multiple_of3A_1300, %add3A_1355 : i32
      %get3A_1357 = arith.index_cast %add3A_1356 : i32 to index
      %get3A_1358 = tpu.vector_load %arg14[%get3A_1357] {strides = array<i32>} : memref<21120xi32, #tpu.memory_space<vmem>>, vector<16xi32>,
      %swap3A_1359 = arith.constant 8512 : index
      %swap3A_1360 = tpu.vector_load %arg14[%swap3A_1359] {strides = array<i32>} : memref<21120xi32, #tpu.memory_space<vmem>>, vector<16xi32>,
      tpu.vector_store %arg14[%swap3A_1359], %get3A_1358 {strides = array<i32>} : memref<21120xi32, #tpu.memory_space<vmem>>, vector<16xi32>,
      %add3A_1361 = arith.constant 80 : i32
      %add3A_1362 = arith.addi %multiple_of3A_1300, %add3A_1361 : i32
      %get3A_1363 = arith.index_cast %add3A_1362 : i32 to index
      %get3A_1364 = tpu.vector_load %arg13[%get3A_1363] {strides = array<i32>} : memref<21120xi32, #tpu.memory_space<vmem>>, vector<16xi32>,
      %swap3A_1365 = arith.constant 8528 : index
      %swap3A_1366 = tpu.vector_load %arg13[%swap3A_1365] {strides = array<i32>} : memref<21120xi32, #tpu.memory_space<vmem>>, vector<16xi32>,
      tpu.vector_store %arg13[%swap3A_1365], %get3A_1364 {strides = array<i32>} : memref<21120xi32, #tpu.memory_space<vmem>>, vector<16xi32>,
      %add3A_1367 = arith.constant 80 : i32
      %add3A_1368 = arith.addi %multiple_of3A_1300, %add3A_1367 : i32
      %get3A_1369 = arith.index_cast %add3A_1368 : i32 to index
      %get3A_1370 = tpu.vector_load %arg14[%get3A_1369] {strides = array<i32>} : memref<21120xi32, #tpu.memory_space<vmem>>, vector<16xi32>,
      %swap3A_1371 = arith.constant 8528 : index
      %swap3A_1372 = tpu.vector_load %arg14[%swap3A_1371] {strides = array<i32>} : memref<21120xi32, #tpu.memory_space<vmem>>, vector<16xi32>,
      tpu.vector_store %arg14[%swap3A_1371], %get3A_1370 {strides = array<i32>} : memref<21120xi32, #tpu.memory_space<vmem>>, vector<16xi32>,
      %add3A_1373 = arith.constant 96 : i32
      %add3A_1374 = arith.addi %multiple_of3A_1300, %add3A_1373 : i32
      %get3A_1375 = arith.index_cast %add3A_1374 : i32 to index
      %get3A_1376 = tpu.vector_load %arg13[%get3A_1375] {strides = array<i32>} : memref<21120xi32, #tpu.memory_space<vmem>>, vector<16xi32>,
      %swap3A_1377 = arith.constant 8544 : index
      %swap3A_1378 = tpu.vector_load %arg13[%swap3A_1377] {strides = array<i32>} : memref<21120xi32, #tpu.memory_space<vmem>>, vector<16xi32>,
      tpu.vector_store %arg13[%swap3A_1377], %get3A_1376 {strides = array<i32>} : memref<21120xi32, #tpu.memory_space<vmem>>, vector<16xi32>,
      %add3A_1379 = arith.constant 96 : i32
      %add3A_1380 = arith.addi %multiple_of3A_1300, %add3A_1379 : i32
      %get3A_1381 = arith.index_cast %add3A_1380 : i32 to index
      %get3A_1382 = tpu.vector_load %arg14[%get3A_1381] {strides = array<i32>} : memref<21120xi32, #tpu.memory_space<vmem>>, vector<16xi32>,
      %swap3A_1383 = arith.constant 8544 : index
      %swap3A_1384 = tpu.vector_load %arg14[%swap3A_1383] {strides = array<i32>} : memref<21120xi32, #tpu.memory_space<vmem>>, vector<16xi32>,
      tpu.vector_store %arg14[%swap3A_1383], %get3A_1382 {strides = array<i32>} : memref<21120xi32, #tpu.memory_space<vmem>>, vector<16xi32>,
      %add3A_1385 = arith.constant 112 : i32
      %add3A_1386 = arith.addi %multiple_of3A_1300, %add3A_1385 : i32
      %get3A_1387 = arith.index_cast %add3A_1386 : i32 to index
      %get3A_1388 = tpu.vector_load %arg13[%get3A_1387] {strides = array<i32>} : memref<21120xi32, #tpu.memory_space<vmem>>, vector<16xi32>,
      %swap3A_1389 = arith.constant 8560 : index
      %swap3A_1390 = tpu.vector_load %arg13[%swap3A_1389] {strides = array<i32>} : memref<21120xi32, #tpu.memory_space<vmem>>, vector<16xi32>,
      tpu.vector_store %arg13[%swap3A_1389], %get3A_1388 {strides = array<i32>} : memref<21120xi32, #tpu.memory_space<vmem>>, vector<16xi32>,
      %add3A_1391 = arith.constant 112 : i32
      %add3A_1392 = arith.addi %multiple_of3A_1300, %add3A_1391 : i32
      %get3A_1393 = arith.index_cast %add3A_1392 : i32 to index
      %get3A_1394 = tpu.vector_load %arg14[%get3A_1393] {strides = array<i32>} : memref<21120xi32, #tpu.memory_space<vmem>>, vector<16xi32>,
      %swap3A_1395 = arith.constant 8560 : index
      %swap3A_1396 = tpu.vector_load %arg14[%swap3A_1395] {strides = array<i32>} : memref<21120xi32, #tpu.memory_space<vmem>>, vector<16xi32>,
      tpu.vector_store %arg14[%swap3A_1395], %get3A_1394 {strides = array<i32>} : memref<21120xi32, #tpu.memory_space<vmem>>, vector<16xi32>,
      %eq3A_1397 = arith.constant 2 : i32
      %eq3A_1398 = vector.broadcast %eq3A_1397 : i32 to vector<16xi32>
      %eq3A_1399 = arith.cmpi eq, %iota3A, %eq3A_1398 : vector<16xi32>
      %and3A_1400 = arith.constant 127 : i32
      %and3A_1401 = arith.andi %squeeze3A_1273, %and3A_1400 : i32
      %broadcast_in_dim3A_1402 = vector.broadcast %and3A_1401 : i32 to vector<16xi32>
      %select_n3A_1403 = arith.select %eq3A_1399, %broadcast_in_dim3A_1402, %select_n3A_1263 : vector<16xi1>, vector<16xi32>
      %eq3A_1404 = arith.constant 2 : i32
      %eq3A_1405 = vector.broadcast %eq3A_1404 : i32 to vector<16xi32>
      %eq3A_1406 = arith.cmpi eq, %iota3A, %eq3A_1405 : vector<16xi32>
      %mul3A_1407 = arith.constant 128 : i32
      %mul3A_1408 = arith.muli %shift_right_arithmetic3A_1277, %mul3A_1407 : i32
      %add3A_1409 = arith.addi %squeeze3A_1275, %mul3A_1408 : i32
      %broadcast_in_dim3A_1410 = vector.broadcast %add3A_1409 : i32 to vector<16xi32>
      %select_n3A_1411 = arith.select %eq3A_1406, %broadcast_in_dim3A_1410, %select_n3A_1271 : vector<16xi1>, vector<16xi32>
      %slice3A_1412 = vector.extract_strided_slice %select_n3A_1403 {offsets = [3], sizes = [1], strides = [1]} : vector<16xi32> to vector<1xi32>
      %squeeze3A_1413 = vector.extract %slice3A_1412[0] : i32 from vector<1xi32>
      %slice3A_1414 = vector.extract_strided_slice %select_n3A_1411 {offsets = [3], sizes = [1], strides = [1]} : vector<16xi32> to vector<1xi32>
      %squeeze3A_1415 = vector.extract %slice3A_1414[0] : i32 from vector<1xi32>
      %shift_right_arithmetic3A_1416 = arith.constant 7 : i32
      %shift_right_arithmetic3A_1417 = arith.shrsi %squeeze3A_1413, %shift_right_arithmetic3A_1416 : i32
      %mul3A_1418 = arith.constant 5 : i32
      %mul3A_1419 = arith.muli %add3A, %mul3A_1418 : i32
      %add3A_1420 = arith.constant 3 : i32
      %add3A_1421 = arith.addi %mul3A_1419, %add3A_1420 : i32
      %mul3A_1422 = arith.constant 65536 : i32
      %mul3A_1423 = arith.muli %add3A_1421, %mul3A_1422 : i32
      %while3A_1424 = arith.constant 0 : i32
      %while3A_1425 = arith.constant 0 : i32
      %while3A_1426 = arith.subi %shift_right_arithmetic3A_1417, %while3A_1424 : i32
      %while3A_1427 = arith.addi %while3A_1424, %while3A_1426 : i32
      %while3A_1428 = arith.constant 1 : i32
      %while3A_1429 = arith.divsi %while3A_1426, %while3A_1428 : i32
      %while3A_1430 = arith.muli %while3A_1429, %while3A_1428 : i32
      %while3A_1431 = arith.addi %while3A_1424, %while3A_1430 : i32
      %while3A_1432 = arith.constant 1 : i32
      %while3A_1433 = scf.for %while3A_1697 = %while3A_1424 to %while3A_1431 step %while3A_1432 iter_args(%while3A_1698 = %while3A_1425) -> (i32)  : i32 {
        %mul3A_1699 = arith.constant 128 : i32
        %mul3A_1700 = arith.muli %while3A_1697, %mul3A_1699 : i32
        %add3A_1701 = arith.constant 12672 : i32
        %add3A_1702 = arith.addi %add3A_1701, %mul3A_1700 : i32
        %multiple_of3A_1703 = tpu.assume_multiple %add3A_1702, 128 : i32
        %add3A_1704 = arith.addi %mul3A_1423, %squeeze3A_1415 : i32
        %mul3A_1705 = arith.constant 128 : i32
        %mul3A_1706 = arith.muli %while3A_1697, %mul3A_1705 : i32
        %add3A_1707 = arith.addi %add3A_1704, %mul3A_1706 : i32
        %multiple_of3A_1708 = tpu.assume_multiple %add3A_1707, 128 : i32
        "tpu.region"() ({
          %run_scoped3A = tpu.sem_alloc : memref<!tpu.dma_semaphore, #tpu.memory_space<semaphore_mem>>
          %dma_start3A = tpu.memref_slice %arg13[%multiple_of3A_1703] : memref<21120xi32, #tpu.memory_space<vmem>> -> memref<128xi32, #tpu.memory_space<vmem>>
          %dma_start3A_1720 = tpu.memref_slice %arg5[%multiple_of3A_1708] : memref<10485760xi32, #tpu.memory_space<hbm>> -> memref<128xi32, #tpu.memory_space<hbm>>
          %dma_start3A_1721 = tpu.memref_slice %arg5[%multiple_of3A_1708] : memref<10485760xi32, #tpu.memory_space<hbm>> -> memref<128xi32, #tpu.memory_space<hbm>>
          %dma_start3A_1722 = tpu.memref_slice %arg13[%multiple_of3A_1703] : memref<21120xi32, #tpu.memory_space<vmem>> -> memref<128xi32, #tpu.memory_space<vmem>>
          tpu.enqueue_dma source(%dma_start3A_1722 : memref<128xi32, #tpu.memory_space<vmem>>) target(%dma_start3A_1721 : memref<128xi32, #tpu.memory_space<hbm>>) target_semaphore(%run_scoped3A : memref<!tpu.dma_semaphore, #tpu.memory_space<semaphore_mem>>)
          %dma_wait3A = tpu.memref_slice %arg13[%multiple_of3A_1703] : memref<21120xi32, #tpu.memory_space<vmem>> -> memref<128xi32, #tpu.memory_space<vmem>>
          %dma_wait3A_1723 = tpu.memref_slice %arg5[%multiple_of3A_1708] : memref<10485760xi32, #tpu.memory_space<hbm>> -> memref<128xi32, #tpu.memory_space<hbm>>
          %dma_wait3A_1724 = tpu.memref_slice %arg5[%multiple_of3A_1708] : memref<10485760xi32, #tpu.memory_space<hbm>> -> memref<128xi32, #tpu.memory_space<hbm>>
          %dma_wait3A_1725 = tpu.memref_slice %arg13[%multiple_of3A_1703] : memref<21120xi32, #tpu.memory_space<vmem>> -> memref<128xi32, #tpu.memory_space<vmem>>
          tpu.wait_dma2 semaphore(%run_scoped3A : memref<!tpu.dma_semaphore, #tpu.memory_space<semaphore_mem>>) src(%dma_wait3A_1725 : memref<128xi32, #tpu.memory_space<vmem>>) dst(%dma_wait3A_1724 : memref<128xi32, #tpu.memory_space<hbm>>)
          tpu.yield
        }) : () -> ()
        %mul3A_1709 = arith.constant 128 : i32
        %mul3A_1710 = arith.muli %while3A_1697, %mul3A_1709 : i32
        %add3A_1711 = arith.constant 12672 : i32
        %add3A_1712 = arith.addi %add3A_1711, %mul3A_1710 : i32
        %multiple_of3A_1713 = tpu.assume_multiple %add3A_1712, 128 : i32
        %add3A_1714 = arith.addi %mul3A_1423, %squeeze3A_1415 : i32
        %mul3A_1715 = arith.constant 128 : i32
        %mul3A_1716 = arith.muli %while3A_1697, %mul3A_1715 : i32
        %add3A_1717 = arith.addi %add3A_1714, %mul3A_1716 : i32
        %multiple_of3A_1718 = tpu.assume_multiple %add3A_1717, 128 : i32
        "tpu.region"() ({
          %run_scoped3A = tpu.sem_alloc : memref<!tpu.dma_semaphore, #tpu.memory_space<semaphore_mem>>
          %dma_start3A = tpu.memref_slice %arg14[%multiple_of3A_1713] : memref<21120xi32, #tpu.memory_space<vmem>> -> memref<128xi32, #tpu.memory_space<vmem>>
          %dma_start3A_1720 = tpu.memref_slice %arg6[%multiple_of3A_1718] : memref<10485760xi32, #tpu.memory_space<hbm>> -> memref<128xi32, #tpu.memory_space<hbm>>
          %dma_start3A_1721 = tpu.memref_slice %arg6[%multiple_of3A_1718] : memref<10485760xi32, #tpu.memory_space<hbm>> -> memref<128xi32, #tpu.memory_space<hbm>>
          %dma_start3A_1722 = tpu.memref_slice %arg14[%multiple_of3A_1713] : memref<21120xi32, #tpu.memory_space<vmem>> -> memref<128xi32, #tpu.memory_space<vmem>>
          tpu.enqueue_dma source(%dma_start3A_1722 : memref<128xi32, #tpu.memory_space<vmem>>) target(%dma_start3A_1721 : memref<128xi32, #tpu.memory_space<hbm>>) target_semaphore(%run_scoped3A : memref<!tpu.dma_semaphore, #tpu.memory_space<semaphore_mem>>)
          %dma_wait3A = tpu.memref_slice %arg14[%multiple_of3A_1713] : memref<21120xi32, #tpu.memory_space<vmem>> -> memref<128xi32, #tpu.memory_space<vmem>>
          %dma_wait3A_1723 = tpu.memref_slice %arg6[%multiple_of3A_1718] : memref<10485760xi32, #tpu.memory_space<hbm>> -> memref<128xi32, #tpu.memory_space<hbm>>
          %dma_wait3A_1724 = tpu.memref_slice %arg6[%multiple_of3A_1718] : memref<10485760xi32, #tpu.memory_space<hbm>> -> memref<128xi32, #tpu.memory_space<hbm>>
          %dma_wait3A_1725 = tpu.memref_slice %arg14[%multiple_of3A_1713] : memref<21120xi32, #tpu.memory_space<vmem>> -> memref<128xi32, #tpu.memory_space<vmem>>
          tpu.wait_dma2 semaphore(%run_scoped3A : memref<!tpu.dma_semaphore, #tpu.memory_space<semaphore_mem>>) src(%dma_wait3A_1725 : memref<128xi32, #tpu.memory_space<vmem>>) dst(%dma_wait3A_1724 : memref<128xi32, #tpu.memory_space<hbm>>)
          tpu.yield
        }) : () -> ()
        %while3A_1719 = arith.constant 0 : i32
        scf.yield %while3A_1719 : i32
      }
      %while3A_1434 = arith.constant 1 : i32
      %while3A_1435 = scf.for %while3A_1697 = %while3A_1431 to %while3A_1427 step %while3A_1434 iter_args(%while3A_1698 = %while3A_1433) -> (i32)  : i32 {
        %mul3A_1699 = arith.constant 128 : i32
        %mul3A_1700 = arith.muli %while3A_1697, %mul3A_1699 : i32
        %add3A_1701 = arith.constant 12672 : i32
        %add3A_1702 = arith.addi %add3A_1701, %mul3A_1700 : i32
        %multiple_of3A_1703 = tpu.assume_multiple %add3A_1702, 128 : i32
        %add3A_1704 = arith.addi %mul3A_1423, %squeeze3A_1415 : i32
        %mul3A_1705 = arith.constant 128 : i32
        %mul3A_1706 = arith.muli %while3A_1697, %mul3A_1705 : i32
        %add3A_1707 = arith.addi %add3A_1704, %mul3A_1706 : i32
        %multiple_of3A_1708 = tpu.assume_multiple %add3A_1707, 128 : i32
        "tpu.region"() ({
          %run_scoped3A = tpu.sem_alloc : memref<!tpu.dma_semaphore, #tpu.memory_space<semaphore_mem>>
          %dma_start3A = tpu.memref_slice %arg13[%multiple_of3A_1703] : memref<21120xi32, #tpu.memory_space<vmem>> -> memref<128xi32, #tpu.memory_space<vmem>>
          %dma_start3A_1720 = tpu.memref_slice %arg5[%multiple_of3A_1708] : memref<10485760xi32, #tpu.memory_space<hbm>> -> memref<128xi32, #tpu.memory_space<hbm>>
          %dma_start3A_1721 = tpu.memref_slice %arg5[%multiple_of3A_1708] : memref<10485760xi32, #tpu.memory_space<hbm>> -> memref<128xi32, #tpu.memory_space<hbm>>
          %dma_start3A_1722 = tpu.memref_slice %arg13[%multiple_of3A_1703] : memref<21120xi32, #tpu.memory_space<vmem>> -> memref<128xi32, #tpu.memory_space<vmem>>
          tpu.enqueue_dma source(%dma_start3A_1722 : memref<128xi32, #tpu.memory_space<vmem>>) target(%dma_start3A_1721 : memref<128xi32, #tpu.memory_space<hbm>>) target_semaphore(%run_scoped3A : memref<!tpu.dma_semaphore, #tpu.memory_space<semaphore_mem>>)
          %dma_wait3A = tpu.memref_slice %arg13[%multiple_of3A_1703] : memref<21120xi32, #tpu.memory_space<vmem>> -> memref<128xi32, #tpu.memory_space<vmem>>
          %dma_wait3A_1723 = tpu.memref_slice %arg5[%multiple_of3A_1708] : memref<10485760xi32, #tpu.memory_space<hbm>> -> memref<128xi32, #tpu.memory_space<hbm>>
          %dma_wait3A_1724 = tpu.memref_slice %arg5[%multiple_of3A_1708] : memref<10485760xi32, #tpu.memory_space<hbm>> -> memref<128xi32, #tpu.memory_space<hbm>>
          %dma_wait3A_1725 = tpu.memref_slice %arg13[%multiple_of3A_1703] : memref<21120xi32, #tpu.memory_space<vmem>> -> memref<128xi32, #tpu.memory_space<vmem>>
          tpu.wait_dma2 semaphore(%run_scoped3A : memref<!tpu.dma_semaphore, #tpu.memory_space<semaphore_mem>>) src(%dma_wait3A_1725 : memref<128xi32, #tpu.memory_space<vmem>>) dst(%dma_wait3A_1724 : memref<128xi32, #tpu.memory_space<hbm>>)
          tpu.yield
        }) : () -> ()
        %mul3A_1709 = arith.constant 128 : i32
        %mul3A_1710 = arith.muli %while3A_1697, %mul3A_1709 : i32
        %add3A_1711 = arith.constant 12672 : i32
        %add3A_1712 = arith.addi %add3A_1711, %mul3A_1710 : i32
        %multiple_of3A_1713 = tpu.assume_multiple %add3A_1712, 128 : i32
        %add3A_1714 = arith.addi %mul3A_1423, %squeeze3A_1415 : i32
        %mul3A_1715 = arith.constant 128 : i32
        %mul3A_1716 = arith.muli %while3A_1697, %mul3A_1715 : i32
        %add3A_1717 = arith.addi %add3A_1714, %mul3A_1716 : i32
        %multiple_of3A_1718 = tpu.assume_multiple %add3A_1717, 128 : i32
        "tpu.region"() ({
          %run_scoped3A = tpu.sem_alloc : memref<!tpu.dma_semaphore, #tpu.memory_space<semaphore_mem>>
          %dma_start3A = tpu.memref_slice %arg14[%multiple_of3A_1713] : memref<21120xi32, #tpu.memory_space<vmem>> -> memref<128xi32, #tpu.memory_space<vmem>>
          %dma_start3A_1720 = tpu.memref_slice %arg6[%multiple_of3A_1718] : memref<10485760xi32, #tpu.memory_space<hbm>> -> memref<128xi32, #tpu.memory_space<hbm>>
          %dma_start3A_1721 = tpu.memref_slice %arg6[%multiple_of3A_1718] : memref<10485760xi32, #tpu.memory_space<hbm>> -> memref<128xi32, #tpu.memory_space<hbm>>
          %dma_start3A_1722 = tpu.memref_slice %arg14[%multiple_of3A_1713] : memref<21120xi32, #tpu.memory_space<vmem>> -> memref<128xi32, #tpu.memory_space<vmem>>
          tpu.enqueue_dma source(%dma_start3A_1722 : memref<128xi32, #tpu.memory_space<vmem>>) target(%dma_start3A_1721 : memref<128xi32, #tpu.memory_space<hbm>>) target_semaphore(%run_scoped3A : memref<!tpu.dma_semaphore, #tpu.memory_space<semaphore_mem>>)
          %dma_wait3A = tpu.memref_slice %arg14[%multiple_of3A_1713] : memref<21120xi32, #tpu.memory_space<vmem>> -> memref<128xi32, #tpu.memory_space<vmem>>
          %dma_wait3A_1723 = tpu.memref_slice %arg6[%multiple_of3A_1718] : memref<10485760xi32, #tpu.memory_space<hbm>> -> memref<128xi32, #tpu.memory_space<hbm>>
          %dma_wait3A_1724 = tpu.memref_slice %arg6[%multiple_of3A_1718] : memref<10485760xi32, #tpu.memory_space<hbm>> -> memref<128xi32, #tpu.memory_space<hbm>>
          %dma_wait3A_1725 = tpu.memref_slice %arg14[%multiple_of3A_1713] : memref<21120xi32, #tpu.memory_space<vmem>> -> memref<128xi32, #tpu.memory_space<vmem>>
          tpu.wait_dma2 semaphore(%run_scoped3A : memref<!tpu.dma_semaphore, #tpu.memory_space<semaphore_mem>>) src(%dma_wait3A_1725 : memref<128xi32, #tpu.memory_space<vmem>>) dst(%dma_wait3A_1724 : memref<128xi32, #tpu.memory_space<hbm>>)
          tpu.yield
        }) : () -> ()
        %while3A_1719 = arith.constant 0 : i32
        scf.yield %while3A_1719 : i32
      }
      %mul3A_1436 = arith.constant 128 : i32
      %mul3A_1437 = arith.muli %shift_right_arithmetic3A_1417, %mul3A_1436 : i32
      %add3A_1438 = arith.constant 12672 : i32
      %add3A_1439 = arith.addi %add3A_1438, %mul3A_1437 : i32
      %multiple_of3A_1440 = tpu.assume_multiple %add3A_1439, 128 : i32
      %add3A_1441 = arith.constant 0 : i32
      %add3A_1442 = arith.addi %multiple_of3A_1440, %add3A_1441 : i32
      %get3A_1443 = arith.index_cast %add3A_1442 : i32 to index
      %get3A_1444 = tpu.vector_load %arg13[%get3A_1443] {strides = array<i32>} : memref<21120xi32, #tpu.memory_space<vmem>>, vector<16xi32>,
      %swap3A_1445 = arith.constant 12672 : index
      %swap3A_1446 = tpu.vector_load %arg13[%swap3A_1445] {strides = array<i32>} : memref<21120xi32, #tpu.memory_space<vmem>>, vector<16xi32>,
      tpu.vector_store %arg13[%swap3A_1445], %get3A_1444 {strides = array<i32>} : memref<21120xi32, #tpu.memory_space<vmem>>, vector<16xi32>,
      %add3A_1447 = arith.constant 0 : i32
      %add3A_1448 = arith.addi %multiple_of3A_1440, %add3A_1447 : i32
      %get3A_1449 = arith.index_cast %add3A_1448 : i32 to index
      %get3A_1450 = tpu.vector_load %arg14[%get3A_1449] {strides = array<i32>} : memref<21120xi32, #tpu.memory_space<vmem>>, vector<16xi32>,
      %swap3A_1451 = arith.constant 12672 : index
      %swap3A_1452 = tpu.vector_load %arg14[%swap3A_1451] {strides = array<i32>} : memref<21120xi32, #tpu.memory_space<vmem>>, vector<16xi32>,
      tpu.vector_store %arg14[%swap3A_1451], %get3A_1450 {strides = array<i32>} : memref<21120xi32, #tpu.memory_space<vmem>>, vector<16xi32>,
      %add3A_1453 = arith.constant 16 : i32
      %add3A_1454 = arith.addi %multiple_of3A_1440, %add3A_1453 : i32
      %get3A_1455 = arith.index_cast %add3A_1454 : i32 to index
      %get3A_1456 = tpu.vector_load %arg13[%get3A_1455] {strides = array<i32>} : memref<21120xi32, #tpu.memory_space<vmem>>, vector<16xi32>,
      %swap3A_1457 = arith.constant 12688 : index
      %swap3A_1458 = tpu.vector_load %arg13[%swap3A_1457] {strides = array<i32>} : memref<21120xi32, #tpu.memory_space<vmem>>, vector<16xi32>,
      tpu.vector_store %arg13[%swap3A_1457], %get3A_1456 {strides = array<i32>} : memref<21120xi32, #tpu.memory_space<vmem>>, vector<16xi32>,
      %add3A_1459 = arith.constant 16 : i32
      %add3A_1460 = arith.addi %multiple_of3A_1440, %add3A_1459 : i32
      %get3A_1461 = arith.index_cast %add3A_1460 : i32 to index
      %get3A_1462 = tpu.vector_load %arg14[%get3A_1461] {strides = array<i32>} : memref<21120xi32, #tpu.memory_space<vmem>>, vector<16xi32>,
      %swap3A_1463 = arith.constant 12688 : index
      %swap3A_1464 = tpu.vector_load %arg14[%swap3A_1463] {strides = array<i32>} : memref<21120xi32, #tpu.memory_space<vmem>>, vector<16xi32>,
      tpu.vector_store %arg14[%swap3A_1463], %get3A_1462 {strides = array<i32>} : memref<21120xi32, #tpu.memory_space<vmem>>, vector<16xi32>,
      %add3A_1465 = arith.constant 32 : i32
      %add3A_1466 = arith.addi %multiple_of3A_1440, %add3A_1465 : i32
      %get3A_1467 = arith.index_cast %add3A_1466 : i32 to index
      %get3A_1468 = tpu.vector_load %arg13[%get3A_1467] {strides = array<i32>} : memref<21120xi32, #tpu.memory_space<vmem>>, vector<16xi32>,
      %swap3A_1469 = arith.constant 12704 : index
      %swap3A_1470 = tpu.vector_load %arg13[%swap3A_1469] {strides = array<i32>} : memref<21120xi32, #tpu.memory_space<vmem>>, vector<16xi32>,
      tpu.vector_store %arg13[%swap3A_1469], %get3A_1468 {strides = array<i32>} : memref<21120xi32, #tpu.memory_space<vmem>>, vector<16xi32>,
      %add3A_1471 = arith.constant 32 : i32
      %add3A_1472 = arith.addi %multiple_of3A_1440, %add3A_1471 : i32
      %get3A_1473 = arith.index_cast %add3A_1472 : i32 to index
      %get3A_1474 = tpu.vector_load %arg14[%get3A_1473] {strides = array<i32>} : memref<21120xi32, #tpu.memory_space<vmem>>, vector<16xi32>,
      %swap3A_1475 = arith.constant 12704 : index
      %swap3A_1476 = tpu.vector_load %arg14[%swap3A_1475] {strides = array<i32>} : memref<21120xi32, #tpu.memory_space<vmem>>, vector<16xi32>,
      tpu.vector_store %arg14[%swap3A_1475], %get3A_1474 {strides = array<i32>} : memref<21120xi32, #tpu.memory_space<vmem>>, vector<16xi32>,
      %add3A_1477 = arith.constant 48 : i32
      %add3A_1478 = arith.addi %multiple_of3A_1440, %add3A_1477 : i32
      %get3A_1479 = arith.index_cast %add3A_1478 : i32 to index
      %get3A_1480 = tpu.vector_load %arg13[%get3A_1479] {strides = array<i32>} : memref<21120xi32, #tpu.memory_space<vmem>>, vector<16xi32>,
      %swap3A_1481 = arith.constant 12720 : index
      %swap3A_1482 = tpu.vector_load %arg13[%swap3A_1481] {strides = array<i32>} : memref<21120xi32, #tpu.memory_space<vmem>>, vector<16xi32>,
      tpu.vector_store %arg13[%swap3A_1481], %get3A_1480 {strides = array<i32>} : memref<21120xi32, #tpu.memory_space<vmem>>, vector<16xi32>,
      %add3A_1483 = arith.constant 48 : i32
      %add3A_1484 = arith.addi %multiple_of3A_1440, %add3A_1483 : i32
      %get3A_1485 = arith.index_cast %add3A_1484 : i32 to index
      %get3A_1486 = tpu.vector_load %arg14[%get3A_1485] {strides = array<i32>} : memref<21120xi32, #tpu.memory_space<vmem>>, vector<16xi32>,
      %swap3A_1487 = arith.constant 12720 : index
      %swap3A_1488 = tpu.vector_load %arg14[%swap3A_1487] {strides = array<i32>} : memref<21120xi32, #tpu.memory_space<vmem>>, vector<16xi32>,
      tpu.vector_store %arg14[%swap3A_1487], %get3A_1486 {strides = array<i32>} : memref<21120xi32, #tpu.memory_space<vmem>>, vector<16xi32>,
      %add3A_1489 = arith.constant 64 : i32
      %add3A_1490 = arith.addi %multiple_of3A_1440, %add3A_1489 : i32
      %get3A_1491 = arith.index_cast %add3A_1490 : i32 to index
      %get3A_1492 = tpu.vector_load %arg13[%get3A_1491] {strides = array<i32>} : memref<21120xi32, #tpu.memory_space<vmem>>, vector<16xi32>,
      %swap3A_1493 = arith.constant 12736 : index
      %swap3A_1494 = tpu.vector_load %arg13[%swap3A_1493] {strides = array<i32>} : memref<21120xi32, #tpu.memory_space<vmem>>, vector<16xi32>,
      tpu.vector_store %arg13[%swap3A_1493], %get3A_1492 {strides = array<i32>} : memref<21120xi32, #tpu.memory_space<vmem>>, vector<16xi32>,
      %add3A_1495 = arith.constant 64 : i32
      %add3A_1496 = arith.addi %multiple_of3A_1440, %add3A_1495 : i32
      %get3A_1497 = arith.index_cast %add3A_1496 : i32 to index
      %get3A_1498 = tpu.vector_load %arg14[%get3A_1497] {strides = array<i32>} : memref<21120xi32, #tpu.memory_space<vmem>>, vector<16xi32>,
      %swap3A_1499 = arith.constant 12736 : index
      %swap3A_1500 = tpu.vector_load %arg14[%swap3A_1499] {strides = array<i32>} : memref<21120xi32, #tpu.memory_space<vmem>>, vector<16xi32>,
      tpu.vector_store %arg14[%swap3A_1499], %get3A_1498 {strides = array<i32>} : memref<21120xi32, #tpu.memory_space<vmem>>, vector<16xi32>,
      %add3A_1501 = arith.constant 80 : i32
      %add3A_1502 = arith.addi %multiple_of3A_1440, %add3A_1501 : i32
      %get3A_1503 = arith.index_cast %add3A_1502 : i32 to index
      %get3A_1504 = tpu.vector_load %arg13[%get3A_1503] {strides = array<i32>} : memref<21120xi32, #tpu.memory_space<vmem>>, vector<16xi32>,
      %swap3A_1505 = arith.constant 12752 : index
      %swap3A_1506 = tpu.vector_load %arg13[%swap3A_1505] {strides = array<i32>} : memref<21120xi32, #tpu.memory_space<vmem>>, vector<16xi32>,
      tpu.vector_store %arg13[%swap3A_1505], %get3A_1504 {strides = array<i32>} : memref<21120xi32, #tpu.memory_space<vmem>>, vector<16xi32>,
      %add3A_1507 = arith.constant 80 : i32
      %add3A_1508 = arith.addi %multiple_of3A_1440, %add3A_1507 : i32
      %get3A_1509 = arith.index_cast %add3A_1508 : i32 to index
      %get3A_1510 = tpu.vector_load %arg14[%get3A_1509] {strides = array<i32>} : memref<21120xi32, #tpu.memory_space<vmem>>, vector<16xi32>,
      %swap3A_1511 = arith.constant 12752 : index
      %swap3A_1512 = tpu.vector_load %arg14[%swap3A_1511] {strides = array<i32>} : memref<21120xi32, #tpu.memory_space<vmem>>, vector<16xi32>,
      tpu.vector_store %arg14[%swap3A_1511], %get3A_1510 {strides = array<i32>} : memref<21120xi32, #tpu.memory_space<vmem>>, vector<16xi32>,
      %add3A_1513 = arith.constant 96 : i32
      %add3A_1514 = arith.addi %multiple_of3A_1440, %add3A_1513 : i32
      %get3A_1515 = arith.index_cast %add3A_1514 : i32 to index
      %get3A_1516 = tpu.vector_load %arg13[%get3A_1515] {strides = array<i32>} : memref<21120xi32, #tpu.memory_space<vmem>>, vector<16xi32>,
      %swap3A_1517 = arith.constant 12768 : index
      %swap3A_1518 = tpu.vector_load %arg13[%swap3A_1517] {strides = array<i32>} : memref<21120xi32, #tpu.memory_space<vmem>>, vector<16xi32>,
      tpu.vector_store %arg13[%swap3A_1517], %get3A_1516 {strides = array<i32>} : memref<21120xi32, #tpu.memory_space<vmem>>, vector<16xi32>,
      %add3A_1519 = arith.constant 96 : i32
      %add3A_1520 = arith.addi %multiple_of3A_1440, %add3A_1519 : i32
      %get3A_1521 = arith.index_cast %add3A_1520 : i32 to index
      %get3A_1522 = tpu.vector_load %arg14[%get3A_1521] {strides = array<i32>} : memref<21120xi32, #tpu.memory_space<vmem>>, vector<16xi32>,
      %swap3A_1523 = arith.constant 12768 : index
      %swap3A_1524 = tpu.vector_load %arg14[%swap3A_1523] {strides = array<i32>} : memref<21120xi32, #tpu.memory_space<vmem>>, vector<16xi32>,
      tpu.vector_store %arg14[%swap3A_1523], %get3A_1522 {strides = array<i32>} : memref<21120xi32, #tpu.memory_space<vmem>>, vector<16xi32>,
      %add3A_1525 = arith.constant 112 : i32
      %add3A_1526 = arith.addi %multiple_of3A_1440, %add3A_1525 : i32
      %get3A_1527 = arith.index_cast %add3A_1526 : i32 to index
      %get3A_1528 = tpu.vector_load %arg13[%get3A_1527] {strides = array<i32>} : memref<21120xi32, #tpu.memory_space<vmem>>, vector<16xi32>,
      %swap3A_1529 = arith.constant 12784 : index
      %swap3A_1530 = tpu.vector_load %arg13[%swap3A_1529] {strides = array<i32>} : memref<21120xi32, #tpu.memory_space<vmem>>, vector<16xi32>,
      tpu.vector_store %arg13[%swap3A_1529], %get3A_1528 {strides = array<i32>} : memref<21120xi32, #tpu.memory_space<vmem>>, vector<16xi32>,
      %add3A_1531 = arith.constant 112 : i32
      %add3A_1532 = arith.addi %multiple_of3A_1440, %add3A_1531 : i32
      %get3A_1533 = arith.index_cast %add3A_1532 : i32 to index
      %get3A_1534 = tpu.vector_load %arg14[%get3A_1533] {strides = array<i32>} : memref<21120xi32, #tpu.memory_space<vmem>>, vector<16xi32>,
      %swap3A_1535 = arith.constant 12784 : index
      %swap3A_1536 = tpu.vector_load %arg14[%swap3A_1535] {strides = array<i32>} : memref<21120xi32, #tpu.memory_space<vmem>>, vector<16xi32>,
      tpu.vector_store %arg14[%swap3A_1535], %get3A_1534 {strides = array<i32>} : memref<21120xi32, #tpu.memory_space<vmem>>, vector<16xi32>,
      %eq3A_1537 = arith.constant 3 : i32
      %eq3A_1538 = vector.broadcast %eq3A_1537 : i32 to vector<16xi32>
      %eq3A_1539 = arith.cmpi eq, %iota3A, %eq3A_1538 : vector<16xi32>
      %and3A_1540 = arith.constant 127 : i32
      %and3A_1541 = arith.andi %squeeze3A_1413, %and3A_1540 : i32
      %broadcast_in_dim3A_1542 = vector.broadcast %and3A_1541 : i32 to vector<16xi32>
      %select_n3A_1543 = arith.select %eq3A_1539, %broadcast_in_dim3A_1542, %select_n3A_1403 : vector<16xi1>, vector<16xi32>
      %eq3A_1544 = arith.constant 3 : i32
      %eq3A_1545 = vector.broadcast %eq3A_1544 : i32 to vector<16xi32>
      %eq3A_1546 = arith.cmpi eq, %iota3A, %eq3A_1545 : vector<16xi32>
      %mul3A_1547 = arith.constant 128 : i32
      %mul3A_1548 = arith.muli %shift_right_arithmetic3A_1417, %mul3A_1547 : i32
      %add3A_1549 = arith.addi %squeeze3A_1415, %mul3A_1548 : i32
      %broadcast_in_dim3A_1550 = vector.broadcast %add3A_1549 : i32 to vector<16xi32>
      %select_n3A_1551 = arith.select %eq3A_1546, %broadcast_in_dim3A_1550, %select_n3A_1411 : vector<16xi1>, vector<16xi32>
      %slice3A_1552 = vector.extract_strided_slice %select_n3A_1543 {offsets = [4], sizes = [1], strides = [1]} : vector<16xi32> to vector<1xi32>
      %squeeze3A_1553 = vector.extract %slice3A_1552[0] : i32 from vector<1xi32>
      %slice3A_1554 = vector.extract_strided_slice %select_n3A_1551 {offsets = [4], sizes = [1], strides = [1]} : vector<16xi32> to vector<1xi32>
      %squeeze3A_1555 = vector.extract %slice3A_1554[0] : i32 from vector<1xi32>
      %shift_right_arithmetic3A_1556 = arith.constant 7 : i32
      %shift_right_arithmetic3A_1557 = arith.shrsi %squeeze3A_1553, %shift_right_arithmetic3A_1556 : i32
      %mul3A_1558 = arith.constant 5 : i32
      %mul3A_1559 = arith.muli %add3A, %mul3A_1558 : i32
      %add3A_1560 = arith.constant 4 : i32
      %add3A_1561 = arith.addi %mul3A_1559, %add3A_1560 : i32
      %mul3A_1562 = arith.constant 65536 : i32
      %mul3A_1563 = arith.muli %add3A_1561, %mul3A_1562 : i32
      %while3A_1564 = arith.constant 0 : i32
      %while3A_1565 = arith.constant 0 : i32
      %while3A_1566 = arith.subi %shift_right_arithmetic3A_1557, %while3A_1564 : i32
      %while3A_1567 = arith.addi %while3A_1564, %while3A_1566 : i32
      %while3A_1568 = arith.constant 1 : i32
      %while3A_1569 = arith.divsi %while3A_1566, %while3A_1568 : i32
      %while3A_1570 = arith.muli %while3A_1569, %while3A_1568 : i32
      %while3A_1571 = arith.addi %while3A_1564, %while3A_1570 : i32
      %while3A_1572 = arith.constant 1 : i32
      %while3A_1573 = scf.for %while3A_1697 = %while3A_1564 to %while3A_1571 step %while3A_1572 iter_args(%while3A_1698 = %while3A_1565) -> (i32)  : i32 {
        %mul3A_1699 = arith.constant 128 : i32
        %mul3A_1700 = arith.muli %while3A_1697, %mul3A_1699 : i32
        %add3A_1701 = arith.constant 16896 : i32
        %add3A_1702 = arith.addi %add3A_1701, %mul3A_1700 : i32
        %multiple_of3A_1703 = tpu.assume_multiple %add3A_1702, 128 : i32
        %add3A_1704 = arith.addi %mul3A_1563, %squeeze3A_1555 : i32
        %mul3A_1705 = arith.constant 128 : i32
        %mul3A_1706 = arith.muli %while3A_1697, %mul3A_1705 : i32
        %add3A_1707 = arith.addi %add3A_1704, %mul3A_1706 : i32
        %multiple_of3A_1708 = tpu.assume_multiple %add3A_1707, 128 : i32
        "tpu.region"() ({
          %run_scoped3A = tpu.sem_alloc : memref<!tpu.dma_semaphore, #tpu.memory_space<semaphore_mem>>
          %dma_start3A = tpu.memref_slice %arg13[%multiple_of3A_1703] : memref<21120xi32, #tpu.memory_space<vmem>> -> memref<128xi32, #tpu.memory_space<vmem>>
          %dma_start3A_1720 = tpu.memref_slice %arg5[%multiple_of3A_1708] : memref<10485760xi32, #tpu.memory_space<hbm>> -> memref<128xi32, #tpu.memory_space<hbm>>
          %dma_start3A_1721 = tpu.memref_slice %arg5[%multiple_of3A_1708] : memref<10485760xi32, #tpu.memory_space<hbm>> -> memref<128xi32, #tpu.memory_space<hbm>>
          %dma_start3A_1722 = tpu.memref_slice %arg13[%multiple_of3A_1703] : memref<21120xi32, #tpu.memory_space<vmem>> -> memref<128xi32, #tpu.memory_space<vmem>>
          tpu.enqueue_dma source(%dma_start3A_1722 : memref<128xi32, #tpu.memory_space<vmem>>) target(%dma_start3A_1721 : memref<128xi32, #tpu.memory_space<hbm>>) target_semaphore(%run_scoped3A : memref<!tpu.dma_semaphore, #tpu.memory_space<semaphore_mem>>)
          %dma_wait3A = tpu.memref_slice %arg13[%multiple_of3A_1703] : memref<21120xi32, #tpu.memory_space<vmem>> -> memref<128xi32, #tpu.memory_space<vmem>>
          %dma_wait3A_1723 = tpu.memref_slice %arg5[%multiple_of3A_1708] : memref<10485760xi32, #tpu.memory_space<hbm>> -> memref<128xi32, #tpu.memory_space<hbm>>
          %dma_wait3A_1724 = tpu.memref_slice %arg5[%multiple_of3A_1708] : memref<10485760xi32, #tpu.memory_space<hbm>> -> memref<128xi32, #tpu.memory_space<hbm>>
          %dma_wait3A_1725 = tpu.memref_slice %arg13[%multiple_of3A_1703] : memref<21120xi32, #tpu.memory_space<vmem>> -> memref<128xi32, #tpu.memory_space<vmem>>
          tpu.wait_dma2 semaphore(%run_scoped3A : memref<!tpu.dma_semaphore, #tpu.memory_space<semaphore_mem>>) src(%dma_wait3A_1725 : memref<128xi32, #tpu.memory_space<vmem>>) dst(%dma_wait3A_1724 : memref<128xi32, #tpu.memory_space<hbm>>)
          tpu.yield
        }) : () -> ()
        %mul3A_1709 = arith.constant 128 : i32
        %mul3A_1710 = arith.muli %while3A_1697, %mul3A_1709 : i32
        %add3A_1711 = arith.constant 16896 : i32
        %add3A_1712 = arith.addi %add3A_1711, %mul3A_1710 : i32
        %multiple_of3A_1713 = tpu.assume_multiple %add3A_1712, 128 : i32
        %add3A_1714 = arith.addi %mul3A_1563, %squeeze3A_1555 : i32
        %mul3A_1715 = arith.constant 128 : i32
        %mul3A_1716 = arith.muli %while3A_1697, %mul3A_1715 : i32
        %add3A_1717 = arith.addi %add3A_1714, %mul3A_1716 : i32
        %multiple_of3A_1718 = tpu.assume_multiple %add3A_1717, 128 : i32
        "tpu.region"() ({
          %run_scoped3A = tpu.sem_alloc : memref<!tpu.dma_semaphore, #tpu.memory_space<semaphore_mem>>
          %dma_start3A = tpu.memref_slice %arg14[%multiple_of3A_1713] : memref<21120xi32, #tpu.memory_space<vmem>> -> memref<128xi32, #tpu.memory_space<vmem>>
          %dma_start3A_1720 = tpu.memref_slice %arg6[%multiple_of3A_1718] : memref<10485760xi32, #tpu.memory_space<hbm>> -> memref<128xi32, #tpu.memory_space<hbm>>
          %dma_start3A_1721 = tpu.memref_slice %arg6[%multiple_of3A_1718] : memref<10485760xi32, #tpu.memory_space<hbm>> -> memref<128xi32, #tpu.memory_space<hbm>>
          %dma_start3A_1722 = tpu.memref_slice %arg14[%multiple_of3A_1713] : memref<21120xi32, #tpu.memory_space<vmem>> -> memref<128xi32, #tpu.memory_space<vmem>>
          tpu.enqueue_dma source(%dma_start3A_1722 : memref<128xi32, #tpu.memory_space<vmem>>) target(%dma_start3A_1721 : memref<128xi32, #tpu.memory_space<hbm>>) target_semaphore(%run_scoped3A : memref<!tpu.dma_semaphore, #tpu.memory_space<semaphore_mem>>)
          %dma_wait3A = tpu.memref_slice %arg14[%multiple_of3A_1713] : memref<21120xi32, #tpu.memory_space<vmem>> -> memref<128xi32, #tpu.memory_space<vmem>>
          %dma_wait3A_1723 = tpu.memref_slice %arg6[%multiple_of3A_1718] : memref<10485760xi32, #tpu.memory_space<hbm>> -> memref<128xi32, #tpu.memory_space<hbm>>
          %dma_wait3A_1724 = tpu.memref_slice %arg6[%multiple_of3A_1718] : memref<10485760xi32, #tpu.memory_space<hbm>> -> memref<128xi32, #tpu.memory_space<hbm>>
          %dma_wait3A_1725 = tpu.memref_slice %arg14[%multiple_of3A_1713] : memref<21120xi32, #tpu.memory_space<vmem>> -> memref<128xi32, #tpu.memory_space<vmem>>
          tpu.wait_dma2 semaphore(%run_scoped3A : memref<!tpu.dma_semaphore, #tpu.memory_space<semaphore_mem>>) src(%dma_wait3A_1725 : memref<128xi32, #tpu.memory_space<vmem>>) dst(%dma_wait3A_1724 : memref<128xi32, #tpu.memory_space<hbm>>)
          tpu.yield
        }) : () -> ()
        %while3A_1719 = arith.constant 0 : i32
        scf.yield %while3A_1719 : i32
      }
      %while3A_1574 = arith.constant 1 : i32
      %while3A_1575 = scf.for %while3A_1697 = %while3A_1571 to %while3A_1567 step %while3A_1574 iter_args(%while3A_1698 = %while3A_1573) -> (i32)  : i32 {
        %mul3A_1699 = arith.constant 128 : i32
        %mul3A_1700 = arith.muli %while3A_1697, %mul3A_1699 : i32
        %add3A_1701 = arith.constant 16896 : i32
        %add3A_1702 = arith.addi %add3A_1701, %mul3A_1700 : i32
        %multiple_of3A_1703 = tpu.assume_multiple %add3A_1702, 128 : i32
        %add3A_1704 = arith.addi %mul3A_1563, %squeeze3A_1555 : i32
        %mul3A_1705 = arith.constant 128 : i32
        %mul3A_1706 = arith.muli %while3A_1697, %mul3A_1705 : i32
        %add3A_1707 = arith.addi %add3A_1704, %mul3A_1706 : i32
        %multiple_of3A_1708 = tpu.assume_multiple %add3A_1707, 128 : i32
        "tpu.region"() ({
          %run_scoped3A = tpu.sem_alloc : memref<!tpu.dma_semaphore, #tpu.memory_space<semaphore_mem>>
          %dma_start3A = tpu.memref_slice %arg13[%multiple_of3A_1703] : memref<21120xi32, #tpu.memory_space<vmem>> -> memref<128xi32, #tpu.memory_space<vmem>>
          %dma_start3A_1720 = tpu.memref_slice %arg5[%multiple_of3A_1708] : memref<10485760xi32, #tpu.memory_space<hbm>> -> memref<128xi32, #tpu.memory_space<hbm>>
          %dma_start3A_1721 = tpu.memref_slice %arg5[%multiple_of3A_1708] : memref<10485760xi32, #tpu.memory_space<hbm>> -> memref<128xi32, #tpu.memory_space<hbm>>
          %dma_start3A_1722 = tpu.memref_slice %arg13[%multiple_of3A_1703] : memref<21120xi32, #tpu.memory_space<vmem>> -> memref<128xi32, #tpu.memory_space<vmem>>
          tpu.enqueue_dma source(%dma_start3A_1722 : memref<128xi32, #tpu.memory_space<vmem>>) target(%dma_start3A_1721 : memref<128xi32, #tpu.memory_space<hbm>>) target_semaphore(%run_scoped3A : memref<!tpu.dma_semaphore, #tpu.memory_space<semaphore_mem>>)
          %dma_wait3A = tpu.memref_slice %arg13[%multiple_of3A_1703] : memref<21120xi32, #tpu.memory_space<vmem>> -> memref<128xi32, #tpu.memory_space<vmem>>
          %dma_wait3A_1723 = tpu.memref_slice %arg5[%multiple_of3A_1708] : memref<10485760xi32, #tpu.memory_space<hbm>> -> memref<128xi32, #tpu.memory_space<hbm>>
          %dma_wait3A_1724 = tpu.memref_slice %arg5[%multiple_of3A_1708] : memref<10485760xi32, #tpu.memory_space<hbm>> -> memref<128xi32, #tpu.memory_space<hbm>>
          %dma_wait3A_1725 = tpu.memref_slice %arg13[%multiple_of3A_1703] : memref<21120xi32, #tpu.memory_space<vmem>> -> memref<128xi32, #tpu.memory_space<vmem>>
          tpu.wait_dma2 semaphore(%run_scoped3A : memref<!tpu.dma_semaphore, #tpu.memory_space<semaphore_mem>>) src(%dma_wait3A_1725 : memref<128xi32, #tpu.memory_space<vmem>>) dst(%dma_wait3A_1724 : memref<128xi32, #tpu.memory_space<hbm>>)
          tpu.yield
        }) : () -> ()
        %mul3A_1709 = arith.constant 128 : i32
        %mul3A_1710 = arith.muli %while3A_1697, %mul3A_1709 : i32
        %add3A_1711 = arith.constant 16896 : i32
        %add3A_1712 = arith.addi %add3A_1711, %mul3A_1710 : i32
        %multiple_of3A_1713 = tpu.assume_multiple %add3A_1712, 128 : i32
        %add3A_1714 = arith.addi %mul3A_1563, %squeeze3A_1555 : i32
        %mul3A_1715 = arith.constant 128 : i32
        %mul3A_1716 = arith.muli %while3A_1697, %mul3A_1715 : i32
        %add3A_1717 = arith.addi %add3A_1714, %mul3A_1716 : i32
        %multiple_of3A_1718 = tpu.assume_multiple %add3A_1717, 128 : i32
        "tpu.region"() ({
          %run_scoped3A = tpu.sem_alloc : memref<!tpu.dma_semaphore, #tpu.memory_space<semaphore_mem>>
          %dma_start3A = tpu.memref_slice %arg14[%multiple_of3A_1713] : memref<21120xi32, #tpu.memory_space<vmem>> -> memref<128xi32, #tpu.memory_space<vmem>>
          %dma_start3A_1720 = tpu.memref_slice %arg6[%multiple_of3A_1718] : memref<10485760xi32, #tpu.memory_space<hbm>> -> memref<128xi32, #tpu.memory_space<hbm>>
          %dma_start3A_1721 = tpu.memref_slice %arg6[%multiple_of3A_1718] : memref<10485760xi32, #tpu.memory_space<hbm>> -> memref<128xi32, #tpu.memory_space<hbm>>
          %dma_start3A_1722 = tpu.memref_slice %arg14[%multiple_of3A_1713] : memref<21120xi32, #tpu.memory_space<vmem>> -> memref<128xi32, #tpu.memory_space<vmem>>
          tpu.enqueue_dma source(%dma_start3A_1722 : memref<128xi32, #tpu.memory_space<vmem>>) target(%dma_start3A_1721 : memref<128xi32, #tpu.memory_space<hbm>>) target_semaphore(%run_scoped3A : memref<!tpu.dma_semaphore, #tpu.memory_space<semaphore_mem>>)
          %dma_wait3A = tpu.memref_slice %arg14[%multiple_of3A_1713] : memref<21120xi32, #tpu.memory_space<vmem>> -> memref<128xi32, #tpu.memory_space<vmem>>
          %dma_wait3A_1723 = tpu.memref_slice %arg6[%multiple_of3A_1718] : memref<10485760xi32, #tpu.memory_space<hbm>> -> memref<128xi32, #tpu.memory_space<hbm>>
          %dma_wait3A_1724 = tpu.memref_slice %arg6[%multiple_of3A_1718] : memref<10485760xi32, #tpu.memory_space<hbm>> -> memref<128xi32, #tpu.memory_space<hbm>>
          %dma_wait3A_1725 = tpu.memref_slice %arg14[%multiple_of3A_1713] : memref<21120xi32, #tpu.memory_space<vmem>> -> memref<128xi32, #tpu.memory_space<vmem>>
          tpu.wait_dma2 semaphore(%run_scoped3A : memref<!tpu.dma_semaphore, #tpu.memory_space<semaphore_mem>>) src(%dma_wait3A_1725 : memref<128xi32, #tpu.memory_space<vmem>>) dst(%dma_wait3A_1724 : memref<128xi32, #tpu.memory_space<hbm>>)
          tpu.yield
        }) : () -> ()
        %while3A_1719 = arith.constant 0 : i32
        scf.yield %while3A_1719 : i32
      }
      %mul3A_1576 = arith.constant 128 : i32
      %mul3A_1577 = arith.muli %shift_right_arithmetic3A_1557, %mul3A_1576 : i32
      %add3A_1578 = arith.constant 16896 : i32
      %add3A_1579 = arith.addi %add3A_1578, %mul3A_1577 : i32
      %multiple_of3A_1580 = tpu.assume_multiple %add3A_1579, 128 : i32
      %add3A_1581 = arith.constant 0 : i32
      %add3A_1582 = arith.addi %multiple_of3A_1580, %add3A_1581 : i32
      %get3A_1583 = arith.index_cast %add3A_1582 : i32 to index
      %get3A_1584 = tpu.vector_load %arg13[%get3A_1583] {strides = array<i32>} : memref<21120xi32, #tpu.memory_space<vmem>>, vector<16xi32>,
      %swap3A_1585 = arith.constant 16896 : index
      %swap3A_1586 = tpu.vector_load %arg13[%swap3A_1585] {strides = array<i32>} : memref<21120xi32, #tpu.memory_space<vmem>>, vector<16xi32>,
      tpu.vector_store %arg13[%swap3A_1585], %get3A_1584 {strides = array<i32>} : memref<21120xi32, #tpu.memory_space<vmem>>, vector<16xi32>,
      %add3A_1587 = arith.constant 0 : i32
      %add3A_1588 = arith.addi %multiple_of3A_1580, %add3A_1587 : i32
      %get3A_1589 = arith.index_cast %add3A_1588 : i32 to index
      %get3A_1590 = tpu.vector_load %arg14[%get3A_1589] {strides = array<i32>} : memref<21120xi32, #tpu.memory_space<vmem>>, vector<16xi32>,
      %swap3A_1591 = arith.constant 16896 : index
      %swap3A_1592 = tpu.vector_load %arg14[%swap3A_1591] {strides = array<i32>} : memref<21120xi32, #tpu.memory_space<vmem>>, vector<16xi32>,
      tpu.vector_store %arg14[%swap3A_1591], %get3A_1590 {strides = array<i32>} : memref<21120xi32, #tpu.memory_space<vmem>>, vector<16xi32>,
      %add3A_1593 = arith.constant 16 : i32
      %add3A_1594 = arith.addi %multiple_of3A_1580, %add3A_1593 : i32
      %get3A_1595 = arith.index_cast %add3A_1594 : i32 to index
      %get3A_1596 = tpu.vector_load %arg13[%get3A_1595] {strides = array<i32>} : memref<21120xi32, #tpu.memory_space<vmem>>, vector<16xi32>,
      %swap3A_1597 = arith.constant 16912 : index
      %swap3A_1598 = tpu.vector_load %arg13[%swap3A_1597] {strides = array<i32>} : memref<21120xi32, #tpu.memory_space<vmem>>, vector<16xi32>,
      tpu.vector_store %arg13[%swap3A_1597], %get3A_1596 {strides = array<i32>} : memref<21120xi32, #tpu.memory_space<vmem>>, vector<16xi32>,
      %add3A_1599 = arith.constant 16 : i32
      %add3A_1600 = arith.addi %multiple_of3A_1580, %add3A_1599 : i32
      %get3A_1601 = arith.index_cast %add3A_1600 : i32 to index
      %get3A_1602 = tpu.vector_load %arg14[%get3A_1601] {strides = array<i32>} : memref<21120xi32, #tpu.memory_space<vmem>>, vector<16xi32>,
      %swap3A_1603 = arith.constant 16912 : index
      %swap3A_1604 = tpu.vector_load %arg14[%swap3A_1603] {strides = array<i32>} : memref<21120xi32, #tpu.memory_space<vmem>>, vector<16xi32>,
      tpu.vector_store %arg14[%swap3A_1603], %get3A_1602 {strides = array<i32>} : memref<21120xi32, #tpu.memory_space<vmem>>, vector<16xi32>,
      %add3A_1605 = arith.constant 32 : i32
      %add3A_1606 = arith.addi %multiple_of3A_1580, %add3A_1605 : i32
      %get3A_1607 = arith.index_cast %add3A_1606 : i32 to index
      %get3A_1608 = tpu.vector_load %arg13[%get3A_1607] {strides = array<i32>} : memref<21120xi32, #tpu.memory_space<vmem>>, vector<16xi32>,
      %swap3A_1609 = arith.constant 16928 : index
      %swap3A_1610 = tpu.vector_load %arg13[%swap3A_1609] {strides = array<i32>} : memref<21120xi32, #tpu.memory_space<vmem>>, vector<16xi32>,
      tpu.vector_store %arg13[%swap3A_1609], %get3A_1608 {strides = array<i32>} : memref<21120xi32, #tpu.memory_space<vmem>>, vector<16xi32>,
      %add3A_1611 = arith.constant 32 : i32
      %add3A_1612 = arith.addi %multiple_of3A_1580, %add3A_1611 : i32
      %get3A_1613 = arith.index_cast %add3A_1612 : i32 to index
      %get3A_1614 = tpu.vector_load %arg14[%get3A_1613] {strides = array<i32>} : memref<21120xi32, #tpu.memory_space<vmem>>, vector<16xi32>,
      %swap3A_1615 = arith.constant 16928 : index
      %swap3A_1616 = tpu.vector_load %arg14[%swap3A_1615] {strides = array<i32>} : memref<21120xi32, #tpu.memory_space<vmem>>, vector<16xi32>,
      tpu.vector_store %arg14[%swap3A_1615], %get3A_1614 {strides = array<i32>} : memref<21120xi32, #tpu.memory_space<vmem>>, vector<16xi32>,
      %add3A_1617 = arith.constant 48 : i32
      %add3A_1618 = arith.addi %multiple_of3A_1580, %add3A_1617 : i32
      %get3A_1619 = arith.index_cast %add3A_1618 : i32 to index
      %get3A_1620 = tpu.vector_load %arg13[%get3A_1619] {strides = array<i32>} : memref<21120xi32, #tpu.memory_space<vmem>>, vector<16xi32>,
      %swap3A_1621 = arith.constant 16944 : index
      %swap3A_1622 = tpu.vector_load %arg13[%swap3A_1621] {strides = array<i32>} : memref<21120xi32, #tpu.memory_space<vmem>>, vector<16xi32>,
      tpu.vector_store %arg13[%swap3A_1621], %get3A_1620 {strides = array<i32>} : memref<21120xi32, #tpu.memory_space<vmem>>, vector<16xi32>,
      %add3A_1623 = arith.constant 48 : i32
      %add3A_1624 = arith.addi %multiple_of3A_1580, %add3A_1623 : i32
      %get3A_1625 = arith.index_cast %add3A_1624 : i32 to index
      %get3A_1626 = tpu.vector_load %arg14[%get3A_1625] {strides = array<i32>} : memref<21120xi32, #tpu.memory_space<vmem>>, vector<16xi32>,
      %swap3A_1627 = arith.constant 16944 : index
      %swap3A_1628 = tpu.vector_load %arg14[%swap3A_1627] {strides = array<i32>} : memref<21120xi32, #tpu.memory_space<vmem>>, vector<16xi32>,
      tpu.vector_store %arg14[%swap3A_1627], %get3A_1626 {strides = array<i32>} : memref<21120xi32, #tpu.memory_space<vmem>>, vector<16xi32>,
      %add3A_1629 = arith.constant 64 : i32
      %add3A_1630 = arith.addi %multiple_of3A_1580, %add3A_1629 : i32
      %get3A_1631 = arith.index_cast %add3A_1630 : i32 to index
      %get3A_1632 = tpu.vector_load %arg13[%get3A_1631] {strides = array<i32>} : memref<21120xi32, #tpu.memory_space<vmem>>, vector<16xi32>,
      %swap3A_1633 = arith.constant 16960 : index
      %swap3A_1634 = tpu.vector_load %arg13[%swap3A_1633] {strides = array<i32>} : memref<21120xi32, #tpu.memory_space<vmem>>, vector<16xi32>,
      tpu.vector_store %arg13[%swap3A_1633], %get3A_1632 {strides = array<i32>} : memref<21120xi32, #tpu.memory_space<vmem>>, vector<16xi32>,
      %add3A_1635 = arith.constant 64 : i32
      %add3A_1636 = arith.addi %multiple_of3A_1580, %add3A_1635 : i32
      %get3A_1637 = arith.index_cast %add3A_1636 : i32 to index
      %get3A_1638 = tpu.vector_load %arg14[%get3A_1637] {strides = array<i32>} : memref<21120xi32, #tpu.memory_space<vmem>>, vector<16xi32>,
      %swap3A_1639 = arith.constant 16960 : index
      %swap3A_1640 = tpu.vector_load %arg14[%swap3A_1639] {strides = array<i32>} : memref<21120xi32, #tpu.memory_space<vmem>>, vector<16xi32>,
      tpu.vector_store %arg14[%swap3A_1639], %get3A_1638 {strides = array<i32>} : memref<21120xi32, #tpu.memory_space<vmem>>, vector<16xi32>,
      %add3A_1641 = arith.constant 80 : i32
      %add3A_1642 = arith.addi %multiple_of3A_1580, %add3A_1641 : i32
      %get3A_1643 = arith.index_cast %add3A_1642 : i32 to index
      %get3A_1644 = tpu.vector_load %arg13[%get3A_1643] {strides = array<i32>} : memref<21120xi32, #tpu.memory_space<vmem>>, vector<16xi32>,
      %swap3A_1645 = arith.constant 16976 : index
      %swap3A_1646 = tpu.vector_load %arg13[%swap3A_1645] {strides = array<i32>} : memref<21120xi32, #tpu.memory_space<vmem>>, vector<16xi32>,
      tpu.vector_store %arg13[%swap3A_1645], %get3A_1644 {strides = array<i32>} : memref<21120xi32, #tpu.memory_space<vmem>>, vector<16xi32>,
      %add3A_1647 = arith.constant 80 : i32
      %add3A_1648 = arith.addi %multiple_of3A_1580, %add3A_1647 : i32
      %get3A_1649 = arith.index_cast %add3A_1648 : i32 to index
      %get3A_1650 = tpu.vector_load %arg14[%get3A_1649] {strides = array<i32>} : memref<21120xi32, #tpu.memory_space<vmem>>, vector<16xi32>,
      %swap3A_1651 = arith.constant 16976 : index
      %swap3A_1652 = tpu.vector_load %arg14[%swap3A_1651] {strides = array<i32>} : memref<21120xi32, #tpu.memory_space<vmem>>, vector<16xi32>,
      tpu.vector_store %arg14[%swap3A_1651], %get3A_1650 {strides = array<i32>} : memref<21120xi32, #tpu.memory_space<vmem>>, vector<16xi32>,
      %add3A_1653 = arith.constant 96 : i32
      %add3A_1654 = arith.addi %multiple_of3A_1580, %add3A_1653 : i32
      %get3A_1655 = arith.index_cast %add3A_1654 : i32 to index
      %get3A_1656 = tpu.vector_load %arg13[%get3A_1655] {strides = array<i32>} : memref<21120xi32, #tpu.memory_space<vmem>>, vector<16xi32>,
      %swap3A_1657 = arith.constant 16992 : index
      %swap3A_1658 = tpu.vector_load %arg13[%swap3A_1657] {strides = array<i32>} : memref<21120xi32, #tpu.memory_space<vmem>>, vector<16xi32>,
      tpu.vector_store %arg13[%swap3A_1657], %get3A_1656 {strides = array<i32>} : memref<21120xi32, #tpu.memory_space<vmem>>, vector<16xi32>,
      %add3A_1659 = arith.constant 96 : i32
      %add3A_1660 = arith.addi %multiple_of3A_1580, %add3A_1659 : i32
      %get3A_1661 = arith.index_cast %add3A_1660 : i32 to index
      %get3A_1662 = tpu.vector_load %arg14[%get3A_1661] {strides = array<i32>} : memref<21120xi32, #tpu.memory_space<vmem>>, vector<16xi32>,
      %swap3A_1663 = arith.constant 16992 : index
      %swap3A_1664 = tpu.vector_load %arg14[%swap3A_1663] {strides = array<i32>} : memref<21120xi32, #tpu.memory_space<vmem>>, vector<16xi32>,
      tpu.vector_store %arg14[%swap3A_1663], %get3A_1662 {strides = array<i32>} : memref<21120xi32, #tpu.memory_space<vmem>>, vector<16xi32>,
      %add3A_1665 = arith.constant 112 : i32
      %add3A_1666 = arith.addi %multiple_of3A_1580, %add3A_1665 : i32
      %get3A_1667 = arith.index_cast %add3A_1666 : i32 to index
      %get3A_1668 = tpu.vector_load %arg13[%get3A_1667] {strides = array<i32>} : memref<21120xi32, #tpu.memory_space<vmem>>, vector<16xi32>,
      %swap3A_1669 = arith.constant 17008 : index
      %swap3A_1670 = tpu.vector_load %arg13[%swap3A_1669] {strides = array<i32>} : memref<21120xi32, #tpu.memory_space<vmem>>, vector<16xi32>,
      tpu.vector_store %arg13[%swap3A_1669], %get3A_1668 {strides = array<i32>} : memref<21120xi32, #tpu.memory_space<vmem>>, vector<16xi32>,
      %add3A_1671 = arith.constant 112 : i32
      %add3A_1672 = arith.addi %multiple_of3A_1580, %add3A_1671 : i32
      %get3A_1673 = arith.index_cast %add3A_1672 : i32 to index
      %get3A_1674 = tpu.vector_load %arg14[%get3A_1673] {strides = array<i32>} : memref<21120xi32, #tpu.memory_space<vmem>>, vector<16xi32>,
      %swap3A_1675 = arith.constant 17008 : index
      %swap3A_1676 = tpu.vector_load %arg14[%swap3A_1675] {strides = array<i32>} : memref<21120xi32, #tpu.memory_space<vmem>>, vector<16xi32>,
      tpu.vector_store %arg14[%swap3A_1675], %get3A_1674 {strides = array<i32>} : memref<21120xi32, #tpu.memory_space<vmem>>, vector<16xi32>,
      %eq3A_1677 = arith.constant 4 : i32
      %eq3A_1678 = vector.broadcast %eq3A_1677 : i32 to vector<16xi32>
      %eq3A_1679 = arith.cmpi eq, %iota3A, %eq3A_1678 : vector<16xi32>
      %and3A_1680 = arith.constant 127 : i32
      %and3A_1681 = arith.andi %squeeze3A_1553, %and3A_1680 : i32
      %broadcast_in_dim3A_1682 = vector.broadcast %and3A_1681 : i32 to vector<16xi32>
      %select_n3A_1683 = arith.select %eq3A_1679, %broadcast_in_dim3A_1682, %select_n3A_1543 : vector<16xi1>, vector<16xi32>
      %eq3A_1684 = arith.constant 4 : i32
      %eq3A_1685 = vector.broadcast %eq3A_1684 : i32 to vector<16xi32>
      %eq3A_1686 = arith.cmpi eq, %iota3A, %eq3A_1685 : vector<16xi32>
      %mul3A_1687 = arith.constant 128 : i32
      %mul3A_1688 = arith.muli %shift_right_arithmetic3A_1557, %mul3A_1687 : i32
      %add3A_1689 = arith.addi %squeeze3A_1555, %mul3A_1688 : i32
      %broadcast_in_dim3A_1690 = vector.broadcast %add3A_1689 : i32 to vector<16xi32>
      %select_n3A_1691 = arith.select %eq3A_1686, %broadcast_in_dim3A_1690, %select_n3A_1551 : vector<16xi1>, vector<16xi32>
      %swap3A_1692 = arith.constant 0 : index
      %swap3A_1693 = tpu.vector_load %arg16[%swap3A_1692] {strides = array<i32>} : memref<16xi32, #tpu.memory_space<vmem>>, vector<16xi32>,
      tpu.vector_store %arg16[%swap3A_1692], %select_n3A_1683 {strides = array<i32>} : memref<16xi32, #tpu.memory_space<vmem>>, vector<16xi32>,
      %swap3A_1694 = arith.constant 0 : index
      %swap3A_1695 = tpu.vector_load %arg17[%swap3A_1694] {strides = array<i32>} : memref<16xi32, #tpu.memory_space<vmem>>, vector<16xi32>,
      tpu.vector_store %arg17[%swap3A_1694], %select_n3A_1691 {strides = array<i32>} : memref<16xi32, #tpu.memory_space<vmem>>, vector<16xi32>,
      %scan3A_1696 = arith.constant 0 : i32
      scf.yield %scan3A_1696 : i32
    }
    %scan3A_21 = arith.constant 16 : i32
    %get3A = arith.constant 0 : index
    %get3A_22 = tpu.vector_load %arg16[%get3A] {strides = array<i32>} : memref<16xi32, #tpu.memory_space<vmem>>, vector<16xi32>,
    %get3A_23 = arith.constant 0 : index
    %get3A_24 = tpu.vector_load %arg17[%get3A_23] {strides = array<i32>} : memref<16xi32, #tpu.memory_space<vmem>>, vector<16xi32>,
    %slice3A = vector.extract_strided_slice %get3A_22 {offsets = [0], sizes = [1], strides = [1]} : vector<16xi32> to vector<1xi32>
    %squeeze3A = vector.extract %slice3A[0] : i32 from vector<1xi32>
    %slice3A_25 = vector.extract_strided_slice %get3A_24 {offsets = [0], sizes = [1], strides = [1]} : vector<16xi32> to vector<1xi32>
    %squeeze3A_26 = vector.extract %slice3A_25[0] : i32 from vector<1xi32>
    %mul3A_27 = arith.constant 5 : i32
    %mul3A_28 = arith.muli %add3A, %mul3A_27 : i32
    %add3A_29 = arith.constant 0 : i32
    %add3A_30 = arith.addi %mul3A_28, %add3A_29 : i32
    %mul3A_31 = arith.constant 65536 : i32
    %mul3A_32 = arith.muli %add3A_30, %mul3A_31 : i32
    %add3A_33 = arith.constant 0 : i32
    %add3A_34 = vector.broadcast %add3A_33 : i32 to vector<16xi32>
    %add3A_35 = arith.addi %iota3A, %add3A_34 : vector<16xi32>
    %get3A_36 = arith.constant 0 : index
    %get3A_37 = tpu.vector_load %arg13[%get3A_36] {strides = array<i32>} : memref<21120xi32, #tpu.memory_space<vmem>>, vector<16xi32>,
    %lt3A = vector.broadcast %squeeze3A : i32 to vector<16xi32>
    %lt3A_38 = arith.cmpi slt, %add3A_35, %lt3A : vector<16xi32>
    %jit3A = arith.constant 0 : i32
    %broadcast_in_dim3A_39 = vector.broadcast %jit3A : i32 to vector<16xi32>
    %select_n3A = arith.select %lt3A_38, %get3A_37, %broadcast_in_dim3A_39 : vector<16xi1>, vector<16xi32>
    %swap3A_40 = arith.constant 0 : index
    %swap3A_41 = tpu.vector_load %arg13[%swap3A_40] {strides = array<i32>} : memref<21120xi32, #tpu.memory_space<vmem>>, vector<16xi32>,
    tpu.vector_store %arg13[%swap3A_40], %select_n3A {strides = array<i32>} : memref<21120xi32, #tpu.memory_space<vmem>>, vector<16xi32>,
    %get3A_42 = arith.constant 0 : index
    %get3A_43 = tpu.vector_load %arg14[%get3A_42] {strides = array<i32>} : memref<21120xi32, #tpu.memory_space<vmem>>, vector<16xi32>,
    %lt3A_44 = vector.broadcast %squeeze3A : i32 to vector<16xi32>
    %lt3A_45 = arith.cmpi slt, %add3A_35, %lt3A_44 : vector<16xi32>
    %jit3A_46 = arith.constant 256 : i32
    %broadcast_in_dim3A_47 = vector.broadcast %jit3A_46 : i32 to vector<16xi32>
    %select_n3A_48 = arith.select %lt3A_45, %get3A_43, %broadcast_in_dim3A_47 : vector<16xi1>, vector<16xi32>
    %swap3A_49 = arith.constant 0 : index
    %swap3A_50 = tpu.vector_load %arg14[%swap3A_49] {strides = array<i32>} : memref<21120xi32, #tpu.memory_space<vmem>>, vector<16xi32>,
    tpu.vector_store %arg14[%swap3A_49], %select_n3A_48 {strides = array<i32>} : memref<21120xi32, #tpu.memory_space<vmem>>, vector<16xi32>,
    %add3A_51 = arith.constant 16 : i32
    %add3A_52 = vector.broadcast %add3A_51 : i32 to vector<16xi32>
    %add3A_53 = arith.addi %iota3A, %add3A_52 : vector<16xi32>
    %get3A_54 = arith.constant 16 : index
    %get3A_55 = tpu.vector_load %arg13[%get3A_54] {strides = array<i32>} : memref<21120xi32, #tpu.memory_space<vmem>>, vector<16xi32>,
    %lt3A_56 = vector.broadcast %squeeze3A : i32 to vector<16xi32>
    %lt3A_57 = arith.cmpi slt, %add3A_53, %lt3A_56 : vector<16xi32>
    %jit3A_58 = arith.constant 0 : i32
    %broadcast_in_dim3A_59 = vector.broadcast %jit3A_58 : i32 to vector<16xi32>
    %select_n3A_60 = arith.select %lt3A_57, %get3A_55, %broadcast_in_dim3A_59 : vector<16xi1>, vector<16xi32>
    %swap3A_61 = arith.constant 16 : index
    %swap3A_62 = tpu.vector_load %arg13[%swap3A_61] {strides = array<i32>} : memref<21120xi32, #tpu.memory_space<vmem>>, vector<16xi32>,
    tpu.vector_store %arg13[%swap3A_61], %select_n3A_60 {strides = array<i32>} : memref<21120xi32, #tpu.memory_space<vmem>>, vector<16xi32>,
    %get3A_63 = arith.constant 16 : index
    %get3A_64 = tpu.vector_load %arg14[%get3A_63] {strides = array<i32>} : memref<21120xi32, #tpu.memory_space<vmem>>, vector<16xi32>,
    %lt3A_65 = vector.broadcast %squeeze3A : i32 to vector<16xi32>
    %lt3A_66 = arith.cmpi slt, %add3A_53, %lt3A_65 : vector<16xi32>
    %jit3A_67 = arith.constant 256 : i32
    %broadcast_in_dim3A_68 = vector.broadcast %jit3A_67 : i32 to vector<16xi32>
    %select_n3A_69 = arith.select %lt3A_66, %get3A_64, %broadcast_in_dim3A_68 : vector<16xi1>, vector<16xi32>
    %swap3A_70 = arith.constant 16 : index
    %swap3A_71 = tpu.vector_load %arg14[%swap3A_70] {strides = array<i32>} : memref<21120xi32, #tpu.memory_space<vmem>>, vector<16xi32>,
    tpu.vector_store %arg14[%swap3A_70], %select_n3A_69 {strides = array<i32>} : memref<21120xi32, #tpu.memory_space<vmem>>, vector<16xi32>,
    %add3A_72 = arith.constant 32 : i32
    %add3A_73 = vector.broadcast %add3A_72 : i32 to vector<16xi32>
    %add3A_74 = arith.addi %iota3A, %add3A_73 : vector<16xi32>
    %get3A_75 = arith.constant 32 : index
    %get3A_76 = tpu.vector_load %arg13[%get3A_75] {strides = array<i32>} : memref<21120xi32, #tpu.memory_space<vmem>>, vector<16xi32>,
    %lt3A_77 = vector.broadcast %squeeze3A : i32 to vector<16xi32>
    %lt3A_78 = arith.cmpi slt, %add3A_74, %lt3A_77 : vector<16xi32>
    %jit3A_79 = arith.constant 0 : i32
    %broadcast_in_dim3A_80 = vector.broadcast %jit3A_79 : i32 to vector<16xi32>
    %select_n3A_81 = arith.select %lt3A_78, %get3A_76, %broadcast_in_dim3A_80 : vector<16xi1>, vector<16xi32>
    %swap3A_82 = arith.constant 32 : index
    %swap3A_83 = tpu.vector_load %arg13[%swap3A_82] {strides = array<i32>} : memref<21120xi32, #tpu.memory_space<vmem>>, vector<16xi32>,
    tpu.vector_store %arg13[%swap3A_82], %select_n3A_81 {strides = array<i32>} : memref<21120xi32, #tpu.memory_space<vmem>>, vector<16xi32>,
    %get3A_84 = arith.constant 32 : index
    %get3A_85 = tpu.vector_load %arg14[%get3A_84] {strides = array<i32>} : memref<21120xi32, #tpu.memory_space<vmem>>, vector<16xi32>,
    %lt3A_86 = vector.broadcast %squeeze3A : i32 to vector<16xi32>
    %lt3A_87 = arith.cmpi slt, %add3A_74, %lt3A_86 : vector<16xi32>
    %jit3A_88 = arith.constant 256 : i32
    %broadcast_in_dim3A_89 = vector.broadcast %jit3A_88 : i32 to vector<16xi32>
    %select_n3A_90 = arith.select %lt3A_87, %get3A_85, %broadcast_in_dim3A_89 : vector<16xi1>, vector<16xi32>
    %swap3A_91 = arith.constant 32 : index
    %swap3A_92 = tpu.vector_load %arg14[%swap3A_91] {strides = array<i32>} : memref<21120xi32, #tpu.memory_space<vmem>>, vector<16xi32>,
    tpu.vector_store %arg14[%swap3A_91], %select_n3A_90 {strides = array<i32>} : memref<21120xi32, #tpu.memory_space<vmem>>, vector<16xi32>,
    %add3A_93 = arith.constant 48 : i32
    %add3A_94 = vector.broadcast %add3A_93 : i32 to vector<16xi32>
    %add3A_95 = arith.addi %iota3A, %add3A_94 : vector<16xi32>
    %get3A_96 = arith.constant 48 : index
    %get3A_97 = tpu.vector_load %arg13[%get3A_96] {strides = array<i32>} : memref<21120xi32, #tpu.memory_space<vmem>>, vector<16xi32>,
    %lt3A_98 = vector.broadcast %squeeze3A : i32 to vector<16xi32>
    %lt3A_99 = arith.cmpi slt, %add3A_95, %lt3A_98 : vector<16xi32>
    %jit3A_100 = arith.constant 0 : i32
    %broadcast_in_dim3A_101 = vector.broadcast %jit3A_100 : i32 to vector<16xi32>
    %select_n3A_102 = arith.select %lt3A_99, %get3A_97, %broadcast_in_dim3A_101 : vector<16xi1>, vector<16xi32>
    %swap3A_103 = arith.constant 48 : index
    %swap3A_104 = tpu.vector_load %arg13[%swap3A_103] {strides = array<i32>} : memref<21120xi32, #tpu.memory_space<vmem>>, vector<16xi32>,
    tpu.vector_store %arg13[%swap3A_103], %select_n3A_102 {strides = array<i32>} : memref<21120xi32, #tpu.memory_space<vmem>>, vector<16xi32>,
    %get3A_105 = arith.constant 48 : index
    %get3A_106 = tpu.vector_load %arg14[%get3A_105] {strides = array<i32>} : memref<21120xi32, #tpu.memory_space<vmem>>, vector<16xi32>,
    %lt3A_107 = vector.broadcast %squeeze3A : i32 to vector<16xi32>
    %lt3A_108 = arith.cmpi slt, %add3A_95, %lt3A_107 : vector<16xi32>
    %jit3A_109 = arith.constant 256 : i32
    %broadcast_in_dim3A_110 = vector.broadcast %jit3A_109 : i32 to vector<16xi32>
    %select_n3A_111 = arith.select %lt3A_108, %get3A_106, %broadcast_in_dim3A_110 : vector<16xi1>, vector<16xi32>
    %swap3A_112 = arith.constant 48 : index
    %swap3A_113 = tpu.vector_load %arg14[%swap3A_112] {strides = array<i32>} : memref<21120xi32, #tpu.memory_space<vmem>>, vector<16xi32>,
    tpu.vector_store %arg14[%swap3A_112], %select_n3A_111 {strides = array<i32>} : memref<21120xi32, #tpu.memory_space<vmem>>, vector<16xi32>,
    %add3A_114 = arith.constant 64 : i32
    %add3A_115 = vector.broadcast %add3A_114 : i32 to vector<16xi32>
    %add3A_116 = arith.addi %iota3A, %add3A_115 : vector<16xi32>
    %get3A_117 = arith.constant 64 : index
    %get3A_118 = tpu.vector_load %arg13[%get3A_117] {strides = array<i32>} : memref<21120xi32, #tpu.memory_space<vmem>>, vector<16xi32>,
    %lt3A_119 = vector.broadcast %squeeze3A : i32 to vector<16xi32>
    %lt3A_120 = arith.cmpi slt, %add3A_116, %lt3A_119 : vector<16xi32>
    %jit3A_121 = arith.constant 0 : i32
    %broadcast_in_dim3A_122 = vector.broadcast %jit3A_121 : i32 to vector<16xi32>
    %select_n3A_123 = arith.select %lt3A_120, %get3A_118, %broadcast_in_dim3A_122 : vector<16xi1>, vector<16xi32>
    %swap3A_124 = arith.constant 64 : index
    %swap3A_125 = tpu.vector_load %arg13[%swap3A_124] {strides = array<i32>} : memref<21120xi32, #tpu.memory_space<vmem>>, vector<16xi32>,
    tpu.vector_store %arg13[%swap3A_124], %select_n3A_123 {strides = array<i32>} : memref<21120xi32, #tpu.memory_space<vmem>>, vector<16xi32>,
    %get3A_126 = arith.constant 64 : index
    %get3A_127 = tpu.vector_load %arg14[%get3A_126] {strides = array<i32>} : memref<21120xi32, #tpu.memory_space<vmem>>, vector<16xi32>,
    %lt3A_128 = vector.broadcast %squeeze3A : i32 to vector<16xi32>
    %lt3A_129 = arith.cmpi slt, %add3A_116, %lt3A_128 : vector<16xi32>
    %jit3A_130 = arith.constant 256 : i32
    %broadcast_in_dim3A_131 = vector.broadcast %jit3A_130 : i32 to vector<16xi32>
    %select_n3A_132 = arith.select %lt3A_129, %get3A_127, %broadcast_in_dim3A_131 : vector<16xi1>, vector<16xi32>
    %swap3A_133 = arith.constant 64 : index
    %swap3A_134 = tpu.vector_load %arg14[%swap3A_133] {strides = array<i32>} : memref<21120xi32, #tpu.memory_space<vmem>>, vector<16xi32>,
    tpu.vector_store %arg14[%swap3A_133], %select_n3A_132 {strides = array<i32>} : memref<21120xi32, #tpu.memory_space<vmem>>, vector<16xi32>,
    %add3A_135 = arith.constant 80 : i32
    %add3A_136 = vector.broadcast %add3A_135 : i32 to vector<16xi32>
    %add3A_137 = arith.addi %iota3A, %add3A_136 : vector<16xi32>
    %get3A_138 = arith.constant 80 : index
    %get3A_139 = tpu.vector_load %arg13[%get3A_138] {strides = array<i32>} : memref<21120xi32, #tpu.memory_space<vmem>>, vector<16xi32>,
    %lt3A_140 = vector.broadcast %squeeze3A : i32 to vector<16xi32>
    %lt3A_141 = arith.cmpi slt, %add3A_137, %lt3A_140 : vector<16xi32>
    %jit3A_142 = arith.constant 0 : i32
    %broadcast_in_dim3A_143 = vector.broadcast %jit3A_142 : i32 to vector<16xi32>
    %select_n3A_144 = arith.select %lt3A_141, %get3A_139, %broadcast_in_dim3A_143 : vector<16xi1>, vector<16xi32>
    %swap3A_145 = arith.constant 80 : index
    %swap3A_146 = tpu.vector_load %arg13[%swap3A_145] {strides = array<i32>} : memref<21120xi32, #tpu.memory_space<vmem>>, vector<16xi32>,
    tpu.vector_store %arg13[%swap3A_145], %select_n3A_144 {strides = array<i32>} : memref<21120xi32, #tpu.memory_space<vmem>>, vector<16xi32>,
    %get3A_147 = arith.constant 80 : index
    %get3A_148 = tpu.vector_load %arg14[%get3A_147] {strides = array<i32>} : memref<21120xi32, #tpu.memory_space<vmem>>, vector<16xi32>,
    %lt3A_149 = vector.broadcast %squeeze3A : i32 to vector<16xi32>
    %lt3A_150 = arith.cmpi slt, %add3A_137, %lt3A_149 : vector<16xi32>
    %jit3A_151 = arith.constant 256 : i32
    %broadcast_in_dim3A_152 = vector.broadcast %jit3A_151 : i32 to vector<16xi32>
    %select_n3A_153 = arith.select %lt3A_150, %get3A_148, %broadcast_in_dim3A_152 : vector<16xi1>, vector<16xi32>
    %swap3A_154 = arith.constant 80 : index
    %swap3A_155 = tpu.vector_load %arg14[%swap3A_154] {strides = array<i32>} : memref<21120xi32, #tpu.memory_space<vmem>>, vector<16xi32>,
    tpu.vector_store %arg14[%swap3A_154], %select_n3A_153 {strides = array<i32>} : memref<21120xi32, #tpu.memory_space<vmem>>, vector<16xi32>,
    %add3A_156 = arith.constant 96 : i32
    %add3A_157 = vector.broadcast %add3A_156 : i32 to vector<16xi32>
    %add3A_158 = arith.addi %iota3A, %add3A_157 : vector<16xi32>
    %get3A_159 = arith.constant 96 : index
    %get3A_160 = tpu.vector_load %arg13[%get3A_159] {strides = array<i32>} : memref<21120xi32, #tpu.memory_space<vmem>>, vector<16xi32>,
    %lt3A_161 = vector.broadcast %squeeze3A : i32 to vector<16xi32>
    %lt3A_162 = arith.cmpi slt, %add3A_158, %lt3A_161 : vector<16xi32>
    %jit3A_163 = arith.constant 0 : i32
    %broadcast_in_dim3A_164 = vector.broadcast %jit3A_163 : i32 to vector<16xi32>
    %select_n3A_165 = arith.select %lt3A_162, %get3A_160, %broadcast_in_dim3A_164 : vector<16xi1>, vector<16xi32>
    %swap3A_166 = arith.constant 96 : index
    %swap3A_167 = tpu.vector_load %arg13[%swap3A_166] {strides = array<i32>} : memref<21120xi32, #tpu.memory_space<vmem>>, vector<16xi32>,
    tpu.vector_store %arg13[%swap3A_166], %select_n3A_165 {strides = array<i32>} : memref<21120xi32, #tpu.memory_space<vmem>>, vector<16xi32>,
    %get3A_168 = arith.constant 96 : index
    %get3A_169 = tpu.vector_load %arg14[%get3A_168] {strides = array<i32>} : memref<21120xi32, #tpu.memory_space<vmem>>, vector<16xi32>,
    %lt3A_170 = vector.broadcast %squeeze3A : i32 to vector<16xi32>
    %lt3A_171 = arith.cmpi slt, %add3A_158, %lt3A_170 : vector<16xi32>
    %jit3A_172 = arith.constant 256 : i32
    %broadcast_in_dim3A_173 = vector.broadcast %jit3A_172 : i32 to vector<16xi32>
    %select_n3A_174 = arith.select %lt3A_171, %get3A_169, %broadcast_in_dim3A_173 : vector<16xi1>, vector<16xi32>
    %swap3A_175 = arith.constant 96 : index
    %swap3A_176 = tpu.vector_load %arg14[%swap3A_175] {strides = array<i32>} : memref<21120xi32, #tpu.memory_space<vmem>>, vector<16xi32>,
    tpu.vector_store %arg14[%swap3A_175], %select_n3A_174 {strides = array<i32>} : memref<21120xi32, #tpu.memory_space<vmem>>, vector<16xi32>,
    %add3A_177 = arith.constant 112 : i32
    %add3A_178 = vector.broadcast %add3A_177 : i32 to vector<16xi32>
    %add3A_179 = arith.addi %iota3A, %add3A_178 : vector<16xi32>
    %get3A_180 = arith.constant 112 : index
    %get3A_181 = tpu.vector_load %arg13[%get3A_180] {strides = array<i32>} : memref<21120xi32, #tpu.memory_space<vmem>>, vector<16xi32>,
    %lt3A_182 = vector.broadcast %squeeze3A : i32 to vector<16xi32>
    %lt3A_183 = arith.cmpi slt, %add3A_179, %lt3A_182 : vector<16xi32>
    %jit3A_184 = arith.constant 0 : i32
    %broadcast_in_dim3A_185 = vector.broadcast %jit3A_184 : i32 to vector<16xi32>
    %select_n3A_186 = arith.select %lt3A_183, %get3A_181, %broadcast_in_dim3A_185 : vector<16xi1>, vector<16xi32>
    %swap3A_187 = arith.constant 112 : index
    %swap3A_188 = tpu.vector_load %arg13[%swap3A_187] {strides = array<i32>} : memref<21120xi32, #tpu.memory_space<vmem>>, vector<16xi32>,
    tpu.vector_store %arg13[%swap3A_187], %select_n3A_186 {strides = array<i32>} : memref<21120xi32, #tpu.memory_space<vmem>>, vector<16xi32>,
    %get3A_189 = arith.constant 112 : index
    %get3A_190 = tpu.vector_load %arg14[%get3A_189] {strides = array<i32>} : memref<21120xi32, #tpu.memory_space<vmem>>, vector<16xi32>,
    %lt3A_191 = vector.broadcast %squeeze3A : i32 to vector<16xi32>
    %lt3A_192 = arith.cmpi slt, %add3A_179, %lt3A_191 : vector<16xi32>
    %jit3A_193 = arith.constant 256 : i32
    %broadcast_in_dim3A_194 = vector.broadcast %jit3A_193 : i32 to vector<16xi32>
    %select_n3A_195 = arith.select %lt3A_192, %get3A_190, %broadcast_in_dim3A_194 : vector<16xi1>, vector<16xi32>
    %swap3A_196 = arith.constant 112 : index
    %swap3A_197 = tpu.vector_load %arg14[%swap3A_196] {strides = array<i32>} : memref<21120xi32, #tpu.memory_space<vmem>>, vector<16xi32>,
    tpu.vector_store %arg14[%swap3A_196], %select_n3A_195 {strides = array<i32>} : memref<21120xi32, #tpu.memory_space<vmem>>, vector<16xi32>,
    %gt3A = arith.constant 0 : i32
    %gt3A_198 = arith.cmpi sgt, %squeeze3A, %gt3A : i32
    %convert_element_type3A = arith.extui %gt3A_198 : i1 to i32
    %cond3A = arith.constant 0 : i32
    %cond3A_199 = arith.cmpi ne, %convert_element_type3A, %cond3A : i32
    scf.if %cond3A_199 {
      %add3A_979 = arith.addi %mul3A_32, %squeeze3A_26 : i32
      %multiple_of3A_980 = tpu.assume_multiple %add3A_979, 128 : i32
      "tpu.region"() ({
        %run_scoped3A = tpu.sem_alloc : memref<!tpu.dma_semaphore, #tpu.memory_space<semaphore_mem>>
        %dma_start3A = arith.constant 0 : i32
        %dma_start3A_983 = tpu.memref_slice %arg13[%dma_start3A] : memref<21120xi32, #tpu.memory_space<vmem>> -> memref<128xi32, #tpu.memory_space<vmem>>
        %dma_start3A_984 = tpu.memref_slice %arg5[%multiple_of3A_980] : memref<10485760xi32, #tpu.memory_space<hbm>> -> memref<128xi32, #tpu.memory_space<hbm>>
        %dma_start3A_985 = tpu.memref_slice %arg5[%multiple_of3A_980] : memref<10485760xi32, #tpu.memory_space<hbm>> -> memref<128xi32, #tpu.memory_space<hbm>>
        %dma_start3A_986 = arith.constant 0 : i32
        %dma_start3A_987 = tpu.memref_slice %arg13[%dma_start3A_986] : memref<21120xi32, #tpu.memory_space<vmem>> -> memref<128xi32, #tpu.memory_space<vmem>>
        tpu.enqueue_dma source(%dma_start3A_987 : memref<128xi32, #tpu.memory_space<vmem>>) target(%dma_start3A_985 : memref<128xi32, #tpu.memory_space<hbm>>) target_semaphore(%run_scoped3A : memref<!tpu.dma_semaphore, #tpu.memory_space<semaphore_mem>>)
        %dma_wait3A = arith.constant 0 : i32
        %dma_wait3A_988 = tpu.memref_slice %arg13[%dma_wait3A] : memref<21120xi32, #tpu.memory_space<vmem>> -> memref<128xi32, #tpu.memory_space<vmem>>
        %dma_wait3A_989 = tpu.memref_slice %arg5[%multiple_of3A_980] : memref<10485760xi32, #tpu.memory_space<hbm>> -> memref<128xi32, #tpu.memory_space<hbm>>
        %dma_wait3A_990 = tpu.memref_slice %arg5[%multiple_of3A_980] : memref<10485760xi32, #tpu.memory_space<hbm>> -> memref<128xi32, #tpu.memory_space<hbm>>
        %dma_wait3A_991 = arith.constant 0 : i32
        %dma_wait3A_992 = tpu.memref_slice %arg13[%dma_wait3A_991] : memref<21120xi32, #tpu.memory_space<vmem>> -> memref<128xi32, #tpu.memory_space<vmem>>
        tpu.wait_dma2 semaphore(%run_scoped3A : memref<!tpu.dma_semaphore, #tpu.memory_space<semaphore_mem>>) src(%dma_wait3A_992 : memref<128xi32, #tpu.memory_space<vmem>>) dst(%dma_wait3A_990 : memref<128xi32, #tpu.memory_space<hbm>>)
        tpu.yield
      }) : () -> ()
      %add3A_981 = arith.addi %mul3A_32, %squeeze3A_26 : i32
      %multiple_of3A_982 = tpu.assume_multiple %add3A_981, 128 : i32
      "tpu.region"() ({
        %run_scoped3A = tpu.sem_alloc : memref<!tpu.dma_semaphore, #tpu.memory_space<semaphore_mem>>
        %dma_start3A = arith.constant 0 : i32
        %dma_start3A_983 = tpu.memref_slice %arg14[%dma_start3A] : memref<21120xi32, #tpu.memory_space<vmem>> -> memref<128xi32, #tpu.memory_space<vmem>>
        %dma_start3A_984 = tpu.memref_slice %arg6[%multiple_of3A_982] : memref<10485760xi32, #tpu.memory_space<hbm>> -> memref<128xi32, #tpu.memory_space<hbm>>
        %dma_start3A_985 = tpu.memref_slice %arg6[%multiple_of3A_982] : memref<10485760xi32, #tpu.memory_space<hbm>> -> memref<128xi32, #tpu.memory_space<hbm>>
        %dma_start3A_986 = arith.constant 0 : i32
        %dma_start3A_987 = tpu.memref_slice %arg14[%dma_start3A_986] : memref<21120xi32, #tpu.memory_space<vmem>> -> memref<128xi32, #tpu.memory_space<vmem>>
        tpu.enqueue_dma source(%dma_start3A_987 : memref<128xi32, #tpu.memory_space<vmem>>) target(%dma_start3A_985 : memref<128xi32, #tpu.memory_space<hbm>>) target_semaphore(%run_scoped3A : memref<!tpu.dma_semaphore, #tpu.memory_space<semaphore_mem>>)
        %dma_wait3A = arith.constant 0 : i32
        %dma_wait3A_988 = tpu.memref_slice %arg14[%dma_wait3A] : memref<21120xi32, #tpu.memory_space<vmem>> -> memref<128xi32, #tpu.memory_space<vmem>>
        %dma_wait3A_989 = tpu.memref_slice %arg6[%multiple_of3A_982] : memref<10485760xi32, #tpu.memory_space<hbm>> -> memref<128xi32, #tpu.memory_space<hbm>>
        %dma_wait3A_990 = tpu.memref_slice %arg6[%multiple_of3A_982] : memref<10485760xi32, #tpu.memory_space<hbm>> -> memref<128xi32, #tpu.memory_space<hbm>>
        %dma_wait3A_991 = arith.constant 0 : i32
        %dma_wait3A_992 = tpu.memref_slice %arg14[%dma_wait3A_991] : memref<21120xi32, #tpu.memory_space<vmem>> -> memref<128xi32, #tpu.memory_space<vmem>>
        tpu.wait_dma2 semaphore(%run_scoped3A : memref<!tpu.dma_semaphore, #tpu.memory_space<semaphore_mem>>) src(%dma_wait3A_992 : memref<128xi32, #tpu.memory_space<vmem>>) dst(%dma_wait3A_990 : memref<128xi32, #tpu.memory_space<hbm>>)
        tpu.yield
      }) : () -> ()
    } else {
    }
    %eq3A = arith.constant 0 : i32
    %eq3A_200 = vector.broadcast %eq3A : i32 to vector<16xi32>
    %eq3A_201 = arith.cmpi eq, %iota3A, %eq3A_200 : vector<16xi32>
    %add3A_202 = arith.addi %squeeze3A_26, %squeeze3A : i32
    %broadcast_in_dim3A_203 = vector.broadcast %add3A_202 : i32 to vector<16xi32>
    %select_n3A_204 = arith.select %eq3A_201, %broadcast_in_dim3A_203, %broadcast_in_dim3A_3 : vector<16xi1>, vector<16xi32>
    %slice3A_205 = vector.extract_strided_slice %get3A_22 {offsets = [1], sizes = [1], strides = [1]} : vector<16xi32> to vector<1xi32>
    %squeeze3A_206 = vector.extract %slice3A_205[0] : i32 from vector<1xi32>
    %slice3A_207 = vector.extract_strided_slice %get3A_24 {offsets = [1], sizes = [1], strides = [1]} : vector<16xi32> to vector<1xi32>
    %squeeze3A_208 = vector.extract %slice3A_207[0] : i32 from vector<1xi32>
    %mul3A_209 = arith.constant 5 : i32
    %mul3A_210 = arith.muli %add3A, %mul3A_209 : i32
    %add3A_211 = arith.constant 1 : i32
    %add3A_212 = arith.addi %mul3A_210, %add3A_211 : i32
    %mul3A_213 = arith.constant 65536 : i32
    %mul3A_214 = arith.muli %add3A_212, %mul3A_213 : i32
    %add3A_215 = arith.constant 0 : i32
    %add3A_216 = vector.broadcast %add3A_215 : i32 to vector<16xi32>
    %add3A_217 = arith.addi %iota3A, %add3A_216 : vector<16xi32>
    %get3A_218 = arith.constant 4224 : index
    %get3A_219 = tpu.vector_load %arg13[%get3A_218] {strides = array<i32>} : memref<21120xi32, #tpu.memory_space<vmem>>, vector<16xi32>,
    %lt3A_220 = vector.broadcast %squeeze3A_206 : i32 to vector<16xi32>
    %lt3A_221 = arith.cmpi slt, %add3A_217, %lt3A_220 : vector<16xi32>
    %jit3A_222 = arith.constant 0 : i32
    %broadcast_in_dim3A_223 = vector.broadcast %jit3A_222 : i32 to vector<16xi32>
    %select_n3A_224 = arith.select %lt3A_221, %get3A_219, %broadcast_in_dim3A_223 : vector<16xi1>, vector<16xi32>
    %swap3A_225 = arith.constant 4224 : index
    %swap3A_226 = tpu.vector_load %arg13[%swap3A_225] {strides = array<i32>} : memref<21120xi32, #tpu.memory_space<vmem>>, vector<16xi32>,
    tpu.vector_store %arg13[%swap3A_225], %select_n3A_224 {strides = array<i32>} : memref<21120xi32, #tpu.memory_space<vmem>>, vector<16xi32>,
    %get3A_227 = arith.constant 4224 : index
    %get3A_228 = tpu.vector_load %arg14[%get3A_227] {strides = array<i32>} : memref<21120xi32, #tpu.memory_space<vmem>>, vector<16xi32>,
    %lt3A_229 = vector.broadcast %squeeze3A_206 : i32 to vector<16xi32>
    %lt3A_230 = arith.cmpi slt, %add3A_217, %lt3A_229 : vector<16xi32>
    %jit3A_231 = arith.constant 256 : i32
    %broadcast_in_dim3A_232 = vector.broadcast %jit3A_231 : i32 to vector<16xi32>
    %select_n3A_233 = arith.select %lt3A_230, %get3A_228, %broadcast_in_dim3A_232 : vector<16xi1>, vector<16xi32>
    %swap3A_234 = arith.constant 4224 : index
    %swap3A_235 = tpu.vector_load %arg14[%swap3A_234] {strides = array<i32>} : memref<21120xi32, #tpu.memory_space<vmem>>, vector<16xi32>,
    tpu.vector_store %arg14[%swap3A_234], %select_n3A_233 {strides = array<i32>} : memref<21120xi32, #tpu.memory_space<vmem>>, vector<16xi32>,
    %add3A_236 = arith.constant 16 : i32
    %add3A_237 = vector.broadcast %add3A_236 : i32 to vector<16xi32>
    %add3A_238 = arith.addi %iota3A, %add3A_237 : vector<16xi32>
    %get3A_239 = arith.constant 4240 : index
    %get3A_240 = tpu.vector_load %arg13[%get3A_239] {strides = array<i32>} : memref<21120xi32, #tpu.memory_space<vmem>>, vector<16xi32>,
    %lt3A_241 = vector.broadcast %squeeze3A_206 : i32 to vector<16xi32>
    %lt3A_242 = arith.cmpi slt, %add3A_238, %lt3A_241 : vector<16xi32>
    %jit3A_243 = arith.constant 0 : i32
    %broadcast_in_dim3A_244 = vector.broadcast %jit3A_243 : i32 to vector<16xi32>
    %select_n3A_245 = arith.select %lt3A_242, %get3A_240, %broadcast_in_dim3A_244 : vector<16xi1>, vector<16xi32>
    %swap3A_246 = arith.constant 4240 : index
    %swap3A_247 = tpu.vector_load %arg13[%swap3A_246] {strides = array<i32>} : memref<21120xi32, #tpu.memory_space<vmem>>, vector<16xi32>,
    tpu.vector_store %arg13[%swap3A_246], %select_n3A_245 {strides = array<i32>} : memref<21120xi32, #tpu.memory_space<vmem>>, vector<16xi32>,
    %get3A_248 = arith.constant 4240 : index
    %get3A_249 = tpu.vector_load %arg14[%get3A_248] {strides = array<i32>} : memref<21120xi32, #tpu.memory_space<vmem>>, vector<16xi32>,
    %lt3A_250 = vector.broadcast %squeeze3A_206 : i32 to vector<16xi32>
    %lt3A_251 = arith.cmpi slt, %add3A_238, %lt3A_250 : vector<16xi32>
    %jit3A_252 = arith.constant 256 : i32
    %broadcast_in_dim3A_253 = vector.broadcast %jit3A_252 : i32 to vector<16xi32>
    %select_n3A_254 = arith.select %lt3A_251, %get3A_249, %broadcast_in_dim3A_253 : vector<16xi1>, vector<16xi32>
    %swap3A_255 = arith.constant 4240 : index
    %swap3A_256 = tpu.vector_load %arg14[%swap3A_255] {strides = array<i32>} : memref<21120xi32, #tpu.memory_space<vmem>>, vector<16xi32>,
    tpu.vector_store %arg14[%swap3A_255], %select_n3A_254 {strides = array<i32>} : memref<21120xi32, #tpu.memory_space<vmem>>, vector<16xi32>,
    %add3A_257 = arith.constant 32 : i32
    %add3A_258 = vector.broadcast %add3A_257 : i32 to vector<16xi32>
    %add3A_259 = arith.addi %iota3A, %add3A_258 : vector<16xi32>
    %get3A_260 = arith.constant 4256 : index
    %get3A_261 = tpu.vector_load %arg13[%get3A_260] {strides = array<i32>} : memref<21120xi32, #tpu.memory_space<vmem>>, vector<16xi32>,
    %lt3A_262 = vector.broadcast %squeeze3A_206 : i32 to vector<16xi32>
    %lt3A_263 = arith.cmpi slt, %add3A_259, %lt3A_262 : vector<16xi32>
    %jit3A_264 = arith.constant 0 : i32
    %broadcast_in_dim3A_265 = vector.broadcast %jit3A_264 : i32 to vector<16xi32>
    %select_n3A_266 = arith.select %lt3A_263, %get3A_261, %broadcast_in_dim3A_265 : vector<16xi1>, vector<16xi32>
    %swap3A_267 = arith.constant 4256 : index
    %swap3A_268 = tpu.vector_load %arg13[%swap3A_267] {strides = array<i32>} : memref<21120xi32, #tpu.memory_space<vmem>>, vector<16xi32>,
    tpu.vector_store %arg13[%swap3A_267], %select_n3A_266 {strides = array<i32>} : memref<21120xi32, #tpu.memory_space<vmem>>, vector<16xi32>,
    %get3A_269 = arith.constant 4256 : index
    %get3A_270 = tpu.vector_load %arg14[%get3A_269] {strides = array<i32>} : memref<21120xi32, #tpu.memory_space<vmem>>, vector<16xi32>,
    %lt3A_271 = vector.broadcast %squeeze3A_206 : i32 to vector<16xi32>
    %lt3A_272 = arith.cmpi slt, %add3A_259, %lt3A_271 : vector<16xi32>
    %jit3A_273 = arith.constant 256 : i32
    %broadcast_in_dim3A_274 = vector.broadcast %jit3A_273 : i32 to vector<16xi32>
    %select_n3A_275 = arith.select %lt3A_272, %get3A_270, %broadcast_in_dim3A_274 : vector<16xi1>, vector<16xi32>
    %swap3A_276 = arith.constant 4256 : index
    %swap3A_277 = tpu.vector_load %arg14[%swap3A_276] {strides = array<i32>} : memref<21120xi32, #tpu.memory_space<vmem>>, vector<16xi32>,
    tpu.vector_store %arg14[%swap3A_276], %select_n3A_275 {strides = array<i32>} : memref<21120xi32, #tpu.memory_space<vmem>>, vector<16xi32>,
    %add3A_278 = arith.constant 48 : i32
    %add3A_279 = vector.broadcast %add3A_278 : i32 to vector<16xi32>
    %add3A_280 = arith.addi %iota3A, %add3A_279 : vector<16xi32>
    %get3A_281 = arith.constant 4272 : index
    %get3A_282 = tpu.vector_load %arg13[%get3A_281] {strides = array<i32>} : memref<21120xi32, #tpu.memory_space<vmem>>, vector<16xi32>,
    %lt3A_283 = vector.broadcast %squeeze3A_206 : i32 to vector<16xi32>
    %lt3A_284 = arith.cmpi slt, %add3A_280, %lt3A_283 : vector<16xi32>
    %jit3A_285 = arith.constant 0 : i32
    %broadcast_in_dim3A_286 = vector.broadcast %jit3A_285 : i32 to vector<16xi32>
    %select_n3A_287 = arith.select %lt3A_284, %get3A_282, %broadcast_in_dim3A_286 : vector<16xi1>, vector<16xi32>
    %swap3A_288 = arith.constant 4272 : index
    %swap3A_289 = tpu.vector_load %arg13[%swap3A_288] {strides = array<i32>} : memref<21120xi32, #tpu.memory_space<vmem>>, vector<16xi32>,
    tpu.vector_store %arg13[%swap3A_288], %select_n3A_287 {strides = array<i32>} : memref<21120xi32, #tpu.memory_space<vmem>>, vector<16xi32>,
    %get3A_290 = arith.constant 4272 : index
    %get3A_291 = tpu.vector_load %arg14[%get3A_290] {strides = array<i32>} : memref<21120xi32, #tpu.memory_space<vmem>>, vector<16xi32>,
    %lt3A_292 = vector.broadcast %squeeze3A_206 : i32 to vector<16xi32>
    %lt3A_293 = arith.cmpi slt, %add3A_280, %lt3A_292 : vector<16xi32>
    %jit3A_294 = arith.constant 256 : i32
    %broadcast_in_dim3A_295 = vector.broadcast %jit3A_294 : i32 to vector<16xi32>
    %select_n3A_296 = arith.select %lt3A_293, %get3A_291, %broadcast_in_dim3A_295 : vector<16xi1>, vector<16xi32>
    %swap3A_297 = arith.constant 4272 : index
    %swap3A_298 = tpu.vector_load %arg14[%swap3A_297] {strides = array<i32>} : memref<21120xi32, #tpu.memory_space<vmem>>, vector<16xi32>,
    tpu.vector_store %arg14[%swap3A_297], %select_n3A_296 {strides = array<i32>} : memref<21120xi32, #tpu.memory_space<vmem>>, vector<16xi32>,
    %add3A_299 = arith.constant 64 : i32
    %add3A_300 = vector.broadcast %add3A_299 : i32 to vector<16xi32>
    %add3A_301 = arith.addi %iota3A, %add3A_300 : vector<16xi32>
    %get3A_302 = arith.constant 4288 : index
    %get3A_303 = tpu.vector_load %arg13[%get3A_302] {strides = array<i32>} : memref<21120xi32, #tpu.memory_space<vmem>>, vector<16xi32>,
    %lt3A_304 = vector.broadcast %squeeze3A_206 : i32 to vector<16xi32>
    %lt3A_305 = arith.cmpi slt, %add3A_301, %lt3A_304 : vector<16xi32>
    %jit3A_306 = arith.constant 0 : i32
    %broadcast_in_dim3A_307 = vector.broadcast %jit3A_306 : i32 to vector<16xi32>
    %select_n3A_308 = arith.select %lt3A_305, %get3A_303, %broadcast_in_dim3A_307 : vector<16xi1>, vector<16xi32>
    %swap3A_309 = arith.constant 4288 : index
    %swap3A_310 = tpu.vector_load %arg13[%swap3A_309] {strides = array<i32>} : memref<21120xi32, #tpu.memory_space<vmem>>, vector<16xi32>,
    tpu.vector_store %arg13[%swap3A_309], %select_n3A_308 {strides = array<i32>} : memref<21120xi32, #tpu.memory_space<vmem>>, vector<16xi32>,
    %get3A_311 = arith.constant 4288 : index
    %get3A_312 = tpu.vector_load %arg14[%get3A_311] {strides = array<i32>} : memref<21120xi32, #tpu.memory_space<vmem>>, vector<16xi32>,
    %lt3A_313 = vector.broadcast %squeeze3A_206 : i32 to vector<16xi32>
    %lt3A_314 = arith.cmpi slt, %add3A_301, %lt3A_313 : vector<16xi32>
    %jit3A_315 = arith.constant 256 : i32
    %broadcast_in_dim3A_316 = vector.broadcast %jit3A_315 : i32 to vector<16xi32>
    %select_n3A_317 = arith.select %lt3A_314, %get3A_312, %broadcast_in_dim3A_316 : vector<16xi1>, vector<16xi32>
    %swap3A_318 = arith.constant 4288 : index
    %swap3A_319 = tpu.vector_load %arg14[%swap3A_318] {strides = array<i32>} : memref<21120xi32, #tpu.memory_space<vmem>>, vector<16xi32>,
    tpu.vector_store %arg14[%swap3A_318], %select_n3A_317 {strides = array<i32>} : memref<21120xi32, #tpu.memory_space<vmem>>, vector<16xi32>,
    %add3A_320 = arith.constant 80 : i32
    %add3A_321 = vector.broadcast %add3A_320 : i32 to vector<16xi32>
    %add3A_322 = arith.addi %iota3A, %add3A_321 : vector<16xi32>
    %get3A_323 = arith.constant 4304 : index
    %get3A_324 = tpu.vector_load %arg13[%get3A_323] {strides = array<i32>} : memref<21120xi32, #tpu.memory_space<vmem>>, vector<16xi32>,
    %lt3A_325 = vector.broadcast %squeeze3A_206 : i32 to vector<16xi32>
    %lt3A_326 = arith.cmpi slt, %add3A_322, %lt3A_325 : vector<16xi32>
    %jit3A_327 = arith.constant 0 : i32
    %broadcast_in_dim3A_328 = vector.broadcast %jit3A_327 : i32 to vector<16xi32>
    %select_n3A_329 = arith.select %lt3A_326, %get3A_324, %broadcast_in_dim3A_328 : vector<16xi1>, vector<16xi32>
    %swap3A_330 = arith.constant 4304 : index
    %swap3A_331 = tpu.vector_load %arg13[%swap3A_330] {strides = array<i32>} : memref<21120xi32, #tpu.memory_space<vmem>>, vector<16xi32>,
    tpu.vector_store %arg13[%swap3A_330], %select_n3A_329 {strides = array<i32>} : memref<21120xi32, #tpu.memory_space<vmem>>, vector<16xi32>,
    %get3A_332 = arith.constant 4304 : index
    %get3A_333 = tpu.vector_load %arg14[%get3A_332] {strides = array<i32>} : memref<21120xi32, #tpu.memory_space<vmem>>, vector<16xi32>,
    %lt3A_334 = vector.broadcast %squeeze3A_206 : i32 to vector<16xi32>
    %lt3A_335 = arith.cmpi slt, %add3A_322, %lt3A_334 : vector<16xi32>
    %jit3A_336 = arith.constant 256 : i32
    %broadcast_in_dim3A_337 = vector.broadcast %jit3A_336 : i32 to vector<16xi32>
    %select_n3A_338 = arith.select %lt3A_335, %get3A_333, %broadcast_in_dim3A_337 : vector<16xi1>, vector<16xi32>
    %swap3A_339 = arith.constant 4304 : index
    %swap3A_340 = tpu.vector_load %arg14[%swap3A_339] {strides = array<i32>} : memref<21120xi32, #tpu.memory_space<vmem>>, vector<16xi32>,
    tpu.vector_store %arg14[%swap3A_339], %select_n3A_338 {strides = array<i32>} : memref<21120xi32, #tpu.memory_space<vmem>>, vector<16xi32>,
    %add3A_341 = arith.constant 96 : i32
    %add3A_342 = vector.broadcast %add3A_341 : i32 to vector<16xi32>
    %add3A_343 = arith.addi %iota3A, %add3A_342 : vector<16xi32>
    %get3A_344 = arith.constant 4320 : index
    %get3A_345 = tpu.vector_load %arg13[%get3A_344] {strides = array<i32>} : memref<21120xi32, #tpu.memory_space<vmem>>, vector<16xi32>,
    %lt3A_346 = vector.broadcast %squeeze3A_206 : i32 to vector<16xi32>
    %lt3A_347 = arith.cmpi slt, %add3A_343, %lt3A_346 : vector<16xi32>
    %jit3A_348 = arith.constant 0 : i32
    %broadcast_in_dim3A_349 = vector.broadcast %jit3A_348 : i32 to vector<16xi32>
    %select_n3A_350 = arith.select %lt3A_347, %get3A_345, %broadcast_in_dim3A_349 : vector<16xi1>, vector<16xi32>
    %swap3A_351 = arith.constant 4320 : index
    %swap3A_352 = tpu.vector_load %arg13[%swap3A_351] {strides = array<i32>} : memref<21120xi32, #tpu.memory_space<vmem>>, vector<16xi32>,
    tpu.vector_store %arg13[%swap3A_351], %select_n3A_350 {strides = array<i32>} : memref<21120xi32, #tpu.memory_space<vmem>>, vector<16xi32>,
    %get3A_353 = arith.constant 4320 : index
    %get3A_354 = tpu.vector_load %arg14[%get3A_353] {strides = array<i32>} : memref<21120xi32, #tpu.memory_space<vmem>>, vector<16xi32>,
    %lt3A_355 = vector.broadcast %squeeze3A_206 : i32 to vector<16xi32>
    %lt3A_356 = arith.cmpi slt, %add3A_343, %lt3A_355 : vector<16xi32>
    %jit3A_357 = arith.constant 256 : i32
    %broadcast_in_dim3A_358 = vector.broadcast %jit3A_357 : i32 to vector<16xi32>
    %select_n3A_359 = arith.select %lt3A_356, %get3A_354, %broadcast_in_dim3A_358 : vector<16xi1>, vector<16xi32>
    %swap3A_360 = arith.constant 4320 : index
    %swap3A_361 = tpu.vector_load %arg14[%swap3A_360] {strides = array<i32>} : memref<21120xi32, #tpu.memory_space<vmem>>, vector<16xi32>,
    tpu.vector_store %arg14[%swap3A_360], %select_n3A_359 {strides = array<i32>} : memref<21120xi32, #tpu.memory_space<vmem>>, vector<16xi32>,
    %add3A_362 = arith.constant 112 : i32
    %add3A_363 = vector.broadcast %add3A_362 : i32 to vector<16xi32>
    %add3A_364 = arith.addi %iota3A, %add3A_363 : vector<16xi32>
    %get3A_365 = arith.constant 4336 : index
    %get3A_366 = tpu.vector_load %arg13[%get3A_365] {strides = array<i32>} : memref<21120xi32, #tpu.memory_space<vmem>>, vector<16xi32>,
    %lt3A_367 = vector.broadcast %squeeze3A_206 : i32 to vector<16xi32>
    %lt3A_368 = arith.cmpi slt, %add3A_364, %lt3A_367 : vector<16xi32>
    %jit3A_369 = arith.constant 0 : i32
    %broadcast_in_dim3A_370 = vector.broadcast %jit3A_369 : i32 to vector<16xi32>
    %select_n3A_371 = arith.select %lt3A_368, %get3A_366, %broadcast_in_dim3A_370 : vector<16xi1>, vector<16xi32>
    %swap3A_372 = arith.constant 4336 : index
    %swap3A_373 = tpu.vector_load %arg13[%swap3A_372] {strides = array<i32>} : memref<21120xi32, #tpu.memory_space<vmem>>, vector<16xi32>,
    tpu.vector_store %arg13[%swap3A_372], %select_n3A_371 {strides = array<i32>} : memref<21120xi32, #tpu.memory_space<vmem>>, vector<16xi32>,
    %get3A_374 = arith.constant 4336 : index
    %get3A_375 = tpu.vector_load %arg14[%get3A_374] {strides = array<i32>} : memref<21120xi32, #tpu.memory_space<vmem>>, vector<16xi32>,
    %lt3A_376 = vector.broadcast %squeeze3A_206 : i32 to vector<16xi32>
    %lt3A_377 = arith.cmpi slt, %add3A_364, %lt3A_376 : vector<16xi32>
    %jit3A_378 = arith.constant 256 : i32
    %broadcast_in_dim3A_379 = vector.broadcast %jit3A_378 : i32 to vector<16xi32>
    %select_n3A_380 = arith.select %lt3A_377, %get3A_375, %broadcast_in_dim3A_379 : vector<16xi1>, vector<16xi32>
    %swap3A_381 = arith.constant 4336 : index
    %swap3A_382 = tpu.vector_load %arg14[%swap3A_381] {strides = array<i32>} : memref<21120xi32, #tpu.memory_space<vmem>>, vector<16xi32>,
    tpu.vector_store %arg14[%swap3A_381], %select_n3A_380 {strides = array<i32>} : memref<21120xi32, #tpu.memory_space<vmem>>, vector<16xi32>,
    %gt3A_383 = arith.constant 0 : i32
    %gt3A_384 = arith.cmpi sgt, %squeeze3A_206, %gt3A_383 : i32
    %convert_element_type3A_385 = arith.extui %gt3A_384 : i1 to i32
    %cond3A_386 = arith.constant 0 : i32
    %cond3A_387 = arith.cmpi ne, %convert_element_type3A_385, %cond3A_386 : i32
    scf.if %cond3A_387 {
      %add3A_979 = arith.addi %mul3A_214, %squeeze3A_208 : i32
      %multiple_of3A_980 = tpu.assume_multiple %add3A_979, 128 : i32
      "tpu.region"() ({
        %run_scoped3A = tpu.sem_alloc : memref<!tpu.dma_semaphore, #tpu.memory_space<semaphore_mem>>
        %dma_start3A = arith.constant 4224 : i32
        %dma_start3A_983 = tpu.memref_slice %arg13[%dma_start3A] : memref<21120xi32, #tpu.memory_space<vmem>> -> memref<128xi32, #tpu.memory_space<vmem>>
        %dma_start3A_984 = tpu.memref_slice %arg5[%multiple_of3A_980] : memref<10485760xi32, #tpu.memory_space<hbm>> -> memref<128xi32, #tpu.memory_space<hbm>>
        %dma_start3A_985 = tpu.memref_slice %arg5[%multiple_of3A_980] : memref<10485760xi32, #tpu.memory_space<hbm>> -> memref<128xi32, #tpu.memory_space<hbm>>
        %dma_start3A_986 = arith.constant 4224 : i32
        %dma_start3A_987 = tpu.memref_slice %arg13[%dma_start3A_986] : memref<21120xi32, #tpu.memory_space<vmem>> -> memref<128xi32, #tpu.memory_space<vmem>>
        tpu.enqueue_dma source(%dma_start3A_987 : memref<128xi32, #tpu.memory_space<vmem>>) target(%dma_start3A_985 : memref<128xi32, #tpu.memory_space<hbm>>) target_semaphore(%run_scoped3A : memref<!tpu.dma_semaphore, #tpu.memory_space<semaphore_mem>>)
        %dma_wait3A = arith.constant 4224 : i32
        %dma_wait3A_988 = tpu.memref_slice %arg13[%dma_wait3A] : memref<21120xi32, #tpu.memory_space<vmem>> -> memref<128xi32, #tpu.memory_space<vmem>>
        %dma_wait3A_989 = tpu.memref_slice %arg5[%multiple_of3A_980] : memref<10485760xi32, #tpu.memory_space<hbm>> -> memref<128xi32, #tpu.memory_space<hbm>>
        %dma_wait3A_990 = tpu.memref_slice %arg5[%multiple_of3A_980] : memref<10485760xi32, #tpu.memory_space<hbm>> -> memref<128xi32, #tpu.memory_space<hbm>>
        %dma_wait3A_991 = arith.constant 4224 : i32
        %dma_wait3A_992 = tpu.memref_slice %arg13[%dma_wait3A_991] : memref<21120xi32, #tpu.memory_space<vmem>> -> memref<128xi32, #tpu.memory_space<vmem>>
        tpu.wait_dma2 semaphore(%run_scoped3A : memref<!tpu.dma_semaphore, #tpu.memory_space<semaphore_mem>>) src(%dma_wait3A_992 : memref<128xi32, #tpu.memory_space<vmem>>) dst(%dma_wait3A_990 : memref<128xi32, #tpu.memory_space<hbm>>)
        tpu.yield
      }) : () -> ()
      %add3A_981 = arith.addi %mul3A_214, %squeeze3A_208 : i32
      %multiple_of3A_982 = tpu.assume_multiple %add3A_981, 128 : i32
      "tpu.region"() ({
        %run_scoped3A = tpu.sem_alloc : memref<!tpu.dma_semaphore, #tpu.memory_space<semaphore_mem>>
        %dma_start3A = arith.constant 4224 : i32
        %dma_start3A_983 = tpu.memref_slice %arg14[%dma_start3A] : memref<21120xi32, #tpu.memory_space<vmem>> -> memref<128xi32, #tpu.memory_space<vmem>>
        %dma_start3A_984 = tpu.memref_slice %arg6[%multiple_of3A_982] : memref<10485760xi32, #tpu.memory_space<hbm>> -> memref<128xi32, #tpu.memory_space<hbm>>
        %dma_start3A_985 = tpu.memref_slice %arg6[%multiple_of3A_982] : memref<10485760xi32, #tpu.memory_space<hbm>> -> memref<128xi32, #tpu.memory_space<hbm>>
        %dma_start3A_986 = arith.constant 4224 : i32
        %dma_start3A_987 = tpu.memref_slice %arg14[%dma_start3A_986] : memref<21120xi32, #tpu.memory_space<vmem>> -> memref<128xi32, #tpu.memory_space<vmem>>
        tpu.enqueue_dma source(%dma_start3A_987 : memref<128xi32, #tpu.memory_space<vmem>>) target(%dma_start3A_985 : memref<128xi32, #tpu.memory_space<hbm>>) target_semaphore(%run_scoped3A : memref<!tpu.dma_semaphore, #tpu.memory_space<semaphore_mem>>)
        %dma_wait3A = arith.constant 4224 : i32
        %dma_wait3A_988 = tpu.memref_slice %arg14[%dma_wait3A] : memref<21120xi32, #tpu.memory_space<vmem>> -> memref<128xi32, #tpu.memory_space<vmem>>
        %dma_wait3A_989 = tpu.memref_slice %arg6[%multiple_of3A_982] : memref<10485760xi32, #tpu.memory_space<hbm>> -> memref<128xi32, #tpu.memory_space<hbm>>
        %dma_wait3A_990 = tpu.memref_slice %arg6[%multiple_of3A_982] : memref<10485760xi32, #tpu.memory_space<hbm>> -> memref<128xi32, #tpu.memory_space<hbm>>
        %dma_wait3A_991 = arith.constant 4224 : i32
        %dma_wait3A_992 = tpu.memref_slice %arg14[%dma_wait3A_991] : memref<21120xi32, #tpu.memory_space<vmem>> -> memref<128xi32, #tpu.memory_space<vmem>>
        tpu.wait_dma2 semaphore(%run_scoped3A : memref<!tpu.dma_semaphore, #tpu.memory_space<semaphore_mem>>) src(%dma_wait3A_992 : memref<128xi32, #tpu.memory_space<vmem>>) dst(%dma_wait3A_990 : memref<128xi32, #tpu.memory_space<hbm>>)
        tpu.yield
      }) : () -> ()
    } else {
    }
    %eq3A_388 = arith.constant 1 : i32
    %eq3A_389 = vector.broadcast %eq3A_388 : i32 to vector<16xi32>
    %eq3A_390 = arith.cmpi eq, %iota3A, %eq3A_389 : vector<16xi32>
    %add3A_391 = arith.addi %squeeze3A_208, %squeeze3A_206 : i32
    %broadcast_in_dim3A_392 = vector.broadcast %add3A_391 : i32 to vector<16xi32>
    %select_n3A_393 = arith.select %eq3A_390, %broadcast_in_dim3A_392, %select_n3A_204 : vector<16xi1>, vector<16xi32>
    %slice3A_394 = vector.extract_strided_slice %get3A_22 {offsets = [2], sizes = [1], strides = [1]} : vector<16xi32> to vector<1xi32>
    %squeeze3A_395 = vector.extract %slice3A_394[0] : i32 from vector<1xi32>
    %slice3A_396 = vector.extract_strided_slice %get3A_24 {offsets = [2], sizes = [1], strides = [1]} : vector<16xi32> to vector<1xi32>
    %squeeze3A_397 = vector.extract %slice3A_396[0] : i32 from vector<1xi32>
    %mul3A_398 = arith.constant 5 : i32
    %mul3A_399 = arith.muli %add3A, %mul3A_398 : i32
    %add3A_400 = arith.constant 2 : i32
    %add3A_401 = arith.addi %mul3A_399, %add3A_400 : i32
    %mul3A_402 = arith.constant 65536 : i32
    %mul3A_403 = arith.muli %add3A_401, %mul3A_402 : i32
    %add3A_404 = arith.constant 0 : i32
    %add3A_405 = vector.broadcast %add3A_404 : i32 to vector<16xi32>
    %add3A_406 = arith.addi %iota3A, %add3A_405 : vector<16xi32>
    %get3A_407 = arith.constant 8448 : index
    %get3A_408 = tpu.vector_load %arg13[%get3A_407] {strides = array<i32>} : memref<21120xi32, #tpu.memory_space<vmem>>, vector<16xi32>,
    %lt3A_409 = vector.broadcast %squeeze3A_395 : i32 to vector<16xi32>
    %lt3A_410 = arith.cmpi slt, %add3A_406, %lt3A_409 : vector<16xi32>
    %jit3A_411 = arith.constant 0 : i32
    %broadcast_in_dim3A_412 = vector.broadcast %jit3A_411 : i32 to vector<16xi32>
    %select_n3A_413 = arith.select %lt3A_410, %get3A_408, %broadcast_in_dim3A_412 : vector<16xi1>, vector<16xi32>
    %swap3A_414 = arith.constant 8448 : index
    %swap3A_415 = tpu.vector_load %arg13[%swap3A_414] {strides = array<i32>} : memref<21120xi32, #tpu.memory_space<vmem>>, vector<16xi32>,
    tpu.vector_store %arg13[%swap3A_414], %select_n3A_413 {strides = array<i32>} : memref<21120xi32, #tpu.memory_space<vmem>>, vector<16xi32>,
    %get3A_416 = arith.constant 8448 : index
    %get3A_417 = tpu.vector_load %arg14[%get3A_416] {strides = array<i32>} : memref<21120xi32, #tpu.memory_space<vmem>>, vector<16xi32>,
    %lt3A_418 = vector.broadcast %squeeze3A_395 : i32 to vector<16xi32>
    %lt3A_419 = arith.cmpi slt, %add3A_406, %lt3A_418 : vector<16xi32>
    %jit3A_420 = arith.constant 256 : i32
    %broadcast_in_dim3A_421 = vector.broadcast %jit3A_420 : i32 to vector<16xi32>
    %select_n3A_422 = arith.select %lt3A_419, %get3A_417, %broadcast_in_dim3A_421 : vector<16xi1>, vector<16xi32>
    %swap3A_423 = arith.constant 8448 : index
    %swap3A_424 = tpu.vector_load %arg14[%swap3A_423] {strides = array<i32>} : memref<21120xi32, #tpu.memory_space<vmem>>, vector<16xi32>,
    tpu.vector_store %arg14[%swap3A_423], %select_n3A_422 {strides = array<i32>} : memref<21120xi32, #tpu.memory_space<vmem>>, vector<16xi32>,
    %add3A_425 = arith.constant 16 : i32
    %add3A_426 = vector.broadcast %add3A_425 : i32 to vector<16xi32>
    %add3A_427 = arith.addi %iota3A, %add3A_426 : vector<16xi32>
    %get3A_428 = arith.constant 8464 : index
    %get3A_429 = tpu.vector_load %arg13[%get3A_428] {strides = array<i32>} : memref<21120xi32, #tpu.memory_space<vmem>>, vector<16xi32>,
    %lt3A_430 = vector.broadcast %squeeze3A_395 : i32 to vector<16xi32>
    %lt3A_431 = arith.cmpi slt, %add3A_427, %lt3A_430 : vector<16xi32>
    %jit3A_432 = arith.constant 0 : i32
    %broadcast_in_dim3A_433 = vector.broadcast %jit3A_432 : i32 to vector<16xi32>
    %select_n3A_434 = arith.select %lt3A_431, %get3A_429, %broadcast_in_dim3A_433 : vector<16xi1>, vector<16xi32>
    %swap3A_435 = arith.constant 8464 : index
    %swap3A_436 = tpu.vector_load %arg13[%swap3A_435] {strides = array<i32>} : memref<21120xi32, #tpu.memory_space<vmem>>, vector<16xi32>,
    tpu.vector_store %arg13[%swap3A_435], %select_n3A_434 {strides = array<i32>} : memref<21120xi32, #tpu.memory_space<vmem>>, vector<16xi32>,
    %get3A_437 = arith.constant 8464 : index
    %get3A_438 = tpu.vector_load %arg14[%get3A_437] {strides = array<i32>} : memref<21120xi32, #tpu.memory_space<vmem>>, vector<16xi32>,
    %lt3A_439 = vector.broadcast %squeeze3A_395 : i32 to vector<16xi32>
    %lt3A_440 = arith.cmpi slt, %add3A_427, %lt3A_439 : vector<16xi32>
    %jit3A_441 = arith.constant 256 : i32
    %broadcast_in_dim3A_442 = vector.broadcast %jit3A_441 : i32 to vector<16xi32>
    %select_n3A_443 = arith.select %lt3A_440, %get3A_438, %broadcast_in_dim3A_442 : vector<16xi1>, vector<16xi32>
    %swap3A_444 = arith.constant 8464 : index
    %swap3A_445 = tpu.vector_load %arg14[%swap3A_444] {strides = array<i32>} : memref<21120xi32, #tpu.memory_space<vmem>>, vector<16xi32>,
    tpu.vector_store %arg14[%swap3A_444], %select_n3A_443 {strides = array<i32>} : memref<21120xi32, #tpu.memory_space<vmem>>, vector<16xi32>,
    %add3A_446 = arith.constant 32 : i32
    %add3A_447 = vector.broadcast %add3A_446 : i32 to vector<16xi32>
    %add3A_448 = arith.addi %iota3A, %add3A_447 : vector<16xi32>
    %get3A_449 = arith.constant 8480 : index
    %get3A_450 = tpu.vector_load %arg13[%get3A_449] {strides = array<i32>} : memref<21120xi32, #tpu.memory_space<vmem>>, vector<16xi32>,
    %lt3A_451 = vector.broadcast %squeeze3A_395 : i32 to vector<16xi32>
    %lt3A_452 = arith.cmpi slt, %add3A_448, %lt3A_451 : vector<16xi32>
    %jit3A_453 = arith.constant 0 : i32
    %broadcast_in_dim3A_454 = vector.broadcast %jit3A_453 : i32 to vector<16xi32>
    %select_n3A_455 = arith.select %lt3A_452, %get3A_450, %broadcast_in_dim3A_454 : vector<16xi1>, vector<16xi32>
    %swap3A_456 = arith.constant 8480 : index
    %swap3A_457 = tpu.vector_load %arg13[%swap3A_456] {strides = array<i32>} : memref<21120xi32, #tpu.memory_space<vmem>>, vector<16xi32>,
    tpu.vector_store %arg13[%swap3A_456], %select_n3A_455 {strides = array<i32>} : memref<21120xi32, #tpu.memory_space<vmem>>, vector<16xi32>,
    %get3A_458 = arith.constant 8480 : index
    %get3A_459 = tpu.vector_load %arg14[%get3A_458] {strides = array<i32>} : memref<21120xi32, #tpu.memory_space<vmem>>, vector<16xi32>,
    %lt3A_460 = vector.broadcast %squeeze3A_395 : i32 to vector<16xi32>
    %lt3A_461 = arith.cmpi slt, %add3A_448, %lt3A_460 : vector<16xi32>
    %jit3A_462 = arith.constant 256 : i32
    %broadcast_in_dim3A_463 = vector.broadcast %jit3A_462 : i32 to vector<16xi32>
    %select_n3A_464 = arith.select %lt3A_461, %get3A_459, %broadcast_in_dim3A_463 : vector<16xi1>, vector<16xi32>
    %swap3A_465 = arith.constant 8480 : index
    %swap3A_466 = tpu.vector_load %arg14[%swap3A_465] {strides = array<i32>} : memref<21120xi32, #tpu.memory_space<vmem>>, vector<16xi32>,
    tpu.vector_store %arg14[%swap3A_465], %select_n3A_464 {strides = array<i32>} : memref<21120xi32, #tpu.memory_space<vmem>>, vector<16xi32>,
    %add3A_467 = arith.constant 48 : i32
    %add3A_468 = vector.broadcast %add3A_467 : i32 to vector<16xi32>
    %add3A_469 = arith.addi %iota3A, %add3A_468 : vector<16xi32>
    %get3A_470 = arith.constant 8496 : index
    %get3A_471 = tpu.vector_load %arg13[%get3A_470] {strides = array<i32>} : memref<21120xi32, #tpu.memory_space<vmem>>, vector<16xi32>,
    %lt3A_472 = vector.broadcast %squeeze3A_395 : i32 to vector<16xi32>
    %lt3A_473 = arith.cmpi slt, %add3A_469, %lt3A_472 : vector<16xi32>
    %jit3A_474 = arith.constant 0 : i32
    %broadcast_in_dim3A_475 = vector.broadcast %jit3A_474 : i32 to vector<16xi32>
    %select_n3A_476 = arith.select %lt3A_473, %get3A_471, %broadcast_in_dim3A_475 : vector<16xi1>, vector<16xi32>
    %swap3A_477 = arith.constant 8496 : index
    %swap3A_478 = tpu.vector_load %arg13[%swap3A_477] {strides = array<i32>} : memref<21120xi32, #tpu.memory_space<vmem>>, vector<16xi32>,
    tpu.vector_store %arg13[%swap3A_477], %select_n3A_476 {strides = array<i32>} : memref<21120xi32, #tpu.memory_space<vmem>>, vector<16xi32>,
    %get3A_479 = arith.constant 8496 : index
    %get3A_480 = tpu.vector_load %arg14[%get3A_479] {strides = array<i32>} : memref<21120xi32, #tpu.memory_space<vmem>>, vector<16xi32>,
    %lt3A_481 = vector.broadcast %squeeze3A_395 : i32 to vector<16xi32>
    %lt3A_482 = arith.cmpi slt, %add3A_469, %lt3A_481 : vector<16xi32>
    %jit3A_483 = arith.constant 256 : i32
    %broadcast_in_dim3A_484 = vector.broadcast %jit3A_483 : i32 to vector<16xi32>
    %select_n3A_485 = arith.select %lt3A_482, %get3A_480, %broadcast_in_dim3A_484 : vector<16xi1>, vector<16xi32>
    %swap3A_486 = arith.constant 8496 : index
    %swap3A_487 = tpu.vector_load %arg14[%swap3A_486] {strides = array<i32>} : memref<21120xi32, #tpu.memory_space<vmem>>, vector<16xi32>,
    tpu.vector_store %arg14[%swap3A_486], %select_n3A_485 {strides = array<i32>} : memref<21120xi32, #tpu.memory_space<vmem>>, vector<16xi32>,
    %add3A_488 = arith.constant 64 : i32
    %add3A_489 = vector.broadcast %add3A_488 : i32 to vector<16xi32>
    %add3A_490 = arith.addi %iota3A, %add3A_489 : vector<16xi32>
    %get3A_491 = arith.constant 8512 : index
    %get3A_492 = tpu.vector_load %arg13[%get3A_491] {strides = array<i32>} : memref<21120xi32, #tpu.memory_space<vmem>>, vector<16xi32>,
    %lt3A_493 = vector.broadcast %squeeze3A_395 : i32 to vector<16xi32>
    %lt3A_494 = arith.cmpi slt, %add3A_490, %lt3A_493 : vector<16xi32>
    %jit3A_495 = arith.constant 0 : i32
    %broadcast_in_dim3A_496 = vector.broadcast %jit3A_495 : i32 to vector<16xi32>
    %select_n3A_497 = arith.select %lt3A_494, %get3A_492, %broadcast_in_dim3A_496 : vector<16xi1>, vector<16xi32>
    %swap3A_498 = arith.constant 8512 : index
    %swap3A_499 = tpu.vector_load %arg13[%swap3A_498] {strides = array<i32>} : memref<21120xi32, #tpu.memory_space<vmem>>, vector<16xi32>,
    tpu.vector_store %arg13[%swap3A_498], %select_n3A_497 {strides = array<i32>} : memref<21120xi32, #tpu.memory_space<vmem>>, vector<16xi32>,
    %get3A_500 = arith.constant 8512 : index
    %get3A_501 = tpu.vector_load %arg14[%get3A_500] {strides = array<i32>} : memref<21120xi32, #tpu.memory_space<vmem>>, vector<16xi32>,
    %lt3A_502 = vector.broadcast %squeeze3A_395 : i32 to vector<16xi32>
    %lt3A_503 = arith.cmpi slt, %add3A_490, %lt3A_502 : vector<16xi32>
    %jit3A_504 = arith.constant 256 : i32
    %broadcast_in_dim3A_505 = vector.broadcast %jit3A_504 : i32 to vector<16xi32>
    %select_n3A_506 = arith.select %lt3A_503, %get3A_501, %broadcast_in_dim3A_505 : vector<16xi1>, vector<16xi32>
    %swap3A_507 = arith.constant 8512 : index
    %swap3A_508 = tpu.vector_load %arg14[%swap3A_507] {strides = array<i32>} : memref<21120xi32, #tpu.memory_space<vmem>>, vector<16xi32>,
    tpu.vector_store %arg14[%swap3A_507], %select_n3A_506 {strides = array<i32>} : memref<21120xi32, #tpu.memory_space<vmem>>, vector<16xi32>,
    %add3A_509 = arith.constant 80 : i32
    %add3A_510 = vector.broadcast %add3A_509 : i32 to vector<16xi32>
    %add3A_511 = arith.addi %iota3A, %add3A_510 : vector<16xi32>
    %get3A_512 = arith.constant 8528 : index
    %get3A_513 = tpu.vector_load %arg13[%get3A_512] {strides = array<i32>} : memref<21120xi32, #tpu.memory_space<vmem>>, vector<16xi32>,
    %lt3A_514 = vector.broadcast %squeeze3A_395 : i32 to vector<16xi32>
    %lt3A_515 = arith.cmpi slt, %add3A_511, %lt3A_514 : vector<16xi32>
    %jit3A_516 = arith.constant 0 : i32
    %broadcast_in_dim3A_517 = vector.broadcast %jit3A_516 : i32 to vector<16xi32>
    %select_n3A_518 = arith.select %lt3A_515, %get3A_513, %broadcast_in_dim3A_517 : vector<16xi1>, vector<16xi32>
    %swap3A_519 = arith.constant 8528 : index
    %swap3A_520 = tpu.vector_load %arg13[%swap3A_519] {strides = array<i32>} : memref<21120xi32, #tpu.memory_space<vmem>>, vector<16xi32>,
    tpu.vector_store %arg13[%swap3A_519], %select_n3A_518 {strides = array<i32>} : memref<21120xi32, #tpu.memory_space<vmem>>, vector<16xi32>,
    %get3A_521 = arith.constant 8528 : index
    %get3A_522 = tpu.vector_load %arg14[%get3A_521] {strides = array<i32>} : memref<21120xi32, #tpu.memory_space<vmem>>, vector<16xi32>,
    %lt3A_523 = vector.broadcast %squeeze3A_395 : i32 to vector<16xi32>
    %lt3A_524 = arith.cmpi slt, %add3A_511, %lt3A_523 : vector<16xi32>
    %jit3A_525 = arith.constant 256 : i32
    %broadcast_in_dim3A_526 = vector.broadcast %jit3A_525 : i32 to vector<16xi32>
    %select_n3A_527 = arith.select %lt3A_524, %get3A_522, %broadcast_in_dim3A_526 : vector<16xi1>, vector<16xi32>
    %swap3A_528 = arith.constant 8528 : index
    %swap3A_529 = tpu.vector_load %arg14[%swap3A_528] {strides = array<i32>} : memref<21120xi32, #tpu.memory_space<vmem>>, vector<16xi32>,
    tpu.vector_store %arg14[%swap3A_528], %select_n3A_527 {strides = array<i32>} : memref<21120xi32, #tpu.memory_space<vmem>>, vector<16xi32>,
    %add3A_530 = arith.constant 96 : i32
    %add3A_531 = vector.broadcast %add3A_530 : i32 to vector<16xi32>
    %add3A_532 = arith.addi %iota3A, %add3A_531 : vector<16xi32>
    %get3A_533 = arith.constant 8544 : index
    %get3A_534 = tpu.vector_load %arg13[%get3A_533] {strides = array<i32>} : memref<21120xi32, #tpu.memory_space<vmem>>, vector<16xi32>,
    %lt3A_535 = vector.broadcast %squeeze3A_395 : i32 to vector<16xi32>
    %lt3A_536 = arith.cmpi slt, %add3A_532, %lt3A_535 : vector<16xi32>
    %jit3A_537 = arith.constant 0 : i32
    %broadcast_in_dim3A_538 = vector.broadcast %jit3A_537 : i32 to vector<16xi32>
    %select_n3A_539 = arith.select %lt3A_536, %get3A_534, %broadcast_in_dim3A_538 : vector<16xi1>, vector<16xi32>
    %swap3A_540 = arith.constant 8544 : index
    %swap3A_541 = tpu.vector_load %arg13[%swap3A_540] {strides = array<i32>} : memref<21120xi32, #tpu.memory_space<vmem>>, vector<16xi32>,
    tpu.vector_store %arg13[%swap3A_540], %select_n3A_539 {strides = array<i32>} : memref<21120xi32, #tpu.memory_space<vmem>>, vector<16xi32>,
    %get3A_542 = arith.constant 8544 : index
    %get3A_543 = tpu.vector_load %arg14[%get3A_542] {strides = array<i32>} : memref<21120xi32, #tpu.memory_space<vmem>>, vector<16xi32>,
    %lt3A_544 = vector.broadcast %squeeze3A_395 : i32 to vector<16xi32>
    %lt3A_545 = arith.cmpi slt, %add3A_532, %lt3A_544 : vector<16xi32>
    %jit3A_546 = arith.constant 256 : i32
    %broadcast_in_dim3A_547 = vector.broadcast %jit3A_546 : i32 to vector<16xi32>
    %select_n3A_548 = arith.select %lt3A_545, %get3A_543, %broadcast_in_dim3A_547 : vector<16xi1>, vector<16xi32>
    %swap3A_549 = arith.constant 8544 : index
    %swap3A_550 = tpu.vector_load %arg14[%swap3A_549] {strides = array<i32>} : memref<21120xi32, #tpu.memory_space<vmem>>, vector<16xi32>,
    tpu.vector_store %arg14[%swap3A_549], %select_n3A_548 {strides = array<i32>} : memref<21120xi32, #tpu.memory_space<vmem>>, vector<16xi32>,
    %add3A_551 = arith.constant 112 : i32
    %add3A_552 = vector.broadcast %add3A_551 : i32 to vector<16xi32>
    %add3A_553 = arith.addi %iota3A, %add3A_552 : vector<16xi32>
    %get3A_554 = arith.constant 8560 : index
    %get3A_555 = tpu.vector_load %arg13[%get3A_554] {strides = array<i32>} : memref<21120xi32, #tpu.memory_space<vmem>>, vector<16xi32>,
    %lt3A_556 = vector.broadcast %squeeze3A_395 : i32 to vector<16xi32>
    %lt3A_557 = arith.cmpi slt, %add3A_553, %lt3A_556 : vector<16xi32>
    %jit3A_558 = arith.constant 0 : i32
    %broadcast_in_dim3A_559 = vector.broadcast %jit3A_558 : i32 to vector<16xi32>
    %select_n3A_560 = arith.select %lt3A_557, %get3A_555, %broadcast_in_dim3A_559 : vector<16xi1>, vector<16xi32>
    %swap3A_561 = arith.constant 8560 : index
    %swap3A_562 = tpu.vector_load %arg13[%swap3A_561] {strides = array<i32>} : memref<21120xi32, #tpu.memory_space<vmem>>, vector<16xi32>,
    tpu.vector_store %arg13[%swap3A_561], %select_n3A_560 {strides = array<i32>} : memref<21120xi32, #tpu.memory_space<vmem>>, vector<16xi32>,
    %get3A_563 = arith.constant 8560 : index
    %get3A_564 = tpu.vector_load %arg14[%get3A_563] {strides = array<i32>} : memref<21120xi32, #tpu.memory_space<vmem>>, vector<16xi32>,
    %lt3A_565 = vector.broadcast %squeeze3A_395 : i32 to vector<16xi32>
    %lt3A_566 = arith.cmpi slt, %add3A_553, %lt3A_565 : vector<16xi32>
    %jit3A_567 = arith.constant 256 : i32
    %broadcast_in_dim3A_568 = vector.broadcast %jit3A_567 : i32 to vector<16xi32>
    %select_n3A_569 = arith.select %lt3A_566, %get3A_564, %broadcast_in_dim3A_568 : vector<16xi1>, vector<16xi32>
    %swap3A_570 = arith.constant 8560 : index
    %swap3A_571 = tpu.vector_load %arg14[%swap3A_570] {strides = array<i32>} : memref<21120xi32, #tpu.memory_space<vmem>>, vector<16xi32>,
    tpu.vector_store %arg14[%swap3A_570], %select_n3A_569 {strides = array<i32>} : memref<21120xi32, #tpu.memory_space<vmem>>, vector<16xi32>,
    %gt3A_572 = arith.constant 0 : i32
    %gt3A_573 = arith.cmpi sgt, %squeeze3A_395, %gt3A_572 : i32
    %convert_element_type3A_574 = arith.extui %gt3A_573 : i1 to i32
    %cond3A_575 = arith.constant 0 : i32
    %cond3A_576 = arith.cmpi ne, %convert_element_type3A_574, %cond3A_575 : i32
    scf.if %cond3A_576 {
      %add3A_979 = arith.addi %mul3A_403, %squeeze3A_397 : i32
      %multiple_of3A_980 = tpu.assume_multiple %add3A_979, 128 : i32
      "tpu.region"() ({
        %run_scoped3A = tpu.sem_alloc : memref<!tpu.dma_semaphore, #tpu.memory_space<semaphore_mem>>
        %dma_start3A = arith.constant 8448 : i32
        %dma_start3A_983 = tpu.memref_slice %arg13[%dma_start3A] : memref<21120xi32, #tpu.memory_space<vmem>> -> memref<128xi32, #tpu.memory_space<vmem>>
        %dma_start3A_984 = tpu.memref_slice %arg5[%multiple_of3A_980] : memref<10485760xi32, #tpu.memory_space<hbm>> -> memref<128xi32, #tpu.memory_space<hbm>>
        %dma_start3A_985 = tpu.memref_slice %arg5[%multiple_of3A_980] : memref<10485760xi32, #tpu.memory_space<hbm>> -> memref<128xi32, #tpu.memory_space<hbm>>
        %dma_start3A_986 = arith.constant 8448 : i32
        %dma_start3A_987 = tpu.memref_slice %arg13[%dma_start3A_986] : memref<21120xi32, #tpu.memory_space<vmem>> -> memref<128xi32, #tpu.memory_space<vmem>>
        tpu.enqueue_dma source(%dma_start3A_987 : memref<128xi32, #tpu.memory_space<vmem>>) target(%dma_start3A_985 : memref<128xi32, #tpu.memory_space<hbm>>) target_semaphore(%run_scoped3A : memref<!tpu.dma_semaphore, #tpu.memory_space<semaphore_mem>>)
        %dma_wait3A = arith.constant 8448 : i32
        %dma_wait3A_988 = tpu.memref_slice %arg13[%dma_wait3A] : memref<21120xi32, #tpu.memory_space<vmem>> -> memref<128xi32, #tpu.memory_space<vmem>>
        %dma_wait3A_989 = tpu.memref_slice %arg5[%multiple_of3A_980] : memref<10485760xi32, #tpu.memory_space<hbm>> -> memref<128xi32, #tpu.memory_space<hbm>>
        %dma_wait3A_990 = tpu.memref_slice %arg5[%multiple_of3A_980] : memref<10485760xi32, #tpu.memory_space<hbm>> -> memref<128xi32, #tpu.memory_space<hbm>>
        %dma_wait3A_991 = arith.constant 8448 : i32
        %dma_wait3A_992 = tpu.memref_slice %arg13[%dma_wait3A_991] : memref<21120xi32, #tpu.memory_space<vmem>> -> memref<128xi32, #tpu.memory_space<vmem>>
        tpu.wait_dma2 semaphore(%run_scoped3A : memref<!tpu.dma_semaphore, #tpu.memory_space<semaphore_mem>>) src(%dma_wait3A_992 : memref<128xi32, #tpu.memory_space<vmem>>) dst(%dma_wait3A_990 : memref<128xi32, #tpu.memory_space<hbm>>)
        tpu.yield
      }) : () -> ()
      %add3A_981 = arith.addi %mul3A_403, %squeeze3A_397 : i32
      %multiple_of3A_982 = tpu.assume_multiple %add3A_981, 128 : i32
      "tpu.region"() ({
        %run_scoped3A = tpu.sem_alloc : memref<!tpu.dma_semaphore, #tpu.memory_space<semaphore_mem>>
        %dma_start3A = arith.constant 8448 : i32
        %dma_start3A_983 = tpu.memref_slice %arg14[%dma_start3A] : memref<21120xi32, #tpu.memory_space<vmem>> -> memref<128xi32, #tpu.memory_space<vmem>>
        %dma_start3A_984 = tpu.memref_slice %arg6[%multiple_of3A_982] : memref<10485760xi32, #tpu.memory_space<hbm>> -> memref<128xi32, #tpu.memory_space<hbm>>
        %dma_start3A_985 = tpu.memref_slice %arg6[%multiple_of3A_982] : memref<10485760xi32, #tpu.memory_space<hbm>> -> memref<128xi32, #tpu.memory_space<hbm>>
        %dma_start3A_986 = arith.constant 8448 : i32
        %dma_start3A_987 = tpu.memref_slice %arg14[%dma_start3A_986] : memref<21120xi32, #tpu.memory_space<vmem>> -> memref<128xi32, #tpu.memory_space<vmem>>
        tpu.enqueue_dma source(%dma_start3A_987 : memref<128xi32, #tpu.memory_space<vmem>>) target(%dma_start3A_985 : memref<128xi32, #tpu.memory_space<hbm>>) target_semaphore(%run_scoped3A : memref<!tpu.dma_semaphore, #tpu.memory_space<semaphore_mem>>)
        %dma_wait3A = arith.constant 8448 : i32
        %dma_wait3A_988 = tpu.memref_slice %arg14[%dma_wait3A] : memref<21120xi32, #tpu.memory_space<vmem>> -> memref<128xi32, #tpu.memory_space<vmem>>
        %dma_wait3A_989 = tpu.memref_slice %arg6[%multiple_of3A_982] : memref<10485760xi32, #tpu.memory_space<hbm>> -> memref<128xi32, #tpu.memory_space<hbm>>
        %dma_wait3A_990 = tpu.memref_slice %arg6[%multiple_of3A_982] : memref<10485760xi32, #tpu.memory_space<hbm>> -> memref<128xi32, #tpu.memory_space<hbm>>
        %dma_wait3A_991 = arith.constant 8448 : i32
        %dma_wait3A_992 = tpu.memref_slice %arg14[%dma_wait3A_991] : memref<21120xi32, #tpu.memory_space<vmem>> -> memref<128xi32, #tpu.memory_space<vmem>>
        tpu.wait_dma2 semaphore(%run_scoped3A : memref<!tpu.dma_semaphore, #tpu.memory_space<semaphore_mem>>) src(%dma_wait3A_992 : memref<128xi32, #tpu.memory_space<vmem>>) dst(%dma_wait3A_990 : memref<128xi32, #tpu.memory_space<hbm>>)
        tpu.yield
      }) : () -> ()
    } else {
    }
    %eq3A_577 = arith.constant 2 : i32
    %eq3A_578 = vector.broadcast %eq3A_577 : i32 to vector<16xi32>
    %eq3A_579 = arith.cmpi eq, %iota3A, %eq3A_578 : vector<16xi32>
    %add3A_580 = arith.addi %squeeze3A_397, %squeeze3A_395 : i32
    %broadcast_in_dim3A_581 = vector.broadcast %add3A_580 : i32 to vector<16xi32>
    %select_n3A_582 = arith.select %eq3A_579, %broadcast_in_dim3A_581, %select_n3A_393 : vector<16xi1>, vector<16xi32>
    %slice3A_583 = vector.extract_strided_slice %get3A_22 {offsets = [3], sizes = [1], strides = [1]} : vector<16xi32> to vector<1xi32>
    %squeeze3A_584 = vector.extract %slice3A_583[0] : i32 from vector<1xi32>
    %slice3A_585 = vector.extract_strided_slice %get3A_24 {offsets = [3], sizes = [1], strides = [1]} : vector<16xi32> to vector<1xi32>
    %squeeze3A_586 = vector.extract %slice3A_585[0] : i32 from vector<1xi32>
    %mul3A_587 = arith.constant 5 : i32
    %mul3A_588 = arith.muli %add3A, %mul3A_587 : i32
    %add3A_589 = arith.constant 3 : i32
    %add3A_590 = arith.addi %mul3A_588, %add3A_589 : i32
    %mul3A_591 = arith.constant 65536 : i32
    %mul3A_592 = arith.muli %add3A_590, %mul3A_591 : i32
    %add3A_593 = arith.constant 0 : i32
    %add3A_594 = vector.broadcast %add3A_593 : i32 to vector<16xi32>
    %add3A_595 = arith.addi %iota3A, %add3A_594 : vector<16xi32>
    %get3A_596 = arith.constant 12672 : index
    %get3A_597 = tpu.vector_load %arg13[%get3A_596] {strides = array<i32>} : memref<21120xi32, #tpu.memory_space<vmem>>, vector<16xi32>,
    %lt3A_598 = vector.broadcast %squeeze3A_584 : i32 to vector<16xi32>
    %lt3A_599 = arith.cmpi slt, %add3A_595, %lt3A_598 : vector<16xi32>
    %jit3A_600 = arith.constant 0 : i32
    %broadcast_in_dim3A_601 = vector.broadcast %jit3A_600 : i32 to vector<16xi32>
    %select_n3A_602 = arith.select %lt3A_599, %get3A_597, %broadcast_in_dim3A_601 : vector<16xi1>, vector<16xi32>
    %swap3A_603 = arith.constant 12672 : index
    %swap3A_604 = tpu.vector_load %arg13[%swap3A_603] {strides = array<i32>} : memref<21120xi32, #tpu.memory_space<vmem>>, vector<16xi32>,
    tpu.vector_store %arg13[%swap3A_603], %select_n3A_602 {strides = array<i32>} : memref<21120xi32, #tpu.memory_space<vmem>>, vector<16xi32>,
    %get3A_605 = arith.constant 12672 : index
    %get3A_606 = tpu.vector_load %arg14[%get3A_605] {strides = array<i32>} : memref<21120xi32, #tpu.memory_space<vmem>>, vector<16xi32>,
    %lt3A_607 = vector.broadcast %squeeze3A_584 : i32 to vector<16xi32>
    %lt3A_608 = arith.cmpi slt, %add3A_595, %lt3A_607 : vector<16xi32>
    %jit3A_609 = arith.constant 256 : i32
    %broadcast_in_dim3A_610 = vector.broadcast %jit3A_609 : i32 to vector<16xi32>
    %select_n3A_611 = arith.select %lt3A_608, %get3A_606, %broadcast_in_dim3A_610 : vector<16xi1>, vector<16xi32>
    %swap3A_612 = arith.constant 12672 : index
    %swap3A_613 = tpu.vector_load %arg14[%swap3A_612] {strides = array<i32>} : memref<21120xi32, #tpu.memory_space<vmem>>, vector<16xi32>,
    tpu.vector_store %arg14[%swap3A_612], %select_n3A_611 {strides = array<i32>} : memref<21120xi32, #tpu.memory_space<vmem>>, vector<16xi32>,
    %add3A_614 = arith.constant 16 : i32
    %add3A_615 = vector.broadcast %add3A_614 : i32 to vector<16xi32>
    %add3A_616 = arith.addi %iota3A, %add3A_615 : vector<16xi32>
    %get3A_617 = arith.constant 12688 : index
    %get3A_618 = tpu.vector_load %arg13[%get3A_617] {strides = array<i32>} : memref<21120xi32, #tpu.memory_space<vmem>>, vector<16xi32>,
    %lt3A_619 = vector.broadcast %squeeze3A_584 : i32 to vector<16xi32>
    %lt3A_620 = arith.cmpi slt, %add3A_616, %lt3A_619 : vector<16xi32>
    %jit3A_621 = arith.constant 0 : i32
    %broadcast_in_dim3A_622 = vector.broadcast %jit3A_621 : i32 to vector<16xi32>
    %select_n3A_623 = arith.select %lt3A_620, %get3A_618, %broadcast_in_dim3A_622 : vector<16xi1>, vector<16xi32>
    %swap3A_624 = arith.constant 12688 : index
    %swap3A_625 = tpu.vector_load %arg13[%swap3A_624] {strides = array<i32>} : memref<21120xi32, #tpu.memory_space<vmem>>, vector<16xi32>,
    tpu.vector_store %arg13[%swap3A_624], %select_n3A_623 {strides = array<i32>} : memref<21120xi32, #tpu.memory_space<vmem>>, vector<16xi32>,
    %get3A_626 = arith.constant 12688 : index
    %get3A_627 = tpu.vector_load %arg14[%get3A_626] {strides = array<i32>} : memref<21120xi32, #tpu.memory_space<vmem>>, vector<16xi32>,
    %lt3A_628 = vector.broadcast %squeeze3A_584 : i32 to vector<16xi32>
    %lt3A_629 = arith.cmpi slt, %add3A_616, %lt3A_628 : vector<16xi32>
    %jit3A_630 = arith.constant 256 : i32
    %broadcast_in_dim3A_631 = vector.broadcast %jit3A_630 : i32 to vector<16xi32>
    %select_n3A_632 = arith.select %lt3A_629, %get3A_627, %broadcast_in_dim3A_631 : vector<16xi1>, vector<16xi32>
    %swap3A_633 = arith.constant 12688 : index
    %swap3A_634 = tpu.vector_load %arg14[%swap3A_633] {strides = array<i32>} : memref<21120xi32, #tpu.memory_space<vmem>>, vector<16xi32>,
    tpu.vector_store %arg14[%swap3A_633], %select_n3A_632 {strides = array<i32>} : memref<21120xi32, #tpu.memory_space<vmem>>, vector<16xi32>,
    %add3A_635 = arith.constant 32 : i32
    %add3A_636 = vector.broadcast %add3A_635 : i32 to vector<16xi32>
    %add3A_637 = arith.addi %iota3A, %add3A_636 : vector<16xi32>
    %get3A_638 = arith.constant 12704 : index
    %get3A_639 = tpu.vector_load %arg13[%get3A_638] {strides = array<i32>} : memref<21120xi32, #tpu.memory_space<vmem>>, vector<16xi32>,
    %lt3A_640 = vector.broadcast %squeeze3A_584 : i32 to vector<16xi32>
    %lt3A_641 = arith.cmpi slt, %add3A_637, %lt3A_640 : vector<16xi32>
    %jit3A_642 = arith.constant 0 : i32
    %broadcast_in_dim3A_643 = vector.broadcast %jit3A_642 : i32 to vector<16xi32>
    %select_n3A_644 = arith.select %lt3A_641, %get3A_639, %broadcast_in_dim3A_643 : vector<16xi1>, vector<16xi32>
    %swap3A_645 = arith.constant 12704 : index
    %swap3A_646 = tpu.vector_load %arg13[%swap3A_645] {strides = array<i32>} : memref<21120xi32, #tpu.memory_space<vmem>>, vector<16xi32>,
    tpu.vector_store %arg13[%swap3A_645], %select_n3A_644 {strides = array<i32>} : memref<21120xi32, #tpu.memory_space<vmem>>, vector<16xi32>,
    %get3A_647 = arith.constant 12704 : index
    %get3A_648 = tpu.vector_load %arg14[%get3A_647] {strides = array<i32>} : memref<21120xi32, #tpu.memory_space<vmem>>, vector<16xi32>,
    %lt3A_649 = vector.broadcast %squeeze3A_584 : i32 to vector<16xi32>
    %lt3A_650 = arith.cmpi slt, %add3A_637, %lt3A_649 : vector<16xi32>
    %jit3A_651 = arith.constant 256 : i32
    %broadcast_in_dim3A_652 = vector.broadcast %jit3A_651 : i32 to vector<16xi32>
    %select_n3A_653 = arith.select %lt3A_650, %get3A_648, %broadcast_in_dim3A_652 : vector<16xi1>, vector<16xi32>
    %swap3A_654 = arith.constant 12704 : index
    %swap3A_655 = tpu.vector_load %arg14[%swap3A_654] {strides = array<i32>} : memref<21120xi32, #tpu.memory_space<vmem>>, vector<16xi32>,
    tpu.vector_store %arg14[%swap3A_654], %select_n3A_653 {strides = array<i32>} : memref<21120xi32, #tpu.memory_space<vmem>>, vector<16xi32>,
    %add3A_656 = arith.constant 48 : i32
    %add3A_657 = vector.broadcast %add3A_656 : i32 to vector<16xi32>
    %add3A_658 = arith.addi %iota3A, %add3A_657 : vector<16xi32>
    %get3A_659 = arith.constant 12720 : index
    %get3A_660 = tpu.vector_load %arg13[%get3A_659] {strides = array<i32>} : memref<21120xi32, #tpu.memory_space<vmem>>, vector<16xi32>,
    %lt3A_661 = vector.broadcast %squeeze3A_584 : i32 to vector<16xi32>
    %lt3A_662 = arith.cmpi slt, %add3A_658, %lt3A_661 : vector<16xi32>
    %jit3A_663 = arith.constant 0 : i32
    %broadcast_in_dim3A_664 = vector.broadcast %jit3A_663 : i32 to vector<16xi32>
    %select_n3A_665 = arith.select %lt3A_662, %get3A_660, %broadcast_in_dim3A_664 : vector<16xi1>, vector<16xi32>
    %swap3A_666 = arith.constant 12720 : index
    %swap3A_667 = tpu.vector_load %arg13[%swap3A_666] {strides = array<i32>} : memref<21120xi32, #tpu.memory_space<vmem>>, vector<16xi32>,
    tpu.vector_store %arg13[%swap3A_666], %select_n3A_665 {strides = array<i32>} : memref<21120xi32, #tpu.memory_space<vmem>>, vector<16xi32>,
    %get3A_668 = arith.constant 12720 : index
    %get3A_669 = tpu.vector_load %arg14[%get3A_668] {strides = array<i32>} : memref<21120xi32, #tpu.memory_space<vmem>>, vector<16xi32>,
    %lt3A_670 = vector.broadcast %squeeze3A_584 : i32 to vector<16xi32>
    %lt3A_671 = arith.cmpi slt, %add3A_658, %lt3A_670 : vector<16xi32>
    %jit3A_672 = arith.constant 256 : i32
    %broadcast_in_dim3A_673 = vector.broadcast %jit3A_672 : i32 to vector<16xi32>
    %select_n3A_674 = arith.select %lt3A_671, %get3A_669, %broadcast_in_dim3A_673 : vector<16xi1>, vector<16xi32>
    %swap3A_675 = arith.constant 12720 : index
    %swap3A_676 = tpu.vector_load %arg14[%swap3A_675] {strides = array<i32>} : memref<21120xi32, #tpu.memory_space<vmem>>, vector<16xi32>,
    tpu.vector_store %arg14[%swap3A_675], %select_n3A_674 {strides = array<i32>} : memref<21120xi32, #tpu.memory_space<vmem>>, vector<16xi32>,
    %add3A_677 = arith.constant 64 : i32
    %add3A_678 = vector.broadcast %add3A_677 : i32 to vector<16xi32>
    %add3A_679 = arith.addi %iota3A, %add3A_678 : vector<16xi32>
    %get3A_680 = arith.constant 12736 : index
    %get3A_681 = tpu.vector_load %arg13[%get3A_680] {strides = array<i32>} : memref<21120xi32, #tpu.memory_space<vmem>>, vector<16xi32>,
    %lt3A_682 = vector.broadcast %squeeze3A_584 : i32 to vector<16xi32>
    %lt3A_683 = arith.cmpi slt, %add3A_679, %lt3A_682 : vector<16xi32>
    %jit3A_684 = arith.constant 0 : i32
    %broadcast_in_dim3A_685 = vector.broadcast %jit3A_684 : i32 to vector<16xi32>
    %select_n3A_686 = arith.select %lt3A_683, %get3A_681, %broadcast_in_dim3A_685 : vector<16xi1>, vector<16xi32>
    %swap3A_687 = arith.constant 12736 : index
    %swap3A_688 = tpu.vector_load %arg13[%swap3A_687] {strides = array<i32>} : memref<21120xi32, #tpu.memory_space<vmem>>, vector<16xi32>,
    tpu.vector_store %arg13[%swap3A_687], %select_n3A_686 {strides = array<i32>} : memref<21120xi32, #tpu.memory_space<vmem>>, vector<16xi32>,
    %get3A_689 = arith.constant 12736 : index
    %get3A_690 = tpu.vector_load %arg14[%get3A_689] {strides = array<i32>} : memref<21120xi32, #tpu.memory_space<vmem>>, vector<16xi32>,
    %lt3A_691 = vector.broadcast %squeeze3A_584 : i32 to vector<16xi32>
    %lt3A_692 = arith.cmpi slt, %add3A_679, %lt3A_691 : vector<16xi32>
    %jit3A_693 = arith.constant 256 : i32
    %broadcast_in_dim3A_694 = vector.broadcast %jit3A_693 : i32 to vector<16xi32>
    %select_n3A_695 = arith.select %lt3A_692, %get3A_690, %broadcast_in_dim3A_694 : vector<16xi1>, vector<16xi32>
    %swap3A_696 = arith.constant 12736 : index
    %swap3A_697 = tpu.vector_load %arg14[%swap3A_696] {strides = array<i32>} : memref<21120xi32, #tpu.memory_space<vmem>>, vector<16xi32>,
    tpu.vector_store %arg14[%swap3A_696], %select_n3A_695 {strides = array<i32>} : memref<21120xi32, #tpu.memory_space<vmem>>, vector<16xi32>,
    %add3A_698 = arith.constant 80 : i32
    %add3A_699 = vector.broadcast %add3A_698 : i32 to vector<16xi32>
    %add3A_700 = arith.addi %iota3A, %add3A_699 : vector<16xi32>
    %get3A_701 = arith.constant 12752 : index
    %get3A_702 = tpu.vector_load %arg13[%get3A_701] {strides = array<i32>} : memref<21120xi32, #tpu.memory_space<vmem>>, vector<16xi32>,
    %lt3A_703 = vector.broadcast %squeeze3A_584 : i32 to vector<16xi32>
    %lt3A_704 = arith.cmpi slt, %add3A_700, %lt3A_703 : vector<16xi32>
    %jit3A_705 = arith.constant 0 : i32
    %broadcast_in_dim3A_706 = vector.broadcast %jit3A_705 : i32 to vector<16xi32>
    %select_n3A_707 = arith.select %lt3A_704, %get3A_702, %broadcast_in_dim3A_706 : vector<16xi1>, vector<16xi32>
    %swap3A_708 = arith.constant 12752 : index
    %swap3A_709 = tpu.vector_load %arg13[%swap3A_708] {strides = array<i32>} : memref<21120xi32, #tpu.memory_space<vmem>>, vector<16xi32>,
    tpu.vector_store %arg13[%swap3A_708], %select_n3A_707 {strides = array<i32>} : memref<21120xi32, #tpu.memory_space<vmem>>, vector<16xi32>,
    %get3A_710 = arith.constant 12752 : index
    %get3A_711 = tpu.vector_load %arg14[%get3A_710] {strides = array<i32>} : memref<21120xi32, #tpu.memory_space<vmem>>, vector<16xi32>,
    %lt3A_712 = vector.broadcast %squeeze3A_584 : i32 to vector<16xi32>
    %lt3A_713 = arith.cmpi slt, %add3A_700, %lt3A_712 : vector<16xi32>
    %jit3A_714 = arith.constant 256 : i32
    %broadcast_in_dim3A_715 = vector.broadcast %jit3A_714 : i32 to vector<16xi32>
    %select_n3A_716 = arith.select %lt3A_713, %get3A_711, %broadcast_in_dim3A_715 : vector<16xi1>, vector<16xi32>
    %swap3A_717 = arith.constant 12752 : index
    %swap3A_718 = tpu.vector_load %arg14[%swap3A_717] {strides = array<i32>} : memref<21120xi32, #tpu.memory_space<vmem>>, vector<16xi32>,
    tpu.vector_store %arg14[%swap3A_717], %select_n3A_716 {strides = array<i32>} : memref<21120xi32, #tpu.memory_space<vmem>>, vector<16xi32>,
    %add3A_719 = arith.constant 96 : i32
    %add3A_720 = vector.broadcast %add3A_719 : i32 to vector<16xi32>
    %add3A_721 = arith.addi %iota3A, %add3A_720 : vector<16xi32>
    %get3A_722 = arith.constant 12768 : index
    %get3A_723 = tpu.vector_load %arg13[%get3A_722] {strides = array<i32>} : memref<21120xi32, #tpu.memory_space<vmem>>, vector<16xi32>,
    %lt3A_724 = vector.broadcast %squeeze3A_584 : i32 to vector<16xi32>
    %lt3A_725 = arith.cmpi slt, %add3A_721, %lt3A_724 : vector<16xi32>
    %jit3A_726 = arith.constant 0 : i32
    %broadcast_in_dim3A_727 = vector.broadcast %jit3A_726 : i32 to vector<16xi32>
    %select_n3A_728 = arith.select %lt3A_725, %get3A_723, %broadcast_in_dim3A_727 : vector<16xi1>, vector<16xi32>
    %swap3A_729 = arith.constant 12768 : index
    %swap3A_730 = tpu.vector_load %arg13[%swap3A_729] {strides = array<i32>} : memref<21120xi32, #tpu.memory_space<vmem>>, vector<16xi32>,
    tpu.vector_store %arg13[%swap3A_729], %select_n3A_728 {strides = array<i32>} : memref<21120xi32, #tpu.memory_space<vmem>>, vector<16xi32>,
    %get3A_731 = arith.constant 12768 : index
    %get3A_732 = tpu.vector_load %arg14[%get3A_731] {strides = array<i32>} : memref<21120xi32, #tpu.memory_space<vmem>>, vector<16xi32>,
    %lt3A_733 = vector.broadcast %squeeze3A_584 : i32 to vector<16xi32>
    %lt3A_734 = arith.cmpi slt, %add3A_721, %lt3A_733 : vector<16xi32>
    %jit3A_735 = arith.constant 256 : i32
    %broadcast_in_dim3A_736 = vector.broadcast %jit3A_735 : i32 to vector<16xi32>
    %select_n3A_737 = arith.select %lt3A_734, %get3A_732, %broadcast_in_dim3A_736 : vector<16xi1>, vector<16xi32>
    %swap3A_738 = arith.constant 12768 : index
    %swap3A_739 = tpu.vector_load %arg14[%swap3A_738] {strides = array<i32>} : memref<21120xi32, #tpu.memory_space<vmem>>, vector<16xi32>,
    tpu.vector_store %arg14[%swap3A_738], %select_n3A_737 {strides = array<i32>} : memref<21120xi32, #tpu.memory_space<vmem>>, vector<16xi32>,
    %add3A_740 = arith.constant 112 : i32
    %add3A_741 = vector.broadcast %add3A_740 : i32 to vector<16xi32>
    %add3A_742 = arith.addi %iota3A, %add3A_741 : vector<16xi32>
    %get3A_743 = arith.constant 12784 : index
    %get3A_744 = tpu.vector_load %arg13[%get3A_743] {strides = array<i32>} : memref<21120xi32, #tpu.memory_space<vmem>>, vector<16xi32>,
    %lt3A_745 = vector.broadcast %squeeze3A_584 : i32 to vector<16xi32>
    %lt3A_746 = arith.cmpi slt, %add3A_742, %lt3A_745 : vector<16xi32>
    %jit3A_747 = arith.constant 0 : i32
    %broadcast_in_dim3A_748 = vector.broadcast %jit3A_747 : i32 to vector<16xi32>
    %select_n3A_749 = arith.select %lt3A_746, %get3A_744, %broadcast_in_dim3A_748 : vector<16xi1>, vector<16xi32>
    %swap3A_750 = arith.constant 12784 : index
    %swap3A_751 = tpu.vector_load %arg13[%swap3A_750] {strides = array<i32>} : memref<21120xi32, #tpu.memory_space<vmem>>, vector<16xi32>,
    tpu.vector_store %arg13[%swap3A_750], %select_n3A_749 {strides = array<i32>} : memref<21120xi32, #tpu.memory_space<vmem>>, vector<16xi32>,
    %get3A_752 = arith.constant 12784 : index
    %get3A_753 = tpu.vector_load %arg14[%get3A_752] {strides = array<i32>} : memref<21120xi32, #tpu.memory_space<vmem>>, vector<16xi32>,
    %lt3A_754 = vector.broadcast %squeeze3A_584 : i32 to vector<16xi32>
    %lt3A_755 = arith.cmpi slt, %add3A_742, %lt3A_754 : vector<16xi32>
    %jit3A_756 = arith.constant 256 : i32
    %broadcast_in_dim3A_757 = vector.broadcast %jit3A_756 : i32 to vector<16xi32>
    %select_n3A_758 = arith.select %lt3A_755, %get3A_753, %broadcast_in_dim3A_757 : vector<16xi1>, vector<16xi32>
    %swap3A_759 = arith.constant 12784 : index
    %swap3A_760 = tpu.vector_load %arg14[%swap3A_759] {strides = array<i32>} : memref<21120xi32, #tpu.memory_space<vmem>>, vector<16xi32>,
    tpu.vector_store %arg14[%swap3A_759], %select_n3A_758 {strides = array<i32>} : memref<21120xi32, #tpu.memory_space<vmem>>, vector<16xi32>,
    %gt3A_761 = arith.constant 0 : i32
    %gt3A_762 = arith.cmpi sgt, %squeeze3A_584, %gt3A_761 : i32
    %convert_element_type3A_763 = arith.extui %gt3A_762 : i1 to i32
    %cond3A_764 = arith.constant 0 : i32
    %cond3A_765 = arith.cmpi ne, %convert_element_type3A_763, %cond3A_764 : i32
    scf.if %cond3A_765 {
      %add3A_979 = arith.addi %mul3A_592, %squeeze3A_586 : i32
      %multiple_of3A_980 = tpu.assume_multiple %add3A_979, 128 : i32
      "tpu.region"() ({
        %run_scoped3A = tpu.sem_alloc : memref<!tpu.dma_semaphore, #tpu.memory_space<semaphore_mem>>
        %dma_start3A = arith.constant 12672 : i32
        %dma_start3A_983 = tpu.memref_slice %arg13[%dma_start3A] : memref<21120xi32, #tpu.memory_space<vmem>> -> memref<128xi32, #tpu.memory_space<vmem>>
        %dma_start3A_984 = tpu.memref_slice %arg5[%multiple_of3A_980] : memref<10485760xi32, #tpu.memory_space<hbm>> -> memref<128xi32, #tpu.memory_space<hbm>>
        %dma_start3A_985 = tpu.memref_slice %arg5[%multiple_of3A_980] : memref<10485760xi32, #tpu.memory_space<hbm>> -> memref<128xi32, #tpu.memory_space<hbm>>
        %dma_start3A_986 = arith.constant 12672 : i32
        %dma_start3A_987 = tpu.memref_slice %arg13[%dma_start3A_986] : memref<21120xi32, #tpu.memory_space<vmem>> -> memref<128xi32, #tpu.memory_space<vmem>>
        tpu.enqueue_dma source(%dma_start3A_987 : memref<128xi32, #tpu.memory_space<vmem>>) target(%dma_start3A_985 : memref<128xi32, #tpu.memory_space<hbm>>) target_semaphore(%run_scoped3A : memref<!tpu.dma_semaphore, #tpu.memory_space<semaphore_mem>>)
        %dma_wait3A = arith.constant 12672 : i32
        %dma_wait3A_988 = tpu.memref_slice %arg13[%dma_wait3A] : memref<21120xi32, #tpu.memory_space<vmem>> -> memref<128xi32, #tpu.memory_space<vmem>>
        %dma_wait3A_989 = tpu.memref_slice %arg5[%multiple_of3A_980] : memref<10485760xi32, #tpu.memory_space<hbm>> -> memref<128xi32, #tpu.memory_space<hbm>>
        %dma_wait3A_990 = tpu.memref_slice %arg5[%multiple_of3A_980] : memref<10485760xi32, #tpu.memory_space<hbm>> -> memref<128xi32, #tpu.memory_space<hbm>>
        %dma_wait3A_991 = arith.constant 12672 : i32
        %dma_wait3A_992 = tpu.memref_slice %arg13[%dma_wait3A_991] : memref<21120xi32, #tpu.memory_space<vmem>> -> memref<128xi32, #tpu.memory_space<vmem>>
        tpu.wait_dma2 semaphore(%run_scoped3A : memref<!tpu.dma_semaphore, #tpu.memory_space<semaphore_mem>>) src(%dma_wait3A_992 : memref<128xi32, #tpu.memory_space<vmem>>) dst(%dma_wait3A_990 : memref<128xi32, #tpu.memory_space<hbm>>)
        tpu.yield
      }) : () -> ()
      %add3A_981 = arith.addi %mul3A_592, %squeeze3A_586 : i32
      %multiple_of3A_982 = tpu.assume_multiple %add3A_981, 128 : i32
      "tpu.region"() ({
        %run_scoped3A = tpu.sem_alloc : memref<!tpu.dma_semaphore, #tpu.memory_space<semaphore_mem>>
        %dma_start3A = arith.constant 12672 : i32
        %dma_start3A_983 = tpu.memref_slice %arg14[%dma_start3A] : memref<21120xi32, #tpu.memory_space<vmem>> -> memref<128xi32, #tpu.memory_space<vmem>>
        %dma_start3A_984 = tpu.memref_slice %arg6[%multiple_of3A_982] : memref<10485760xi32, #tpu.memory_space<hbm>> -> memref<128xi32, #tpu.memory_space<hbm>>
        %dma_start3A_985 = tpu.memref_slice %arg6[%multiple_of3A_982] : memref<10485760xi32, #tpu.memory_space<hbm>> -> memref<128xi32, #tpu.memory_space<hbm>>
        %dma_start3A_986 = arith.constant 12672 : i32
        %dma_start3A_987 = tpu.memref_slice %arg14[%dma_start3A_986] : memref<21120xi32, #tpu.memory_space<vmem>> -> memref<128xi32, #tpu.memory_space<vmem>>
        tpu.enqueue_dma source(%dma_start3A_987 : memref<128xi32, #tpu.memory_space<vmem>>) target(%dma_start3A_985 : memref<128xi32, #tpu.memory_space<hbm>>) target_semaphore(%run_scoped3A : memref<!tpu.dma_semaphore, #tpu.memory_space<semaphore_mem>>)
        %dma_wait3A = arith.constant 12672 : i32
        %dma_wait3A_988 = tpu.memref_slice %arg14[%dma_wait3A] : memref<21120xi32, #tpu.memory_space<vmem>> -> memref<128xi32, #tpu.memory_space<vmem>>
        %dma_wait3A_989 = tpu.memref_slice %arg6[%multiple_of3A_982] : memref<10485760xi32, #tpu.memory_space<hbm>> -> memref<128xi32, #tpu.memory_space<hbm>>
        %dma_wait3A_990 = tpu.memref_slice %arg6[%multiple_of3A_982] : memref<10485760xi32, #tpu.memory_space<hbm>> -> memref<128xi32, #tpu.memory_space<hbm>>
        %dma_wait3A_991 = arith.constant 12672 : i32
        %dma_wait3A_992 = tpu.memref_slice %arg14[%dma_wait3A_991] : memref<21120xi32, #tpu.memory_space<vmem>> -> memref<128xi32, #tpu.memory_space<vmem>>
        tpu.wait_dma2 semaphore(%run_scoped3A : memref<!tpu.dma_semaphore, #tpu.memory_space<semaphore_mem>>) src(%dma_wait3A_992 : memref<128xi32, #tpu.memory_space<vmem>>) dst(%dma_wait3A_990 : memref<128xi32, #tpu.memory_space<hbm>>)
        tpu.yield
      }) : () -> ()
    } else {
    }
    %eq3A_766 = arith.constant 3 : i32
    %eq3A_767 = vector.broadcast %eq3A_766 : i32 to vector<16xi32>
    %eq3A_768 = arith.cmpi eq, %iota3A, %eq3A_767 : vector<16xi32>
    %add3A_769 = arith.addi %squeeze3A_586, %squeeze3A_584 : i32
    %broadcast_in_dim3A_770 = vector.broadcast %add3A_769 : i32 to vector<16xi32>
    %select_n3A_771 = arith.select %eq3A_768, %broadcast_in_dim3A_770, %select_n3A_582 : vector<16xi1>, vector<16xi32>
    %slice3A_772 = vector.extract_strided_slice %get3A_22 {offsets = [4], sizes = [1], strides = [1]} : vector<16xi32> to vector<1xi32>
    %squeeze3A_773 = vector.extract %slice3A_772[0] : i32 from vector<1xi32>
    %slice3A_774 = vector.extract_strided_slice %get3A_24 {offsets = [4], sizes = [1], strides = [1]} : vector<16xi32> to vector<1xi32>
    %squeeze3A_775 = vector.extract %slice3A_774[0] : i32 from vector<1xi32>
    %mul3A_776 = arith.constant 5 : i32
    %mul3A_777 = arith.muli %add3A, %mul3A_776 : i32
    %add3A_778 = arith.constant 4 : i32
    %add3A_779 = arith.addi %mul3A_777, %add3A_778 : i32
    %mul3A_780 = arith.constant 65536 : i32
    %mul3A_781 = arith.muli %add3A_779, %mul3A_780 : i32
    %add3A_782 = arith.constant 0 : i32
    %add3A_783 = vector.broadcast %add3A_782 : i32 to vector<16xi32>
    %add3A_784 = arith.addi %iota3A, %add3A_783 : vector<16xi32>
    %get3A_785 = arith.constant 16896 : index
    %get3A_786 = tpu.vector_load %arg13[%get3A_785] {strides = array<i32>} : memref<21120xi32, #tpu.memory_space<vmem>>, vector<16xi32>,
    %lt3A_787 = vector.broadcast %squeeze3A_773 : i32 to vector<16xi32>
    %lt3A_788 = arith.cmpi slt, %add3A_784, %lt3A_787 : vector<16xi32>
    %jit3A_789 = arith.constant 0 : i32
    %broadcast_in_dim3A_790 = vector.broadcast %jit3A_789 : i32 to vector<16xi32>
    %select_n3A_791 = arith.select %lt3A_788, %get3A_786, %broadcast_in_dim3A_790 : vector<16xi1>, vector<16xi32>
    %swap3A_792 = arith.constant 16896 : index
    %swap3A_793 = tpu.vector_load %arg13[%swap3A_792] {strides = array<i32>} : memref<21120xi32, #tpu.memory_space<vmem>>, vector<16xi32>,
    tpu.vector_store %arg13[%swap3A_792], %select_n3A_791 {strides = array<i32>} : memref<21120xi32, #tpu.memory_space<vmem>>, vector<16xi32>,
    %get3A_794 = arith.constant 16896 : index
    %get3A_795 = tpu.vector_load %arg14[%get3A_794] {strides = array<i32>} : memref<21120xi32, #tpu.memory_space<vmem>>, vector<16xi32>,
    %lt3A_796 = vector.broadcast %squeeze3A_773 : i32 to vector<16xi32>
    %lt3A_797 = arith.cmpi slt, %add3A_784, %lt3A_796 : vector<16xi32>
    %jit3A_798 = arith.constant 256 : i32
    %broadcast_in_dim3A_799 = vector.broadcast %jit3A_798 : i32 to vector<16xi32>
    %select_n3A_800 = arith.select %lt3A_797, %get3A_795, %broadcast_in_dim3A_799 : vector<16xi1>, vector<16xi32>
    %swap3A_801 = arith.constant 16896 : index
    %swap3A_802 = tpu.vector_load %arg14[%swap3A_801] {strides = array<i32>} : memref<21120xi32, #tpu.memory_space<vmem>>, vector<16xi32>,
    tpu.vector_store %arg14[%swap3A_801], %select_n3A_800 {strides = array<i32>} : memref<21120xi32, #tpu.memory_space<vmem>>, vector<16xi32>,
    %add3A_803 = arith.constant 16 : i32
    %add3A_804 = vector.broadcast %add3A_803 : i32 to vector<16xi32>
    %add3A_805 = arith.addi %iota3A, %add3A_804 : vector<16xi32>
    %get3A_806 = arith.constant 16912 : index
    %get3A_807 = tpu.vector_load %arg13[%get3A_806] {strides = array<i32>} : memref<21120xi32, #tpu.memory_space<vmem>>, vector<16xi32>,
    %lt3A_808 = vector.broadcast %squeeze3A_773 : i32 to vector<16xi32>
    %lt3A_809 = arith.cmpi slt, %add3A_805, %lt3A_808 : vector<16xi32>
    %jit3A_810 = arith.constant 0 : i32
    %broadcast_in_dim3A_811 = vector.broadcast %jit3A_810 : i32 to vector<16xi32>
    %select_n3A_812 = arith.select %lt3A_809, %get3A_807, %broadcast_in_dim3A_811 : vector<16xi1>, vector<16xi32>
    %swap3A_813 = arith.constant 16912 : index
    %swap3A_814 = tpu.vector_load %arg13[%swap3A_813] {strides = array<i32>} : memref<21120xi32, #tpu.memory_space<vmem>>, vector<16xi32>,
    tpu.vector_store %arg13[%swap3A_813], %select_n3A_812 {strides = array<i32>} : memref<21120xi32, #tpu.memory_space<vmem>>, vector<16xi32>,
    %get3A_815 = arith.constant 16912 : index
    %get3A_816 = tpu.vector_load %arg14[%get3A_815] {strides = array<i32>} : memref<21120xi32, #tpu.memory_space<vmem>>, vector<16xi32>,
    %lt3A_817 = vector.broadcast %squeeze3A_773 : i32 to vector<16xi32>
    %lt3A_818 = arith.cmpi slt, %add3A_805, %lt3A_817 : vector<16xi32>
    %jit3A_819 = arith.constant 256 : i32
    %broadcast_in_dim3A_820 = vector.broadcast %jit3A_819 : i32 to vector<16xi32>
    %select_n3A_821 = arith.select %lt3A_818, %get3A_816, %broadcast_in_dim3A_820 : vector<16xi1>, vector<16xi32>
    %swap3A_822 = arith.constant 16912 : index
    %swap3A_823 = tpu.vector_load %arg14[%swap3A_822] {strides = array<i32>} : memref<21120xi32, #tpu.memory_space<vmem>>, vector<16xi32>,
    tpu.vector_store %arg14[%swap3A_822], %select_n3A_821 {strides = array<i32>} : memref<21120xi32, #tpu.memory_space<vmem>>, vector<16xi32>,
    %add3A_824 = arith.constant 32 : i32
    %add3A_825 = vector.broadcast %add3A_824 : i32 to vector<16xi32>
    %add3A_826 = arith.addi %iota3A, %add3A_825 : vector<16xi32>
    %get3A_827 = arith.constant 16928 : index
    %get3A_828 = tpu.vector_load %arg13[%get3A_827] {strides = array<i32>} : memref<21120xi32, #tpu.memory_space<vmem>>, vector<16xi32>,
    %lt3A_829 = vector.broadcast %squeeze3A_773 : i32 to vector<16xi32>
    %lt3A_830 = arith.cmpi slt, %add3A_826, %lt3A_829 : vector<16xi32>
    %jit3A_831 = arith.constant 0 : i32
    %broadcast_in_dim3A_832 = vector.broadcast %jit3A_831 : i32 to vector<16xi32>
    %select_n3A_833 = arith.select %lt3A_830, %get3A_828, %broadcast_in_dim3A_832 : vector<16xi1>, vector<16xi32>
    %swap3A_834 = arith.constant 16928 : index
    %swap3A_835 = tpu.vector_load %arg13[%swap3A_834] {strides = array<i32>} : memref<21120xi32, #tpu.memory_space<vmem>>, vector<16xi32>,
    tpu.vector_store %arg13[%swap3A_834], %select_n3A_833 {strides = array<i32>} : memref<21120xi32, #tpu.memory_space<vmem>>, vector<16xi32>,
    %get3A_836 = arith.constant 16928 : index
    %get3A_837 = tpu.vector_load %arg14[%get3A_836] {strides = array<i32>} : memref<21120xi32, #tpu.memory_space<vmem>>, vector<16xi32>,
    %lt3A_838 = vector.broadcast %squeeze3A_773 : i32 to vector<16xi32>
    %lt3A_839 = arith.cmpi slt, %add3A_826, %lt3A_838 : vector<16xi32>
    %jit3A_840 = arith.constant 256 : i32
    %broadcast_in_dim3A_841 = vector.broadcast %jit3A_840 : i32 to vector<16xi32>
    %select_n3A_842 = arith.select %lt3A_839, %get3A_837, %broadcast_in_dim3A_841 : vector<16xi1>, vector<16xi32>
    %swap3A_843 = arith.constant 16928 : index
    %swap3A_844 = tpu.vector_load %arg14[%swap3A_843] {strides = array<i32>} : memref<21120xi32, #tpu.memory_space<vmem>>, vector<16xi32>,
    tpu.vector_store %arg14[%swap3A_843], %select_n3A_842 {strides = array<i32>} : memref<21120xi32, #tpu.memory_space<vmem>>, vector<16xi32>,
    %add3A_845 = arith.constant 48 : i32
    %add3A_846 = vector.broadcast %add3A_845 : i32 to vector<16xi32>
    %add3A_847 = arith.addi %iota3A, %add3A_846 : vector<16xi32>
    %get3A_848 = arith.constant 16944 : index
    %get3A_849 = tpu.vector_load %arg13[%get3A_848] {strides = array<i32>} : memref<21120xi32, #tpu.memory_space<vmem>>, vector<16xi32>,
    %lt3A_850 = vector.broadcast %squeeze3A_773 : i32 to vector<16xi32>
    %lt3A_851 = arith.cmpi slt, %add3A_847, %lt3A_850 : vector<16xi32>
    %jit3A_852 = arith.constant 0 : i32
    %broadcast_in_dim3A_853 = vector.broadcast %jit3A_852 : i32 to vector<16xi32>
    %select_n3A_854 = arith.select %lt3A_851, %get3A_849, %broadcast_in_dim3A_853 : vector<16xi1>, vector<16xi32>
    %swap3A_855 = arith.constant 16944 : index
    %swap3A_856 = tpu.vector_load %arg13[%swap3A_855] {strides = array<i32>} : memref<21120xi32, #tpu.memory_space<vmem>>, vector<16xi32>,
    tpu.vector_store %arg13[%swap3A_855], %select_n3A_854 {strides = array<i32>} : memref<21120xi32, #tpu.memory_space<vmem>>, vector<16xi32>,
    %get3A_857 = arith.constant 16944 : index
    %get3A_858 = tpu.vector_load %arg14[%get3A_857] {strides = array<i32>} : memref<21120xi32, #tpu.memory_space<vmem>>, vector<16xi32>,
    %lt3A_859 = vector.broadcast %squeeze3A_773 : i32 to vector<16xi32>
    %lt3A_860 = arith.cmpi slt, %add3A_847, %lt3A_859 : vector<16xi32>
    %jit3A_861 = arith.constant 256 : i32
    %broadcast_in_dim3A_862 = vector.broadcast %jit3A_861 : i32 to vector<16xi32>
    %select_n3A_863 = arith.select %lt3A_860, %get3A_858, %broadcast_in_dim3A_862 : vector<16xi1>, vector<16xi32>
    %swap3A_864 = arith.constant 16944 : index
    %swap3A_865 = tpu.vector_load %arg14[%swap3A_864] {strides = array<i32>} : memref<21120xi32, #tpu.memory_space<vmem>>, vector<16xi32>,
    tpu.vector_store %arg14[%swap3A_864], %select_n3A_863 {strides = array<i32>} : memref<21120xi32, #tpu.memory_space<vmem>>, vector<16xi32>,
    %add3A_866 = arith.constant 64 : i32
    %add3A_867 = vector.broadcast %add3A_866 : i32 to vector<16xi32>
    %add3A_868 = arith.addi %iota3A, %add3A_867 : vector<16xi32>
    %get3A_869 = arith.constant 16960 : index
    %get3A_870 = tpu.vector_load %arg13[%get3A_869] {strides = array<i32>} : memref<21120xi32, #tpu.memory_space<vmem>>, vector<16xi32>,
    %lt3A_871 = vector.broadcast %squeeze3A_773 : i32 to vector<16xi32>
    %lt3A_872 = arith.cmpi slt, %add3A_868, %lt3A_871 : vector<16xi32>
    %jit3A_873 = arith.constant 0 : i32
    %broadcast_in_dim3A_874 = vector.broadcast %jit3A_873 : i32 to vector<16xi32>
    %select_n3A_875 = arith.select %lt3A_872, %get3A_870, %broadcast_in_dim3A_874 : vector<16xi1>, vector<16xi32>
    %swap3A_876 = arith.constant 16960 : index
    %swap3A_877 = tpu.vector_load %arg13[%swap3A_876] {strides = array<i32>} : memref<21120xi32, #tpu.memory_space<vmem>>, vector<16xi32>,
    tpu.vector_store %arg13[%swap3A_876], %select_n3A_875 {strides = array<i32>} : memref<21120xi32, #tpu.memory_space<vmem>>, vector<16xi32>,
    %get3A_878 = arith.constant 16960 : index
    %get3A_879 = tpu.vector_load %arg14[%get3A_878] {strides = array<i32>} : memref<21120xi32, #tpu.memory_space<vmem>>, vector<16xi32>,
    %lt3A_880 = vector.broadcast %squeeze3A_773 : i32 to vector<16xi32>
    %lt3A_881 = arith.cmpi slt, %add3A_868, %lt3A_880 : vector<16xi32>
    %jit3A_882 = arith.constant 256 : i32
    %broadcast_in_dim3A_883 = vector.broadcast %jit3A_882 : i32 to vector<16xi32>
    %select_n3A_884 = arith.select %lt3A_881, %get3A_879, %broadcast_in_dim3A_883 : vector<16xi1>, vector<16xi32>
    %swap3A_885 = arith.constant 16960 : index
    %swap3A_886 = tpu.vector_load %arg14[%swap3A_885] {strides = array<i32>} : memref<21120xi32, #tpu.memory_space<vmem>>, vector<16xi32>,
    tpu.vector_store %arg14[%swap3A_885], %select_n3A_884 {strides = array<i32>} : memref<21120xi32, #tpu.memory_space<vmem>>, vector<16xi32>,
    %add3A_887 = arith.constant 80 : i32
    %add3A_888 = vector.broadcast %add3A_887 : i32 to vector<16xi32>
    %add3A_889 = arith.addi %iota3A, %add3A_888 : vector<16xi32>
    %get3A_890 = arith.constant 16976 : index
    %get3A_891 = tpu.vector_load %arg13[%get3A_890] {strides = array<i32>} : memref<21120xi32, #tpu.memory_space<vmem>>, vector<16xi32>,
    %lt3A_892 = vector.broadcast %squeeze3A_773 : i32 to vector<16xi32>
    %lt3A_893 = arith.cmpi slt, %add3A_889, %lt3A_892 : vector<16xi32>
    %jit3A_894 = arith.constant 0 : i32
    %broadcast_in_dim3A_895 = vector.broadcast %jit3A_894 : i32 to vector<16xi32>
    %select_n3A_896 = arith.select %lt3A_893, %get3A_891, %broadcast_in_dim3A_895 : vector<16xi1>, vector<16xi32>
    %swap3A_897 = arith.constant 16976 : index
    %swap3A_898 = tpu.vector_load %arg13[%swap3A_897] {strides = array<i32>} : memref<21120xi32, #tpu.memory_space<vmem>>, vector<16xi32>,
    tpu.vector_store %arg13[%swap3A_897], %select_n3A_896 {strides = array<i32>} : memref<21120xi32, #tpu.memory_space<vmem>>, vector<16xi32>,
    %get3A_899 = arith.constant 16976 : index
    %get3A_900 = tpu.vector_load %arg14[%get3A_899] {strides = array<i32>} : memref<21120xi32, #tpu.memory_space<vmem>>, vector<16xi32>,
    %lt3A_901 = vector.broadcast %squeeze3A_773 : i32 to vector<16xi32>
    %lt3A_902 = arith.cmpi slt, %add3A_889, %lt3A_901 : vector<16xi32>
    %jit3A_903 = arith.constant 256 : i32
    %broadcast_in_dim3A_904 = vector.broadcast %jit3A_903 : i32 to vector<16xi32>
    %select_n3A_905 = arith.select %lt3A_902, %get3A_900, %broadcast_in_dim3A_904 : vector<16xi1>, vector<16xi32>
    %swap3A_906 = arith.constant 16976 : index
    %swap3A_907 = tpu.vector_load %arg14[%swap3A_906] {strides = array<i32>} : memref<21120xi32, #tpu.memory_space<vmem>>, vector<16xi32>,
    tpu.vector_store %arg14[%swap3A_906], %select_n3A_905 {strides = array<i32>} : memref<21120xi32, #tpu.memory_space<vmem>>, vector<16xi32>,
    %add3A_908 = arith.constant 96 : i32
    %add3A_909 = vector.broadcast %add3A_908 : i32 to vector<16xi32>
    %add3A_910 = arith.addi %iota3A, %add3A_909 : vector<16xi32>
    %get3A_911 = arith.constant 16992 : index
    %get3A_912 = tpu.vector_load %arg13[%get3A_911] {strides = array<i32>} : memref<21120xi32, #tpu.memory_space<vmem>>, vector<16xi32>,
    %lt3A_913 = vector.broadcast %squeeze3A_773 : i32 to vector<16xi32>
    %lt3A_914 = arith.cmpi slt, %add3A_910, %lt3A_913 : vector<16xi32>
    %jit3A_915 = arith.constant 0 : i32
    %broadcast_in_dim3A_916 = vector.broadcast %jit3A_915 : i32 to vector<16xi32>
    %select_n3A_917 = arith.select %lt3A_914, %get3A_912, %broadcast_in_dim3A_916 : vector<16xi1>, vector<16xi32>
    %swap3A_918 = arith.constant 16992 : index
    %swap3A_919 = tpu.vector_load %arg13[%swap3A_918] {strides = array<i32>} : memref<21120xi32, #tpu.memory_space<vmem>>, vector<16xi32>,
    tpu.vector_store %arg13[%swap3A_918], %select_n3A_917 {strides = array<i32>} : memref<21120xi32, #tpu.memory_space<vmem>>, vector<16xi32>,
    %get3A_920 = arith.constant 16992 : index
    %get3A_921 = tpu.vector_load %arg14[%get3A_920] {strides = array<i32>} : memref<21120xi32, #tpu.memory_space<vmem>>, vector<16xi32>,
    %lt3A_922 = vector.broadcast %squeeze3A_773 : i32 to vector<16xi32>
    %lt3A_923 = arith.cmpi slt, %add3A_910, %lt3A_922 : vector<16xi32>
    %jit3A_924 = arith.constant 256 : i32
    %broadcast_in_dim3A_925 = vector.broadcast %jit3A_924 : i32 to vector<16xi32>
    %select_n3A_926 = arith.select %lt3A_923, %get3A_921, %broadcast_in_dim3A_925 : vector<16xi1>, vector<16xi32>
    %swap3A_927 = arith.constant 16992 : index
    %swap3A_928 = tpu.vector_load %arg14[%swap3A_927] {strides = array<i32>} : memref<21120xi32, #tpu.memory_space<vmem>>, vector<16xi32>,
    tpu.vector_store %arg14[%swap3A_927], %select_n3A_926 {strides = array<i32>} : memref<21120xi32, #tpu.memory_space<vmem>>, vector<16xi32>,
    %add3A_929 = arith.constant 112 : i32
    %add3A_930 = vector.broadcast %add3A_929 : i32 to vector<16xi32>
    %add3A_931 = arith.addi %iota3A, %add3A_930 : vector<16xi32>
    %get3A_932 = arith.constant 17008 : index
    %get3A_933 = tpu.vector_load %arg13[%get3A_932] {strides = array<i32>} : memref<21120xi32, #tpu.memory_space<vmem>>, vector<16xi32>,
    %lt3A_934 = vector.broadcast %squeeze3A_773 : i32 to vector<16xi32>
    %lt3A_935 = arith.cmpi slt, %add3A_931, %lt3A_934 : vector<16xi32>
    %jit3A_936 = arith.constant 0 : i32
    %broadcast_in_dim3A_937 = vector.broadcast %jit3A_936 : i32 to vector<16xi32>
    %select_n3A_938 = arith.select %lt3A_935, %get3A_933, %broadcast_in_dim3A_937 : vector<16xi1>, vector<16xi32>
    %swap3A_939 = arith.constant 17008 : index
    %swap3A_940 = tpu.vector_load %arg13[%swap3A_939] {strides = array<i32>} : memref<21120xi32, #tpu.memory_space<vmem>>, vector<16xi32>,
    tpu.vector_store %arg13[%swap3A_939], %select_n3A_938 {strides = array<i32>} : memref<21120xi32, #tpu.memory_space<vmem>>, vector<16xi32>,
    %get3A_941 = arith.constant 17008 : index
    %get3A_942 = tpu.vector_load %arg14[%get3A_941] {strides = array<i32>} : memref<21120xi32, #tpu.memory_space<vmem>>, vector<16xi32>,
    %lt3A_943 = vector.broadcast %squeeze3A_773 : i32 to vector<16xi32>
    %lt3A_944 = arith.cmpi slt, %add3A_931, %lt3A_943 : vector<16xi32>
    %jit3A_945 = arith.constant 256 : i32
    %broadcast_in_dim3A_946 = vector.broadcast %jit3A_945 : i32 to vector<16xi32>
    %select_n3A_947 = arith.select %lt3A_944, %get3A_942, %broadcast_in_dim3A_946 : vector<16xi1>, vector<16xi32>
    %swap3A_948 = arith.constant 17008 : index
    %swap3A_949 = tpu.vector_load %arg14[%swap3A_948] {strides = array<i32>} : memref<21120xi32, #tpu.memory_space<vmem>>, vector<16xi32>,
    tpu.vector_store %arg14[%swap3A_948], %select_n3A_947 {strides = array<i32>} : memref<21120xi32, #tpu.memory_space<vmem>>, vector<16xi32>,
    %gt3A_950 = arith.constant 0 : i32
    %gt3A_951 = arith.cmpi sgt, %squeeze3A_773, %gt3A_950 : i32
    %convert_element_type3A_952 = arith.extui %gt3A_951 : i1 to i32
    %cond3A_953 = arith.constant 0 : i32
    %cond3A_954 = arith.cmpi ne, %convert_element_type3A_952, %cond3A_953 : i32
    scf.if %cond3A_954 {
      %add3A_979 = arith.addi %mul3A_781, %squeeze3A_775 : i32
      %multiple_of3A_980 = tpu.assume_multiple %add3A_979, 128 : i32
      "tpu.region"() ({
        %run_scoped3A = tpu.sem_alloc : memref<!tpu.dma_semaphore, #tpu.memory_space<semaphore_mem>>
        %dma_start3A = arith.constant 16896 : i32
        %dma_start3A_983 = tpu.memref_slice %arg13[%dma_start3A] : memref<21120xi32, #tpu.memory_space<vmem>> -> memref<128xi32, #tpu.memory_space<vmem>>
        %dma_start3A_984 = tpu.memref_slice %arg5[%multiple_of3A_980] : memref<10485760xi32, #tpu.memory_space<hbm>> -> memref<128xi32, #tpu.memory_space<hbm>>
        %dma_start3A_985 = tpu.memref_slice %arg5[%multiple_of3A_980] : memref<10485760xi32, #tpu.memory_space<hbm>> -> memref<128xi32, #tpu.memory_space<hbm>>
        %dma_start3A_986 = arith.constant 16896 : i32
        %dma_start3A_987 = tpu.memref_slice %arg13[%dma_start3A_986] : memref<21120xi32, #tpu.memory_space<vmem>> -> memref<128xi32, #tpu.memory_space<vmem>>
        tpu.enqueue_dma source(%dma_start3A_987 : memref<128xi32, #tpu.memory_space<vmem>>) target(%dma_start3A_985 : memref<128xi32, #tpu.memory_space<hbm>>) target_semaphore(%run_scoped3A : memref<!tpu.dma_semaphore, #tpu.memory_space<semaphore_mem>>)
        %dma_wait3A = arith.constant 16896 : i32
        %dma_wait3A_988 = tpu.memref_slice %arg13[%dma_wait3A] : memref<21120xi32, #tpu.memory_space<vmem>> -> memref<128xi32, #tpu.memory_space<vmem>>
        %dma_wait3A_989 = tpu.memref_slice %arg5[%multiple_of3A_980] : memref<10485760xi32, #tpu.memory_space<hbm>> -> memref<128xi32, #tpu.memory_space<hbm>>
        %dma_wait3A_990 = tpu.memref_slice %arg5[%multiple_of3A_980] : memref<10485760xi32, #tpu.memory_space<hbm>> -> memref<128xi32, #tpu.memory_space<hbm>>
        %dma_wait3A_991 = arith.constant 16896 : i32
        %dma_wait3A_992 = tpu.memref_slice %arg13[%dma_wait3A_991] : memref<21120xi32, #tpu.memory_space<vmem>> -> memref<128xi32, #tpu.memory_space<vmem>>
        tpu.wait_dma2 semaphore(%run_scoped3A : memref<!tpu.dma_semaphore, #tpu.memory_space<semaphore_mem>>) src(%dma_wait3A_992 : memref<128xi32, #tpu.memory_space<vmem>>) dst(%dma_wait3A_990 : memref<128xi32, #tpu.memory_space<hbm>>)
        tpu.yield
      }) : () -> ()
      %add3A_981 = arith.addi %mul3A_781, %squeeze3A_775 : i32
      %multiple_of3A_982 = tpu.assume_multiple %add3A_981, 128 : i32
      "tpu.region"() ({
        %run_scoped3A = tpu.sem_alloc : memref<!tpu.dma_semaphore, #tpu.memory_space<semaphore_mem>>
        %dma_start3A = arith.constant 16896 : i32
        %dma_start3A_983 = tpu.memref_slice %arg14[%dma_start3A] : memref<21120xi32, #tpu.memory_space<vmem>> -> memref<128xi32, #tpu.memory_space<vmem>>
        %dma_start3A_984 = tpu.memref_slice %arg6[%multiple_of3A_982] : memref<10485760xi32, #tpu.memory_space<hbm>> -> memref<128xi32, #tpu.memory_space<hbm>>
        %dma_start3A_985 = tpu.memref_slice %arg6[%multiple_of3A_982] : memref<10485760xi32, #tpu.memory_space<hbm>> -> memref<128xi32, #tpu.memory_space<hbm>>
        %dma_start3A_986 = arith.constant 16896 : i32
        %dma_start3A_987 = tpu.memref_slice %arg14[%dma_start3A_986] : memref<21120xi32, #tpu.memory_space<vmem>> -> memref<128xi32, #tpu.memory_space<vmem>>
        tpu.enqueue_dma source(%dma_start3A_987 : memref<128xi32, #tpu.memory_space<vmem>>) target(%dma_start3A_985 : memref<128xi32, #tpu.memory_space<hbm>>) target_semaphore(%run_scoped3A : memref<!tpu.dma_semaphore, #tpu.memory_space<semaphore_mem>>)
        %dma_wait3A = arith.constant 16896 : i32
        %dma_wait3A_988 = tpu.memref_slice %arg14[%dma_wait3A] : memref<21120xi32, #tpu.memory_space<vmem>> -> memref<128xi32, #tpu.memory_space<vmem>>
        %dma_wait3A_989 = tpu.memref_slice %arg6[%multiple_of3A_982] : memref<10485760xi32, #tpu.memory_space<hbm>> -> memref<128xi32, #tpu.memory_space<hbm>>
        %dma_wait3A_990 = tpu.memref_slice %arg6[%multiple_of3A_982] : memref<10485760xi32, #tpu.memory_space<hbm>> -> memref<128xi32, #tpu.memory_space<hbm>>
        %dma_wait3A_991 = arith.constant 16896 : i32
        %dma_wait3A_992 = tpu.memref_slice %arg14[%dma_wait3A_991] : memref<21120xi32, #tpu.memory_space<vmem>> -> memref<128xi32, #tpu.memory_space<vmem>>
        tpu.wait_dma2 semaphore(%run_scoped3A : memref<!tpu.dma_semaphore, #tpu.memory_space<semaphore_mem>>) src(%dma_wait3A_992 : memref<128xi32, #tpu.memory_space<vmem>>) dst(%dma_wait3A_990 : memref<128xi32, #tpu.memory_space<hbm>>)
        tpu.yield
      }) : () -> ()
    } else {
    }
    %eq3A_955 = arith.constant 4 : i32
    %eq3A_956 = vector.broadcast %eq3A_955 : i32 to vector<16xi32>
    %eq3A_957 = arith.cmpi eq, %iota3A, %eq3A_956 : vector<16xi32>
    %add3A_958 = arith.addi %squeeze3A_775, %squeeze3A_773 : i32
    %broadcast_in_dim3A_959 = vector.broadcast %add3A_958 : i32 to vector<16xi32>
    %select_n3A_960 = arith.select %eq3A_957, %broadcast_in_dim3A_959, %select_n3A_771 : vector<16xi1>, vector<16xi32>
    %swap3A_961 = arith.constant 0 : index
    %swap3A_962 = tpu.vector_load %arg15[%swap3A_961] {strides = array<i32>} : memref<16xi32, #tpu.memory_space<vmem>>, vector<16xi32>,
    tpu.vector_store %arg15[%swap3A_961], %select_n3A_960 {strides = array<i32>} : memref<16xi32, #tpu.memory_space<vmem>>, vector<16xi32>,
    %mul3A_963 = arith.constant 16 : i32
    %mul3A_964 = arith.muli %add3A, %mul3A_963 : i32
    %multiple_of3A = tpu.assume_multiple %mul3A_964, 16 : i32
    "tpu.region"() ({
      %run_scoped3A = tpu.sem_alloc : memref<!tpu.dma_semaphore, #tpu.memory_space<semaphore_mem>>
      %dma_start3A = tpu.memref_slice %arg7[%multiple_of3A] : memref<512xi32, #tpu.memory_space<hbm>> -> memref<16xi32, #tpu.memory_space<hbm>>
      %dma_start3A_979 = tpu.memref_slice %arg7[%multiple_of3A] : memref<512xi32, #tpu.memory_space<hbm>> -> memref<16xi32, #tpu.memory_space<hbm>>
      tpu.enqueue_dma source(%arg15 : memref<16xi32, #tpu.memory_space<vmem>>) target(%dma_start3A_979 : memref<16xi32, #tpu.memory_space<hbm>>) target_semaphore(%run_scoped3A : memref<!tpu.dma_semaphore, #tpu.memory_space<semaphore_mem>>)
      %dma_wait3A = tpu.memref_slice %arg7[%multiple_of3A] : memref<512xi32, #tpu.memory_space<hbm>> -> memref<16xi32, #tpu.memory_space<hbm>>
      %dma_wait3A_980 = tpu.memref_slice %arg7[%multiple_of3A] : memref<512xi32, #tpu.memory_space<hbm>> -> memref<16xi32, #tpu.memory_space<hbm>>
      tpu.wait_dma2 semaphore(%run_scoped3A : memref<!tpu.dma_semaphore, #tpu.memory_space<semaphore_mem>>) src(%arg15 : memref<16xi32, #tpu.memory_space<vmem>>) dst(%dma_wait3A_980 : memref<16xi32, #tpu.memory_space<hbm>>)
      tpu.yield
    }) : () -> ()
    %broadcast_in_dim3A_965 = arith.constant 1.000000e+00 : f32
    %broadcast_in_dim3A_966 = vector.broadcast %broadcast_in_dim3A_965 : f32 to vector<16xf32>
    %scan3A_967 = arith.constant 0 : i32
    %scan3A_968 = arith.constant 0 : i32
    %scan3A_969 = arith.constant 128 : i32
    %scan3A_970 = arith.addi %scan3A_968, %scan3A_969 : i32
    %scan3A_971 = arith.constant 1 : i32
    %scan3A_972 = scf.for %scan3A_979 = %scan3A_968 to %scan3A_970 step %scan3A_971 iter_args(%scan3A_980 = %scan3A_967) -> (i32)  : i32 {
      %mul3A_981 = arith.constant 16 : i32
      %mul3A_982 = arith.muli %scan3A_979, %mul3A_981 : i32
      %get3A_983 = arith.index_cast %mul3A_982 : i32 to index
      %get3A_984 = tpu.vector_load %arg12[%get3A_983] {strides = array<i32>} : memref<2048xf32, #tpu.memory_space<vmem>>, vector<16xf32>,
      %max3A = arith.maximumf %get3A_984, %broadcast_in_dim3A_966 : vector<16xf32>
      %div3A = arith.divf %broadcast_in_dim3A_966, %max3A : vector<16xf32>
      %swap3A_985 = arith.index_cast %mul3A_982 : i32 to index
      %swap3A_986 = tpu.vector_load %arg12[%swap3A_985] {strides = array<i32>} : memref<2048xf32, #tpu.memory_space<vmem>>, vector<16xf32>,
      tpu.vector_store %arg12[%swap3A_985], %div3A {strides = array<i32>} : memref<2048xf32, #tpu.memory_space<vmem>>, vector<16xf32>,
      %scan3A_987 = arith.constant 0 : i32
      scf.yield %scan3A_987 : i32
    }
    %scan3A_973 = arith.constant 128 : i32
    %mul3A_974 = arith.constant 256 : i32
    %mul3A_975 = arith.muli %add3A, %mul3A_974 : i32
    %mul3A_976 = arith.constant 8 : i32
    %mul3A_977 = arith.muli %mul3A_975, %mul3A_976 : i32
    %multiple_of3A_978 = tpu.assume_multiple %mul3A_977, 2048 : i32
    "tpu.region"() ({
      %run_scoped3A = tpu.sem_alloc : memref<!tpu.dma_semaphore, #tpu.memory_space<semaphore_mem>>
      %dma_start3A = tpu.memref_slice %arg8[%multiple_of3A_978] : memref<65536xf32, #tpu.memory_space<hbm>> -> memref<2048xf32, #tpu.memory_space<hbm>>
      %dma_start3A_979 = tpu.memref_slice %arg8[%multiple_of3A_978] : memref<65536xf32, #tpu.memory_space<hbm>> -> memref<2048xf32, #tpu.memory_space<hbm>>
      tpu.enqueue_dma source(%arg12 : memref<2048xf32, #tpu.memory_space<vmem>>) target(%dma_start3A_979 : memref<2048xf32, #tpu.memory_space<hbm>>) target_semaphore(%run_scoped3A : memref<!tpu.dma_semaphore, #tpu.memory_space<semaphore_mem>>)
      %dma_wait3A = tpu.memref_slice %arg8[%multiple_of3A_978] : memref<65536xf32, #tpu.memory_space<hbm>> -> memref<2048xf32, #tpu.memory_space<hbm>>
      %dma_wait3A_980 = tpu.memref_slice %arg8[%multiple_of3A_978] : memref<65536xf32, #tpu.memory_space<hbm>> -> memref<2048xf32, #tpu.memory_space<hbm>>
      tpu.wait_dma2 semaphore(%run_scoped3A : memref<!tpu.dma_semaphore, #tpu.memory_space<semaphore_mem>>) src(%arg12 : memref<2048xf32, #tpu.memory_space<vmem>>) dst(%dma_wait3A_980 : memref<2048xf32, #tpu.memory_space<hbm>>)
      tpu.yield
    }) : () -> ()
    return
  }
}

</mosaic_0001>

<sc_bundles>
// kernel: _preprocess.3.cloned.1.call-start
scs
__scs_entry_jumppad:
0x0: {  	(pc) =	sbr.rel $0x88, $3  }
0x1: {  	(tag) =	ssettag $0x0;
	lr =	simm.s32 $0x1  }
0x2: {  	[smem:$0x3F9E] =	sst lr;
	_ =	strace $0xD0000000  }
0x3: {  	_ = 	snop  }
0x4: {  	_ = 	snop  }
0x5: {  	_ = 	snop  }
0x6: {  	_ = 	snop  }
0x7: {  	_ = 	snop  }
__scs_overlays_trampoline_lowered:
0x8: {  	[smem:$0x3FAD] =	sst s0  }
0x9: {  	[smem:$0x3FAE] =	sst s1  }
0xa: {  	[smem:$0x3FAF] =	sst s2  }
0xb: {  	[smem:$0x3FB0] =	sst s3  }
0xc: {  	[smem:$0x3FB1] =	sst s4  }
0xd: {  	[smem:$0x3FB2] =	sst s5  }
0xe: {  	[smem:$0x3FB3] =	sst s6  }
0xf: {  	[smem:$0x3FB4] =	sst s7  }
0x10: {  	[smem:$0x3FB5] =	sst s8  }
0x11: {  	[smem:$0x3FB6] =	sst s9;
	s0 =	simm.s32 @!p0 $0x0  }
0x12: {  	s1 =	sld [smem:$0x3F9C];
	s0 =	simm.s32 @p0 $0x1  }
0x13: {  	[smem:$0x3FB7] =	sst s0;
	s0 =	simm.s32 @!p1 $0x0  }
0x14: {  	s2 =	sld [smem:$0x3F9B];
	s0 =	simm.s32 @p1 $0x1  }
0x15: {  	[smem:$0x3FB8] =	sst s0;
	s0 =	simm.s32 @!p2 $0x0  }
0x16: {  	s3 =	sld [smem:$0x3FDB];
	s0 =	simm.s32 @p2 $0x1  }
0x17: {  	s4 =	simm.s32 $0x1BF5;
	[smem:$0x3FBA] =	sst s0  }
0x18: {  	s0 =	sld [smem:$0x3F9D];
	_ =	swait.ge [sflag:s4], $0x0  }
0x19: {  	s7 =	sld [smem:$0x3F9E]  }
0x1a: {  	s8 =	sadd.s32 $0xFFFFE003, lr  }
0x1b: {  	s9 =	sadd.s32 $0xFFFFFEF7, lr;
	s5 =	simm.s32 $0xFFFFFFFF;
	p2 =	slt.u32 s8, $0xFFFFF086  }
0x1c: {  	p1 =	slt.u32 s9, $0xF7A;
	s5 =	simm.s32 @!p2 $0x0  }
0x1d: {  	s5 =	simm.s32 @p1 $0x1;
	p0 =	seq.s32 s7, s2  }
0x1e: {  	s7 =	smul.u32 @!p0 $0xF7A, s2;
	p2 =	seq.s32 @!p0 s5, $0x0  }
0x1f: {  	s9 =	smul.u32 $0xF7A, s1;
	s8 =	simm.s32 @!p0 $0x1BF5;
	p2 =	por !p2, p0  }
0x20: {  	[sflag:s8] =	ssyncset.s32 @!p0 $0xFFFFF086;
	s6 =	sadd.s32 @!p0 s3, s7;
	s7 =	simm.s32 @!p0 $0x108  }
0x21: {  	s3 =	sadd.s32 s3, s9;
	s6 =	sadd.s32 @!p0 $0x88, s6;
	s7 =	simm.s32 @p2 $0x1082  }
0x22: {  	[simem:s7], [sflag:s8] =	dma.local @!p0 [hbm:s6], $0xF7A  }
0x23: {  	s9 =	sor.u32 $0xD0000000, s2;
	s6 =	simm.s32 $0x108;
	_ =	swait.ge @!p0 [sflag:s8], $0x0  }
0x24: {  	s3 =	sadd.s32 $0x88, s3;
	s6 =	simm.s32 @!p1 $0x1082;
	[sflag:s4] =	ssyncset.s32 $0xFFFFF086  }
0x25: {  	[simem:s6], [sflag:s4] =	dma.local [hbm:s3], $0xF7A  }
0x26: {  	[smem:$0x3F9E] =	sst s1;
	(tag) =	ssettag s2;
	_ =	strace s9  }
0x27: {  	s1 =	sld [smem:$0x3FAE]  }
0x28: {  	s2 =	sld [smem:$0x3FAF]  }
0x29: {  	s4 =	sld [smem:$0x3FB1]  }
0x2a: {  	p0 =	seq.s32 s5, $0x0;
	s5 =	sld [smem:$0x3FB2]  }
0x2b: {  	s6 =	sld [smem:$0x3FB3]  }
0x2c: {  	s7 =	sld [smem:$0x3FB4]  }
0x2d: {  	s3 =	simm.s32 $0x108;
	s8 =	sld [smem:$0x3FB5]  }
0x2e: {  	s3 =	simm.s32 @!p0 $0x1082;
	s9 =	sld [smem:$0x3FB6]  }
0x2f: {  	lr =	sadd.s32 s0, s3;
	s0 =	sld [smem:$0x3FAD]  }
0x30: {  	s3 =	sld [smem:$0x3FB0]  }
0x31: {  	[smem:$0x3FB9] =	sst s10  }
0x32: {  	s10 =	sld [smem:$0x3FB7];
	_ =	sdelay $0x3  }
0x33: {  	p0 =	seq.s32 s10, $0x1;
	s10 =	sld [smem:$0x3FB9];
	_ =	sdelay $0x3  }
0x34: {  	[smem:$0x3FB9] =	sst s10  }
0x35: {  	s10 =	sld [smem:$0x3FB8];
	_ =	sdelay $0x3  }
0x36: {  	p1 =	seq.s32 s10, $0x1;
	s10 =	sld [smem:$0x3FB9];
	_ =	sdelay $0x3  }
0x37: {  	[smem:$0x3FB9] =	sst s10  }
0x38: {  	s10 =	sld [smem:$0x3FBA]  }
0x39: {  	_ = 	snop;
	(pc) =	sbr.ind lr, $3  }
0x3a: {  	_ = 	snop  }
0x3b: {  	_ = 	snop  }
0x3c: {  	p2 =	seq.s32 s10, $0x1;
	s10 =	sld [smem:$0x3FB9]  }
0x3d: {  	_ =	shalt  }
0x3e: {  	_ =	shalt  }
0x3f: {  	_ =	shalt  }
0x40: {  	_ =	shalt  }
0x41: {  	_ =	shalt  }
0x42: {  	_ =	shalt  }
0x43: {  	_ =	shalt  }
0x44: {  	_ =	shalt  }
0x45: {  	_ =	shalt  }
0x46: {  	_ =	shalt  }
0x47: {  	_ =	shalt  }
0x48: {  	_ =	shalt  }
0x49: {  	_ =	shalt  }
0x4a: {  	_ =	shalt  }
0x4b: {  	_ =	shalt  }
0x4c: {  	_ =	shalt  }
0x4d: {  	_ =	shalt  }
0x4e: {  	_ =	shalt  }
0x4f: {  	_ =	shalt  }
0x50: {  	_ =	shalt  }
0x51: {  	_ =	shalt  }
0x52: {  	_ =	shalt  }
0x53: {  	_ =	shalt  }
0x54: {  	_ =	shalt  }
0x55: {  	_ =	shalt  }
0x56: {  	_ =	shalt  }
0x57: {  	_ =	shalt  }
0x58: {  	_ =	shalt  }
0x59: {  	_ =	shalt  }
0x5a: {  	_ =	shalt  }
0x5b: {  	_ =	shalt  }
0x5c: {  	_ =	shalt  }
0x5d: {  	_ =	shalt  }
0x5e: {  	_ =	shalt  }
0x5f: {  	_ =	shalt  }
0x60: {  	_ =	shalt  }
0x61: {  	_ =	shalt  }
0x62: {  	_ =	shalt  }
0x63: {  	_ =	shalt  }
0x64: {  	_ =	shalt  }
0x65: {  	_ =	shalt  }
0x66: {  	_ =	shalt  }
0x67: {  	_ =	shalt  }
0x68: {  	_ =	shalt  }
0x69: {  	_ =	shalt  }
0x6a: {  	_ =	shalt  }
0x6b: {  	_ =	shalt  }
0x6c: {  	_ =	shalt  }
0x6d: {  	_ =	shalt  }
0x6e: {  	_ =	shalt  }
0x6f: {  	_ =	shalt  }
0x70: {  	_ =	shalt  }
0x71: {  	_ =	shalt  }
0x72: {  	_ =	shalt  }
0x73: {  	_ =	shalt  }
0x74: {  	_ =	shalt  }
0x75: {  	_ =	shalt  }
0x76: {  	_ =	shalt  }
0x77: {  	_ =	shalt  }
0x78: {  	_ =	shalt  }
0x79: {  	_ =	shalt  }
0x7a: {  	_ =	shalt  }
0x7b: {  	_ =	shalt  }
0x7c: {  	_ =	shalt  }
0x7d: {  	_ =	shalt  }
0x7e: {  	_ =	shalt  }
0x7f: {  	_ =	shalt  }
0x80: {  	_ =	shalt  }
0x81: {  	_ =	shalt  }
0x82: {  	_ =	shalt  }
0x83: {  	_ =	shalt  }
0x84: {  	_ =	shalt  }
0x85: {  	_ =	shalt  }
0x86: {  	_ =	shalt  }
0x87: {  	_ =	shalt  }
.Lfunc_end0:
.L_simem_size_0:
called_computation_lowered:
.L_overlay_start_0:
0x88: {  	s2 =	sld [smem:$0x3FD9]  }
0x89: {  	s3 =	sld [smem:$0x3FFE];
	_ =	sdelay $0x1  }
0x8a: {  	s1 =	srdreg.scid  }
0x8b: {  	s0 =	sand.u32 $0x1, s1  }
0x8c: {  	s15 =	sshll.u32 s0, $0xA;
	s2 =	sadd.s32 s3, s2  }
0x8d: {  	s2 =	sadd.s32 s2, s15  }
0x8e: {  	[smem:$0x3FC5] =	sst s2  }
0x8f: {  	_ = 	snop  }
0x90: {  	s2 =	sld [smem:$0x3FD0]  }
0x91: {  	s16 =	sld [smem:$0x3FC9]  }
0x92: {  	s4 =	sld [smem:$0x3FC8]  }
0x93: {  	s6 =	simm.s32 $0xA;
	s7 =	simm.s32 $0x10;
	s5 =	sld [smem:$0x3FC7]  }
0x94: {  	[smem:s7], [sflag:s6] =	dma.local [hbm:s2], $0x1  }
0x95: {  	_ =	swait.eq [sflag:s6], $0x1  }
0x96: {  	s17 =	sld [smem:$0x10]  }
0x97: {  	s18 =	sld [smem:$0x11];
	[sflag:s6] =	ssyncset.done $0x0  }
0x98: {  	s8 =	sld [smem:$0x12];
	[sflag:s6] =	ssyncadd.s32 $0xFFFFFFFF  }
0x99: {  	s19 =	sld [smem:$0x13];
	(tm) =	ssettm $0x1  }
0x9a: {  	s9 =	sld [smem:$0x3FFB];
	_ =	sdelay $0x3  }
0x9b: {  	_ =	strace s9  }
0x9c: {  	s9 =	sld [smem:$0x3FFC];
	_ =	sdelay $0x3  }
0x9d: {  	_ =	strace s9  }
0x9e: {  	s9 =	sld [smem:$0x3FFD];
	_ =	sdelay $0x3  }
0x9f: {  	_ =	strace s9  }
0xa0: {  	_ =	strace $0x8FFFFFFF  }
0xa1: {  	s20 =	sld [smem:$0x3FDB];
	_ =	sdelay $0x1  }
0xa2: {  	s10 =	simm.s32 $_scs_section_size  }
0xa3: {  	s11 =	simm.s32 $_size__tile_overlayer_lowered;
	s12 =	simm.s32 $_tile_overlayer_lowered  }
0xa4: {  	s23 =	simm.s32 $0x1BFF;
	s22 =	sshll.u32 s12, $0x1;
	s9 =	sadd.s32 s10, s20  }
0xa5: {  	s13 =	simm.s32 $0x0;
	s21 =	sshll.u32 s11, $0x1;
	s11 =	sadd.s32 s22, s9  }
0xa6: {  	[timem:s13], [sflag:s23] =	dma.local [hbm:s11], s21  }
0xa7: {  	_ =	swait.ge [sflag:s23], s21  }
0xa8: {  	s10 =	ssub.s32 $0x0, s21;
	[sflag:s23] =	ssyncset.done $0x0  }
0xa9: {  	[sflag:s23] =	ssyncadd.s32 s10;
	_ =	sdelay $0x1  }
0xaa: {  	s24 =	simm.s32 $0x1B8B  }
0xab: {  	_ =	swait.ge [sflag:s24], $0x1  }
0xac: {  	[sflag:s24] =	ssyncset.done $0x0  }
0xad: {  	s25 =	simm.s32 $0x1B8E;
	[sflag:s24] =	ssyncadd.s32 $0xFFFFFFFF  }
0xae: {  	s26 =	simm.s32 $execute0_lowered;
	[smem:$0x3FD2] =	sst s25  }
0xaf: {  	s10 =	sshll.u32 s26, $0x1;
	_ =	strace $0x80000046;
	[dreg:$0x1] =	wrdreg $0xFFFFFFFF  }
0xb0: {  	s28 =	simm.s32 $_size_execute0_lowered;
	s9 =	sadd.s32 s9, s10;
	[dreg:$0x0] =	wrdreg $0x0  }
0xb1: {  	s10 =	sshll.u32 s28, $0x1;
	[dreg:$0x2] =	wrdreg s9  }
0xb2: {  	[dreg:$0x3] =	wrdreg s10  }
0xb3: {  	[dreg:$0x4] =	wrdreg $0xC0  }
0xb4: {  	_ =	task [dreg:s13], $0x5FFFF  }
0xb5: {  	[dreg:$0x1] =	wrdreg $0xFFFFFFFF  }
0xb6: {  	[dreg:$0x0] =	wrdreg $0x60  }
0xb7: {  	[dreg:$0x2] =	wrdreg s16  }
0xb8: {  	[dreg:$0x3] =	wrdreg s4  }
0xb9: {  	[dreg:$0x4] =	wrdreg s5  }
0xba: {  	[dreg:$0x5] =	wrdreg s17  }
0xbb: {  	[dreg:$0x6] =	wrdreg s18  }
0xbc: {  	[dreg:$0x7] =	wrdreg s8  }
0xbd: {  	[dreg:$0x8] =	wrdreg s19  }
0xbe: {  	[dreg:$0x9] =	wrdreg $0x9  }
0xbf: {  	_ =	task.clear_ibuf [dreg:s13], $0xAFFFF;
	_ =	strace $0x90000046  }
0xc0: {  	s29 =	simm.s32 $0x9;
	_ =	strace $0x80000048  }
0xc1: {  	_ =	swait.ge [sflag:s29], $0x1  }
0xc2: {  	[sflag:s29] =	ssyncadd.s32 $0xFFFFFFFF  }
0xc3: {  	_ =	strace $0x90000048  }
0xc4: {  	_ =	sfence  }
0xc5: {  	s30 =	sld [smem:$0x0];
	_ =	sdelay $0x2  }
0xc6: {  	s31 =	sshll.u32 s1, $0xD;
	s1 =	sshrl.u32 s1, $0x2  }
0xc7: {  	s3 =	sand.u32 $0x4000, s31;
	s1 =	sadd.s32 s1, s30  }
0xc8: {  	s0 =	sor.u32 s3, s0;
	s1 =	sshll.u32 s1, $0x11  }
0xc9: {  	s0 =	sor.u32 s1, s0  }
0xca: {  	s0 =	sadd.s32 $0x8F2B, s0  }
0xcb: {  	[sflag:s0] =	ssyncadd.remote.s32 $0x1  }
0xcc: {  	_ =	sfence.sel $0xFFFF  }
0xcd: {  	[dreg:$0x0] =	wrdreg $0xFFFFFFFF;
	(pc) =	sbr.abs _section_cstart, $3  }
0xce: {  	[dreg:$0x1] =	wrdreg $0xFFFFFFFF  }
0xcf: {  	_ =	task.clear_ibuf [dreg:s13], $0x2FFFF;
	_ =	strace $0x9FFFFFFF  }
0xd0: {  	(tm) =	ssettm $0x7FFFFFFF  }
0xd1: {  	_ =	shalt  }
tec
execute0_lowered:
.L_overlay_start_1:
0x0: {  	(tag) =	ssettag $0x1  }
0x1: {  	s4 =	rddreg [dreg:$0x3];
	s1 =	srdreg.scid  }
0x2: {  	s5 =	rddreg [dreg:$0x4];
	s1 =	sand.u32 $0x1, s1  }
0x3: {  	s0 =	rddreg [dreg:$0x5];
	s9 =	stileid.u32;
	s3 =	sshll.u32 s1, $0x4  }
0x4: {  	s2 =	rddreg [dreg:$0x6];
	s7 =	simm.s32 $0x0;
	s3 =	sor.u32 s9, s3  }
0x5: {  	[smem:$0x7FF] =	sst s7;
	s6 =	ssub.s32 $0x2, s1;
	s10 =	smul.u32 $0x50000, s3  }
0x6: {  	_ =	strace $0x80000047;
	s8 =	sshrl.u32 s6, $0x1;
	s23 =	sshll.u32 s3, $0x1  }
0x7: {  	s6 =	ssub.s32 s6, s8;
	s0 =	sadd.s32 s0, s23;
	[dreg:$0x8] =	wrdreg s10  }
0x8: {  	s25 =	smax.u32 s6, $0x1;
	[dreg:$0xd] =	wrdreg s0  }
0x9: {  	s20 =	sadd.s32 $0x10000, s10;
	[dreg:$0xf] =	wrdreg s25  }
0xa: {  	s1 =	smul.u32 $0x500000, s1;
	s21 =	sadd.s32 $0x20000, s10;
	[dreg:$0x9] =	wrdreg s20  }
0xb: {  	s9 =	smul.u32 $0x50000, s9;
	s22 =	sadd.s32 $0x30000, s10;
	[dreg:$0xa] =	wrdreg s21  }
0xc: {  	s24 =	sshll.u32 s3, $0x8;
	s10 =	sadd.s32 $0x40000, s10;
	[dreg:$0xb] =	wrdreg s22  }
0xd: {  	s16 =	sadd.s32 s9, s1;
	s0 =	sadd.s32 s2, s24;
	[dreg:$0xc] =	wrdreg s10  }
0xe: {  	v1 =	vimm.f32 $0.0e+00;
	s30 =	simm.s32 $0x0;
	s26 =	sadd.s32 $0x10000, s16;
	[dreg:$0xe] =	wrdreg s0  }
0xf: {  	v2 =	vimm.s32 $0x0;
	v3 =	vlaneseq.u32;
	v4 =	vimm.f32 $1.000000000e+00;
	s1 =	simm.s32 $0x0;
	s28 =	sadd.s32 $0x20000, s16;
	[dreg:$0x10] =	wrdreg s26  }
0x10: {  	vm0 =	vcmask $0x300;
	v5 =	vor.u32 $0x10, v3;
	v6 =	vor.u32 $0x20, v3;
	s29 =	sadd.s32 $0x30000, s16;
	s31 =	sadd.s32 $0x40000, s16;
	[dreg:$0x11] =	wrdreg s28  }
0x11: {  	v7 =	vor.u32 $0x30, v3;
	v8 =	vor.u32 $0x40, v3;
	v9 =	vor.u32 $0x50, v3;
	s24 =	simm.s32 $0x3000;
	s25 =	simm.s32 $0x3800;
	[dreg:$0x12] =	wrdreg s29  }
0x12: {  	v10 =	vor.u32 $0x60, v3;
	v11 =	vor.u32 $0x70, v3;
	v0 =	vmov s3;
	[dreg:$0x13] =	wrdreg s31;
	s21 =	simm.s32 $0x1;
	s26 =	simm.s32 $0x8A80  }
.LBB2_1:
0x13: {  	[dreg:$0x14] =	wrdreg s1;
	s0 =	simm.s32 $0x40;
	s1 =	simm.s32 $0x0  }
.LBB2_2:
0x14: {  	p0 =	sne.s32 s0, $0x1FC0;
	[tilespmem:s1+$0x3000] =	vst v1;
	s1 =	smov.u32 s0;
	s0 =	sadd.s32 $0x40, s0  }
.Ltmp0:
0x15: {  	(pc) =	sbr.rel @p0 .LBB2_2-.Ltmp0, $2  }
0x16: {  	_ =	sdelay $0x2  }
0x17: {  	s1 =	sshra.s32 s1, $0x2  }
.Ltmp1:
0x18: {  	(pc) =	sbr.rel .LBB2_4-.Ltmp1, $4  }
0x19: {  	_ = 	snop  }
0x1a: {  	[tilespmem:s1+$0x3000] =	vst v1  }
0x1b: {  	[tilespmem:$0xDD80] =	vst v2  }
0x1c: {  	s31 =	simm.s32 $0x0;
	[tilespmem:$0xDE00] =	vst v2  }
.LBB2_36:
0x1d: {  	s18 =	simm.s32 $0x7A00  }
.LBB2_40:
0x1e: {  	s17 =	sadd.s32 @p0 $0x80, s18  }
0x1f: {  	s20 =	sadd.s32 s4, s23;
	[sflag:s21] =	ssyncadd.s32 @p0 $0xFFFFFF80;
	s2 =	smov.u32 @p0 s17  }
0x20: {  	[hbm4b:s20+s7] =	stream.linear.scatter [tilespmem:s2], [sflag:$0x1], $0x80, $0x38;
	[tilespmem:$0xDE80] =	vst v63  }
0x21: {  	_ =	swait.ge [sflag:s21], $0x80  }
0x22: {  	[sflag:s21] =	ssyncset.done $0x0  }
0x23: {  	s23 =	sadd.s32 s5, s23;
	[sflag:s21] =	ssyncadd.s32 $0xFFFFFF80  }
0x24: {  	[hbm4b:s23+s7] =	stream.linear.scatter [tilespmem:s22], [sflag:$0x1], $0x80, $0x38;
	[tilespmem:$0xDE80] =	vst v63  }
0x25: {  	_ =	swait.ge [sflag:s21], $0x80  }
0x26: {  	[sflag:s21] =	ssyncset.done $0x0  }
0x27: {  	[sflag:s21] =	ssyncadd.s32 $0xFFFFFF80  }
.LBB2_41:
0x28: {  	s2 =	sand.u32 $0xFFFFFF80, s3  }
0x29: {  	v14 =	vld [tilespmem:s2+$0x7A00];
	_ =	sdelay $0x4  }
0x2a: {  	[tilespmem:$0x7A00] =	vst v14  }
0x2b: {  	v14 =	vld [tilespmem:s2+$0xCC80];
	_ =	sdelay $0x4  }
0x2c: {  	[tilespmem:$0xCC80] =	vst v14  }
0x2d: {  	v14 =	vld [tilespmem:s2+$0x7A10];
	_ =	sdelay $0x4  }
0x2e: {  	[tilespmem:$0x7A10] =	vst v14  }
0x2f: {  	v14 =	vld [tilespmem:s2+$0xCC90];
	_ =	sdelay $0x4  }
0x30: {  	[tilespmem:$0xCC90] =	vst v14  }
0x31: {  	v14 =	vld [tilespmem:s2+$0x7A20];
	_ =	sdelay $0x4  }
0x32: {  	[tilespmem:$0x7A20] =	vst v14  }
0x33: {  	v14 =	vld [tilespmem:s2+$0xCCA0];
	_ =	sdelay $0x4  }
0x34: {  	[tilespmem:$0xCCA0] =	vst v14  }
0x35: {  	v14 =	vld [tilespmem:s2+$0x7A30];
	_ =	sdelay $0x4  }
0x36: {  	[tilespmem:$0x7A30] =	vst v14  }
0x37: {  	v14 =	vld [tilespmem:s2+$0xCCB0];
	_ =	sdelay $0x4  }
0x38: {  	[tilespmem:$0xCCB0] =	vst v14  }
0x39: {  	v14 =	vld [tilespmem:s2+$0x7A40];
	_ =	sdelay $0x4  }
0x3a: {  	[tilespmem:$0x7A40] =	vst v14  }
0x3b: {  	v14 =	vld [tilespmem:s2+$0xCCC0];
	_ =	sdelay $0x4  }
0x3c: {  	[tilespmem:$0xCCC0] =	vst v14  }
0x3d: {  	v14 =	vld [tilespmem:s2+$0x7A50];
	_ =	sdelay $0x4  }
0x3e: {  	[tilespmem:$0x7A50] =	vst v14  }
0x3f: {  	v14 =	vld [tilespmem:s2+$0xCCD0];
	_ =	sdelay $0x4  }
0x40: {  	[tilespmem:$0xCCD0] =	vst v14  }
0x41: {  	v14 =	vld [tilespmem:s2+$0x7A60];
	_ =	sdelay $0x4  }
0x42: {  	[tilespmem:$0x7A60] =	vst v14  }
0x43: {  	v14 =	vld [tilespmem:s2+$0xCCE0];
	_ =	sdelay $0x4  }
0x44: {  	[tilespmem:$0xCCE0] =	vst v14  }
0x45: {  	v14 =	vld [tilespmem:s2+$0x7A70];
	_ =	sdelay $0x2  }
0x46: {  	s10 =	sand.u32 $0x7F, s10;
	vm2 =	veq.s32 v3, $0x0  }
0x47: {  	s9 =	sand.u32 $0x7F, s9;
	vm1 =	veq.s32 v3, $0x1;
	v13 =	vsel vm2, s10, v13;
	s10 =	sadd.s32 s12, s11  }
0x48: {  	s28 =	sand.u32 $0x7F, s28;
	s31 =	sadd.s32 $0x1, s31;
	v12 =	vsel vm2, s10, v12;
	v13 =	vsel vm1, s9, v13;
	s9 =	sadd.s32 s14, s13;
	vm2 =	veq.s32 v3, $0x2;
	[tilespmem:$0x7A70] =	vst v14  }
0x49: {  	s6 =	sand.u32 $0x7F, s6;
	vm3 =	veq.s32 v3, $0x3;
	s11 =	sadd.s32 s8, s15;
	p0 =	sne.s32 s31, $0x10;
	v12 =	vsel vm1, s9, v12;
	v13 =	vsel vm2, s28, v13;
	v14 =	vld [tilespmem:s2+$0xCCF0]  }
.Ltmp2:
0x4a: {  	vm4 =	veq.s32 v3, $0x4;
	v12 =	vsel vm2, s11, v12;
	v13 =	vsel vm3, s6, v13;
	s6 =	sadd.s32 s0, s29;
	s29 =	sand.u32 $0x7F, s3;
	(pc) =	sbr.rel @!p0 .LBB2_42-.Ltmp2, $4  }
0x4b: {  	s3 =	sadd.s32 s2, s1;
	v12 =	vsel vm3, s6, v12;
	v13 =	vsel vm4, s29, v13  }
0x4c: {  	v12 =	vsel vm4, s3, v12;
	[tilespmem:$0xDD80] =	vst v13  }
0x4d: {  	[tilespmem:$0xDE00] =	vst v12  }
0x4e: {  	[tilespmem:$0xCCF0] =	vst v14  }
.LBB2_4:
0x4f: {  	s0 =	sshll.u32 s31, $0x9;
	s1 =	rddreg [dreg:$0x0]  }
0x50: {  	s1 =	sadd.s32 s1, s0  }
0x51: {  	[tilespmem:s30], [sflag:$0x1] =	stream.linear.gather [hbm4b:s1+s30], $0x1000, $0x38;
	[tilespmem:$0xDE80] =	vst v63  }
0x52: {  	_ =	swait.ge [sflag:s21], $0x1000  }
0x53: {  	[sflag:s21] =	ssyncset.done $0x0  }
0x54: {  	[sflag:s21] =	ssyncadd.s32 $0xFFFFF000  }
0x55: {  	s17 =	rddreg [dreg:$0x1]  }
0x56: {  	s2 =	simm.s32 $0x1000;
	s1 =	sadd.s32 s17, s0  }
0x57: {  	[tilespmem:s2], [sflag:$0x1] =	stream.linear.gather [hbm4b:s1+s30], $0x1000, $0x38;
	[tilespmem:$0xDE80] =	vst v63  }
0x58: {  	_ =	swait.ge [sflag:s21], $0x1000  }
0x59: {  	[sflag:s21] =	ssyncset.done $0x0  }
0x5a: {  	[sflag:s21] =	ssyncadd.s32 $0xFFFFF000  }
0x5b: {  	s18 =	rddreg [dreg:$0x2]  }
0x5c: {  	s19 =	simm.s32 $0x2000;
	s0 =	sadd.s32 s18, s0  }
0x5d: {  	[tilespmem:s19], [sflag:$0x1] =	stream.linear.gather [hbm4b:s0+s30], $0x1000, $0x38;
	[tilespmem:$0xDE80] =	vst v63  }
0x5e: {  	_ =	swait.ge [sflag:s21], $0x1000  }
0x5f: {  	[sflag:s21] =	ssyncset.done $0x0  }
0x60: {  	s20 =	simm.s32 $0x0;
	[sflag:s21] =	ssyncadd.s32 $0xFFFFF000  }
0x61: {  	v13 =	vld [tilespmem:s20+$0x1000];
	_ =	sdelay $0x1  }
0x62: {  	v15 =	vld [tilespmem:s20+$0x2000];
	_ =	sdelay $0x2  }
0x63: {  	v12 =	vand.u32 $0xFF, v13  }
0x64: {  	v13 =	vshra.s32 v13, $0x8;
	v14 =	vshll.u32 v12, $0x3  }
0x65: {  	vm1 =	veq.s32 v13, v0;
	v13 =	vadd.s32 v15, v14  }
0x66: {  	v14 =	vnsel vm1, $0x0, v13  }
0x67: {  	vm2 =	veq.s32 v15, $0x0  }
0x68: {  	vm3 =	veq.s32 v15, $0x1;
	vm10 =	vmand vm1, vm2  }
0x69: {  	vm8 =	vmand vm1, vm3;
	vm2 =	veq.s32 v15, $0x2;
	v16 =	vsel vm10, $0x1, v2  }
0x6a: {  	vm4 =	veq.s32 v15, $0x4;
	v13 =	vld [tilespmem:s20+$0x0];
	v17 =	vsel vm8, $0x1, v2;
	vm9 =	vmand vm1, vm2;
	(xrf0) =	vadd.scan.msk.s32 $0xffff, v16  }
0x6b: {  	vm3 =	veq.s32 v15, $0x3;
	v15 =	vsel vm9, $0x1, v2;
	(xrf0) =	vadd.scan.msk.s32 $0xffff, v17;
	[tilespmem:v14+s24+$0x0] =	vst.idx.add.f32.msk vm1, v4  }
0x6c: {  	(xrf0) =	vadd.scan.msk.s32 $0xffff, v15;
	v14 =	vld [tilespmem:$0xDD80]  }
0x6d: {  	vm7 =	vmand vm1, vm3  }
0x6e: {  	vm6 =	vmand vm1, vm4;
	v16 =	vsel vm7, $0x1, v2  }
0x6f: {  	v15 =	vsel vm6, $0x1, v2;
	(xrf0) =	vadd.scan.msk.s32 $0xffff, v16  }
0x70: {  	(xrf0) =	vadd.scan.msk.s32 $0xffff, v15;
	v17, _, _ =	vpop (xrf0)  }
0x71: {  	v15 =	vxor.u32 $0x80000000, v17;
	v18, _, _ =	vpop (xrf0);
	(v2sf) =	vpush v14, $0x1  }
0x72: {  	v16 =	vxor.u32 $0x80000000, v18;
	(xrf0) =	vmax.scan.msk.u32 $0xffff, v15;
	v20, _, _ =	vpop (xrf0);
	(v2sf) =	vpush v14, $0x2  }
0x73: {  	(xrf0) =	vmax.scan.msk.u32 $0xffff, v16;
	v16 =	vxor.u32 $0x80000000, v20;
	(v2sf) =	vpush v14, $0x3  }
0x74: {  	(v2sf) =	vpush v14, $0x4  }
0x75: {  	v15, _, _ =	vpop (xrf0)  }
0x76: {  	(xrf0) =	vmax.scan.msk.u32 $0xffff, v16;
	v16, _, _ =	vpop (xrf0)  }
0x77: {  	v21 =	vxor.u32 $0x80000000, v16  }
0x78: {  	v19 =	vxor.u32 $0x80000000, v15  }
0x79: {  	(xrf0) =	vmax.scan.msk.u32 $0xffff, v19  }
0x7a: {  	(xrf0) =	vmax.scan.msk.u32 $0xffff, v21;
	(v2sf) =	vpush v14, $0x0;
	v21, _, _ =	vpop (xrf0)  }
0x7b: {  	v19 =	vadd.s32 $0xFFFFFFFF, v14;
	(v2sf) =	vpush v21, $0xF;
	v21, _, _ =	vpop (xrf0)  }
0x7c: {  	v19 =	vbroadcast v19, $0x0;
	(v2sf) =	vpush v21, $0xF;
	_ =	sdelay $0x2  }
0x7d: {  	v21, _, _ =	vpop (xrf0)  }
0x7e: {  	v17 =	vadd.s32 v17, v19;
	(v2sf) =	vpush v21, $0xF;
	v19, _, _ =	vpop (xrf0);
	s9 =	spop (v2sf)  }
0x7f: {  	s22 =	sadd.s32 $0x1080, s9;
	s8 =	spop (v2sf);
	(v2sf) =	vpush v19, $0xF;
	v19, _, _ =	vpop (xrf0)  }
0x80: {  	v21 =	vmov s22;
	s23 =	sadd.s32 $0x2100, s8;
	s1 =	spop (v2sf);
	(v2sf) =	vpush v19, $0xF  }
0x81: {  	v17 =	vnsel vm10, $0x0, v17;
	v19 =	vadd.s32 $0xFFFFFFFF, v21;
	v21 =	vmov s23;
	s28 =	sadd.s32 $0x3180, s1;
	s0 =	spop (v2sf)  }
0x82: {  	v19 =	vbroadcast v19, $0x0;
	v21 =	vadd.s32 $0xFFFFFFFF, v21;
	v22 =	vmov s28;
	s29 =	sadd.s32 $0x4200, s0  }
0x83: {  	v21 =	vbroadcast v21, $0x0;
	v22 =	vadd.s32 $0xFFFFFFFF, v22;
	v23 =	vmov s29  }
0x84: {  	v18 =	vadd.s32 v18, v19;
	v19 =	vbroadcast v22, $0x0;
	v22 =	vadd.s32 $0xFFFFFFFF, v23  }
0x85: {  	s3 =	simm.s32 $0x40;
	s2 =	simm.s32 $0x80;
	v18 =	vnsel vm8, $0x1080, v18;
	v21 =	vadd.s32 v20, v21;
	v20 =	vbroadcast v22, $0x0  }
.LBB2_5:
0x86: {  	s10 =	sshra.s32 s3, $0x2  }
0x87: {  	s11 =	spop (v2sf);
	s3 =	smov.u32 s2;
	s6 =	sadd.s32 $0x40, s2  }
0x88: {  	p0 =	sne.s32 s2, $0x3FC0;
	v21 =	vnsel vm9, $0x2100, v21;
	v16 =	vadd.s32 v16, v20;
	s2 =	spop (v2sf)  }
0x89: {  	v15 =	vadd.s32 v15, v19;
	[tilespmem:v17+s25+$0x0] =	vst.idx.msk vm10, v13;
	s2 =	sadd.s32 s2, s11;
	s11 =	spop (v2sf)  }
0x8a: {  	vm1 =	veq.s32 v3, $0x0;
	v15 =	vnsel vm7, $0x3180, v15;
	[tilespmem:v17+s26+$0x0] =	vst.idx.msk vm10, v12;
	s2 =	sadd.s32 $0x80000000, s2;
	s9 =	sadd.s32 s11, s9  }
0x8b: {  	v14 =	vsel vm1, s2, v14;
	[tilespmem:v18+s25+$0x0] =	vst.idx.msk vm8, v13  }
0x8c: {  	v16 =	vnsel vm6, $0x4200, v16;
	[tilespmem:v18+s26+$0x0] =	vst.idx.msk vm8, v12  }
0x8d: {  	[tilespmem:v21+s25+$0x0] =	vst.idx.msk vm9, v13;
	s2 =	spop (v2sf)  }
0x8e: {  	vm2 =	veq.s32 v3, $0x1;
	s9 =	sadd.s32 $0x80000000, s9;
	[tilespmem:v21+s26+$0x0] =	vst.idx.msk vm9, v12;
	s2 =	sadd.s32 s2, s8;
	s8 =	spop (v2sf)  }
0x8f: {  	vm3 =	veq.s32 v3, $0x2;
	v14 =	vsel vm2, s9, v14;
	s2 =	sadd.s32 $0x80000000, s2;
	[tilespmem:v15+s25+$0x0] =	vst.idx.msk vm7, v13;
	s1 =	sadd.s32 s8, s1;
	s8 =	spop (v2sf)  }
0x90: {  	vm4 =	veq.s32 v3, $0x3;
	v14 =	vsel vm3, s2, v14;
	[tilespmem:v15+s26+$0x0] =	vst.idx.msk vm7, v12;
	s1 =	sadd.s32 $0x80000000, s1;
	s0 =	sadd.s32 s8, s0  }
0x91: {  	vm5 =	veq.s32 v3, $0x4;
	v14 =	vsel vm4, s1, v14;
	[tilespmem:v16+s25+$0x0] =	vst.idx.msk vm6, v13;
	s0 =	sadd.s32 $0x80000000, s0  }
0x92: {  	[tilespmem:v16+s26+$0x0] =	vst.idx.msk vm6, v12;
	v12 =	vsel vm5, s0, v14  }
0x93: {  	[tilespmem:$0xDD80] =	vst v12  }
0x94: {  	v12 =	vld [tilespmem:s10+$0x1000];
	_ =	sdelay $0x1  }
0x95: {  	v13 =	vld [tilespmem:s10+$0x2000];
	_ =	sdelay $0x2  }
0x96: {  	v14 =	vshra.s32 v12, $0x8;
	v12 =	vand.u32 $0xFF, v12  }
0x97: {  	vm6 =	veq.s32 v14, v0;
	v14 =	vshll.u32 v12, $0x3  }
0x98: {  	v14 =	vadd.s32 v13, v14;
	vm7 =	veq.s32 v13, $0x0;
	vm8 =	veq.s32 v13, $0x1  }
0x99: {  	v14 =	vnsel vm6, $0x0, v14;
	vm10 =	vmand vm6, vm7;
	vm8 =	vmand vm6, vm8  }
0x9a: {  	vm7 =	veq.s32 v13, $0x2;
	v15 =	vsel vm10, $0x1, v2;
	v16 =	vsel vm8, $0x1, v2  }
0x9b: {  	vm11 =	veq.s32 v13, $0x3;
	vm12 =	veq.s32 v13, $0x4;
	(xrf0) =	vadd.scan.msk.s32 $0xffff, v15  }
0x9c: {  	(xrf0) =	vadd.scan.msk.s32 $0xffff, v16  }
0x9d: {  	v13 =	vld [tilespmem:s10+$0x0]  }
0x9e: {  	[tilespmem:v14+s24+$0x0] =	vst.idx.add.f32.msk vm6, v4  }
0x9f: {  	v14 =	vld [tilespmem:$0xDD80];
	_ =	sdelay $0x1  }
0xa0: {  	vm9 =	vmand vm6, vm7;
	v15, _, _ =	vpop (xrf0)  }
0xa1: {  	vm7 =	vmand vm6, vm11;
	v17 =	vsel vm9, $0x1, v2;
	v16 =	vxor.u32 $0x80000000, v15;
	v18, _, _ =	vpop (xrf0)  }
0xa2: {  	v20 =	vsel vm7, $0x1, v2;
	vm6 =	vmand vm6, vm12;
	v19 =	vxor.u32 $0x80000000, v18;
	(xrf0) =	vadd.scan.msk.s32 $0xffff, v17  }
0xa3: {  	v21 =	vsel vm6, $0x1, v2;
	v17 =	vadd.s32 $0xFFFFFFFF, v14;
	(v2sf) =	vpush v14, $0x1;
	(xrf0) =	vadd.scan.msk.s32 $0xffff, v20  }
0xa4: {  	v17 =	vbroadcast v17, $0x0;
	(v2sf) =	vpush v14, $0x2;
	(xrf0) =	vadd.scan.msk.s32 $0xffff, v21  }
0xa5: {  	(xrf0) =	vmax.scan.msk.u32 $0xffff, v16;
	(v2sf) =	vpush v14, $0x3  }
0xa6: {  	v15 =	vadd.s32 v15, v17;
	(xrf0) =	vmax.scan.msk.u32 $0xffff, v19;
	(v2sf) =	vpush v14, $0x4  }
0xa7: {  	v17 =	vnsel vm10, $0x0, v15  }
0xa8: {  	v20, _, _ =	vpop (xrf0)  }
0xa9: {  	v21 =	vxor.u32 $0x80000000, v20;
	v15, _, _ =	vpop (xrf0)  }
0xaa: {  	v23 =	vxor.u32 $0x80000000, v15;
	(xrf0) =	vmax.scan.msk.u32 $0xffff, v21;
	v16, _, _ =	vpop (xrf0)  }
0xab: {  	v21 =	vxor.u32 $0x80000000, v16;
	(v2sf) =	vpush v14, $0x0;
	v22, _, _ =	vpop (xrf0);
	(xrf0) =	vmax.scan.msk.u32 $0xffff, v23  }
0xac: {  	(v2sf) =	vpush v22, $0xF;
	v19, _, _ =	vpop (xrf0);
	(xrf0) =	vmax.scan.msk.u32 $0xffff, v21  }
0xad: {  	(v2sf) =	vpush v19, $0xF;
	_ =	sdelay $0x2  }
0xae: {  	v19, _, _ =	vpop (xrf0)  }
0xaf: {  	(v2sf) =	vpush v19, $0xF;
	v19, _, _ =	vpop (xrf0)  }
0xb0: {  	s9 =	spop (v2sf);
	(v2sf) =	vpush v19, $0xF;
	v19, _, _ =	vpop (xrf0)  }
0xb1: {  	s0 =	sadd.s32 $0x1080, s9;
	s8 =	spop (v2sf);
	(v2sf) =	vpush v19, $0xF  }
0xb2: {  	v19 =	vmov s0;
	s0 =	sadd.s32 $0x2100, s8;
	s1 =	spop (v2sf)  }
.Ltmp3:
0xb3: {  	v19 =	vadd.s32 $0xFFFFFFFF, v19;
	v21 =	vmov s0;
	s2 =	sadd.s32 $0x3180, s1;
	s0 =	spop (v2sf);
	(pc) =	sbr.rel @p0 .LBB2_5-.Ltmp3, $4  }
0xb4: {  	v19 =	vbroadcast v19, $0x0;
	v21 =	vadd.s32 $0xFFFFFFFF, v21;
	v22 =	vmov s2;
	s2 =	sadd.s32 $0x4200, s0  }
0xb5: {  	v21 =	vbroadcast v21, $0x0;
	v22 =	vadd.s32 $0xFFFFFFFF, v22;
	v23 =	vmov s2  }
0xb6: {  	v18 =	vadd.s32 v18, v19;
	v19 =	vbroadcast v22, $0x0;
	v22 =	vadd.s32 $0xFFFFFFFF, v23  }
0xb7: {  	s2 =	smov.u32 s6;
	v18 =	vnsel vm8, $0x1080, v18;
	v21 =	vadd.s32 v20, v21;
	v20 =	vbroadcast v22, $0x0  }
0xb8: {  	_ =	sdelay $0x3  }
0xb9: {  	v21 =	vnsel vm9, $0x2100, v21  }
0xba: {  	[tilespmem:v17+s25+$0x0] =	vst.idx.msk vm10, v13;
	v15 =	vadd.s32 v15, v19  }
0xbb: {  	s2 =	spop (v2sf);
	[tilespmem:v17+s26+$0x0] =	vst.idx.msk vm10, v12;
	v15 =	vnsel vm7, $0x3180, v15  }
0xbc: {  	v16 =	vadd.s32 v16, v20;
	s6 =	spop (v2sf);
	[tilespmem:v18+s25+$0x0] =	vst.idx.msk vm8, v13  }
0xbd: {  	s2 =	sadd.s32 s6, s2;
	s14 =	spop (v2sf);
	v16 =	vnsel vm6, $0x4200, v16;
	[tilespmem:v18+s26+$0x0] =	vst.idx.msk vm8, v12  }
0xbe: {  	s2 =	sadd.s32 $0x80000000, s2;
	s6 =	sadd.s32 s14, s9;
	[tilespmem:v21+s25+$0x0] =	vst.idx.msk vm9, v13;
	s15 =	spop (v2sf)  }
0xbf: {  	v14 =	vsel vm1, s2, v14;
	s17 =	sadd.s32 $0x80000000, s6;
	[tilespmem:v21+s26+$0x0] =	vst.idx.msk vm9, v12;
	s18 =	sadd.s32 s15, s8;
	s19 =	spop (v2sf)  }
0xc0: {  	v14 =	vsel vm2, s17, v14;
	[tilespmem:v15+s25+$0x0] =	vst.idx.msk vm7, v13;
	s20 =	sadd.s32 $0x80000000, s18;
	s1 =	sadd.s32 s19, s1;
	s22 =	spop (v2sf)  }
0xc1: {  	[tilespmem:v15+s26+$0x0] =	vst.idx.msk vm7, v12;
	v14 =	vsel vm3, s20, v14;
	s1 =	sadd.s32 $0x80000000, s1;
	s0 =	sadd.s32 s22, s0  }
0xc2: {  	[tilespmem:v16+s25+$0x0] =	vst.idx.msk vm6, v13;
	v14 =	vsel vm4, s1, v14;
	s0 =	sadd.s32 $0x80000000, s0  }
0xc3: {  	[tilespmem:v16+s26+$0x0] =	vst.idx.msk vm6, v12;
	v12 =	vsel vm5, s0, v14  }
0xc4: {  	s23 =	sshra.s32 s3, $0x2;
	[tilespmem:$0xDD80] =	vst v12  }
0xc5: {  	v12 =	vld [tilespmem:s23+$0x1000];
	_ =	sdelay $0x1  }
0xc6: {  	v13 =	vld [tilespmem:s23+$0x2000];
	_ =	sdelay $0x2  }
0xc7: {  	v14 =	vand.u32 $0xFF, v12  }
0xc8: {  	v12 =	vshra.s32 v12, $0x8;
	v15 =	vshll.u32 v14, $0x3  }
0xc9: {  	vm7 =	veq.s32 v12, v0;
	v12 =	vadd.s32 v13, v15  }
0xca: {  	v12 =	vnsel vm7, $0x0, v12;
	_ =	sdelay $0x3  }
0xcb: {  	v15 =	vld [tilespmem:s23+$0x0]  }
0xcc: {  	[tilespmem:v12+s24+$0x0] =	vst.idx.add.f32.msk vm7, v4  }
0xcd: {  	v16 =	vld [tilespmem:$0xDD80];
	_ =	sdelay $0x4  }
0xce: {  	(v2sf) =	vpush v16, $0x1;
	_ =	sdelay $0x1  }
0xcf: {  	(v2sf) =	vpush v16, $0x2;
	_ =	sdelay $0x1  }
0xd0: {  	(v2sf) =	vpush v16, $0x3;
	_ =	sdelay $0x1  }
0xd1: {  	(v2sf) =	vpush v16, $0x4;
	_ =	sdelay $0x2  }
0xd2: {  	vm10 =	veq.s32 v13, $0x0  }
0xd3: {  	vm10 =	vmand vm7, vm10  }
0xd4: {  	vm11 =	veq.s32 v13, $0x1;
	v12 =	vsel vm10, $0x1, v2  }
0xd5: {  	vm8 =	vmand vm7, vm11;
	(xrf0) =	vadd.scan.msk.s32 $0xffff, v12  }
0xd6: {  	vm12 =	veq.s32 v13, $0x2;
	v12 =	vsel vm8, $0x1, v2  }
0xd7: {  	vm11 =	veq.s32 v13, $0x3;
	vm13 =	vmand vm7, vm12;
	(xrf0) =	vadd.scan.msk.s32 $0xffff, v12  }
0xd8: {  	vm14 =	vmand vm7, vm11;
	v12 =	vsel vm13, $0x1, v2;
	s29 =	spop (v2sf)  }
0xd9: {  	vm15 =	veq.s32 v13, $0x4;
	v13 =	vsel vm14, $0x1, v2;
	(xrf0) =	vadd.scan.msk.s32 $0xffff, v12;
	v12 =	vadd.s32 $0xFFFFFFFF, v16;
	s1 =	sadd.s32 $0x1080, s29  }
0xda: {  	vm7 =	vmand vm7, vm15;
	v12 =	vbroadcast v12, $0x0;
	s3 =	spop (v2sf);
	v50 =	vmov s1  }
0xdb: {  	v52 =	vsel vm7, $0x1, v2;
	(xrf0) =	vadd.scan.msk.s32 $0xffff, v13;
	v51, _, _ =	vpop (xrf0);
	s6 =	sadd.s32 $0x2100, s3;
	v13 =	vadd.s32 $0xFFFFFFFF, v50  }
0xdc: {  	v12 =	vadd.s32 v51, v12;
	s8 =	spop (v2sf);
	v53 =	vmov s6;
	v13 =	vbroadcast v13, $0x0  }
0xdd: {  	(xrf0) =	vadd.scan.msk.s32 $0xffff, v52;
	v54, _, _ =	vpop (xrf0);
	v18 =	vxor.u32 $0x80000000, v51;
	v12 =	vnsel vm10, $0x0, v12;
	s11 =	sadd.s32 $0x3180, s8;
	v17 =	vadd.s32 $0xFFFFFFFF, v53  }
0xde: {  	s12 =	spop (v2sf);
	v55 =	vmov s11;
	v17 =	vbroadcast v17, $0x0;
	v13 =	vadd.s32 v54, v13  }
0xdf: {  	v56, _, _ =	vpop (xrf0);
	v20 =	vxor.u32 $0x80000000, v54;
	s13 =	sadd.s32 $0x4200, s12;
	v19 =	vadd.s32 $0xFFFFFFFF, v55;
	v13 =	vnsel vm8, $0x1080, v13  }
0xe0: {  	(xrf0) =	vmax.scan.msk.u32 $0xffff, v18;
	v22 =	vmov s13;
	v19 =	vbroadcast v19, $0x0;
	v17 =	vadd.s32 v56, v17  }
0xe1: {  	v23, _, _ =	vpop (xrf0);
	(xrf0) =	vmax.scan.msk.u32 $0xffff, v20;
	v22 =	vadd.s32 $0xFFFFFFFF, v22;
	v17 =	vnsel vm13, $0x2100, v17  }
0xe2: {  	v58 =	vxor.u32 $0x80000000, v56;
	[tilespmem:v12+s25+$0x0] =	vst.idx.msk vm10, v15;
	v57 =	vbroadcast v22, $0x0;
	v19 =	vadd.s32 v23, v19  }
0xe3: {  	v59, _, _ =	vpop (xrf0);
	(xrf0) =	vmax.scan.msk.u32 $0xffff, v58;
	[tilespmem:v12+s26+$0x0] =	vst.idx.msk vm10, v14;
	v12 =	vnsel vm14, $0x3180, v19  }
0xe4: {  	v60 =	vxor.u32 $0x80000000, v23;
	v18 =	vadd.s32 v59, v57;
	[tilespmem:v13+s25+$0x0] =	vst.idx.msk vm8, v15  }
0xe5: {  	v61 =	vxor.u32 $0x80000000, v59;
	(xrf0) =	vmax.scan.msk.u32 $0xffff, v60;
	[tilespmem:v13+s26+$0x0] =	vst.idx.msk vm8, v14;
	v13 =	vnsel vm7, $0x4200, v18  }
0xe6: {  	(xrf0) =	vmax.scan.msk.u32 $0xffff, v61;
	[tilespmem:v17+s25+$0x0] =	vst.idx.msk vm13, v15  }
0xe7: {  	(v2sf) =	vpush v16, $0x0;
	v62, _, _ =	vpop (xrf0);
	[tilespmem:v17+s26+$0x0] =	vst.idx.msk vm13, v14  }
0xe8: {  	(v2sf) =	vpush v62, $0xF;
	v63, _, _ =	vpop (xrf0);
	[tilespmem:v12+s25+$0x0] =	vst.idx.msk vm14, v15  }
0xe9: {  	(v2sf) =	vpush v63, $0xF;
	[tilespmem:v12+s26+$0x0] =	vst.idx.msk vm14, v14;
	v12, _, _ =	vpop (xrf0)  }
0xea: {  	[tilespmem:v13+s25+$0x0] =	vst.idx.msk vm7, v15;
	(v2sf) =	vpush v12, $0xF  }
0xeb: {  	v12, _, _ =	vpop (xrf0);
	[tilespmem:v13+s26+$0x0] =	vst.idx.msk vm7, v14  }
0xec: {  	(v2sf) =	vpush v12, $0xF;
	v13, _, _ =	vpop (xrf0);
	v12 =	vld [tilespmem:$0xDE00]  }
0xed: {  	(v2sf) =	vpush v13, $0xF;
	_ =	sdelay $0x3  }
0xee: {  	(v2sf) =	vpush v12, $0x0;
	_ =	sdelay $0x4  }
0xef: {  	s14 =	spop (v2sf)  }
0xf0: {  	s15 =	spop (v2sf)  }
0xf1: {  	s2 =	sadd.s32 s15, s14;
	s17 =	spop (v2sf)  }
0xf2: {  	s10 =	sadd.s32 $0x80000000, s2;
	s0 =	sadd.s32 s17, s29;
	s18 =	spop (v2sf)  }
0xf3: {  	s9 =	sadd.s32 $0x80000000, s0;
	s2 =	sshra.s32 s10, $0x7;
	s19 =	sadd.s32 s18, s3  }
0xf4: {  	p0 =	slt.s32 s2, $0x1;
	v13 =	vsel vm1, s10, v16;
	s20 =	spop (v2sf);
	s28 =	sadd.s32 $0x80000000, s19  }
.Ltmp4:
0xf5: {  	v13 =	vsel vm2, s9, v13;
	s22 =	sadd.s32 s20, s8;
	s23 =	spop (v2sf);
	(pc) =	sbr.rel @p0 .LBB2_13-.Ltmp4, $4  }
0xf6: {  	v13 =	vsel vm3, s28, v13;
	s6 =	sadd.s32 $0x80000000, s22;
	s29 =	sadd.s32 s23, s12  }
0xf7: {  	v13 =	vsel vm4, s6, v13;
	s3 =	sadd.s32 $0x80000000, s29  }
0xf8: {  	v13 =	vsel vm5, s3, v13  }
0xf9: {  	[tilespmem:$0xDD80] =	vst v13;
	s11 =	spop (v2sf)  }
0xfa: {  	p1 =	sne.s32 s2, $0x1  }
.Ltmp5:
0xfb: {  	_ = 	snop;
	(pc) =	sbr.rel @!p1 .LBB2_8-.Ltmp5, $4  }
0xfc: {  	_ = 	snop  }
0xfd: {  	s8 =	sadd.s32 s11, s16  }
0xfe: {  	s0 =	simm.s32 $0x8A80;
	s1 =	simm.s32 $0x3800;
	s13 =	sshrl.u32 s8, $0x3  }
0xff: {  	s12 =	sadd.s32 $0xFFFFFFFF, s2;
	p0 =	por $0x0, $0x0;
	s2 =	sand.u32 $0x1FFFFFF0, s13  }
0x100: {  	s13 =	sadd.s32 s4, s2  }
0x101: {  	[hbm4b:s13+s7] =	stream.linear.scatter [tilespmem:s1], [sflag:$0x1], $0x80, $0x38;
	[tilespmem:$0xDE80] =	vst v63  }
0x102: {  	s23 =	sadd.s32 s5, s2;
	p1 =	sne.s32 s12, $0x1;
	_ =	swait.ge [sflag:s21], $0x80  }
.Ltmp6:
0x103: {  	s8 =	sadd.s32 $0x80, s8;
	[sflag:s21] =	ssyncset.done $0x0;
	(pc) =	sbr.rel @!p1 .LBB2_10-.Ltmp6, $4  }
0x104: {  	p0 =	por $0x1, $0x1;
	s29 =	sshrl.u32 s8, $0x3;
	[sflag:s21] =	ssyncadd.s32 $0xFFFFFF80  }
0x105: {  	[hbm4b:s23+s7] =	stream.linear.scatter [tilespmem:s0], [sflag:$0x1], $0x80, $0x38;
	[tilespmem:$0xDE80] =	vst v63  }
0x106: {  	s13 =	sadd.s32 $0xFFFFFFFF, s12;
	s1 =	simm.s32 $0x3880;
	_ =	swait.ge [sflag:s21], $0x80  }
0x107: {  	s12 =	simm.s32 $0x8A80;
	s2 =	sand.u32 $0x1FFFFFF0, s29;
	[sflag:s21] =	ssyncset.done $0x0  }
.LBB2_11:
0x108: {  	s14 =	sadd.s32 s4, s2;
	[sflag:s21] =	ssyncadd.s32 $0xFFFFFF80;
	s12 =	sadd.s32 $0x80, s12  }
0x109: {  	[hbm4b:s14+s7] =	stream.linear.scatter [tilespmem:s1], [sflag:$0x1], $0x80, $0x38;
	[tilespmem:$0xDE80] =	vst v63  }
0x10a: {  	p1 =	sne.s32 s13, $0x1;
	s13 =	sadd.s32 $0xFFFFFFFF, s13;
	_ =	swait.ge [sflag:s21], $0x80  }
.Ltmp7:
0x10b: {  	[sflag:s21] =	ssyncset.done $0x0;
	(pc) =	sbr.rel @p1 .LBB2_11-.Ltmp7, $4  }
0x10c: {  	s2 =	sadd.s32 s5, s2;
	s8 =	sadd.s32 $0x80, s8;
	[sflag:s21] =	ssyncadd.s32 $0xFFFFFF80  }
0x10d: {  	[hbm4b:s2+s7] =	stream.linear.scatter [tilespmem:s12], [sflag:$0x1], $0x80, $0x38;
	[tilespmem:$0xDE80] =	vst v63  }
0x10e: {  	s2 =	sshrl.u32 s8, $0x3;
	_ =	swait.ge [sflag:s21], $0x80  }
0x10f: {  	s1 =	sadd.s32 $0x80, s1;
	s2 =	sand.u32 $0x1FFFFFF0, s2;
	[sflag:s21] =	ssyncset.done $0x0  }
.LBB2_12:
0x110: {  	s8 =	sadd.s32 s4, s2;
	[sflag:s21] =	ssyncadd.s32 @p0 $0xFFFFFF80  }
0x111: {  	[hbm4b:s8+s7] =	stream.linear.scatter [tilespmem:s1], [sflag:$0x1], $0x80, $0x38;
	[tilespmem:$0xDE80] =	vst v63  }
0x112: {  	_ =	swait.ge [sflag:s21], $0x80  }
0x113: {  	s1 =	sadd.s32 @p0 $0x80, s12;
	[sflag:s21] =	ssyncset.done $0x0  }
0x114: {  	s29 =	sadd.s32 s5, s2;
	s0 =	smov.u32 @p0 s1;
	[sflag:s21] =	ssyncadd.s32 $0xFFFFFF80  }
0x115: {  	[hbm4b:s29+s7] =	stream.linear.scatter [tilespmem:s0], [sflag:$0x1], $0x80, $0x38;
	[tilespmem:$0xDE80] =	vst v63  }
0x116: {  	_ =	swait.ge [sflag:s21], $0x80  }
0x117: {  	[sflag:s21] =	ssyncset.done $0x0  }
0x118: {  	[sflag:s21] =	ssyncadd.s32 $0xFFFFFF80  }
.LBB2_13:
0x119: {  	s12 =	sand.u32 $0xFFFFFF80, s10  }
0x11a: {  	v14 =	vld [tilespmem:s12+$0x3800];
	_ =	sdelay $0x4  }
0x11b: {  	[tilespmem:$0x3800] =	vst v14  }
0x11c: {  	v14 =	vld [tilespmem:s12+$0x8A80];
	_ =	sdelay $0x4  }
0x11d: {  	[tilespmem:$0x8A80] =	vst v14  }
0x11e: {  	v14 =	vld [tilespmem:s12+$0x3810];
	_ =	sdelay $0x4  }
0x11f: {  	[tilespmem:$0x3810] =	vst v14  }
0x120: {  	v14 =	vld [tilespmem:s12+$0x8A90];
	_ =	sdelay $0x4  }
0x121: {  	[tilespmem:$0x8A90] =	vst v14  }
0x122: {  	v14 =	vld [tilespmem:s12+$0x3820];
	_ =	sdelay $0x4  }
0x123: {  	[tilespmem:$0x3820] =	vst v14  }
0x124: {  	v14 =	vld [tilespmem:s12+$0x8AA0];
	_ =	sdelay $0x4  }
0x125: {  	[tilespmem:$0x8AA0] =	vst v14  }
0x126: {  	v14 =	vld [tilespmem:s12+$0x3830];
	_ =	sdelay $0x4  }
0x127: {  	[tilespmem:$0x3830] =	vst v14  }
0x128: {  	v14 =	vld [tilespmem:s12+$0x8AB0];
	_ =	sdelay $0x4  }
0x129: {  	[tilespmem:$0x8AB0] =	vst v14  }
0x12a: {  	v14 =	vld [tilespmem:s12+$0x3840];
	_ =	sdelay $0x4  }
0x12b: {  	[tilespmem:$0x3840] =	vst v14  }
0x12c: {  	v14 =	vld [tilespmem:s12+$0x8AC0];
	_ =	sdelay $0x4  }
0x12d: {  	[tilespmem:$0x8AC0] =	vst v14  }
0x12e: {  	v14 =	vld [tilespmem:s12+$0x3850];
	_ =	sdelay $0x4  }
0x12f: {  	[tilespmem:$0x3850] =	vst v14  }
0x130: {  	v14 =	vld [tilespmem:s12+$0x8AD0];
	_ =	sdelay $0x4  }
0x131: {  	[tilespmem:$0x8AD0] =	vst v14  }
0x132: {  	v14 =	vld [tilespmem:s12+$0x3860];
	_ =	sdelay $0x4  }
0x133: {  	[tilespmem:$0x3860] =	vst v14  }
0x134: {  	v14 =	vld [tilespmem:s12+$0x8AE0];
	_ =	sdelay $0x1  }
0x135: {  	(v2sf) =	vpush v12, $0x1;
	_ =	sdelay $0x2  }
0x136: {  	[tilespmem:$0x8AE0] =	vst v14  }
0x137: {  	v14 =	vld [tilespmem:s12+$0x3870];
	_ =	sdelay $0x4  }
0x138: {  	s2 =	sshra.s32 s9, $0x7;
	[tilespmem:$0x3870] =	vst v14  }
0x139: {  	p0 =	slt.s32 s2, $0x1;
	v14 =	vld [tilespmem:s12+$0x8AF0]  }
.Ltmp8:
0x13a: {  	_ = 	snop;
	(pc) =	sbr.rel @p0 .LBB2_20-.Ltmp8, $2  }
0x13b: {  	_ =	sdelay $0x2  }
0x13c: {  	s13 =	spop (v2sf);
	[tilespmem:$0x8AF0] =	vst v14  }
0x13d: {  	p1 =	sne.s32 s2, $0x1  }
.Ltmp9:
0x13e: {  	_ = 	snop;
	(pc) =	sbr.rel @!p1 .LBB2_15-.Ltmp9, $4  }
0x13f: {  	s0 =	rddreg [dreg:$0x10]  }
0x140: {  	s8 =	sadd.s32 s13, s0  }
0x141: {  	s1 =	simm.s32 $0x9B00;
	s14 =	sadd.s32 $0xFFFFFFFF, s2;
	s15 =	sshrl.u32 s8, $0x3  }
0x142: {  	p0 =	por $0x0, $0x0;
	s0 =	simm.s32 $0x4880;
	s2 =	sand.u32 $0x1FFFFFF0, s15  }
0x143: {  	s15 =	sadd.s32 s4, s2  }
0x144: {  	[hbm4b:s15+s7] =	stream.linear.scatter [tilespmem:s0], [sflag:$0x1], $0x80, $0x38;
	[tilespmem:$0xDE80] =	vst v63  }
0x145: {  	s23 =	sadd.s32 s5, s2;
	p1 =	sne.s32 s14, $0x1;
	_ =	swait.ge [sflag:s21], $0x80  }
.Ltmp10:
0x146: {  	s8 =	sadd.s32 $0x80, s8;
	[sflag:s21] =	ssyncset.done $0x0;
	(pc) =	sbr.rel @!p1 .LBB2_17-.Ltmp10, $4  }
0x147: {  	p0 =	por $0x1, $0x1;
	s29 =	sshrl.u32 s8, $0x3;
	[sflag:s21] =	ssyncadd.s32 $0xFFFFFF80  }
0x148: {  	[hbm4b:s23+s7] =	stream.linear.scatter [tilespmem:s1], [sflag:$0x1], $0x80, $0x38;
	[tilespmem:$0xDE80] =	vst v63  }
0x149: {  	s15 =	sadd.s32 $0xFFFFFFFF, s14;
	s14 =	simm.s32 $0x4880;
	_ =	swait.ge [sflag:s21], $0x80  }
0x14a: {  	s2 =	sand.u32 $0x1FFFFFF0, s29;
	s1 =	simm.s32 $0x9B80;
	[sflag:s21] =	ssyncset.done $0x0  }
.LBB2_18:
0x14b: {  	s17 =	sadd.s32 s4, s2;
	[sflag:s21] =	ssyncadd.s32 $0xFFFFFF80;
	s14 =	sadd.s32 $0x80, s14  }
0x14c: {  	[hbm4b:s17+s7] =	stream.linear.scatter [tilespmem:s14], [sflag:$0x1], $0x80, $0x38;
	[tilespmem:$0xDE80] =	vst v63  }
0x14d: {  	p1 =	sne.s32 s15, $0x1;
	s15 =	sadd.s32 $0xFFFFFFFF, s15;
	_ =	swait.ge [sflag:s21], $0x80  }
.Ltmp11:
0x14e: {  	[sflag:s21] =	ssyncset.done $0x0;
	(pc) =	sbr.rel @p1 .LBB2_18-.Ltmp11, $4  }
0x14f: {  	s2 =	sadd.s32 s5, s2;
	s8 =	sadd.s32 $0x80, s8;
	[sflag:s21] =	ssyncadd.s32 $0xFFFFFF80  }
0x150: {  	[hbm4b:s2+s7] =	stream.linear.scatter [tilespmem:s1], [sflag:$0x1], $0x80, $0x38;
	[tilespmem:$0xDE80] =	vst v63  }
0x151: {  	s2 =	sshrl.u32 s8, $0x3;
	_ =	swait.ge [sflag:s21], $0x80  }
0x152: {  	s1 =	sadd.s32 $0x80, s1;
	s2 =	sand.u32 $0x1FFFFFF0, s2;
	[sflag:s21] =	ssyncset.done $0x0  }
.LBB2_19:
0x153: {  	s8 =	sadd.s32 @p0 $0x80, s14  }
0x154: {  	s23 =	sadd.s32 s4, s2;
	[sflag:s21] =	ssyncadd.s32 @p0 $0xFFFFFF80;
	s0 =	smov.u32 @p0 s8  }
0x155: {  	[hbm4b:s23+s7] =	stream.linear.scatter [tilespmem:s0], [sflag:$0x1], $0x80, $0x38;
	[tilespmem:$0xDE80] =	vst v63  }
0x156: {  	_ =	swait.ge [sflag:s21], $0x80  }
0x157: {  	[sflag:s21] =	ssyncset.done $0x0  }
0x158: {  	s29 =	sadd.s32 s5, s2;
	[sflag:s21] =	ssyncadd.s32 $0xFFFFFF80  }
0x159: {  	[hbm4b:s29+s7] =	stream.linear.scatter [tilespmem:s1], [sflag:$0x1], $0x80, $0x38;
	[tilespmem:$0xDE80] =	vst v63  }
0x15a: {  	_ =	swait.ge [sflag:s21], $0x80  }
0x15b: {  	[sflag:s21] =	ssyncset.done $0x0  }
0x15c: {  	[sflag:s21] =	ssyncadd.s32 $0xFFFFFF80  }
.LBB2_20:
0x15d: {  	s14 =	sand.u32 $0xFFFFFF80, s9  }
0x15e: {  	v14 =	vld [tilespmem:s14+$0x4880];
	_ =	sdelay $0x4  }
0x15f: {  	[tilespmem:$0x4880] =	vst v14  }
0x160: {  	v14 =	vld [tilespmem:s14+$0x9B00];
	_ =	sdelay $0x4  }
0x161: {  	[tilespmem:$0x9B00] =	vst v14  }
0x162: {  	v14 =	vld [tilespmem:s14+$0x4890];
	_ =	sdelay $0x4  }
0x163: {  	[tilespmem:$0x4890] =	vst v14  }
0x164: {  	v14 =	vld [tilespmem:s14+$0x9B10];
	_ =	sdelay $0x4  }
0x165: {  	[tilespmem:$0x9B10] =	vst v14  }
0x166: {  	v14 =	vld [tilespmem:s14+$0x48A0];
	_ =	sdelay $0x4  }
0x167: {  	[tilespmem:$0x48A0] =	vst v14  }
0x168: {  	v14 =	vld [tilespmem:s14+$0x9B20];
	_ =	sdelay $0x4  }
0x169: {  	[tilespmem:$0x9B20] =	vst v14  }
0x16a: {  	v14 =	vld [tilespmem:s14+$0x48B0];
	_ =	sdelay $0x4  }
0x16b: {  	[tilespmem:$0x48B0] =	vst v14  }
0x16c: {  	v14 =	vld [tilespmem:s14+$0x9B30];
	_ =	sdelay $0x4  }
0x16d: {  	[tilespmem:$0x9B30] =	vst v14  }
0x16e: {  	v14 =	vld [tilespmem:s14+$0x48C0];
	_ =	sdelay $0x4  }
0x16f: {  	[tilespmem:$0x48C0] =	vst v14  }
0x170: {  	v14 =	vld [tilespmem:s14+$0x9B40];
	_ =	sdelay $0x4  }
0x171: {  	[tilespmem:$0x9B40] =	vst v14  }
0x172: {  	v14 =	vld [tilespmem:s14+$0x48D0];
	_ =	sdelay $0x4  }
0x173: {  	[tilespmem:$0x48D0] =	vst v14  }
0x174: {  	v14 =	vld [tilespmem:s14+$0x9B50];
	_ =	sdelay $0x4  }
0x175: {  	[tilespmem:$0x9B50] =	vst v14  }
0x176: {  	v14 =	vld [tilespmem:s14+$0x48E0];
	_ =	sdelay $0x4  }
0x177: {  	[tilespmem:$0x48E0] =	vst v14  }
0x178: {  	v14 =	vld [tilespmem:s14+$0x9B60];
	_ =	sdelay $0x1  }
0x179: {  	(v2sf) =	vpush v12, $0x2;
	_ =	sdelay $0x2  }
0x17a: {  	[tilespmem:$0x9B60] =	vst v14  }
0x17b: {  	v14 =	vld [tilespmem:s14+$0x48F0];
	_ =	sdelay $0x4  }
0x17c: {  	s2 =	sshra.s32 s28, $0x7;
	[tilespmem:$0x48F0] =	vst v14  }
0x17d: {  	p0 =	slt.s32 s2, $0x1;
	v14 =	vld [tilespmem:s14+$0x9B70]  }
.Ltmp12:
0x17e: {  	_ = 	snop;
	(pc) =	sbr.rel @p0 .LBB2_27-.Ltmp12, $2  }
0x17f: {  	_ =	sdelay $0x2  }
0x180: {  	s15 =	spop (v2sf);
	[tilespmem:$0x9B70] =	vst v14  }
0x181: {  	p1 =	sne.s32 s2, $0x1  }
.Ltmp13:
0x182: {  	_ = 	snop;
	(pc) =	sbr.rel @!p1 .LBB2_22-.Ltmp13, $4  }
0x183: {  	s0 =	rddreg [dreg:$0x11]  }
0x184: {  	s8 =	sadd.s32 s15, s0  }
0x185: {  	s1 =	simm.s32 $0xAB80;
	s17 =	sadd.s32 $0xFFFFFFFF, s2;
	s18 =	sshrl.u32 s8, $0x3  }
0x186: {  	p0 =	por $0x0, $0x0;
	s0 =	simm.s32 $0x5900;
	s2 =	sand.u32 $0x1FFFFFF0, s18  }
0x187: {  	s18 =	sadd.s32 s4, s2  }
0x188: {  	[hbm4b:s18+s7] =	stream.linear.scatter [tilespmem:s0], [sflag:$0x1], $0x80, $0x38;
	[tilespmem:$0xDE80] =	vst v63  }
0x189: {  	s23 =	sadd.s32 s5, s2;
	p1 =	sne.s32 s17, $0x1;
	_ =	swait.ge [sflag:s21], $0x80  }
.Ltmp14:
0x18a: {  	s8 =	sadd.s32 $0x80, s8;
	[sflag:s21] =	ssyncset.done $0x0;
	(pc) =	sbr.rel @!p1 .LBB2_24-.Ltmp14, $4  }
0x18b: {  	p0 =	por $0x1, $0x1;
	s29 =	sshrl.u32 s8, $0x3;
	[sflag:s21] =	ssyncadd.s32 $0xFFFFFF80  }
0x18c: {  	[hbm4b:s23+s7] =	stream.linear.scatter [tilespmem:s1], [sflag:$0x1], $0x80, $0x38;
	[tilespmem:$0xDE80] =	vst v63  }
0x18d: {  	s18 =	sadd.s32 $0xFFFFFFFF, s17;
	s17 =	simm.s32 $0x5900;
	_ =	swait.ge [sflag:s21], $0x80  }
0x18e: {  	s2 =	sand.u32 $0x1FFFFFF0, s29;
	s1 =	simm.s32 $0xAC00;
	[sflag:s21] =	ssyncset.done $0x0  }
.LBB2_25:
0x18f: {  	s19 =	sadd.s32 s4, s2;
	[sflag:s21] =	ssyncadd.s32 $0xFFFFFF80;
	s17 =	sadd.s32 $0x80, s17  }
0x190: {  	[hbm4b:s19+s7] =	stream.linear.scatter [tilespmem:s17], [sflag:$0x1], $0x80, $0x38;
	[tilespmem:$0xDE80] =	vst v63  }
0x191: {  	p1 =	sne.s32 s18, $0x1;
	s18 =	sadd.s32 $0xFFFFFFFF, s18;
	_ =	swait.ge [sflag:s21], $0x80  }
.Ltmp15:
0x192: {  	[sflag:s21] =	ssyncset.done $0x0;
	(pc) =	sbr.rel @p1 .LBB2_25-.Ltmp15, $4  }
0x193: {  	s2 =	sadd.s32 s5, s2;
	s8 =	sadd.s32 $0x80, s8;
	[sflag:s21] =	ssyncadd.s32 $0xFFFFFF80  }
0x194: {  	[hbm4b:s2+s7] =	stream.linear.scatter [tilespmem:s1], [sflag:$0x1], $0x80, $0x38;
	[tilespmem:$0xDE80] =	vst v63  }
0x195: {  	s2 =	sshrl.u32 s8, $0x3;
	_ =	swait.ge [sflag:s21], $0x80  }
0x196: {  	s1 =	sadd.s32 $0x80, s1;
	s2 =	sand.u32 $0x1FFFFFF0, s2;
	[sflag:s21] =	ssyncset.done $0x0  }
.LBB2_26:
0x197: {  	s8 =	sadd.s32 @p0 $0x80, s17  }
0x198: {  	s23 =	sadd.s32 s4, s2;
	[sflag:s21] =	ssyncadd.s32 @p0 $0xFFFFFF80;
	s0 =	smov.u32 @p0 s8  }
0x199: {  	[hbm4b:s23+s7] =	stream.linear.scatter [tilespmem:s0], [sflag:$0x1], $0x80, $0x38;
	[tilespmem:$0xDE80] =	vst v63  }
0x19a: {  	_ =	swait.ge [sflag:s21], $0x80  }
0x19b: {  	[sflag:s21] =	ssyncset.done $0x0  }
0x19c: {  	s29 =	sadd.s32 s5, s2;
	[sflag:s21] =	ssyncadd.s32 $0xFFFFFF80  }
0x19d: {  	[hbm4b:s29+s7] =	stream.linear.scatter [tilespmem:s1], [sflag:$0x1], $0x80, $0x38;
	[tilespmem:$0xDE80] =	vst v63  }
0x19e: {  	_ =	swait.ge [sflag:s21], $0x80  }
0x19f: {  	[sflag:s21] =	ssyncset.done $0x0  }
0x1a0: {  	[sflag:s21] =	ssyncadd.s32 $0xFFFFFF80  }
.LBB2_27:
0x1a1: {  	s8 =	sand.u32 $0xFFFFFF80, s28  }
0x1a2: {  	v14 =	vld [tilespmem:s8+$0x5900];
	_ =	sdelay $0x4  }
0x1a3: {  	[tilespmem:$0x5900] =	vst v14  }
0x1a4: {  	v14 =	vld [tilespmem:s8+$0xAB80];
	_ =	sdelay $0x4  }
0x1a5: {  	[tilespmem:$0xAB80] =	vst v14  }
0x1a6: {  	v14 =	vld [tilespmem:s8+$0x5910];
	_ =	sdelay $0x4  }
0x1a7: {  	[tilespmem:$0x5910] =	vst v14  }
0x1a8: {  	v14 =	vld [tilespmem:s8+$0xAB90];
	_ =	sdelay $0x4  }
0x1a9: {  	[tilespmem:$0xAB90] =	vst v14  }
0x1aa: {  	v14 =	vld [tilespmem:s8+$0x5920];
	_ =	sdelay $0x4  }
0x1ab: {  	[tilespmem:$0x5920] =	vst v14  }
0x1ac: {  	v14 =	vld [tilespmem:s8+$0xABA0];
	_ =	sdelay $0x4  }
0x1ad: {  	[tilespmem:$0xABA0] =	vst v14  }
0x1ae: {  	v14 =	vld [tilespmem:s8+$0x5930];
	_ =	sdelay $0x4  }
0x1af: {  	[tilespmem:$0x5930] =	vst v14  }
0x1b0: {  	v14 =	vld [tilespmem:s8+$0xABB0];
	_ =	sdelay $0x4  }
0x1b1: {  	[tilespmem:$0xABB0] =	vst v14  }
0x1b2: {  	v14 =	vld [tilespmem:s8+$0x5940];
	_ =	sdelay $0x4  }
0x1b3: {  	[tilespmem:$0x5940] =	vst v14  }
0x1b4: {  	v14 =	vld [tilespmem:s8+$0xABC0];
	_ =	sdelay $0x4  }
0x1b5: {  	[tilespmem:$0xABC0] =	vst v14  }
0x1b6: {  	v14 =	vld [tilespmem:s8+$0x5950];
	_ =	sdelay $0x4  }
0x1b7: {  	[tilespmem:$0x5950] =	vst v14  }
0x1b8: {  	v14 =	vld [tilespmem:s8+$0xABD0];
	_ =	sdelay $0x4  }
0x1b9: {  	[tilespmem:$0xABD0] =	vst v14  }
0x1ba: {  	v14 =	vld [tilespmem:s8+$0x5960];
	_ =	sdelay $0x4  }
0x1bb: {  	[tilespmem:$0x5960] =	vst v14  }
0x1bc: {  	v14 =	vld [tilespmem:s8+$0xABE0];
	_ =	sdelay $0x1  }
0x1bd: {  	(v2sf) =	vpush v12, $0x3;
	_ =	sdelay $0x2  }
0x1be: {  	[tilespmem:$0xABE0] =	vst v14  }
0x1bf: {  	v14 =	vld [tilespmem:s8+$0x5970];
	_ =	sdelay $0x4  }
0x1c0: {  	s2 =	sshra.s32 s6, $0x7;
	[tilespmem:$0x5970] =	vst v14  }
0x1c1: {  	p0 =	slt.s32 s2, $0x1;
	v14 =	vld [tilespmem:s8+$0xABF0]  }
.Ltmp16:
0x1c2: {  	_ = 	snop;
	(pc) =	sbr.rel @p0 .LBB2_34-.Ltmp16, $2  }
0x1c3: {  	_ =	sdelay $0x2  }
0x1c4: {  	s29 =	spop (v2sf);
	[tilespmem:$0xABF0] =	vst v14  }
0x1c5: {  	p1 =	sne.s32 s2, $0x1  }
.Ltmp17:
0x1c6: {  	_ = 	snop;
	(pc) =	sbr.rel @!p1 .LBB2_29-.Ltmp17, $4  }
0x1c7: {  	s0 =	rddreg [dreg:$0x12]  }
0x1c8: {  	s17 =	sadd.s32 s29, s0  }
0x1c9: {  	s1 =	simm.s32 $0xBC00;
	s18 =	sadd.s32 $0xFFFFFFFF, s2;
	s19 =	sshrl.u32 s17, $0x3  }
0x1ca: {  	p0 =	por $0x0, $0x0;
	s0 =	simm.s32 $0x6980;
	s2 =	sand.u32 $0x1FFFFFF0, s19  }
0x1cb: {  	s19 =	sadd.s32 s4, s2  }
0x1cc: {  	[hbm4b:s19+s7] =	stream.linear.scatter [tilespmem:s0], [sflag:$0x1], $0x80, $0x38;
	[tilespmem:$0xDE80] =	vst v63  }
0x1cd: {  	s20 =	sadd.s32 s5, s2;
	p1 =	sne.s32 s18, $0x1;
	_ =	swait.ge [sflag:s21], $0x80  }
.Ltmp18:
0x1ce: {  	s22 =	sadd.s32 $0x80, s17;
	[sflag:s21] =	ssyncset.done $0x0;
	(pc) =	sbr.rel @!p1 .LBB2_31-.Ltmp18, $4  }
0x1cf: {  	s18 =	sadd.s32 $0xFFFFFFFF, s18;
	p0 =	por $0x1, $0x1;
	[sflag:s21] =	ssyncadd.s32 $0xFFFFFF80  }
0x1d0: {  	[hbm4b:s20+s7] =	stream.linear.scatter [tilespmem:s1], [sflag:$0x1], $0x80, $0x38;
	[tilespmem:$0xDE80] =	vst v63  }
0x1d1: {  	s17 =	simm.s32 $0x6980;
	s23 =	sshrl.u32 s22, $0x3;
	_ =	swait.ge [sflag:s21], $0x80  }
0x1d2: {  	s2 =	sand.u32 $0x1FFFFFF0, s23;
	s1 =	simm.s32 $0xBC80;
	[sflag:s21] =	ssyncset.done $0x0  }
.LBB2_32:
0x1d3: {  	s19 =	sadd.s32 s4, s2;
	[sflag:s21] =	ssyncadd.s32 $0xFFFFFF80;
	s17 =	sadd.s32 $0x80, s17  }
0x1d4: {  	[hbm4b:s19+s7] =	stream.linear.scatter [tilespmem:s17], [sflag:$0x1], $0x80, $0x38;
	[tilespmem:$0xDE80] =	vst v63  }
0x1d5: {  	p1 =	sne.s32 s18, $0x1;
	s18 =	sadd.s32 $0xFFFFFFFF, s18;
	_ =	swait.ge [sflag:s21], $0x80  }
.Ltmp19:
0x1d6: {  	[sflag:s21] =	ssyncset.done $0x0;
	(pc) =	sbr.rel @p1 .LBB2_32-.Ltmp19, $4  }
0x1d7: {  	s2 =	sadd.s32 s5, s2;
	s22 =	sadd.s32 $0x80, s22;
	[sflag:s21] =	ssyncadd.s32 $0xFFFFFF80  }
0x1d8: {  	[hbm4b:s2+s7] =	stream.linear.scatter [tilespmem:s1], [sflag:$0x1], $0x80, $0x38;
	[tilespmem:$0xDE80] =	vst v63  }
0x1d9: {  	s2 =	sshrl.u32 s22, $0x3;
	_ =	swait.ge [sflag:s21], $0x80  }
0x1da: {  	s1 =	sadd.s32 $0x80, s1;
	s2 =	sand.u32 $0x1FFFFFF0, s2;
	[sflag:s21] =	ssyncset.done $0x0  }
.LBB2_33:
0x1db: {  	s17 =	sadd.s32 @p0 $0x80, s17  }
0x1dc: {  	s18 =	sadd.s32 s4, s2;
	[sflag:s21] =	ssyncadd.s32 @p0 $0xFFFFFF80;
	s0 =	smov.u32 @p0 s17  }
0x1dd: {  	[hbm4b:s18+s7] =	stream.linear.scatter [tilespmem:s0], [sflag:$0x1], $0x80, $0x38;
	[tilespmem:$0xDE80] =	vst v63  }
0x1de: {  	_ =	swait.ge [sflag:s21], $0x80  }
0x1df: {  	[sflag:s21] =	ssyncset.done $0x0  }
0x1e0: {  	s23 =	sadd.s32 s5, s2;
	[sflag:s21] =	ssyncadd.s32 $0xFFFFFF80  }
0x1e1: {  	[hbm4b:s23+s7] =	stream.linear.scatter [tilespmem:s1], [sflag:$0x1], $0x80, $0x38;
	[tilespmem:$0xDE80] =	vst v63  }
0x1e2: {  	_ =	swait.ge [sflag:s21], $0x80  }
0x1e3: {  	[sflag:s21] =	ssyncset.done $0x0  }
0x1e4: {  	[sflag:s21] =	ssyncadd.s32 $0xFFFFFF80  }
.LBB2_34:
0x1e5: {  	s0 =	sand.u32 $0xFFFFFF80, s6  }
0x1e6: {  	v14 =	vld [tilespmem:s0+$0x6980];
	_ =	sdelay $0x4  }
0x1e7: {  	[tilespmem:$0x6980] =	vst v14  }
0x1e8: {  	v14 =	vld [tilespmem:s0+$0xBC00];
	_ =	sdelay $0x4  }
0x1e9: {  	[tilespmem:$0xBC00] =	vst v14  }
0x1ea: {  	v14 =	vld [tilespmem:s0+$0x6990];
	_ =	sdelay $0x4  }
0x1eb: {  	[tilespmem:$0x6990] =	vst v14  }
0x1ec: {  	v14 =	vld [tilespmem:s0+$0xBC10];
	_ =	sdelay $0x4  }
0x1ed: {  	[tilespmem:$0xBC10] =	vst v14  }
0x1ee: {  	v14 =	vld [tilespmem:s0+$0x69A0];
	_ =	sdelay $0x4  }
0x1ef: {  	[tilespmem:$0x69A0] =	vst v14  }
0x1f0: {  	v14 =	vld [tilespmem:s0+$0xBC20];
	_ =	sdelay $0x4  }
0x1f1: {  	[tilespmem:$0xBC20] =	vst v14  }
0x1f2: {  	v14 =	vld [tilespmem:s0+$0x69B0];
	_ =	sdelay $0x4  }
0x1f3: {  	[tilespmem:$0x69B0] =	vst v14  }
0x1f4: {  	v14 =	vld [tilespmem:s0+$0xBC30];
	_ =	sdelay $0x4  }
0x1f5: {  	[tilespmem:$0xBC30] =	vst v14  }
0x1f6: {  	v14 =	vld [tilespmem:s0+$0x69C0];
	_ =	sdelay $0x4  }
0x1f7: {  	[tilespmem:$0x69C0] =	vst v14  }
0x1f8: {  	v14 =	vld [tilespmem:s0+$0xBC40];
	_ =	sdelay $0x4  }
0x1f9: {  	[tilespmem:$0xBC40] =	vst v14  }
0x1fa: {  	v14 =	vld [tilespmem:s0+$0x69D0];
	_ =	sdelay $0x4  }
0x1fb: {  	[tilespmem:$0x69D0] =	vst v14  }
0x1fc: {  	v14 =	vld [tilespmem:s0+$0xBC50];
	_ =	sdelay $0x4  }
0x1fd: {  	[tilespmem:$0xBC50] =	vst v14  }
0x1fe: {  	v14 =	vld [tilespmem:s0+$0x69E0];
	_ =	sdelay $0x4  }
0x1ff: {  	[tilespmem:$0x69E0] =	vst v14  }
0x200: {  	v14 =	vld [tilespmem:s0+$0xBC60];
	_ =	sdelay $0x1  }
0x201: {  	(v2sf) =	vpush v12, $0x4;
	_ =	sdelay $0x2  }
0x202: {  	[tilespmem:$0xBC60] =	vst v14  }
0x203: {  	v14 =	vld [tilespmem:s0+$0x69F0];
	_ =	sdelay $0x4  }
0x204: {  	s18 =	sshra.s32 s3, $0x7;
	[tilespmem:$0x69F0] =	vst v14  }
0x205: {  	p0 =	slt.s32 s18, $0x1;
	v14 =	vld [tilespmem:s0+$0xBC70]  }
.Ltmp20:
0x206: {  	_ = 	snop;
	(pc) =	sbr.rel @p0 .LBB2_41-.Ltmp20, $2  }
0x207: {  	_ =	sdelay $0x2  }
0x208: {  	s1 =	spop (v2sf);
	[tilespmem:$0xBC70] =	vst v14  }
0x209: {  	p1 =	sne.s32 s18, $0x1  }
.Ltmp21:
0x20a: {  	_ = 	snop;
	(pc) =	sbr.rel @!p1 .LBB2_36-.Ltmp21, $4  }
0x20b: {  	s2 =	rddreg [dreg:$0x13]  }
0x20c: {  	s17 =	sadd.s32 s1, s2  }
0x20d: {  	s22 =	simm.s32 $0xCC80;
	s18 =	sadd.s32 $0xFFFFFFFF, s18;
	s19 =	sshrl.u32 s17, $0x3  }
0x20e: {  	p0 =	por $0x0, $0x0;
	s2 =	simm.s32 $0x7A00;
	s23 =	sand.u32 $0x1FFFFFF0, s19  }
0x20f: {  	s19 =	sadd.s32 s4, s23  }
0x210: {  	[hbm4b:s19+s7] =	stream.linear.scatter [tilespmem:s2], [sflag:$0x1], $0x80, $0x38;
	[tilespmem:$0xDE80] =	vst v63  }
0x211: {  	s20 =	sadd.s32 s5, s23;
	p1 =	sne.s32 s18, $0x1;
	_ =	swait.ge [sflag:s21], $0x80  }
.Ltmp22:
0x212: {  	s17 =	sadd.s32 $0x80, s17;
	[sflag:s21] =	ssyncset.done $0x0;
	(pc) =	sbr.rel @!p1 .LBB2_38-.Ltmp22, $4  }
0x213: {  	p0 =	por $0x1, $0x1;
	s23 =	sshrl.u32 s17, $0x3;
	[sflag:s21] =	ssyncadd.s32 $0xFFFFFF80  }
0x214: {  	[hbm4b:s20+s7] =	stream.linear.scatter [tilespmem:s22], [sflag:$0x1], $0x80, $0x38;
	[tilespmem:$0xDE80] =	vst v63  }
0x215: {  	s19 =	sadd.s32 $0xFFFFFFFF, s18;
	s18 =	simm.s32 $0x7A00;
	_ =	swait.ge [sflag:s21], $0x80  }
0x216: {  	s23 =	sand.u32 $0x1FFFFFF0, s23;
	s22 =	simm.s32 $0xCD00;
	[sflag:s21] =	ssyncset.done $0x0  }
.LBB2_39:
0x217: {  	s20 =	sadd.s32 s4, s23;
	[sflag:s21] =	ssyncadd.s32 $0xFFFFFF80;
	s18 =	sadd.s32 $0x80, s18  }
0x218: {  	[hbm4b:s20+s7] =	stream.linear.scatter [tilespmem:s18], [sflag:$0x1], $0x80, $0x38;
	[tilespmem:$0xDE80] =	vst v63  }
0x219: {  	p1 =	sne.s32 s19, $0x1;
	s19 =	sadd.s32 $0xFFFFFFFF, s19;
	_ =	swait.ge [sflag:s21], $0x80  }
.Ltmp23:
0x21a: {  	[sflag:s21] =	ssyncset.done $0x0;
	(pc) =	sbr.rel @p1 .LBB2_39-.Ltmp23, $4  }
0x21b: {  	s17 =	sadd.s32 $0x80, s17;
	s20 =	sadd.s32 s5, s23;
	[sflag:s21] =	ssyncadd.s32 $0xFFFFFF80  }
0x21c: {  	[hbm4b:s20+s7] =	stream.linear.scatter [tilespmem:s22], [sflag:$0x1], $0x80, $0x38;
	[tilespmem:$0xDE80] =	vst v63  }
0x21d: {  	s20 =	sshrl.u32 s17, $0x3;
	_ =	swait.ge [sflag:s21], $0x80  }
0x21e: {  	s22 =	sadd.s32 $0x80, s22;
	s23 =	sand.u32 $0x1FFFFFF0, s20;
	[sflag:s21] =	ssyncset.done $0x0  }
.Ltmp24:
0x21f: {  	_ = 	snop;
	(pc) =	sbr.rel .LBB2_40-.Ltmp24, $1  }
0x220: {  	_ =	sdelay $0x3  }
.LBB2_8:
.Ltmp25:
0x221: {  	(pc) =	sbr.rel .LBB2_12-.Ltmp25, $2  }
0x222: {  	_ =	sdelay $0x2  }
0x223: {  	s12 =	simm.s32 $0x8A80  }
.LBB2_15:
.Ltmp26:
0x224: {  	(pc) =	sbr.rel .LBB2_19-.Ltmp26, $2  }
0x225: {  	_ =	sdelay $0x2  }
0x226: {  	s14 =	simm.s32 $0x4880  }
.LBB2_22:
.Ltmp27:
0x227: {  	(pc) =	sbr.rel .LBB2_26-.Ltmp27, $2  }
0x228: {  	_ =	sdelay $0x2  }
0x229: {  	s17 =	simm.s32 $0x5900  }
.LBB2_29:
.Ltmp28:
0x22a: {  	(pc) =	sbr.rel .LBB2_33-.Ltmp28, $2  }
0x22b: {  	_ =	sdelay $0x2  }
0x22c: {  	s17 =	simm.s32 $0x6980  }
.LBB2_10:
.Ltmp29:
0x22d: {  	(pc) =	sbr.rel .LBB2_12-.Ltmp29, $2  }
0x22e: {  	_ =	sdelay $0x2  }
0x22f: {  	s12 =	simm.s32 $0x8A80  }
.LBB2_17:
.Ltmp30:
0x230: {  	(pc) =	sbr.rel .LBB2_19-.Ltmp30, $2  }
0x231: {  	_ =	sdelay $0x2  }
0x232: {  	s14 =	simm.s32 $0x4880  }
.LBB2_24:
.Ltmp31:
0x233: {  	(pc) =	sbr.rel .LBB2_26-.Ltmp31, $2  }
0x234: {  	_ =	sdelay $0x2  }
0x235: {  	s17 =	simm.s32 $0x5900  }
.LBB2_31:
.Ltmp32:
0x236: {  	(pc) =	sbr.rel .LBB2_33-.Ltmp32, $2  }
0x237: {  	_ =	sdelay $0x2  }
0x238: {  	s17 =	simm.s32 $0x6980  }
.LBB2_38:
.Ltmp33:
0x239: {  	(pc) =	sbr.rel .LBB2_40-.Ltmp33, $2  }
0x23a: {  	_ =	sdelay $0x2  }
0x23b: {  	s18 =	simm.s32 $0x7A00  }
.LBB2_42:
0x23c: {  	v12 =	vld [tilespmem:$0xDD80];
	_ =	sdelay $0x3  }
0x23d: {  	v13 =	vld [tilespmem:$0x3800]  }
0x23e: {  	v14 =	vld [tilespmem:$0x8A80];
	(v2sf) =	vpush v12, $0x0  }
0x23f: {  	v16 =	vld [tilespmem:$0x3810];
	v15 =	vbroadcast v12, $0x0  }
0x240: {  	v17 =	vld [tilespmem:$0x8A90]  }
0x241: {  	v18 =	vld [tilespmem:$0x3820];
	vm5 =	vgt.s32 v15, v3  }
0x242: {  	v19 =	vld [tilespmem:$0x8AA0];
	v13 =	vnsel vm5, $0x0, v13  }
0x243: {  	v45 =	vld [tilespmem:$0x3830];
	vm9 =	vgt.s32 v15, v5;
	v44 =	vnsel vm5, $0x100, v14;
	[tilespmem:$0x3800] =	vst v13  }
0x244: {  	v47 =	vld [tilespmem:$0x8AB0];
	v46 =	vnsel vm9, $0x0, v16;
	[tilespmem:$0x8A80] =	vst v44  }
0x245: {  	v49 =	vld [tilespmem:$0x3840];
	vm10 =	vgt.s32 v15, v6;
	v48 =	vnsel vm9, $0x100, v17;
	[tilespmem:$0x3810] =	vst v46  }
0x246: {  	v51 =	vld [tilespmem:$0x8AC0];
	v50 =	vnsel vm10, $0x0, v18;
	[tilespmem:$0x8A90] =	vst v48  }
0x247: {  	v53 =	vld [tilespmem:$0x3850];
	vm11 =	vgt.s32 v15, v7;
	v52 =	vnsel vm10, $0x100, v19;
	[tilespmem:$0x3820] =	vst v50  }
0x248: {  	v55 =	vld [tilespmem:$0x8AD0];
	v54 =	vnsel vm11, $0x0, v45;
	[tilespmem:$0x8AA0] =	vst v52  }
0x249: {  	v57 =	vld [tilespmem:$0x3860];
	vm12 =	vgt.s32 v15, v8;
	v56 =	vnsel vm11, $0x100, v47;
	[tilespmem:$0x3830] =	vst v54  }
0x24a: {  	v59 =	vld [tilespmem:$0x8AE0];
	v58 =	vnsel vm12, $0x0, v49;
	[tilespmem:$0x8AB0] =	vst v56  }
0x24b: {  	v61 =	vld [tilespmem:$0x3870];
	vm13 =	vgt.s32 v15, v9;
	v60 =	vnsel vm12, $0x100, v51;
	[tilespmem:$0x3840] =	vst v58  }
0x24c: {  	v63 =	vld [tilespmem:$0x8AF0];
	v62 =	vnsel vm13, $0x0, v53;
	[tilespmem:$0x8AC0] =	vst v60  }
0x24d: {  	vm14 =	vgt.s32 v15, v10;
	v20 =	vnsel vm13, $0x100, v55;
	[tilespmem:$0x3850] =	vst v62;
	s12 =	spop (v2sf)  }
0x24e: {  	s0 =	rddreg [dreg:$0x8];
	v21 =	vnsel vm14, $0x0, v57;
	[tilespmem:$0x8AD0] =	vst v20;
	p0 =	slt.s32 s12, $0x1  }
0x24f: {  	vm15 =	vgt.s32 v15, v11;
	v22 =	vnsel vm14, $0x100, v59;
	[tilespmem:$0x3860] =	vst v21;
	s0 =	sadd.s32 @!p0 s0, s10  }
0x250: {  	v23 =	vnsel vm15, $0x0, v61;
	[tilespmem:$0x8AE0] =	vst v22;
	s0 =	sshrl.u32 @!p0 s0, $0x3  }
0x251: {  	v24 =	vnsel vm15, $0x100, v63;
	[tilespmem:$0x3870] =	vst v23;
	s0 =	sand.u32 @!p0 $0x1FFFFFF0, s0  }
0x252: {  	[tilespmem:$0x8AF0] =	vst v24;
	s2 =	simm.s32 @!p0 $0x0;
	s8 =	simm.s32 @!p0 $0x3800;
	s1 =	sadd.s32 @!p0 s4, s0  }
0x253: {  	[hbm4b:s1+s2] =	stream.linear.scatter @!p0 [tilespmem:s8], [sflag:$0x1], $0x80, $0x38;
	[tilespmem:$0xDE80] =	vst v63  }
0x254: {  	s1 =	simm.s32 @!p0 $0x1  }
0x255: {  	_ =	swait.ge @!p0 [sflag:s1], $0x80  }
0x256: {  	[sflag:s1] =	ssyncset.done @!p0 $0x0  }
0x257: {  	s0 =	sadd.s32 @!p0 s5, s0;
	s8 =	simm.s32 @!p0 $0x8A80;
	[sflag:s1] =	ssyncadd.s32 @!p0 $0xFFFFFF80  }
0x258: {  	[hbm4b:s0+s2] =	stream.linear.scatter @!p0 [tilespmem:s8], [sflag:$0x1], $0x80, $0x38;
	[tilespmem:$0xDE80] =	vst v63  }
0x259: {  	_ =	swait.ge @!p0 [sflag:s1], $0x80  }
0x25a: {  	[sflag:s1] =	ssyncset.done @!p0 $0x0  }
0x25b: {  	[sflag:s1] =	ssyncadd.s32 @!p0 $0xFFFFFF80  }
0x25c: {  	v25 =	vld [tilespmem:$0x4880]  }
0x25d: {  	(v2sf) =	vpush v12, $0x1;
	v26 =	vld [tilespmem:$0x9B00]  }
0x25e: {  	v27 =	vbroadcast v12, $0x1;
	v28 =	vld [tilespmem:$0x4890]  }
0x25f: {  	v29 =	vld [tilespmem:$0x9B10]  }
0x260: {  	vm8 =	vgt.s32 v27, v3;
	v30 =	vld [tilespmem:$0x48A0]  }
0x261: {  	v31 =	vld [tilespmem:$0x9B20];
	v13 =	vnsel vm8, $0x0, v25  }
0x262: {  	vm9 =	vgt.s32 v27, v5;
	v33 =	vld [tilespmem:$0x48B0];
	v32 =	vnsel vm8, $0x100, v26;
	[tilespmem:$0x4880] =	vst v13  }
0x263: {  	v35 =	vld [tilespmem:$0x9B30];
	v34 =	vnsel vm9, $0x0, v28;
	[tilespmem:$0x9B00] =	vst v32  }
0x264: {  	vm10 =	vgt.s32 v27, v6;
	v37 =	vld [tilespmem:$0x48C0];
	v36 =	vnsel vm9, $0x100, v29;
	[tilespmem:$0x4890] =	vst v34  }
0x265: {  	v39 =	vld [tilespmem:$0x9B40];
	v38 =	vnsel vm10, $0x0, v30;
	[tilespmem:$0x9B10] =	vst v36  }
0x266: {  	vm11 =	vgt.s32 v27, v7;
	v41 =	vld [tilespmem:$0x48D0];
	v40 =	vnsel vm10, $0x100, v31;
	[tilespmem:$0x48A0] =	vst v38  }
0x267: {  	v43 =	vld [tilespmem:$0x9B50];
	v42 =	vnsel vm11, $0x0, v33;
	[tilespmem:$0x9B20] =	vst v40  }
0x268: {  	vm12 =	vgt.s32 v27, v8;
	v45 =	vld [tilespmem:$0x48E0];
	v44 =	vnsel vm11, $0x100, v35;
	[tilespmem:$0x48B0] =	vst v42  }
0x269: {  	v47 =	vld [tilespmem:$0x9B60];
	v46 =	vnsel vm12, $0x0, v37;
	[tilespmem:$0x9B30] =	vst v44  }
0x26a: {  	vm13 =	vgt.s32 v27, v9;
	v49 =	vld [tilespmem:$0x48F0];
	v48 =	vnsel vm12, $0x100, v39;
	[tilespmem:$0x48C0] =	vst v46  }
0x26b: {  	v51 =	vld [tilespmem:$0x9B70];
	v50 =	vnsel vm13, $0x0, v41;
	[tilespmem:$0x9B40] =	vst v48  }
0x26c: {  	vm14 =	vgt.s32 v27, v10;
	v52 =	vnsel vm13, $0x100, v43;
	[tilespmem:$0x48D0] =	vst v50;
	s29 =	spop (v2sf)  }
0x26d: {  	s0 =	rddreg [dreg:$0x9];
	v53 =	vnsel vm14, $0x0, v45;
	[tilespmem:$0x9B50] =	vst v52;
	p0 =	slt.s32 s29, $0x1  }
0x26e: {  	vm15 =	vgt.s32 v27, v11;
	v54 =	vnsel vm14, $0x100, v47;
	[tilespmem:$0x48E0] =	vst v53;
	s0 =	sadd.s32 @!p0 s9, s0  }
0x26f: {  	v55 =	vnsel vm15, $0x0, v49;
	[tilespmem:$0x9B60] =	vst v54;
	s0 =	sshrl.u32 @!p0 s0, $0x3  }
0x270: {  	v56 =	vnsel vm15, $0x100, v51;
	[tilespmem:$0x48F0] =	vst v55;
	s0 =	sand.u32 @!p0 $0x1FFFFFF0, s0  }
0x271: {  	[tilespmem:$0x9B70] =	vst v56;
	s2 =	simm.s32 @!p0 $0x0;
	s13 =	simm.s32 @!p0 $0x4880;
	s1 =	sadd.s32 @!p0 s4, s0  }
0x272: {  	[hbm4b:s1+s2] =	stream.linear.scatter @!p0 [tilespmem:s13], [sflag:$0x1], $0x80, $0x38;
	[tilespmem:$0xDE80] =	vst v63  }
0x273: {  	s1 =	simm.s32 @!p0 $0x1  }
0x274: {  	_ =	swait.ge @!p0 [sflag:s1], $0x80  }
0x275: {  	[sflag:s1] =	ssyncset.done @!p0 $0x0  }
0x276: {  	s0 =	sadd.s32 @!p0 s5, s0;
	s13 =	simm.s32 @!p0 $0x9B00;
	[sflag:s1] =	ssyncadd.s32 @!p0 $0xFFFFFF80  }
0x277: {  	[hbm4b:s0+s2] =	stream.linear.scatter @!p0 [tilespmem:s13], [sflag:$0x1], $0x80, $0x38;
	[tilespmem:$0xDE80] =	vst v63  }
0x278: {  	_ =	swait.ge @!p0 [sflag:s1], $0x80  }
0x279: {  	[sflag:s1] =	ssyncset.done @!p0 $0x0  }
0x27a: {  	[sflag:s1] =	ssyncadd.s32 @!p0 $0xFFFFFF80  }
0x27b: {  	v57 =	vld [tilespmem:$0x5900]  }
0x27c: {  	(v2sf) =	vpush v12, $0x2;
	v58 =	vld [tilespmem:$0xAB80]  }
0x27d: {  	v59 =	vbroadcast v12, $0x2;
	v60 =	vld [tilespmem:$0x5910]  }
0x27e: {  	v61 =	vld [tilespmem:$0xAB90]  }
0x27f: {  	vm8 =	vgt.s32 v59, v3;
	v62 =	vld [tilespmem:$0x5920]  }
0x280: {  	v63 =	vld [tilespmem:$0xABA0];
	v13 =	vnsel vm8, $0x0, v57  }
0x281: {  	vm9 =	vgt.s32 v59, v5;
	v21 =	vld [tilespmem:$0x5930];
	v20 =	vnsel vm8, $0x100, v58;
	[tilespmem:$0x5900] =	vst v13  }
0x282: {  	v23 =	vld [tilespmem:$0xABB0];
	v22 =	vnsel vm9, $0x0, v60;
	[tilespmem:$0xAB80] =	vst v20  }
0x283: {  	vm10 =	vgt.s32 v59, v6;
	v25 =	vld [tilespmem:$0x5940];
	v24 =	vnsel vm9, $0x100, v61;
	[tilespmem:$0x5910] =	vst v22  }
0x284: {  	v27 =	vld [tilespmem:$0xABC0];
	v26 =	vnsel vm10, $0x0, v62;
	[tilespmem:$0xAB90] =	vst v24  }
0x285: {  	vm11 =	vgt.s32 v59, v7;
	v29 =	vld [tilespmem:$0x5950];
	v28 =	vnsel vm10, $0x100, v63;
	[tilespmem:$0x5920] =	vst v26  }
0x286: {  	v31 =	vld [tilespmem:$0xABD0];
	v30 =	vnsel vm11, $0x0, v21;
	[tilespmem:$0xABA0] =	vst v28  }
0x287: {  	vm12 =	vgt.s32 v59, v8;
	v33 =	vld [tilespmem:$0x5960];
	v32 =	vnsel vm11, $0x100, v23;
	[tilespmem:$0x5930] =	vst v30  }
0x288: {  	v35 =	vld [tilespmem:$0xABE0];
	v34 =	vnsel vm12, $0x0, v25;
	[tilespmem:$0xABB0] =	vst v32  }
0x289: {  	vm13 =	vgt.s32 v59, v9;
	v37 =	vld [tilespmem:$0x5970];
	v36 =	vnsel vm12, $0x100, v27;
	[tilespmem:$0x5940] =	vst v34  }
0x28a: {  	v39 =	vld [tilespmem:$0xABF0];
	v38 =	vnsel vm13, $0x0, v29;
	[tilespmem:$0xABC0] =	vst v36  }
0x28b: {  	vm14 =	vgt.s32 v59, v10;
	v40 =	vnsel vm13, $0x100, v31;
	[tilespmem:$0x5950] =	vst v38;
	s31 =	spop (v2sf)  }
0x28c: {  	s0 =	rddreg [dreg:$0xa];
	v41 =	vnsel vm14, $0x0, v33;
	[tilespmem:$0xABD0] =	vst v40;
	p0 =	slt.s32 s31, $0x1  }
0x28d: {  	vm15 =	vgt.s32 v59, v11;
	v42 =	vnsel vm14, $0x100, v35;
	[tilespmem:$0x5960] =	vst v41;
	s0 =	sadd.s32 @!p0 s11, s0  }
0x28e: {  	v43 =	vnsel vm15, $0x0, v37;
	[tilespmem:$0xABE0] =	vst v42;
	s0 =	sshrl.u32 @!p0 s0, $0x3  }
0x28f: {  	v44 =	vnsel vm15, $0x100, v39;
	[tilespmem:$0x5970] =	vst v43;
	s0 =	sand.u32 @!p0 $0x1FFFFFF0, s0  }
0x290: {  	[tilespmem:$0xABF0] =	vst v44;
	s2 =	simm.s32 @!p0 $0x0;
	s14 =	simm.s32 @!p0 $0x5900;
	s1 =	sadd.s32 @!p0 s4, s0  }
0x291: {  	[hbm4b:s1+s2] =	stream.linear.scatter @!p0 [tilespmem:s14], [sflag:$0x1], $0x80, $0x38;
	[tilespmem:$0xDE80] =	vst v63  }
0x292: {  	s1 =	simm.s32 @!p0 $0x1  }
0x293: {  	_ =	swait.ge @!p0 [sflag:s1], $0x80  }
0x294: {  	[sflag:s1] =	ssyncset.done @!p0 $0x0  }
0x295: {  	s0 =	sadd.s32 @!p0 s5, s0;
	s14 =	simm.s32 @!p0 $0xAB80;
	[sflag:s1] =	ssyncadd.s32 @!p0 $0xFFFFFF80  }
0x296: {  	[hbm4b:s0+s2] =	stream.linear.scatter @!p0 [tilespmem:s14], [sflag:$0x1], $0x80, $0x38;
	[tilespmem:$0xDE80] =	vst v63  }
0x297: {  	_ =	swait.ge @!p0 [sflag:s1], $0x80  }
0x298: {  	[sflag:s1] =	ssyncset.done @!p0 $0x0  }
0x299: {  	[sflag:s1] =	ssyncadd.s32 @!p0 $0xFFFFFF80  }
0x29a: {  	v45 =	vld [tilespmem:$0x6980]  }
0x29b: {  	(v2sf) =	vpush v12, $0x3;
	v46 =	vld [tilespmem:$0xBC00]  }
0x29c: {  	v47 =	vbroadcast v12, $0x3;
	v48 =	vld [tilespmem:$0x6990]  }
0x29d: {  	v49 =	vld [tilespmem:$0xBC10]  }
0x29e: {  	vm8 =	vgt.s32 v47, v3;
	v50 =	vld [tilespmem:$0x69A0]  }
0x29f: {  	v51 =	vld [tilespmem:$0xBC20];
	v13 =	vnsel vm8, $0x0, v45  }
0x2a0: {  	vm9 =	vgt.s32 v47, v5;
	v53 =	vld [tilespmem:$0x69B0];
	v52 =	vnsel vm8, $0x100, v46;
	[tilespmem:$0x6980] =	vst v13  }
0x2a1: {  	v55 =	vld [tilespmem:$0xBC30];
	v54 =	vnsel vm9, $0x0, v48;
	[tilespmem:$0xBC00] =	vst v52  }
0x2a2: {  	vm10 =	vgt.s32 v47, v6;
	v57 =	vld [tilespmem:$0x69C0];
	v56 =	vnsel vm9, $0x100, v49;
	[tilespmem:$0x6990] =	vst v54  }
0x2a3: {  	v59 =	vld [tilespmem:$0xBC40];
	v58 =	vnsel vm10, $0x0, v50;
	[tilespmem:$0xBC10] =	vst v56  }
0x2a4: {  	vm11 =	vgt.s32 v47, v7;
	v61 =	vld [tilespmem:$0x69D0];
	v60 =	vnsel vm10, $0x100, v51;
	[tilespmem:$0x69A0] =	vst v58  }
0x2a5: {  	v63 =	vld [tilespmem:$0xBC50];
	v62 =	vnsel vm11, $0x0, v53;
	[tilespmem:$0xBC20] =	vst v60  }
0x2a6: {  	vm12 =	vgt.s32 v47, v8;
	v21 =	vld [tilespmem:$0x69E0];
	v20 =	vnsel vm11, $0x100, v55;
	[tilespmem:$0x69B0] =	vst v62  }
0x2a7: {  	v23 =	vld [tilespmem:$0xBC60];
	v22 =	vnsel vm12, $0x0, v57;
	[tilespmem:$0xBC30] =	vst v20  }
0x2a8: {  	vm13 =	vgt.s32 v47, v9;
	v25 =	vld [tilespmem:$0x69F0];
	v24 =	vnsel vm12, $0x100, v59;
	[tilespmem:$0x69C0] =	vst v22  }
0x2a9: {  	v27 =	vld [tilespmem:$0xBC70];
	v26 =	vnsel vm13, $0x0, v61;
	[tilespmem:$0xBC40] =	vst v24  }
0x2aa: {  	vm14 =	vgt.s32 v47, v10;
	v28 =	vnsel vm13, $0x100, v63;
	[tilespmem:$0x69D0] =	vst v26;
	s18 =	spop (v2sf)  }
0x2ab: {  	s1 =	rddreg [dreg:$0xb];
	v29 =	vnsel vm14, $0x0, v21;
	[tilespmem:$0xBC50] =	vst v28;
	p0 =	slt.s32 s18, $0x1  }
0x2ac: {  	vm15 =	vgt.s32 v47, v11;
	v30 =	vnsel vm14, $0x100, v23;
	[tilespmem:$0x69E0] =	vst v29;
	s1 =	sadd.s32 @!p0 s6, s1  }
0x2ad: {  	v31 =	vnsel vm15, $0x0, v25;
	[tilespmem:$0xBC60] =	vst v30;
	s1 =	sshrl.u32 @!p0 s1, $0x3  }
0x2ae: {  	v32 =	vnsel vm15, $0x100, v27;
	[tilespmem:$0x69F0] =	vst v31;
	s1 =	sand.u32 @!p0 $0x1FFFFFF0, s1  }
0x2af: {  	[tilespmem:$0xBC70] =	vst v32;
	s14 =	simm.s32 @!p0 $0x0;
	s15 =	simm.s32 @!p0 $0x6980;
	s2 =	sadd.s32 @!p0 s4, s1  }
0x2b0: {  	[hbm4b:s2+s14] =	stream.linear.scatter @!p0 [tilespmem:s15], [sflag:$0x1], $0x80, $0x38;
	[tilespmem:$0xDE80] =	vst v63  }
0x2b1: {  	s2 =	simm.s32 @!p0 $0x1  }
0x2b2: {  	_ =	swait.ge @!p0 [sflag:s2], $0x80  }
0x2b3: {  	[sflag:s2] =	ssyncset.done @!p0 $0x0  }
0x2b4: {  	s1 =	sadd.s32 @!p0 s5, s1;
	s15 =	simm.s32 @!p0 $0xBC00;
	[sflag:s2] =	ssyncadd.s32 @!p0 $0xFFFFFF80  }
0x2b5: {  	[hbm4b:s1+s14] =	stream.linear.scatter @!p0 [tilespmem:s15], [sflag:$0x1], $0x80, $0x38;
	[tilespmem:$0xDE80] =	vst v63  }
0x2b6: {  	_ =	swait.ge @!p0 [sflag:s2], $0x80  }
0x2b7: {  	[sflag:s2] =	ssyncset.done @!p0 $0x0  }
0x2b8: {  	[sflag:s2] =	ssyncadd.s32 @!p0 $0xFFFFFF80  }
0x2b9: {  	v33 =	vld [tilespmem:$0x7A00]  }
0x2ba: {  	(v2sf) =	vpush v12, $0x4;
	v34 =	vld [tilespmem:$0xCC80]  }
0x2bb: {  	v12 =	vbroadcast v12, $0x4;
	v35 =	vld [tilespmem:$0x7A10]  }
0x2bc: {  	v36 =	vld [tilespmem:$0xCC90]  }
0x2bd: {  	vm8 =	vgt.s32 v12, v3;
	v37 =	vld [tilespmem:$0x7A20]  }
0x2be: {  	v38 =	vld [tilespmem:$0xCCA0];
	v13 =	vnsel vm8, $0x0, v33  }
0x2bf: {  	vm9 =	vgt.s32 v12, v5;
	v40 =	vld [tilespmem:$0x7A30];
	v39 =	vnsel vm8, $0x100, v34;
	[tilespmem:$0x7A00] =	vst v13  }
0x2c0: {  	v42 =	vld [tilespmem:$0xCCB0];
	v41 =	vnsel vm9, $0x0, v35;
	[tilespmem:$0xCC80] =	vst v39  }
0x2c1: {  	vm10 =	vgt.s32 v12, v6;
	v44 =	vld [tilespmem:$0x7A40];
	v43 =	vnsel vm9, $0x100, v36;
	[tilespmem:$0x7A10] =	vst v41  }
0x2c2: {  	v46 =	vld [tilespmem:$0xCCC0];
	v45 =	vnsel vm10, $0x0, v37;
	[tilespmem:$0xCC90] =	vst v43  }
0x2c3: {  	vm11 =	vgt.s32 v12, v7;
	v48 =	vld [tilespmem:$0x7A50];
	v47 =	vnsel vm10, $0x100, v38;
	[tilespmem:$0x7A20] =	vst v45  }
0x2c4: {  	v50 =	vld [tilespmem:$0xCCD0];
	v49 =	vnsel vm11, $0x0, v40;
	[tilespmem:$0xCCA0] =	vst v47  }
0x2c5: {  	vm12 =	vgt.s32 v12, v8;
	v52 =	vld [tilespmem:$0x7A60];
	v51 =	vnsel vm11, $0x100, v42;
	[tilespmem:$0x7A30] =	vst v49  }
0x2c6: {  	v54 =	vld [tilespmem:$0xCCE0];
	v53 =	vnsel vm12, $0x0, v44;
	[tilespmem:$0xCCB0] =	vst v51  }
0x2c7: {  	vm13 =	vgt.s32 v12, v9;
	v56 =	vld [tilespmem:$0x7A70];
	v55 =	vnsel vm12, $0x100, v46;
	[tilespmem:$0x7A40] =	vst v53  }
0x2c8: {  	v58 =	vld [tilespmem:$0xCCF0];
	v57 =	vnsel vm13, $0x0, v48;
	[tilespmem:$0xCCC0] =	vst v55  }
0x2c9: {  	vm14 =	vgt.s32 v12, v10;
	v59 =	vnsel vm13, $0x100, v50;
	[tilespmem:$0x7A50] =	vst v57;
	s19 =	spop (v2sf)  }
0x2ca: {  	s2 =	rddreg [dreg:$0xc];
	v60 =	vnsel vm14, $0x0, v52;
	[tilespmem:$0xCCD0] =	vst v59;
	p0 =	slt.s32 s19, $0x1  }
0x2cb: {  	vm15 =	vgt.s32 v12, v11;
	v61 =	vnsel vm14, $0x100, v54;
	[tilespmem:$0x7A60] =	vst v60;
	s2 =	sadd.s32 @!p0 s3, s2  }
0x2cc: {  	v12 =	vnsel vm15, $0x0, v56;
	[tilespmem:$0xCCE0] =	vst v61;
	s2 =	sshrl.u32 @!p0 s2, $0x3  }
0x2cd: {  	v62 =	vnsel vm15, $0x100, v58;
	[tilespmem:$0x7A70] =	vst v12;
	s2 =	sand.u32 @!p0 $0x1FFFFFF0, s2  }
0x2ce: {  	[tilespmem:$0xCCF0] =	vst v62;
	s15 =	simm.s32 @!p0 $0x0;
	s17 =	simm.s32 @!p0 $0x7A00;
	s14 =	sadd.s32 @!p0 s4, s2  }
0x2cf: {  	[hbm4b:s14+s15] =	stream.linear.scatter @!p0 [tilespmem:s17], [sflag:$0x1], $0x80, $0x38;
	[tilespmem:$0xDE80] =	vst v63  }
0x2d0: {  	s14 =	simm.s32 @!p0 $0x1  }
0x2d1: {  	s20 =	sadd.s32 s12, s10;
	_ =	swait.ge @!p0 [sflag:s14], $0x80  }
0x2d2: {  	s8 =	sadd.s32 s29, s9;
	s22 =	sadd.s32 s31, s11;
	v63 =	vmov s20;
	[sflag:s14] =	ssyncset.done @!p0 $0x0  }
0x2d3: {  	v12 =	vnsel vm0, $0x0, v63;
	s10 =	simm.s32 @!p0 $0xCC80;
	s2 =	sadd.s32 @!p0 s5, s2;
	[sflag:s14] =	ssyncadd.s32 @!p0 $0xFFFFFF80  }
0x2d4: {  	v12 =	vsel vm1, s8, v12;
	[hbm4b:s2+s15] =	stream.linear.scatter @!p0 [tilespmem:s10], [sflag:$0x1], $0x80, $0x38;
	[tilespmem:$0xDE80] =	vst v63  }
0x2d5: {  	s0 =	sadd.s32 s18, s6;
	v12 =	vsel vm2, s22, v12;
	_ =	swait.ge @!p0 [sflag:s14], $0x80  }
0x2d6: {  	v12 =	vsel vm3, s0, v12;
	s23 =	sadd.s32 s19, s3;
	[sflag:s14] =	ssyncset.done @!p0 $0x0  }
0x2d7: {  	v12 =	vsel vm4, s23, v12;
	[sflag:s14] =	ssyncadd.s32 @!p0 $0xFFFFFF80  }
0x2d8: {  	s28 =	simm.s32 $0x0;
	s31 =	simm.s32 $0xDD00;
	s29 =	rddreg [dreg:$0xd];
	[tilespmem:$0xDD00] =	vst v12  }
0x2d9: {  	[hbm4b:s29+s28] =	stream.linear.scatter [tilespmem:s31], [sflag:$0x1], $0x10, $0x38;
	[tilespmem:$0xDE80] =	vst v63  }
0x2da: {  	_ =	swait.ge [sflag:s21], $0x10  }
0x2db: {  	[sflag:s21] =	ssyncset.done $0x0  }
0x2dc: {  	s1 =	simm.s32 $0x40;
	s0 =	simm.s32 $0x0;
	[sflag:s21] =	ssyncadd.s32 $0xFFFFFFF0  }
.LBB2_43:
0x2dd: {  	p0 =	sne.s32 s1, $0x1FC0;
	v12 =	vld [tilespmem:s0+$0x3000];
	_ =	sdelay $0x4  }
0x2de: {  	v12 =	vmax.f32 v12, $1.000000000e+00  }
0x2df: {  	(erf) = vrcp.f32 v12;
	_ =	sdelay $0x5  }
.Ltmp34:
0x2e0: {  	(pc) =	sbr.rel @p0 .LBB2_43-.Ltmp34, $3  }
0x2e1: {  	_ =	sdelay $0x1  }
0x2e2: {  	v12 =	vpop (erf)  }
0x2e3: {  	[tilespmem:s0+$0x3000] =	vst v12;
	s0 =	sshra.s32 s1, $0x2;
	s1 =	sadd.s32 $0x40, s1  }
0x2e4: {  	v12 =	vld [tilespmem:s0+$0x3000];
	_ =	sdelay $0x4  }
0x2e5: {  	v12 =	vmax.f32 v12, $1.000000000e+00  }
0x2e6: {  	(erf) = vrcp.f32 v12;
	_ =	sdelay $0x8  }
0x2e7: {  	v12 =	vpop (erf)  }
0x2e8: {  	s29 =	rddreg [dreg:$0xe];
	[tilespmem:s0+$0x3000] =	vst v12  }
0x2e9: {  	[hbm4b:s29+s7] =	stream.linear.scatter [tilespmem:s24], [sflag:$0x1], $0x800, $0x38;
	[tilespmem:$0xDE80] =	vst v63  }
0x2ea: {  	_ =	swait.ge [sflag:s21], $0x800  }
0x2eb: {  	s1 =	rddreg [dreg:$0x14]  }
0x2ec: {  	s31 =	rddreg [dreg:$0xf];
	s1 =	sadd.s32 $0x1, s1  }
0x2ed: {  	p0 =	sne.s32 s1, s31  }
.Ltmp35:
0x2ee: {  	_ = 	snop;
	(pc) =	sbr.rel @p0 .LBB2_1-.Ltmp35, $3  }
0x2ef: {  	_ =	sdelay $0x1  }
0x2f0: {  	[sflag:s21] =	ssyncset.done $0x0  }
0x2f1: {  	[sflag:s21] =	ssyncadd.s32 $0xFFFFF800  }
0x2f2: {  	_ =	sfence.sel $0x180000  }
0x2f3: {  	[bflag:$0x0] =	sbarrier.arrive $0xFFFF  }
0x2f4: {  	_ =	strace $0x90000047  }
0x2f5: {  	s0 =	stileid.u32;
	[bflag:$0x2] =	sbarrier.arrive $0xFFFF  }
0x2f6: {  	p0 =	sne.s32 s0, $0x0;
	s0 =	rddreg [dreg:$0x7]  }
0x2f7: {  	s0 =	sadd.s32 @!p0 $0x100000, s0  }
0x2f8: {  	[sflag:s0] =	ssyncadd.tile.s32 @!p0 $0x1;
	_ =	shalt  }
.Lfunc_end2:
_tile_overlayer_lowered:
.L_overlay_start_2:
0x2f9: {  	(tag) =	ssettag $0x2  }
0x2fa: {  	s0 =	rddreg [dreg:$0x0];
	s2 =	stileid.u32  }
0x2fb: {  	s1 =	rddreg [dreg:$0x1];
	p0 =	sne.s32 s2, $0x0  }
0x2fc: {  	s3 =	rddreg [dreg:$0x2];
	[bflag:$0x3] =	sbarrier.arrive $0xFFFF;
	s2 =	simm.s32 @!p0 $0x1C01  }
0x2fd: {  	[timem:s3], [sflag:s2] =	dma.local @!p0 [hbm:s0], s1  }
0x2fe: {  	s0 =	simm.s32 @!p0 $0x1  }
0x2ff: {  	_ =	swait.ge @!p0 [sflag:s0], s1  }
0x300: {  	s1 =	ssub.s32 @!p0 $0x0, s1;
	[sflag:s0] =	ssyncset.done @!p0 $0x0  }
0x301: {  	[sflag:s0] =	ssyncadd.s32 @!p0 s1  }
0x302: {  	[bflag:$0x3] =	sbarrier.arrive $0xFFFF  }
0x303: {  	_ =	shalt  }

</sc_bundles>
